<compile_context>
chip_gen: v7x
topology: tpu7x:2x2x1
jax: 0.10.2.dev20260603
libtpu: 0.0.44.dev20260713+nightly
codegen_flags: <defaults>
</compile_context>

<pallas_src>
import functools

import jax
import jax.numpy as jnp
import numpy as np
from jax import lax
from jax.experimental import pallas as pl
from jax.experimental.pallas import tpu as pltpu
from jax.experimental.pallas import tpu_sc as plsc

B, H, F, D, V = 4096, 50, 26, 32, 100000
NC, NS = 2, 16
NW = NC * NS
P = B * H
PPW = P // NW
CP = 64
NCH = PPW // CP
E = CP * F
NB = 2
GSZ = [128] * 13
GOFF = [j * 128 for j in range(13)]
OR = CP // 4
ORPW = PPW // 4

_OFF_NP = (np.arange(E, dtype=np.int32) % F) * V

_mesh = plsc.VectorSubcoreMesh(
    core_axis_name="c", subcore_axis_name="s", num_cores=NC, num_subcores=NS
)


@functools.partial(
    pl.kernel,
    out_type=jax.ShapeDtypeStruct((P // 4, 128), jnp.float32),
    mesh=_mesh,
    scratch_types=[
        pltpu.VMEM((NB, E), jnp.int32),
        pltpu.VMEM((NB, E), jnp.int32),
        pltpu.VMEM((E,), jnp.int32),
        pltpu.VMEM((E, D), jnp.float32),
        pltpu.VMEM((E, D), jnp.float32),
        pltpu.VMEM((OR, 128), jnp.float32),
        pltpu.SemaphoreType.DMA,
        pltpu.SemaphoreType.DMA,
        pltpu.SemaphoreType.DMA,
        pltpu.SemaphoreType.DMA,
    ],
    compiler_params=pltpu.CompilerParams(use_tc_tiling_on_sc=False),
)
def _embed_sum(nf_hbm, w_hbm, off_hbm, out_hbm, idxc_v, fidx_v, off_v,
               rows0_v, rows1_v, outb_v, sem0, sem1, isem0, isem1):
    cid = lax.axis_index("c")
    sid = lax.axis_index("s")
    wid = sid * NC + cid
    wtab = w_hbm.at[0]
    rows = (rows0_v, rows1_v)
    sems = (sem0, sem1)
    isems = (isem0, isem1)

    pltpu.sync_copy(off_hbm, off_v)

    def idx_fetch(c, buf):
        pltpu.async_copy(
            nf_hbm.at[pl.ds((wid * PPW + c * CP) * F, E)],
            idxc_v.at[buf],
            isems[buf],
        )

    def prep_fire(c, buf):
        pltpu.make_async_copy(
            nf_hbm.at[pl.ds(0, E)], idxc_v.at[buf], isems[buf]
        ).wait()

        def add16(g, carry):
            fidx_v[buf, pl.ds(g * 16, 16)] = (
                idxc_v[buf, pl.ds(g * 16, 16)] + off_v[pl.ds(g * 16, 16)]
            )
            return carry

        lax.fori_loop(0, E // 16, add16, 0)

        @pl.when(c + NB < NCH)
        def _next_idx():
            idx_fetch(c + NB, buf)

        for j, g in enumerate(GSZ):
            pltpu.async_copy(
                wtab.at[fidx_v.at[buf, pl.ds(GOFF[j], g)]],
                rows[buf].at[pl.ds(GOFF[j], g)],
                sems[buf],
            )

    def drain_acc(c, buf):
        pltpu.make_async_copy(wtab.at[pl.ds(0, E)], rows[buf], sems[buf]).wait()
        rv = rows[buf]

        def acc(r, carry):
            for q in range(4):
                base = r * (4 * F) + q * F
                a0 = rv[base, pl.ds(0, 16)]
                a1 = rv[base, pl.ds(16, 16)]
                for i in range(1, F):
                    a0 = a0 + rv[base + i, pl.ds(0, 16)]
                    a1 = a1 + rv[base + i, pl.ds(16, 16)]
                outb_v[r, pl.ds(q * 32, 16)] = a0
                outb_v[r, pl.ds(q * 32 + 16, 16)] = a1
            return carry

        lax.fori_loop(0, OR, acc, 0)
        pltpu.sync_copy(outb_v, out_hbm.at[pl.ds(wid * ORPW + c * OR, OR)])

    for b in range(NB):
        idx_fetch(b, b)
    for b in range(NB - 1):
        prep_fire(b, b)

    def body(k, carry):
        for b in range(NB):
            c = k * NB + b

            @pl.when(c + NB - 1 < NCH)
            def _prefetch():
                prep_fire(c + NB - 1, (b + NB - 1) % NB)

            drain_acc(c, b)
        return carry

    lax.fori_loop(0, NCH // NB, body, 0)


def kernel(node_feature, W):
    nf_flat = node_feature.reshape(-1)
    off = jnp.asarray(_OFF_NP)
    out = _embed_sum(nf_flat, W, off)
    return out.reshape(B, H, D)

# --- scband reference (transcript-rebuilt; emitter-appended) ---
"""Pipeline reference for scband-node-feature-embedding-30322469110178 (READ-ONLY COPY).

The authoritative reference and input builder live on the scoring server;
editing this copy changes nothing except your own understanding.
"""

import jax, jax.numpy as jnp
import numpy as np

EMB_DIM = 32
NUM_ATOMS_TYPE = 26
MAX_FEATURES = 100000
BATCH = 4096
HIST = 50


def setup_inputs(seed: int = 0) -> dict:
    key = jax.random.key(seed)
    k_idx, k_w = jax.random.split(key)
    node_feature = jax.random.randint(k_idx, (BATCH, HIST, NUM_ATOMS_TYPE), 0, MAX_FEATURES, dtype=jnp.int32)
    # Xavier-uniform init per table, stacked: [num_atoms_type, max_features, emb_dim]
    bound = float(np.sqrt(6.0 / (MAX_FEATURES + EMB_DIM)))
    W = jax.random.uniform(k_w, (NUM_ATOMS_TYPE, MAX_FEATURES, EMB_DIM), minval=-bound, maxval=bound, dtype=jnp.float32)
    return {"node_feature": node_feature, "W": W}


def reference(node_feature, W):
    # Faithful translation: sum over per-field embedding lookups.
    x_embedding = jnp.zeros((node_feature.shape[0], node_feature.shape[1], W.shape[-1]), dtype=W.dtype)
    for i in range(NUM_ATOMS_TYPE):
        x_embedding = x_embedding + jnp.take(W[i], node_feature[:, :, i], axis=0)
    return x_embedding

if __name__ == "__main__":
    import jax
    _d = setup_inputs()
    print(jax.jit(kernel)(*tuple(_d.values())))

</pallas_src>

<mosaic_0001>
#map = affine_map<(d0, d1) -> (0)>
#map1 = affine_map<(d0, d1) -> (0, 0, 0)>
#map2 = affine_map<(d0, d1) -> (0, 0)>
module attributes {stable_mosaic.version = 14 : i64} {
  func.func @_embed_sum(%arg0: i32, %arg1: i32, %arg2: memref<5324800xi32, #tpu.memory_space<hbm>>, %arg3: memref<26x100000x32xf32, #tpu.memory_space<hbm>>, %arg4: memref<1664xi32, #tpu.memory_space<hbm>>, %arg5: memref<51200x128xf32, #tpu.memory_space<hbm>>, %arg6: memref<2x1664xi32, #tpu.memory_space<vmem>>, %arg7: memref<2x1664xi32, #tpu.memory_space<vmem>>, %arg8: memref<1664xi32, #tpu.memory_space<vmem>>, %arg9: memref<1664x32xf32, #tpu.memory_space<vmem>>, %arg10: memref<1664x32xf32, #tpu.memory_space<vmem>>, %arg11: memref<16x128xf32, #tpu.memory_space<vmem>>, %arg12: memref<!tpu.dma_semaphore, #tpu.memory_space<semaphore_mem>>, %arg13: memref<!tpu.dma_semaphore, #tpu.memory_space<semaphore_mem>>, %arg14: memref<!tpu.dma_semaphore, #tpu.memory_space<semaphore_mem>>, %arg15: memref<!tpu.dma_semaphore, #tpu.memory_space<semaphore_mem>>) attributes {dimension_semantics = [#tpu.dimension_semantics<core_parallel>, #tpu.dimension_semantics<subcore_parallel>], iteration_bounds = array<i64: 2, 16>, scalar_prefetch = 0 : i64, scratch_operands = 10 : i64, tpu.core_type = #tpu.core_type<sc_vector_subcore>, window_params = [{transform_indices = #map}, {transform_indices = #map1}, {transform_indices = #map}, {transform_indices = #map2}]} {
    %mul3A = arith.constant 2 : i32
    %mul3A_0 = arith.muli %arg1, %mul3A : i32
    %add3A = arith.addi %mul3A_0, %arg0 : i32
    "tpu.region"() ({
      %run_scoped3A = tpu.sem_alloc : memref<!tpu.dma_semaphore, #tpu.memory_space<semaphore_mem>>
      tpu.enqueue_dma source(%arg4 : memref<1664xi32, #tpu.memory_space<hbm>>) target(%arg8 : memref<1664xi32, #tpu.memory_space<vmem>>) target_semaphore(%run_scoped3A : memref<!tpu.dma_semaphore, #tpu.memory_space<semaphore_mem>>)
      tpu.wait_dma2 semaphore(%run_scoped3A : memref<!tpu.dma_semaphore, #tpu.memory_space<semaphore_mem>>) src(%arg4 : memref<1664xi32, #tpu.memory_space<hbm>>) dst(%arg8 : memref<1664xi32, #tpu.memory_space<vmem>>)
      tpu.yield
    }) : () -> ()
    %mul3A_1 = arith.constant 6400 : i32
    %mul3A_2 = arith.muli %add3A, %mul3A_1 : i32
    %add3A_3 = arith.constant 0 : i32
    %add3A_4 = arith.addi %mul3A_2, %add3A_3 : i32
    %mul3A_5 = arith.constant 26 : i32
    %mul3A_6 = arith.muli %add3A_4, %mul3A_5 : i32
    %dma_start3A = arith.constant 0 : i32
    %dma_start3A_7 = arith.constant 0 : i32
    %dma_start3A_8 = tpu.memref_slice %arg6[%dma_start3A, %dma_start3A_7] : memref<2x1664xi32, #tpu.memory_space<vmem>> -> memref<1x1664xi32, #tpu.memory_space<vmem>>
    %dma_start3A_9 = tpu.memref_squeeze %dma_start3A_8 : memref<1x1664xi32, #tpu.memory_space<vmem>> -> memref<1664xi32, #tpu.memory_space<vmem>>
    %dma_start3A_10 = tpu.memref_slice %arg2[%mul3A_6] : memref<5324800xi32, #tpu.memory_space<hbm>> -> memref<1664xi32, #tpu.memory_space<hbm>>
    %dma_start3A_11 = arith.constant 0 : i32
    %dma_start3A_12 = tpu.memref_slice %arg6[%dma_start3A, %dma_start3A_11] : memref<2x1664xi32, #tpu.memory_space<vmem>> -> memref<1x1664xi32, #tpu.memory_space<vmem>>
    %dma_start3A_13 = tpu.memref_squeeze %dma_start3A_12 : memref<1x1664xi32, #tpu.memory_space<vmem>> -> memref<1664xi32, #tpu.memory_space<vmem>>
    %dma_start3A_14 = tpu.memref_slice %arg2[%mul3A_6] : memref<5324800xi32, #tpu.memory_space<hbm>> -> memref<1664xi32, #tpu.memory_space<hbm>>
    tpu.enqueue_dma source(%dma_start3A_14 : memref<1664xi32, #tpu.memory_space<hbm>>) target(%dma_start3A_13 : memref<1664xi32, #tpu.memory_space<vmem>>) target_semaphore(%arg14 : memref<!tpu.dma_semaphore, #tpu.memory_space<semaphore_mem>>)
    %mul3A_15 = arith.constant 6400 : i32
    %mul3A_16 = arith.muli %add3A, %mul3A_15 : i32
    %add3A_17 = arith.constant 64 : i32
    %add3A_18 = arith.addi %mul3A_16, %add3A_17 : i32
    %mul3A_19 = arith.constant 26 : i32
    %mul3A_20 = arith.muli %add3A_18, %mul3A_19 : i32
    %dma_start3A_21 = arith.constant 1 : i32
    %dma_start3A_22 = arith.constant 0 : i32
    %dma_start3A_23 = tpu.memref_slice %arg6[%dma_start3A_21, %dma_start3A_22] : memref<2x1664xi32, #tpu.memory_space<vmem>> -> memref<1x1664xi32, #tpu.memory_space<vmem>>
    %dma_start3A_24 = tpu.memref_squeeze %dma_start3A_23 : memref<1x1664xi32, #tpu.memory_space<vmem>> -> memref<1664xi32, #tpu.memory_space<vmem>>
    %dma_start3A_25 = tpu.memref_slice %arg2[%mul3A_20] : memref<5324800xi32, #tpu.memory_space<hbm>> -> memref<1664xi32, #tpu.memory_space<hbm>>
    %dma_start3A_26 = arith.constant 0 : i32
    %dma_start3A_27 = tpu.memref_slice %arg6[%dma_start3A_21, %dma_start3A_26] : memref<2x1664xi32, #tpu.memory_space<vmem>> -> memref<1x1664xi32, #tpu.memory_space<vmem>>
    %dma_start3A_28 = tpu.memref_squeeze %dma_start3A_27 : memref<1x1664xi32, #tpu.memory_space<vmem>> -> memref<1664xi32, #tpu.memory_space<vmem>>
    %dma_start3A_29 = tpu.memref_slice %arg2[%mul3A_20] : memref<5324800xi32, #tpu.memory_space<hbm>> -> memref<1664xi32, #tpu.memory_space<hbm>>
    tpu.enqueue_dma source(%dma_start3A_29 : memref<1664xi32, #tpu.memory_space<hbm>>) target(%dma_start3A_28 : memref<1664xi32, #tpu.memory_space<vmem>>) target_semaphore(%arg15 : memref<!tpu.dma_semaphore, #tpu.memory_space<semaphore_mem>>)
    %dma_wait3A = arith.constant 0 : i32
    %dma_wait3A_30 = arith.constant 0 : i32
    %dma_wait3A_31 = tpu.memref_slice %arg6[%dma_wait3A, %dma_wait3A_30] : memref<2x1664xi32, #tpu.memory_space<vmem>> -> memref<1x1664xi32, #tpu.memory_space<vmem>>
    %dma_wait3A_32 = tpu.memref_squeeze %dma_wait3A_31 : memref<1x1664xi32, #tpu.memory_space<vmem>> -> memref<1664xi32, #tpu.memory_space<vmem>>
    %dma_wait3A_33 = arith.constant 0 : i32
    %dma_wait3A_34 = tpu.memref_slice %arg2[%dma_wait3A_33] : memref<5324800xi32, #tpu.memory_space<hbm>> -> memref<1664xi32, #tpu.memory_space<hbm>>
    %dma_wait3A_35 = arith.constant 0 : i32
    %dma_wait3A_36 = tpu.memref_slice %arg6[%dma_wait3A, %dma_wait3A_35] : memref<2x1664xi32, #tpu.memory_space<vmem>> -> memref<1x1664xi32, #tpu.memory_space<vmem>>
    %dma_wait3A_37 = tpu.memref_squeeze %dma_wait3A_36 : memref<1x1664xi32, #tpu.memory_space<vmem>> -> memref<1664xi32, #tpu.memory_space<vmem>>
    %dma_wait3A_38 = arith.constant 0 : i32
    %dma_wait3A_39 = tpu.memref_slice %arg2[%dma_wait3A_38] : memref<5324800xi32, #tpu.memory_space<hbm>> -> memref<1664xi32, #tpu.memory_space<hbm>>
    tpu.wait_dma2 semaphore(%arg14 : memref<!tpu.dma_semaphore, #tpu.memory_space<semaphore_mem>>) src(%dma_wait3A_39 : memref<1664xi32, #tpu.memory_space<hbm>>) dst(%dma_wait3A_37 : memref<1664xi32, #tpu.memory_space<vmem>>)
    %scan3A = arith.constant 0 : i32
    %scan3A_40 = arith.constant 0 : i32
    %scan3A_41 = arith.constant 104 : i32
    %scan3A_42 = arith.addi %scan3A_40, %scan3A_41 : i32
    %scan3A_43 = arith.constant 1 : i32
    scf.for %scan3A_262 = %scan3A_40 to %scan3A_42 step %scan3A_43  : i32 {
      %mul3A_263 = arith.constant 16 : i32
      %mul3A_264 = arith.muli %scan3A_262, %mul3A_263 : i32
      %get3A = arith.constant 0 : i32
      %get3A_265 = arith.index_cast %get3A : i32 to index
      %get3A_266 = arith.index_cast %mul3A_264 : i32 to index
      %get3A_267 = tpu.vector_load %arg6[%get3A_265, %get3A_266] {strides = array<i32>} : memref<2x1664xi32, #tpu.memory_space<vmem>>, vector<1x16xi32>,
      %get3A_268 = vector.shape_cast %get3A_267 : vector<1x16xi32> to vector<16xi32>
      %mul3A_269 = arith.constant 16 : i32
      %mul3A_270 = arith.muli %scan3A_262, %mul3A_269 : i32
      %get3A_271 = arith.index_cast %mul3A_270 : i32 to index
      %get3A_272 = tpu.vector_load %arg8[%get3A_271] {strides = array<i32>} : memref<1664xi32, #tpu.memory_space<vmem>>, vector<16xi32>,
      %get3A_273 = vector.shape_cast %get3A_272 : vector<16xi32> to vector<16xi32>
      %add3A_274 = arith.addi %get3A_268, %get3A_273 : vector<16xi32>
      %mul3A_275 = arith.constant 16 : i32
      %mul3A_276 = arith.muli %scan3A_262, %mul3A_275 : i32
      %swap3A = arith.constant 0 : i32
      %swap3A_277 = arith.index_cast %swap3A : i32 to index
      %swap3A_278 = arith.index_cast %mul3A_276 : i32 to index
      %swap3A_279 = tpu.vector_load %arg7[%swap3A_277, %swap3A_278] {strides = array<i32>} : memref<2x1664xi32, #tpu.memory_space<vmem>>, vector<1x16xi32>,
      %swap3A_280 = vector.shape_cast %swap3A_279 : vector<1x16xi32> to vector<16xi32>
      %swap3A_281 = vector.shape_cast %add3A_274 : vector<16xi32> to vector<1x16xi32>
      tpu.vector_store %arg7[%swap3A_277, %swap3A_278], %swap3A_281 {strides = array<i32>} : memref<2x1664xi32, #tpu.memory_space<vmem>>, vector<1x16xi32>,
    }
    %scan3A_44 = arith.constant 104 : i32
    %mul3A_45 = arith.constant 6400 : i32
    %mul3A_46 = arith.muli %add3A, %mul3A_45 : i32
    %add3A_47 = arith.constant 128 : i32
    %add3A_48 = arith.addi %mul3A_46, %add3A_47 : i32
    %mul3A_49 = arith.constant 26 : i32
    %mul3A_50 = arith.muli %add3A_48, %mul3A_49 : i32
    %dma_start3A_51 = arith.constant 0 : i32
    %dma_start3A_52 = arith.constant 0 : i32
    %dma_start3A_53 = tpu.memref_slice %arg6[%dma_start3A_51, %dma_start3A_52] : memref<2x1664xi32, #tpu.memory_space<vmem>> -> memref<1x1664xi32, #tpu.memory_space<vmem>>
    %dma_start3A_54 = tpu.memref_squeeze %dma_start3A_53 : memref<1x1664xi32, #tpu.memory_space<vmem>> -> memref<1664xi32, #tpu.memory_space<vmem>>
    %dma_start3A_55 = tpu.memref_slice %arg2[%mul3A_50] : memref<5324800xi32, #tpu.memory_space<hbm>> -> memref<1664xi32, #tpu.memory_space<hbm>>
    %dma_start3A_56 = arith.constant 0 : i32
    %dma_start3A_57 = tpu.memref_slice %arg6[%dma_start3A_51, %dma_start3A_56] : memref<2x1664xi32, #tpu.memory_space<vmem>> -> memref<1x1664xi32, #tpu.memory_space<vmem>>
    %dma_start3A_58 = tpu.memref_squeeze %dma_start3A_57 : memref<1x1664xi32, #tpu.memory_space<vmem>> -> memref<1664xi32, #tpu.memory_space<vmem>>
    %dma_start3A_59 = tpu.memref_slice %arg2[%mul3A_50] : memref<5324800xi32, #tpu.memory_space<hbm>> -> memref<1664xi32, #tpu.memory_space<hbm>>
    tpu.enqueue_dma source(%dma_start3A_59 : memref<1664xi32, #tpu.memory_space<hbm>>) target(%dma_start3A_58 : memref<1664xi32, #tpu.memory_space<vmem>>) target_semaphore(%arg14 : memref<!tpu.dma_semaphore, #tpu.memory_space<semaphore_mem>>)
    %dma_start3A_60 = arith.constant 0 : i32
    %dma_start3A_61 = arith.constant 0 : i32
    %dma_start3A_62 = arith.constant 0 : i32
    %dma_start3A_63 = arith.constant 0 : i32
    %dma_start3A_64 = tpu.memref_slice %arg9[%dma_start3A_62, %dma_start3A_63] : memref<1664x32xf32, #tpu.memory_space<vmem>> -> memref<128x32xf32, #tpu.memory_space<vmem>>
    %dma_start3A_65 = arith.constant 0 : i32
    %dma_start3A_66 = tpu.memref_slice %arg7[%dma_start3A_61, %dma_start3A_65] : memref<2x1664xi32, #tpu.memory_space<vmem>> -> memref<1x128xi32, #tpu.memory_space<vmem>>
    %dma_start3A_67 = tpu.memref_squeeze %dma_start3A_66 : memref<1x128xi32, #tpu.memory_space<vmem>> -> memref<128xi32, #tpu.memory_space<vmem>>
    %dma_start3A_68 = arith.constant 0 : i32
    %dma_start3A_69 = arith.constant 0 : i32
    %dma_start3A_70 = tpu.memref_slice %arg3[%dma_start3A_60, %dma_start3A_68, %dma_start3A_69] : memref<26x100000x32xf32, #tpu.memory_space<hbm>> -> memref<1x100000x32xf32, #tpu.memory_space<hbm>>
    %dma_start3A_71 = tpu.memref_squeeze %dma_start3A_70 : memref<1x100000x32xf32, #tpu.memory_space<hbm>> -> memref<100000x32xf32, #tpu.memory_space<hbm>>
    %dma_start3A_72 = arith.constant 0 : i32
    %dma_start3A_73 = arith.constant 0 : i32
    %dma_start3A_74 = tpu.memref_slice %dma_start3A_71[%dma_start3A_72, %dma_start3A_73] : memref<100000x32xf32, #tpu.memory_space<hbm>> -> memref<100000x32xf32, #tpu.memory_space<hbm>>
    tpu.enqueue_indirect_dma source(%dma_start3A_74 : memref<100000x32xf32, #tpu.memory_space<hbm>>) target(%dma_start3A_64 : memref<128x32xf32, #tpu.memory_space<vmem>>) offsets(%dma_start3A_67 : memref<128xi32, #tpu.memory_space<vmem>>) semaphore(%arg12 : memref<!tpu.dma_semaphore, #tpu.memory_space<semaphore_mem>>)
    %dma_start3A_75 = arith.constant 0 : i32
    %dma_start3A_76 = arith.constant 0 : i32
    %dma_start3A_77 = arith.constant 128 : i32
    %dma_start3A_78 = arith.constant 0 : i32
    %dma_start3A_79 = tpu.memref_slice %arg9[%dma_start3A_77, %dma_start3A_78] : memref<1664x32xf32, #tpu.memory_space<vmem>> -> memref<128x32xf32, #tpu.memory_space<vmem>>
    %dma_start3A_80 = arith.constant 128 : i32
    %dma_start3A_81 = tpu.memref_slice %arg7[%dma_start3A_76, %dma_start3A_80] : memref<2x1664xi32, #tpu.memory_space<vmem>> -> memref<1x128xi32, #tpu.memory_space<vmem>>
    %dma_start3A_82 = tpu.memref_squeeze %dma_start3A_81 : memref<1x128xi32, #tpu.memory_space<vmem>> -> memref<128xi32, #tpu.memory_space<vmem>>
    %dma_start3A_83 = arith.constant 0 : i32
    %dma_start3A_84 = arith.constant 0 : i32
    %dma_start3A_85 = tpu.memref_slice %arg3[%dma_start3A_75, %dma_start3A_83, %dma_start3A_84] : memref<26x100000x32xf32, #tpu.memory_space<hbm>> -> memref<1x100000x32xf32, #tpu.memory_space<hbm>>
    %dma_start3A_86 = tpu.memref_squeeze %dma_start3A_85 : memref<1x100000x32xf32, #tpu.memory_space<hbm>> -> memref<100000x32xf32, #tpu.memory_space<hbm>>
    %dma_start3A_87 = arith.constant 0 : i32
    %dma_start3A_88 = arith.constant 0 : i32
    %dma_start3A_89 = tpu.memref_slice %dma_start3A_86[%dma_start3A_87, %dma_start3A_88] : memref<100000x32xf32, #tpu.memory_space<hbm>> -> memref<100000x32xf32, #tpu.memory_space<hbm>>
    tpu.enqueue_indirect_dma source(%dma_start3A_89 : memref<100000x32xf32, #tpu.memory_space<hbm>>) target(%dma_start3A_79 : memref<128x32xf32, #tpu.memory_space<vmem>>) offsets(%dma_start3A_82 : memref<128xi32, #tpu.memory_space<vmem>>) semaphore(%arg12 : memref<!tpu.dma_semaphore, #tpu.memory_space<semaphore_mem>>)
    %dma_start3A_90 = arith.constant 0 : i32
    %dma_start3A_91 = arith.constant 0 : i32
    %dma_start3A_92 = arith.constant 256 : i32
    %dma_start3A_93 = arith.constant 0 : i32
    %dma_start3A_94 = tpu.memref_slice %arg9[%dma_start3A_92, %dma_start3A_93] : memref<1664x32xf32, #tpu.memory_space<vmem>> -> memref<128x32xf32, #tpu.memory_space<vmem>>
    %dma_start3A_95 = arith.constant 256 : i32
    %dma_start3A_96 = tpu.memref_slice %arg7[%dma_start3A_91, %dma_start3A_95] : memref<2x1664xi32, #tpu.memory_space<vmem>> -> memref<1x128xi32, #tpu.memory_space<vmem>>
    %dma_start3A_97 = tpu.memref_squeeze %dma_start3A_96 : memref<1x128xi32, #tpu.memory_space<vmem>> -> memref<128xi32, #tpu.memory_space<vmem>>
    %dma_start3A_98 = arith.constant 0 : i32
    %dma_start3A_99 = arith.constant 0 : i32
    %dma_start3A_100 = tpu.memref_slice %arg3[%dma_start3A_90, %dma_start3A_98, %dma_start3A_99] : memref<26x100000x32xf32, #tpu.memory_space<hbm>> -> memref<1x100000x32xf32, #tpu.memory_space<hbm>>
    %dma_start3A_101 = tpu.memref_squeeze %dma_start3A_100 : memref<1x100000x32xf32, #tpu.memory_space<hbm>> -> memref<100000x32xf32, #tpu.memory_space<hbm>>
    %dma_start3A_102 = arith.constant 0 : i32
    %dma_start3A_103 = arith.constant 0 : i32
    %dma_start3A_104 = tpu.memref_slice %dma_start3A_101[%dma_start3A_102, %dma_start3A_103] : memref<100000x32xf32, #tpu.memory_space<hbm>> -> memref<100000x32xf32, #tpu.memory_space<hbm>>
    tpu.enqueue_indirect_dma source(%dma_start3A_104 : memref<100000x32xf32, #tpu.memory_space<hbm>>) target(%dma_start3A_94 : memref<128x32xf32, #tpu.memory_space<vmem>>) offsets(%dma_start3A_97 : memref<128xi32, #tpu.memory_space<vmem>>) semaphore(%arg12 : memref<!tpu.dma_semaphore, #tpu.memory_space<semaphore_mem>>)
    %dma_start3A_105 = arith.constant 0 : i32
    %dma_start3A_106 = arith.constant 0 : i32
    %dma_start3A_107 = arith.constant 384 : i32
    %dma_start3A_108 = arith.constant 0 : i32
    %dma_start3A_109 = tpu.memref_slice %arg9[%dma_start3A_107, %dma_start3A_108] : memref<1664x32xf32, #tpu.memory_space<vmem>> -> memref<128x32xf32, #tpu.memory_space<vmem>>
    %dma_start3A_110 = arith.constant 384 : i32
    %dma_start3A_111 = tpu.memref_slice %arg7[%dma_start3A_106, %dma_start3A_110] : memref<2x1664xi32, #tpu.memory_space<vmem>> -> memref<1x128xi32, #tpu.memory_space<vmem>>
    %dma_start3A_112 = tpu.memref_squeeze %dma_start3A_111 : memref<1x128xi32, #tpu.memory_space<vmem>> -> memref<128xi32, #tpu.memory_space<vmem>>
    %dma_start3A_113 = arith.constant 0 : i32
    %dma_start3A_114 = arith.constant 0 : i32
    %dma_start3A_115 = tpu.memref_slice %arg3[%dma_start3A_105, %dma_start3A_113, %dma_start3A_114] : memref<26x100000x32xf32, #tpu.memory_space<hbm>> -> memref<1x100000x32xf32, #tpu.memory_space<hbm>>
    %dma_start3A_116 = tpu.memref_squeeze %dma_start3A_115 : memref<1x100000x32xf32, #tpu.memory_space<hbm>> -> memref<100000x32xf32, #tpu.memory_space<hbm>>
    %dma_start3A_117 = arith.constant 0 : i32
    %dma_start3A_118 = arith.constant 0 : i32
    %dma_start3A_119 = tpu.memref_slice %dma_start3A_116[%dma_start3A_117, %dma_start3A_118] : memref<100000x32xf32, #tpu.memory_space<hbm>> -> memref<100000x32xf32, #tpu.memory_space<hbm>>
    tpu.enqueue_indirect_dma source(%dma_start3A_119 : memref<100000x32xf32, #tpu.memory_space<hbm>>) target(%dma_start3A_109 : memref<128x32xf32, #tpu.memory_space<vmem>>) offsets(%dma_start3A_112 : memref<128xi32, #tpu.memory_space<vmem>>) semaphore(%arg12 : memref<!tpu.dma_semaphore, #tpu.memory_space<semaphore_mem>>)
    %dma_start3A_120 = arith.constant 0 : i32
    %dma_start3A_121 = arith.constant 0 : i32
    %dma_start3A_122 = arith.constant 512 : i32
    %dma_start3A_123 = arith.constant 0 : i32
    %dma_start3A_124 = tpu.memref_slice %arg9[%dma_start3A_122, %dma_start3A_123] : memref<1664x32xf32, #tpu.memory_space<vmem>> -> memref<128x32xf32, #tpu.memory_space<vmem>>
    %dma_start3A_125 = arith.constant 512 : i32
    %dma_start3A_126 = tpu.memref_slice %arg7[%dma_start3A_121, %dma_start3A_125] : memref<2x1664xi32, #tpu.memory_space<vmem>> -> memref<1x128xi32, #tpu.memory_space<vmem>>
    %dma_start3A_127 = tpu.memref_squeeze %dma_start3A_126 : memref<1x128xi32, #tpu.memory_space<vmem>> -> memref<128xi32, #tpu.memory_space<vmem>>
    %dma_start3A_128 = arith.constant 0 : i32
    %dma_start3A_129 = arith.constant 0 : i32
    %dma_start3A_130 = tpu.memref_slice %arg3[%dma_start3A_120, %dma_start3A_128, %dma_start3A_129] : memref<26x100000x32xf32, #tpu.memory_space<hbm>> -> memref<1x100000x32xf32, #tpu.memory_space<hbm>>
    %dma_start3A_131 = tpu.memref_squeeze %dma_start3A_130 : memref<1x100000x32xf32, #tpu.memory_space<hbm>> -> memref<100000x32xf32, #tpu.memory_space<hbm>>
    %dma_start3A_132 = arith.constant 0 : i32
    %dma_start3A_133 = arith.constant 0 : i32
    %dma_start3A_134 = tpu.memref_slice %dma_start3A_131[%dma_start3A_132, %dma_start3A_133] : memref<100000x32xf32, #tpu.memory_space<hbm>> -> memref<100000x32xf32, #tpu.memory_space<hbm>>
    tpu.enqueue_indirect_dma source(%dma_start3A_134 : memref<100000x32xf32, #tpu.memory_space<hbm>>) target(%dma_start3A_124 : memref<128x32xf32, #tpu.memory_space<vmem>>) offsets(%dma_start3A_127 : memref<128xi32, #tpu.memory_space<vmem>>) semaphore(%arg12 : memref<!tpu.dma_semaphore, #tpu.memory_space<semaphore_mem>>)
    %dma_start3A_135 = arith.constant 0 : i32
    %dma_start3A_136 = arith.constant 0 : i32
    %dma_start3A_137 = arith.constant 640 : i32
    %dma_start3A_138 = arith.constant 0 : i32
    %dma_start3A_139 = tpu.memref_slice %arg9[%dma_start3A_137, %dma_start3A_138] : memref<1664x32xf32, #tpu.memory_space<vmem>> -> memref<128x32xf32, #tpu.memory_space<vmem>>
    %dma_start3A_140 = arith.constant 640 : i32
    %dma_start3A_141 = tpu.memref_slice %arg7[%dma_start3A_136, %dma_start3A_140] : memref<2x1664xi32, #tpu.memory_space<vmem>> -> memref<1x128xi32, #tpu.memory_space<vmem>>
    %dma_start3A_142 = tpu.memref_squeeze %dma_start3A_141 : memref<1x128xi32, #tpu.memory_space<vmem>> -> memref<128xi32, #tpu.memory_space<vmem>>
    %dma_start3A_143 = arith.constant 0 : i32
    %dma_start3A_144 = arith.constant 0 : i32
    %dma_start3A_145 = tpu.memref_slice %arg3[%dma_start3A_135, %dma_start3A_143, %dma_start3A_144] : memref<26x100000x32xf32, #tpu.memory_space<hbm>> -> memref<1x100000x32xf32, #tpu.memory_space<hbm>>
    %dma_start3A_146 = tpu.memref_squeeze %dma_start3A_145 : memref<1x100000x32xf32, #tpu.memory_space<hbm>> -> memref<100000x32xf32, #tpu.memory_space<hbm>>
    %dma_start3A_147 = arith.constant 0 : i32
    %dma_start3A_148 = arith.constant 0 : i32
    %dma_start3A_149 = tpu.memref_slice %dma_start3A_146[%dma_start3A_147, %dma_start3A_148] : memref<100000x32xf32, #tpu.memory_space<hbm>> -> memref<100000x32xf32, #tpu.memory_space<hbm>>
    tpu.enqueue_indirect_dma source(%dma_start3A_149 : memref<100000x32xf32, #tpu.memory_space<hbm>>) target(%dma_start3A_139 : memref<128x32xf32, #tpu.memory_space<vmem>>) offsets(%dma_start3A_142 : memref<128xi32, #tpu.memory_space<vmem>>) semaphore(%arg12 : memref<!tpu.dma_semaphore, #tpu.memory_space<semaphore_mem>>)
    %dma_start3A_150 = arith.constant 0 : i32
    %dma_start3A_151 = arith.constant 0 : i32
    %dma_start3A_152 = arith.constant 768 : i32
    %dma_start3A_153 = arith.constant 0 : i32
    %dma_start3A_154 = tpu.memref_slice %arg9[%dma_start3A_152, %dma_start3A_153] : memref<1664x32xf32, #tpu.memory_space<vmem>> -> memref<128x32xf32, #tpu.memory_space<vmem>>
    %dma_start3A_155 = arith.constant 768 : i32
    %dma_start3A_156 = tpu.memref_slice %arg7[%dma_start3A_151, %dma_start3A_155] : memref<2x1664xi32, #tpu.memory_space<vmem>> -> memref<1x128xi32, #tpu.memory_space<vmem>>
    %dma_start3A_157 = tpu.memref_squeeze %dma_start3A_156 : memref<1x128xi32, #tpu.memory_space<vmem>> -> memref<128xi32, #tpu.memory_space<vmem>>
    %dma_start3A_158 = arith.constant 0 : i32
    %dma_start3A_159 = arith.constant 0 : i32
    %dma_start3A_160 = tpu.memref_slice %arg3[%dma_start3A_150, %dma_start3A_158, %dma_start3A_159] : memref<26x100000x32xf32, #tpu.memory_space<hbm>> -> memref<1x100000x32xf32, #tpu.memory_space<hbm>>
    %dma_start3A_161 = tpu.memref_squeeze %dma_start3A_160 : memref<1x100000x32xf32, #tpu.memory_space<hbm>> -> memref<100000x32xf32, #tpu.memory_space<hbm>>
    %dma_start3A_162 = arith.constant 0 : i32
    %dma_start3A_163 = arith.constant 0 : i32
    %dma_start3A_164 = tpu.memref_slice %dma_start3A_161[%dma_start3A_162, %dma_start3A_163] : memref<100000x32xf32, #tpu.memory_space<hbm>> -> memref<100000x32xf32, #tpu.memory_space<hbm>>
    tpu.enqueue_indirect_dma source(%dma_start3A_164 : memref<100000x32xf32, #tpu.memory_space<hbm>>) target(%dma_start3A_154 : memref<128x32xf32, #tpu.memory_space<vmem>>) offsets(%dma_start3A_157 : memref<128xi32, #tpu.memory_space<vmem>>) semaphore(%arg12 : memref<!tpu.dma_semaphore, #tpu.memory_space<semaphore_mem>>)
    %dma_start3A_165 = arith.constant 0 : i32
    %dma_start3A_166 = arith.constant 0 : i32
    %dma_start3A_167 = arith.constant 896 : i32
    %dma_start3A_168 = arith.constant 0 : i32
    %dma_start3A_169 = tpu.memref_slice %arg9[%dma_start3A_167, %dma_start3A_168] : memref<1664x32xf32, #tpu.memory_space<vmem>> -> memref<128x32xf32, #tpu.memory_space<vmem>>
    %dma_start3A_170 = arith.constant 896 : i32
    %dma_start3A_171 = tpu.memref_slice %arg7[%dma_start3A_166, %dma_start3A_170] : memref<2x1664xi32, #tpu.memory_space<vmem>> -> memref<1x128xi32, #tpu.memory_space<vmem>>
    %dma_start3A_172 = tpu.memref_squeeze %dma_start3A_171 : memref<1x128xi32, #tpu.memory_space<vmem>> -> memref<128xi32, #tpu.memory_space<vmem>>
    %dma_start3A_173 = arith.constant 0 : i32
    %dma_start3A_174 = arith.constant 0 : i32
    %dma_start3A_175 = tpu.memref_slice %arg3[%dma_start3A_165, %dma_start3A_173, %dma_start3A_174] : memref<26x100000x32xf32, #tpu.memory_space<hbm>> -> memref<1x100000x32xf32, #tpu.memory_space<hbm>>
    %dma_start3A_176 = tpu.memref_squeeze %dma_start3A_175 : memref<1x100000x32xf32, #tpu.memory_space<hbm>> -> memref<100000x32xf32, #tpu.memory_space<hbm>>
    %dma_start3A_177 = arith.constant 0 : i32
    %dma_start3A_178 = arith.constant 0 : i32
    %dma_start3A_179 = tpu.memref_slice %dma_start3A_176[%dma_start3A_177, %dma_start3A_178] : memref<100000x32xf32, #tpu.memory_space<hbm>> -> memref<100000x32xf32, #tpu.memory_space<hbm>>
    tpu.enqueue_indirect_dma source(%dma_start3A_179 : memref<100000x32xf32, #tpu.memory_space<hbm>>) target(%dma_start3A_169 : memref<128x32xf32, #tpu.memory_space<vmem>>) offsets(%dma_start3A_172 : memref<128xi32, #tpu.memory_space<vmem>>) semaphore(%arg12 : memref<!tpu.dma_semaphore, #tpu.memory_space<semaphore_mem>>)
    %dma_start3A_180 = arith.constant 0 : i32
    %dma_start3A_181 = arith.constant 0 : i32
    %dma_start3A_182 = arith.constant 1024 : i32
    %dma_start3A_183 = arith.constant 0 : i32
    %dma_start3A_184 = tpu.memref_slice %arg9[%dma_start3A_182, %dma_start3A_183] : memref<1664x32xf32, #tpu.memory_space<vmem>> -> memref<128x32xf32, #tpu.memory_space<vmem>>
    %dma_start3A_185 = arith.constant 1024 : i32
    %dma_start3A_186 = tpu.memref_slice %arg7[%dma_start3A_181, %dma_start3A_185] : memref<2x1664xi32, #tpu.memory_space<vmem>> -> memref<1x128xi32, #tpu.memory_space<vmem>>
    %dma_start3A_187 = tpu.memref_squeeze %dma_start3A_186 : memref<1x128xi32, #tpu.memory_space<vmem>> -> memref<128xi32, #tpu.memory_space<vmem>>
    %dma_start3A_188 = arith.constant 0 : i32
    %dma_start3A_189 = arith.constant 0 : i32
    %dma_start3A_190 = tpu.memref_slice %arg3[%dma_start3A_180, %dma_start3A_188, %dma_start3A_189] : memref<26x100000x32xf32, #tpu.memory_space<hbm>> -> memref<1x100000x32xf32, #tpu.memory_space<hbm>>
    %dma_start3A_191 = tpu.memref_squeeze %dma_start3A_190 : memref<1x100000x32xf32, #tpu.memory_space<hbm>> -> memref<100000x32xf32, #tpu.memory_space<hbm>>
    %dma_start3A_192 = arith.constant 0 : i32
    %dma_start3A_193 = arith.constant 0 : i32
    %dma_start3A_194 = tpu.memref_slice %dma_start3A_191[%dma_start3A_192, %dma_start3A_193] : memref<100000x32xf32, #tpu.memory_space<hbm>> -> memref<100000x32xf32, #tpu.memory_space<hbm>>
    tpu.enqueue_indirect_dma source(%dma_start3A_194 : memref<100000x32xf32, #tpu.memory_space<hbm>>) target(%dma_start3A_184 : memref<128x32xf32, #tpu.memory_space<vmem>>) offsets(%dma_start3A_187 : memref<128xi32, #tpu.memory_space<vmem>>) semaphore(%arg12 : memref<!tpu.dma_semaphore, #tpu.memory_space<semaphore_mem>>)
    %dma_start3A_195 = arith.constant 0 : i32
    %dma_start3A_196 = arith.constant 0 : i32
    %dma_start3A_197 = arith.constant 1152 : i32
    %dma_start3A_198 = arith.constant 0 : i32
    %dma_start3A_199 = tpu.memref_slice %arg9[%dma_start3A_197, %dma_start3A_198] : memref<1664x32xf32, #tpu.memory_space<vmem>> -> memref<128x32xf32, #tpu.memory_space<vmem>>
    %dma_start3A_200 = arith.constant 1152 : i32
    %dma_start3A_201 = tpu.memref_slice %arg7[%dma_start3A_196, %dma_start3A_200] : memref<2x1664xi32, #tpu.memory_space<vmem>> -> memref<1x128xi32, #tpu.memory_space<vmem>>
    %dma_start3A_202 = tpu.memref_squeeze %dma_start3A_201 : memref<1x128xi32, #tpu.memory_space<vmem>> -> memref<128xi32, #tpu.memory_space<vmem>>
    %dma_start3A_203 = arith.constant 0 : i32
    %dma_start3A_204 = arith.constant 0 : i32
    %dma_start3A_205 = tpu.memref_slice %arg3[%dma_start3A_195, %dma_start3A_203, %dma_start3A_204] : memref<26x100000x32xf32, #tpu.memory_space<hbm>> -> memref<1x100000x32xf32, #tpu.memory_space<hbm>>
    %dma_start3A_206 = tpu.memref_squeeze %dma_start3A_205 : memref<1x100000x32xf32, #tpu.memory_space<hbm>> -> memref<100000x32xf32, #tpu.memory_space<hbm>>
    %dma_start3A_207 = arith.constant 0 : i32
    %dma_start3A_208 = arith.constant 0 : i32
    %dma_start3A_209 = tpu.memref_slice %dma_start3A_206[%dma_start3A_207, %dma_start3A_208] : memref<100000x32xf32, #tpu.memory_space<hbm>> -> memref<100000x32xf32, #tpu.memory_space<hbm>>
    tpu.enqueue_indirect_dma source(%dma_start3A_209 : memref<100000x32xf32, #tpu.memory_space<hbm>>) target(%dma_start3A_199 : memref<128x32xf32, #tpu.memory_space<vmem>>) offsets(%dma_start3A_202 : memref<128xi32, #tpu.memory_space<vmem>>) semaphore(%arg12 : memref<!tpu.dma_semaphore, #tpu.memory_space<semaphore_mem>>)
    %dma_start3A_210 = arith.constant 0 : i32
    %dma_start3A_211 = arith.constant 0 : i32
    %dma_start3A_212 = arith.constant 1280 : i32
    %dma_start3A_213 = arith.constant 0 : i32
    %dma_start3A_214 = tpu.memref_slice %arg9[%dma_start3A_212, %dma_start3A_213] : memref<1664x32xf32, #tpu.memory_space<vmem>> -> memref<128x32xf32, #tpu.memory_space<vmem>>
    %dma_start3A_215 = arith.constant 1280 : i32
    %dma_start3A_216 = tpu.memref_slice %arg7[%dma_start3A_211, %dma_start3A_215] : memref<2x1664xi32, #tpu.memory_space<vmem>> -> memref<1x128xi32, #tpu.memory_space<vmem>>
    %dma_start3A_217 = tpu.memref_squeeze %dma_start3A_216 : memref<1x128xi32, #tpu.memory_space<vmem>> -> memref<128xi32, #tpu.memory_space<vmem>>
    %dma_start3A_218 = arith.constant 0 : i32
    %dma_start3A_219 = arith.constant 0 : i32
    %dma_start3A_220 = tpu.memref_slice %arg3[%dma_start3A_210, %dma_start3A_218, %dma_start3A_219] : memref<26x100000x32xf32, #tpu.memory_space<hbm>> -> memref<1x100000x32xf32, #tpu.memory_space<hbm>>
    %dma_start3A_221 = tpu.memref_squeeze %dma_start3A_220 : memref<1x100000x32xf32, #tpu.memory_space<hbm>> -> memref<100000x32xf32, #tpu.memory_space<hbm>>
    %dma_start3A_222 = arith.constant 0 : i32
    %dma_start3A_223 = arith.constant 0 : i32
    %dma_start3A_224 = tpu.memref_slice %dma_start3A_221[%dma_start3A_222, %dma_start3A_223] : memref<100000x32xf32, #tpu.memory_space<hbm>> -> memref<100000x32xf32, #tpu.memory_space<hbm>>
    tpu.enqueue_indirect_dma source(%dma_start3A_224 : memref<100000x32xf32, #tpu.memory_space<hbm>>) target(%dma_start3A_214 : memref<128x32xf32, #tpu.memory_space<vmem>>) offsets(%dma_start3A_217 : memref<128xi32, #tpu.memory_space<vmem>>) semaphore(%arg12 : memref<!tpu.dma_semaphore, #tpu.memory_space<semaphore_mem>>)
    %dma_start3A_225 = arith.constant 0 : i32
    %dma_start3A_226 = arith.constant 0 : i32
    %dma_start3A_227 = arith.constant 1408 : i32
    %dma_start3A_228 = arith.constant 0 : i32
    %dma_start3A_229 = tpu.memref_slice %arg9[%dma_start3A_227, %dma_start3A_228] : memref<1664x32xf32, #tpu.memory_space<vmem>> -> memref<128x32xf32, #tpu.memory_space<vmem>>
    %dma_start3A_230 = arith.constant 1408 : i32
    %dma_start3A_231 = tpu.memref_slice %arg7[%dma_start3A_226, %dma_start3A_230] : memref<2x1664xi32, #tpu.memory_space<vmem>> -> memref<1x128xi32, #tpu.memory_space<vmem>>
    %dma_start3A_232 = tpu.memref_squeeze %dma_start3A_231 : memref<1x128xi32, #tpu.memory_space<vmem>> -> memref<128xi32, #tpu.memory_space<vmem>>
    %dma_start3A_233 = arith.constant 0 : i32
    %dma_start3A_234 = arith.constant 0 : i32
    %dma_start3A_235 = tpu.memref_slice %arg3[%dma_start3A_225, %dma_start3A_233, %dma_start3A_234] : memref<26x100000x32xf32, #tpu.memory_space<hbm>> -> memref<1x100000x32xf32, #tpu.memory_space<hbm>>
    %dma_start3A_236 = tpu.memref_squeeze %dma_start3A_235 : memref<1x100000x32xf32, #tpu.memory_space<hbm>> -> memref<100000x32xf32, #tpu.memory_space<hbm>>
    %dma_start3A_237 = arith.constant 0 : i32
    %dma_start3A_238 = arith.constant 0 : i32
    %dma_start3A_239 = tpu.memref_slice %dma_start3A_236[%dma_start3A_237, %dma_start3A_238] : memref<100000x32xf32, #tpu.memory_space<hbm>> -> memref<100000x32xf32, #tpu.memory_space<hbm>>
    tpu.enqueue_indirect_dma source(%dma_start3A_239 : memref<100000x32xf32, #tpu.memory_space<hbm>>) target(%dma_start3A_229 : memref<128x32xf32, #tpu.memory_space<vmem>>) offsets(%dma_start3A_232 : memref<128xi32, #tpu.memory_space<vmem>>) semaphore(%arg12 : memref<!tpu.dma_semaphore, #tpu.memory_space<semaphore_mem>>)
    %dma_start3A_240 = arith.constant 0 : i32
    %dma_start3A_241 = arith.constant 0 : i32
    %dma_start3A_242 = arith.constant 1536 : i32
    %dma_start3A_243 = arith.constant 0 : i32
    %dma_start3A_244 = tpu.memref_slice %arg9[%dma_start3A_242, %dma_start3A_243] : memref<1664x32xf32, #tpu.memory_space<vmem>> -> memref<128x32xf32, #tpu.memory_space<vmem>>
    %dma_start3A_245 = arith.constant 1536 : i32
    %dma_start3A_246 = tpu.memref_slice %arg7[%dma_start3A_241, %dma_start3A_245] : memref<2x1664xi32, #tpu.memory_space<vmem>> -> memref<1x128xi32, #tpu.memory_space<vmem>>
    %dma_start3A_247 = tpu.memref_squeeze %dma_start3A_246 : memref<1x128xi32, #tpu.memory_space<vmem>> -> memref<128xi32, #tpu.memory_space<vmem>>
    %dma_start3A_248 = arith.constant 0 : i32
    %dma_start3A_249 = arith.constant 0 : i32
    %dma_start3A_250 = tpu.memref_slice %arg3[%dma_start3A_240, %dma_start3A_248, %dma_start3A_249] : memref<26x100000x32xf32, #tpu.memory_space<hbm>> -> memref<1x100000x32xf32, #tpu.memory_space<hbm>>
    %dma_start3A_251 = tpu.memref_squeeze %dma_start3A_250 : memref<1x100000x32xf32, #tpu.memory_space<hbm>> -> memref<100000x32xf32, #tpu.memory_space<hbm>>
    %dma_start3A_252 = arith.constant 0 : i32
    %dma_start3A_253 = arith.constant 0 : i32
    %dma_start3A_254 = tpu.memref_slice %dma_start3A_251[%dma_start3A_252, %dma_start3A_253] : memref<100000x32xf32, #tpu.memory_space<hbm>> -> memref<100000x32xf32, #tpu.memory_space<hbm>>
    tpu.enqueue_indirect_dma source(%dma_start3A_254 : memref<100000x32xf32, #tpu.memory_space<hbm>>) target(%dma_start3A_244 : memref<128x32xf32, #tpu.memory_space<vmem>>) offsets(%dma_start3A_247 : memref<128xi32, #tpu.memory_space<vmem>>) semaphore(%arg12 : memref<!tpu.dma_semaphore, #tpu.memory_space<semaphore_mem>>)
    %scan3A_255 = arith.constant 0 : i32
    %scan3A_256 = arith.constant 0 : i32
    %scan3A_257 = arith.constant 0 : i32
    %scan3A_258 = arith.constant 50 : i32
    %scan3A_259 = arith.addi %scan3A_257, %scan3A_258 : i32
    %scan3A_260 = arith.constant 1 : i32
    scf.for %scan3A_262 = %scan3A_257 to %scan3A_259 step %scan3A_260  : i32 {
      %mul3A_263 = arith.constant 2 : i32
      %mul3A_264 = arith.muli %scan3A_262, %mul3A_263 : i32
      %add3A_265 = arith.constant 0 : i32
      %add3A_266 = arith.addi %mul3A_264, %add3A_265 : i32
      %add3A_267 = arith.constant 2 : i32
      %add3A_268 = arith.addi %add3A_266, %add3A_267 : i32
      %sub3A = arith.constant 1 : i32
      %sub3A_269 = arith.subi %add3A_268, %sub3A : i32
      %lt3A = arith.constant 100 : i32
      %lt3A_270 = arith.cmpi slt, %sub3A_269, %lt3A : i32
      %convert_element_type3A = arith.extui %lt3A_270 : i1 to i32
      %cond3A = arith.constant 0 : i32
      %cond3A_271 = arith.cmpi ne, %convert_element_type3A, %cond3A : i32
      scf.if %cond3A_271 {
        %add3A_335 = arith.constant 2 : i32
        %add3A_336 = arith.addi %add3A_266, %add3A_335 : i32
        %sub3A_337 = arith.constant 1 : i32
        %sub3A_338 = arith.subi %add3A_336, %sub3A_337 : i32
        %dma_wait3A_339 = arith.constant 1 : i32
        %dma_wait3A_340 = arith.constant 0 : i32
        %dma_wait3A_341 = tpu.memref_slice %arg6[%dma_wait3A_339, %dma_wait3A_340] : memref<2x1664xi32, #tpu.memory_space<vmem>> -> memref<1x1664xi32, #tpu.memory_space<vmem>>
        %dma_wait3A_342 = tpu.memref_squeeze %dma_wait3A_341 : memref<1x1664xi32, #tpu.memory_space<vmem>> -> memref<1664xi32, #tpu.memory_space<vmem>>
        %dma_wait3A_343 = arith.constant 0 : i32
        %dma_wait3A_344 = tpu.memref_slice %arg2[%dma_wait3A_343] : memref<5324800xi32, #tpu.memory_space<hbm>> -> memref<1664xi32, #tpu.memory_space<hbm>>
        %dma_wait3A_345 = arith.constant 0 : i32
        %dma_wait3A_346 = tpu.memref_slice %arg6[%dma_wait3A_339, %dma_wait3A_345] : memref<2x1664xi32, #tpu.memory_space<vmem>> -> memref<1x1664xi32, #tpu.memory_space<vmem>>
        %dma_wait3A_347 = tpu.memref_squeeze %dma_wait3A_346 : memref<1x1664xi32, #tpu.memory_space<vmem>> -> memref<1664xi32, #tpu.memory_space<vmem>>
        %dma_wait3A_348 = arith.constant 0 : i32
        %dma_wait3A_349 = tpu.memref_slice %arg2[%dma_wait3A_348] : memref<5324800xi32, #tpu.memory_space<hbm>> -> memref<1664xi32, #tpu.memory_space<hbm>>
        tpu.wait_dma2 semaphore(%arg15 : memref<!tpu.dma_semaphore, #tpu.memory_space<semaphore_mem>>) src(%dma_wait3A_349 : memref<1664xi32, #tpu.memory_space<hbm>>) dst(%dma_wait3A_347 : memref<1664xi32, #tpu.memory_space<vmem>>)
        %scan3A_350 = arith.constant 0 : i32
        %scan3A_351 = arith.constant 0 : i32
        %scan3A_352 = arith.constant 104 : i32
        %scan3A_353 = arith.addi %scan3A_351, %scan3A_352 : i32
        %scan3A_354 = arith.constant 1 : i32
        scf.for %scan3A_545 = %scan3A_351 to %scan3A_353 step %scan3A_354  : i32 {
          %mul3A_546 = arith.constant 16 : i32
          %mul3A_547 = arith.muli %scan3A_545, %mul3A_546 : i32
          %get3A = arith.constant 1 : i32
          %get3A_548 = arith.index_cast %get3A : i32 to index
          %get3A_549 = arith.index_cast %mul3A_547 : i32 to index
          %get3A_550 = tpu.vector_load %arg6[%get3A_548, %get3A_549] {strides = array<i32>} : memref<2x1664xi32, #tpu.memory_space<vmem>>, vector<1x16xi32>,
          %get3A_551 = vector.shape_cast %get3A_550 : vector<1x16xi32> to vector<16xi32>
          %mul3A_552 = arith.constant 16 : i32
          %mul3A_553 = arith.muli %scan3A_545, %mul3A_552 : i32
          %get3A_554 = arith.index_cast %mul3A_553 : i32 to index
          %get3A_555 = tpu.vector_load %arg8[%get3A_554] {strides = array<i32>} : memref<1664xi32, #tpu.memory_space<vmem>>, vector<16xi32>,
          %get3A_556 = vector.shape_cast %get3A_555 : vector<16xi32> to vector<16xi32>
          %add3A_557 = arith.addi %get3A_551, %get3A_556 : vector<16xi32>
          %mul3A_558 = arith.constant 16 : i32
          %mul3A_559 = arith.muli %scan3A_545, %mul3A_558 : i32
          %swap3A = arith.constant 1 : i32
          %swap3A_560 = arith.index_cast %swap3A : i32 to index
          %swap3A_561 = arith.index_cast %mul3A_559 : i32 to index
          %swap3A_562 = tpu.vector_load %arg7[%swap3A_560, %swap3A_561] {strides = array<i32>} : memref<2x1664xi32, #tpu.memory_space<vmem>>, vector<1x16xi32>,
          %swap3A_563 = vector.shape_cast %swap3A_562 : vector<1x16xi32> to vector<16xi32>
          %swap3A_564 = vector.shape_cast %add3A_557 : vector<16xi32> to vector<1x16xi32>
          tpu.vector_store %arg7[%swap3A_560, %swap3A_561], %swap3A_564 {strides = array<i32>} : memref<2x1664xi32, #tpu.memory_space<vmem>>, vector<1x16xi32>,
        }
        %scan3A_355 = arith.constant 104 : i32
        %add3A_356 = arith.constant 2 : i32
        %add3A_357 = arith.addi %sub3A_338, %add3A_356 : i32
        %lt3A_358 = arith.constant 100 : i32
        %lt3A_359 = arith.cmpi slt, %add3A_357, %lt3A_358 : i32
        %convert_element_type3A_360 = arith.extui %lt3A_359 : i1 to i32
        %cond3A_361 = arith.constant 0 : i32
        %cond3A_362 = arith.cmpi ne, %convert_element_type3A_360, %cond3A_361 : i32
        scf.if %cond3A_362 {
          %add3A_545 = arith.constant 2 : i32
          %add3A_546 = arith.addi %sub3A_338, %add3A_545 : i32
          %mul3A_547 = arith.constant 6400 : i32
          %mul3A_548 = arith.muli %add3A, %mul3A_547 : i32
          %mul3A_549 = arith.constant 64 : i32
          %mul3A_550 = arith.muli %add3A_546, %mul3A_549 : i32
          %add3A_551 = arith.addi %mul3A_548, %mul3A_550 : i32
          %mul3A_552 = arith.constant 26 : i32
          %mul3A_553 = arith.muli %add3A_551, %mul3A_552 : i32
          %dma_start3A_554 = arith.constant 1 : i32
          %dma_start3A_555 = arith.constant 0 : i32
          %dma_start3A_556 = tpu.memref_slice %arg6[%dma_start3A_554, %dma_start3A_555] : memref<2x1664xi32, #tpu.memory_space<vmem>> -> memref<1x1664xi32, #tpu.memory_space<vmem>>
          %dma_start3A_557 = tpu.memref_squeeze %dma_start3A_556 : memref<1x1664xi32, #tpu.memory_space<vmem>> -> memref<1664xi32, #tpu.memory_space<vmem>>
          %dma_start3A_558 = tpu.memref_slice %arg2[%mul3A_553] : memref<5324800xi32, #tpu.memory_space<hbm>> -> memref<1664xi32, #tpu.memory_space<hbm>>
          %dma_start3A_559 = arith.constant 0 : i32
          %dma_start3A_560 = tpu.memref_slice %arg6[%dma_start3A_554, %dma_start3A_559] : memref<2x1664xi32, #tpu.memory_space<vmem>> -> memref<1x1664xi32, #tpu.memory_space<vmem>>
          %dma_start3A_561 = tpu.memref_squeeze %dma_start3A_560 : memref<1x1664xi32, #tpu.memory_space<vmem>> -> memref<1664xi32, #tpu.memory_space<vmem>>
          %dma_start3A_562 = tpu.memref_slice %arg2[%mul3A_553] : memref<5324800xi32, #tpu.memory_space<hbm>> -> memref<1664xi32, #tpu.memory_space<hbm>>
          tpu.enqueue_dma source(%dma_start3A_562 : memref<1664xi32, #tpu.memory_space<hbm>>) target(%dma_start3A_561 : memref<1664xi32, #tpu.memory_space<vmem>>) target_semaphore(%arg15 : memref<!tpu.dma_semaphore, #tpu.memory_space<semaphore_mem>>)
        } else {
        }
        %dma_start3A_363 = arith.constant 1 : i32
        %dma_start3A_364 = arith.constant 0 : i32
        %dma_start3A_365 = arith.constant 0 : i32
        %dma_start3A_366 = tpu.memref_slice %arg10[%dma_start3A_364, %dma_start3A_365] : memref<1664x32xf32, #tpu.memory_space<vmem>> -> memref<128x32xf32, #tpu.memory_space<vmem>>
        %dma_start3A_367 = arith.constant 0 : i32
        %dma_start3A_368 = tpu.memref_slice %arg7[%dma_start3A_363, %dma_start3A_367] : memref<2x1664xi32, #tpu.memory_space<vmem>> -> memref<1x128xi32, #tpu.memory_space<vmem>>
        %dma_start3A_369 = tpu.memref_squeeze %dma_start3A_368 : memref<1x128xi32, #tpu.memory_space<vmem>> -> memref<128xi32, #tpu.memory_space<vmem>>
        %dma_start3A_370 = arith.constant 0 : i32
        %dma_start3A_371 = arith.constant 0 : i32
        %dma_start3A_372 = tpu.memref_slice %arg3[%scan3A_256, %dma_start3A_370, %dma_start3A_371] : memref<26x100000x32xf32, #tpu.memory_space<hbm>> -> memref<1x100000x32xf32, #tpu.memory_space<hbm>>
        %dma_start3A_373 = tpu.memref_squeeze %dma_start3A_372 : memref<1x100000x32xf32, #tpu.memory_space<hbm>> -> memref<100000x32xf32, #tpu.memory_space<hbm>>
        %dma_start3A_374 = arith.constant 0 : i32
        %dma_start3A_375 = arith.constant 0 : i32
        %dma_start3A_376 = tpu.memref_slice %dma_start3A_373[%dma_start3A_374, %dma_start3A_375] : memref<100000x32xf32, #tpu.memory_space<hbm>> -> memref<100000x32xf32, #tpu.memory_space<hbm>>
        tpu.enqueue_indirect_dma source(%dma_start3A_376 : memref<100000x32xf32, #tpu.memory_space<hbm>>) target(%dma_start3A_366 : memref<128x32xf32, #tpu.memory_space<vmem>>) offsets(%dma_start3A_369 : memref<128xi32, #tpu.memory_space<vmem>>) semaphore(%arg13 : memref<!tpu.dma_semaphore, #tpu.memory_space<semaphore_mem>>)
        %dma_start3A_377 = arith.constant 1 : i32
        %dma_start3A_378 = arith.constant 128 : i32
        %dma_start3A_379 = arith.constant 0 : i32
        %dma_start3A_380 = tpu.memref_slice %arg10[%dma_start3A_378, %dma_start3A_379] : memref<1664x32xf32, #tpu.memory_space<vmem>> -> memref<128x32xf32, #tpu.memory_space<vmem>>
        %dma_start3A_381 = arith.constant 128 : i32
        %dma_start3A_382 = tpu.memref_slice %arg7[%dma_start3A_377, %dma_start3A_381] : memref<2x1664xi32, #tpu.memory_space<vmem>> -> memref<1x128xi32, #tpu.memory_space<vmem>>
        %dma_start3A_383 = tpu.memref_squeeze %dma_start3A_382 : memref<1x128xi32, #tpu.memory_space<vmem>> -> memref<128xi32, #tpu.memory_space<vmem>>
        %dma_start3A_384 = arith.constant 0 : i32
        %dma_start3A_385 = arith.constant 0 : i32
        %dma_start3A_386 = tpu.memref_slice %arg3[%scan3A_256, %dma_start3A_384, %dma_start3A_385] : memref<26x100000x32xf32, #tpu.memory_space<hbm>> -> memref<1x100000x32xf32, #tpu.memory_space<hbm>>
        %dma_start3A_387 = tpu.memref_squeeze %dma_start3A_386 : memref<1x100000x32xf32, #tpu.memory_space<hbm>> -> memref<100000x32xf32, #tpu.memory_space<hbm>>
        %dma_start3A_388 = arith.constant 0 : i32
        %dma_start3A_389 = arith.constant 0 : i32
        %dma_start3A_390 = tpu.memref_slice %dma_start3A_387[%dma_start3A_388, %dma_start3A_389] : memref<100000x32xf32, #tpu.memory_space<hbm>> -> memref<100000x32xf32, #tpu.memory_space<hbm>>
        tpu.enqueue_indirect_dma source(%dma_start3A_390 : memref<100000x32xf32, #tpu.memory_space<hbm>>) target(%dma_start3A_380 : memref<128x32xf32, #tpu.memory_space<vmem>>) offsets(%dma_start3A_383 : memref<128xi32, #tpu.memory_space<vmem>>) semaphore(%arg13 : memref<!tpu.dma_semaphore, #tpu.memory_space<semaphore_mem>>)
        %dma_start3A_391 = arith.constant 1 : i32
        %dma_start3A_392 = arith.constant 256 : i32
        %dma_start3A_393 = arith.constant 0 : i32
        %dma_start3A_394 = tpu.memref_slice %arg10[%dma_start3A_392, %dma_start3A_393] : memref<1664x32xf32, #tpu.memory_space<vmem>> -> memref<128x32xf32, #tpu.memory_space<vmem>>
        %dma_start3A_395 = arith.constant 256 : i32
        %dma_start3A_396 = tpu.memref_slice %arg7[%dma_start3A_391, %dma_start3A_395] : memref<2x1664xi32, #tpu.memory_space<vmem>> -> memref<1x128xi32, #tpu.memory_space<vmem>>
        %dma_start3A_397 = tpu.memref_squeeze %dma_start3A_396 : memref<1x128xi32, #tpu.memory_space<vmem>> -> memref<128xi32, #tpu.memory_space<vmem>>
        %dma_start3A_398 = arith.constant 0 : i32
        %dma_start3A_399 = arith.constant 0 : i32
        %dma_start3A_400 = tpu.memref_slice %arg3[%scan3A_256, %dma_start3A_398, %dma_start3A_399] : memref<26x100000x32xf32, #tpu.memory_space<hbm>> -> memref<1x100000x32xf32, #tpu.memory_space<hbm>>
        %dma_start3A_401 = tpu.memref_squeeze %dma_start3A_400 : memref<1x100000x32xf32, #tpu.memory_space<hbm>> -> memref<100000x32xf32, #tpu.memory_space<hbm>>
        %dma_start3A_402 = arith.constant 0 : i32
        %dma_start3A_403 = arith.constant 0 : i32
        %dma_start3A_404 = tpu.memref_slice %dma_start3A_401[%dma_start3A_402, %dma_start3A_403] : memref<100000x32xf32, #tpu.memory_space<hbm>> -> memref<100000x32xf32, #tpu.memory_space<hbm>>
        tpu.enqueue_indirect_dma source(%dma_start3A_404 : memref<100000x32xf32, #tpu.memory_space<hbm>>) target(%dma_start3A_394 : memref<128x32xf32, #tpu.memory_space<vmem>>) offsets(%dma_start3A_397 : memref<128xi32, #tpu.memory_space<vmem>>) semaphore(%arg13 : memref<!tpu.dma_semaphore, #tpu.memory_space<semaphore_mem>>)
        %dma_start3A_405 = arith.constant 1 : i32
        %dma_start3A_406 = arith.constant 384 : i32
        %dma_start3A_407 = arith.constant 0 : i32
        %dma_start3A_408 = tpu.memref_slice %arg10[%dma_start3A_406, %dma_start3A_407] : memref<1664x32xf32, #tpu.memory_space<vmem>> -> memref<128x32xf32, #tpu.memory_space<vmem>>
        %dma_start3A_409 = arith.constant 384 : i32
        %dma_start3A_410 = tpu.memref_slice %arg7[%dma_start3A_405, %dma_start3A_409] : memref<2x1664xi32, #tpu.memory_space<vmem>> -> memref<1x128xi32, #tpu.memory_space<vmem>>
        %dma_start3A_411 = tpu.memref_squeeze %dma_start3A_410 : memref<1x128xi32, #tpu.memory_space<vmem>> -> memref<128xi32, #tpu.memory_space<vmem>>
        %dma_start3A_412 = arith.constant 0 : i32
        %dma_start3A_413 = arith.constant 0 : i32
        %dma_start3A_414 = tpu.memref_slice %arg3[%scan3A_256, %dma_start3A_412, %dma_start3A_413] : memref<26x100000x32xf32, #tpu.memory_space<hbm>> -> memref<1x100000x32xf32, #tpu.memory_space<hbm>>
        %dma_start3A_415 = tpu.memref_squeeze %dma_start3A_414 : memref<1x100000x32xf32, #tpu.memory_space<hbm>> -> memref<100000x32xf32, #tpu.memory_space<hbm>>
        %dma_start3A_416 = arith.constant 0 : i32
        %dma_start3A_417 = arith.constant 0 : i32
        %dma_start3A_418 = tpu.memref_slice %dma_start3A_415[%dma_start3A_416, %dma_start3A_417] : memref<100000x32xf32, #tpu.memory_space<hbm>> -> memref<100000x32xf32, #tpu.memory_space<hbm>>
        tpu.enqueue_indirect_dma source(%dma_start3A_418 : memref<100000x32xf32, #tpu.memory_space<hbm>>) target(%dma_start3A_408 : memref<128x32xf32, #tpu.memory_space<vmem>>) offsets(%dma_start3A_411 : memref<128xi32, #tpu.memory_space<vmem>>) semaphore(%arg13 : memref<!tpu.dma_semaphore, #tpu.memory_space<semaphore_mem>>)
        %dma_start3A_419 = arith.constant 1 : i32
        %dma_start3A_420 = arith.constant 512 : i32
        %dma_start3A_421 = arith.constant 0 : i32
        %dma_start3A_422 = tpu.memref_slice %arg10[%dma_start3A_420, %dma_start3A_421] : memref<1664x32xf32, #tpu.memory_space<vmem>> -> memref<128x32xf32, #tpu.memory_space<vmem>>
        %dma_start3A_423 = arith.constant 512 : i32
        %dma_start3A_424 = tpu.memref_slice %arg7[%dma_start3A_419, %dma_start3A_423] : memref<2x1664xi32, #tpu.memory_space<vmem>> -> memref<1x128xi32, #tpu.memory_space<vmem>>
        %dma_start3A_425 = tpu.memref_squeeze %dma_start3A_424 : memref<1x128xi32, #tpu.memory_space<vmem>> -> memref<128xi32, #tpu.memory_space<vmem>>
        %dma_start3A_426 = arith.constant 0 : i32
        %dma_start3A_427 = arith.constant 0 : i32
        %dma_start3A_428 = tpu.memref_slice %arg3[%scan3A_256, %dma_start3A_426, %dma_start3A_427] : memref<26x100000x32xf32, #tpu.memory_space<hbm>> -> memref<1x100000x32xf32, #tpu.memory_space<hbm>>
        %dma_start3A_429 = tpu.memref_squeeze %dma_start3A_428 : memref<1x100000x32xf32, #tpu.memory_space<hbm>> -> memref<100000x32xf32, #tpu.memory_space<hbm>>
        %dma_start3A_430 = arith.constant 0 : i32
        %dma_start3A_431 = arith.constant 0 : i32
        %dma_start3A_432 = tpu.memref_slice %dma_start3A_429[%dma_start3A_430, %dma_start3A_431] : memref<100000x32xf32, #tpu.memory_space<hbm>> -> memref<100000x32xf32, #tpu.memory_space<hbm>>
        tpu.enqueue_indirect_dma source(%dma_start3A_432 : memref<100000x32xf32, #tpu.memory_space<hbm>>) target(%dma_start3A_422 : memref<128x32xf32, #tpu.memory_space<vmem>>) offsets(%dma_start3A_425 : memref<128xi32, #tpu.memory_space<vmem>>) semaphore(%arg13 : memref<!tpu.dma_semaphore, #tpu.memory_space<semaphore_mem>>)
        %dma_start3A_433 = arith.constant 1 : i32
        %dma_start3A_434 = arith.constant 640 : i32
        %dma_start3A_435 = arith.constant 0 : i32
        %dma_start3A_436 = tpu.memref_slice %arg10[%dma_start3A_434, %dma_start3A_435] : memref<1664x32xf32, #tpu.memory_space<vmem>> -> memref<128x32xf32, #tpu.memory_space<vmem>>
        %dma_start3A_437 = arith.constant 640 : i32
        %dma_start3A_438 = tpu.memref_slice %arg7[%dma_start3A_433, %dma_start3A_437] : memref<2x1664xi32, #tpu.memory_space<vmem>> -> memref<1x128xi32, #tpu.memory_space<vmem>>
        %dma_start3A_439 = tpu.memref_squeeze %dma_start3A_438 : memref<1x128xi32, #tpu.memory_space<vmem>> -> memref<128xi32, #tpu.memory_space<vmem>>
        %dma_start3A_440 = arith.constant 0 : i32
        %dma_start3A_441 = arith.constant 0 : i32
        %dma_start3A_442 = tpu.memref_slice %arg3[%scan3A_256, %dma_start3A_440, %dma_start3A_441] : memref<26x100000x32xf32, #tpu.memory_space<hbm>> -> memref<1x100000x32xf32, #tpu.memory_space<hbm>>
        %dma_start3A_443 = tpu.memref_squeeze %dma_start3A_442 : memref<1x100000x32xf32, #tpu.memory_space<hbm>> -> memref<100000x32xf32, #tpu.memory_space<hbm>>
        %dma_start3A_444 = arith.constant 0 : i32
        %dma_start3A_445 = arith.constant 0 : i32
        %dma_start3A_446 = tpu.memref_slice %dma_start3A_443[%dma_start3A_444, %dma_start3A_445] : memref<100000x32xf32, #tpu.memory_space<hbm>> -> memref<100000x32xf32, #tpu.memory_space<hbm>>
        tpu.enqueue_indirect_dma source(%dma_start3A_446 : memref<100000x32xf32, #tpu.memory_space<hbm>>) target(%dma_start3A_436 : memref<128x32xf32, #tpu.memory_space<vmem>>) offsets(%dma_start3A_439 : memref<128xi32, #tpu.memory_space<vmem>>) semaphore(%arg13 : memref<!tpu.dma_semaphore, #tpu.memory_space<semaphore_mem>>)
        %dma_start3A_447 = arith.constant 1 : i32
        %dma_start3A_448 = arith.constant 768 : i32
        %dma_start3A_449 = arith.constant 0 : i32
        %dma_start3A_450 = tpu.memref_slice %arg10[%dma_start3A_448, %dma_start3A_449] : memref<1664x32xf32, #tpu.memory_space<vmem>> -> memref<128x32xf32, #tpu.memory_space<vmem>>
        %dma_start3A_451 = arith.constant 768 : i32
        %dma_start3A_452 = tpu.memref_slice %arg7[%dma_start3A_447, %dma_start3A_451] : memref<2x1664xi32, #tpu.memory_space<vmem>> -> memref<1x128xi32, #tpu.memory_space<vmem>>
        %dma_start3A_453 = tpu.memref_squeeze %dma_start3A_452 : memref<1x128xi32, #tpu.memory_space<vmem>> -> memref<128xi32, #tpu.memory_space<vmem>>
        %dma_start3A_454 = arith.constant 0 : i32
        %dma_start3A_455 = arith.constant 0 : i32
        %dma_start3A_456 = tpu.memref_slice %arg3[%scan3A_256, %dma_start3A_454, %dma_start3A_455] : memref<26x100000x32xf32, #tpu.memory_space<hbm>> -> memref<1x100000x32xf32, #tpu.memory_space<hbm>>
        %dma_start3A_457 = tpu.memref_squeeze %dma_start3A_456 : memref<1x100000x32xf32, #tpu.memory_space<hbm>> -> memref<100000x32xf32, #tpu.memory_space<hbm>>
        %dma_start3A_458 = arith.constant 0 : i32
        %dma_start3A_459 = arith.constant 0 : i32
        %dma_start3A_460 = tpu.memref_slice %dma_start3A_457[%dma_start3A_458, %dma_start3A_459] : memref<100000x32xf32, #tpu.memory_space<hbm>> -> memref<100000x32xf32, #tpu.memory_space<hbm>>
        tpu.enqueue_indirect_dma source(%dma_start3A_460 : memref<100000x32xf32, #tpu.memory_space<hbm>>) target(%dma_start3A_450 : memref<128x32xf32, #tpu.memory_space<vmem>>) offsets(%dma_start3A_453 : memref<128xi32, #tpu.memory_space<vmem>>) semaphore(%arg13 : memref<!tpu.dma_semaphore, #tpu.memory_space<semaphore_mem>>)
        %dma_start3A_461 = arith.constant 1 : i32
        %dma_start3A_462 = arith.constant 896 : i32
        %dma_start3A_463 = arith.constant 0 : i32
        %dma_start3A_464 = tpu.memref_slice %arg10[%dma_start3A_462, %dma_start3A_463] : memref<1664x32xf32, #tpu.memory_space<vmem>> -> memref<128x32xf32, #tpu.memory_space<vmem>>
        %dma_start3A_465 = arith.constant 896 : i32
        %dma_start3A_466 = tpu.memref_slice %arg7[%dma_start3A_461, %dma_start3A_465] : memref<2x1664xi32, #tpu.memory_space<vmem>> -> memref<1x128xi32, #tpu.memory_space<vmem>>
        %dma_start3A_467 = tpu.memref_squeeze %dma_start3A_466 : memref<1x128xi32, #tpu.memory_space<vmem>> -> memref<128xi32, #tpu.memory_space<vmem>>
        %dma_start3A_468 = arith.constant 0 : i32
        %dma_start3A_469 = arith.constant 0 : i32
        %dma_start3A_470 = tpu.memref_slice %arg3[%scan3A_256, %dma_start3A_468, %dma_start3A_469] : memref<26x100000x32xf32, #tpu.memory_space<hbm>> -> memref<1x100000x32xf32, #tpu.memory_space<hbm>>
        %dma_start3A_471 = tpu.memref_squeeze %dma_start3A_470 : memref<1x100000x32xf32, #tpu.memory_space<hbm>> -> memref<100000x32xf32, #tpu.memory_space<hbm>>
        %dma_start3A_472 = arith.constant 0 : i32
        %dma_start3A_473 = arith.constant 0 : i32
        %dma_start3A_474 = tpu.memref_slice %dma_start3A_471[%dma_start3A_472, %dma_start3A_473] : memref<100000x32xf32, #tpu.memory_space<hbm>> -> memref<100000x32xf32, #tpu.memory_space<hbm>>
        tpu.enqueue_indirect_dma source(%dma_start3A_474 : memref<100000x32xf32, #tpu.memory_space<hbm>>) target(%dma_start3A_464 : memref<128x32xf32, #tpu.memory_space<vmem>>) offsets(%dma_start3A_467 : memref<128xi32, #tpu.memory_space<vmem>>) semaphore(%arg13 : memref<!tpu.dma_semaphore, #tpu.memory_space<semaphore_mem>>)
        %dma_start3A_475 = arith.constant 1 : i32
        %dma_start3A_476 = arith.constant 1024 : i32
        %dma_start3A_477 = arith.constant 0 : i32
        %dma_start3A_478 = tpu.memref_slice %arg10[%dma_start3A_476, %dma_start3A_477] : memref<1664x32xf32, #tpu.memory_space<vmem>> -> memref<128x32xf32, #tpu.memory_space<vmem>>
        %dma_start3A_479 = arith.constant 1024 : i32
        %dma_start3A_480 = tpu.memref_slice %arg7[%dma_start3A_475, %dma_start3A_479] : memref<2x1664xi32, #tpu.memory_space<vmem>> -> memref<1x128xi32, #tpu.memory_space<vmem>>
        %dma_start3A_481 = tpu.memref_squeeze %dma_start3A_480 : memref<1x128xi32, #tpu.memory_space<vmem>> -> memref<128xi32, #tpu.memory_space<vmem>>
        %dma_start3A_482 = arith.constant 0 : i32
        %dma_start3A_483 = arith.constant 0 : i32
        %dma_start3A_484 = tpu.memref_slice %arg3[%scan3A_256, %dma_start3A_482, %dma_start3A_483] : memref<26x100000x32xf32, #tpu.memory_space<hbm>> -> memref<1x100000x32xf32, #tpu.memory_space<hbm>>
        %dma_start3A_485 = tpu.memref_squeeze %dma_start3A_484 : memref<1x100000x32xf32, #tpu.memory_space<hbm>> -> memref<100000x32xf32, #tpu.memory_space<hbm>>
        %dma_start3A_486 = arith.constant 0 : i32
        %dma_start3A_487 = arith.constant 0 : i32
        %dma_start3A_488 = tpu.memref_slice %dma_start3A_485[%dma_start3A_486, %dma_start3A_487] : memref<100000x32xf32, #tpu.memory_space<hbm>> -> memref<100000x32xf32, #tpu.memory_space<hbm>>
        tpu.enqueue_indirect_dma source(%dma_start3A_488 : memref<100000x32xf32, #tpu.memory_space<hbm>>) target(%dma_start3A_478 : memref<128x32xf32, #tpu.memory_space<vmem>>) offsets(%dma_start3A_481 : memref<128xi32, #tpu.memory_space<vmem>>) semaphore(%arg13 : memref<!tpu.dma_semaphore, #tpu.memory_space<semaphore_mem>>)
        %dma_start3A_489 = arith.constant 1 : i32
        %dma_start3A_490 = arith.constant 1152 : i32
        %dma_start3A_491 = arith.constant 0 : i32
        %dma_start3A_492 = tpu.memref_slice %arg10[%dma_start3A_490, %dma_start3A_491] : memref<1664x32xf32, #tpu.memory_space<vmem>> -> memref<128x32xf32, #tpu.memory_space<vmem>>
        %dma_start3A_493 = arith.constant 1152 : i32
        %dma_start3A_494 = tpu.memref_slice %arg7[%dma_start3A_489, %dma_start3A_493] : memref<2x1664xi32, #tpu.memory_space<vmem>> -> memref<1x128xi32, #tpu.memory_space<vmem>>
        %dma_start3A_495 = tpu.memref_squeeze %dma_start3A_494 : memref<1x128xi32, #tpu.memory_space<vmem>> -> memref<128xi32, #tpu.memory_space<vmem>>
        %dma_start3A_496 = arith.constant 0 : i32
        %dma_start3A_497 = arith.constant 0 : i32
        %dma_start3A_498 = tpu.memref_slice %arg3[%scan3A_256, %dma_start3A_496, %dma_start3A_497] : memref<26x100000x32xf32, #tpu.memory_space<hbm>> -> memref<1x100000x32xf32, #tpu.memory_space<hbm>>
        %dma_start3A_499 = tpu.memref_squeeze %dma_start3A_498 : memref<1x100000x32xf32, #tpu.memory_space<hbm>> -> memref<100000x32xf32, #tpu.memory_space<hbm>>
        %dma_start3A_500 = arith.constant 0 : i32
        %dma_start3A_501 = arith.constant 0 : i32
        %dma_start3A_502 = tpu.memref_slice %dma_start3A_499[%dma_start3A_500, %dma_start3A_501] : memref<100000x32xf32, #tpu.memory_space<hbm>> -> memref<100000x32xf32, #tpu.memory_space<hbm>>
        tpu.enqueue_indirect_dma source(%dma_start3A_502 : memref<100000x32xf32, #tpu.memory_space<hbm>>) target(%dma_start3A_492 : memref<128x32xf32, #tpu.memory_space<vmem>>) offsets(%dma_start3A_495 : memref<128xi32, #tpu.memory_space<vmem>>) semaphore(%arg13 : memref<!tpu.dma_semaphore, #tpu.memory_space<semaphore_mem>>)
        %dma_start3A_503 = arith.constant 1 : i32
        %dma_start3A_504 = arith.constant 1280 : i32
        %dma_start3A_505 = arith.constant 0 : i32
        %dma_start3A_506 = tpu.memref_slice %arg10[%dma_start3A_504, %dma_start3A_505] : memref<1664x32xf32, #tpu.memory_space<vmem>> -> memref<128x32xf32, #tpu.memory_space<vmem>>
        %dma_start3A_507 = arith.constant 1280 : i32
        %dma_start3A_508 = tpu.memref_slice %arg7[%dma_start3A_503, %dma_start3A_507] : memref<2x1664xi32, #tpu.memory_space<vmem>> -> memref<1x128xi32, #tpu.memory_space<vmem>>
        %dma_start3A_509 = tpu.memref_squeeze %dma_start3A_508 : memref<1x128xi32, #tpu.memory_space<vmem>> -> memref<128xi32, #tpu.memory_space<vmem>>
        %dma_start3A_510 = arith.constant 0 : i32
        %dma_start3A_511 = arith.constant 0 : i32
        %dma_start3A_512 = tpu.memref_slice %arg3[%scan3A_256, %dma_start3A_510, %dma_start3A_511] : memref<26x100000x32xf32, #tpu.memory_space<hbm>> -> memref<1x100000x32xf32, #tpu.memory_space<hbm>>
        %dma_start3A_513 = tpu.memref_squeeze %dma_start3A_512 : memref<1x100000x32xf32, #tpu.memory_space<hbm>> -> memref<100000x32xf32, #tpu.memory_space<hbm>>
        %dma_start3A_514 = arith.constant 0 : i32
        %dma_start3A_515 = arith.constant 0 : i32
        %dma_start3A_516 = tpu.memref_slice %dma_start3A_513[%dma_start3A_514, %dma_start3A_515] : memref<100000x32xf32, #tpu.memory_space<hbm>> -> memref<100000x32xf32, #tpu.memory_space<hbm>>
        tpu.enqueue_indirect_dma source(%dma_start3A_516 : memref<100000x32xf32, #tpu.memory_space<hbm>>) target(%dma_start3A_506 : memref<128x32xf32, #tpu.memory_space<vmem>>) offsets(%dma_start3A_509 : memref<128xi32, #tpu.memory_space<vmem>>) semaphore(%arg13 : memref<!tpu.dma_semaphore, #tpu.memory_space<semaphore_mem>>)
        %dma_start3A_517 = arith.constant 1 : i32
        %dma_start3A_518 = arith.constant 1408 : i32
        %dma_start3A_519 = arith.constant 0 : i32
        %dma_start3A_520 = tpu.memref_slice %arg10[%dma_start3A_518, %dma_start3A_519] : memref<1664x32xf32, #tpu.memory_space<vmem>> -> memref<128x32xf32, #tpu.memory_space<vmem>>
        %dma_start3A_521 = arith.constant 1408 : i32
        %dma_start3A_522 = tpu.memref_slice %arg7[%dma_start3A_517, %dma_start3A_521] : memref<2x1664xi32, #tpu.memory_space<vmem>> -> memref<1x128xi32, #tpu.memory_space<vmem>>
        %dma_start3A_523 = tpu.memref_squeeze %dma_start3A_522 : memref<1x128xi32, #tpu.memory_space<vmem>> -> memref<128xi32, #tpu.memory_space<vmem>>
        %dma_start3A_524 = arith.constant 0 : i32
        %dma_start3A_525 = arith.constant 0 : i32
        %dma_start3A_526 = tpu.memref_slice %arg3[%scan3A_256, %dma_start3A_524, %dma_start3A_525] : memref<26x100000x32xf32, #tpu.memory_space<hbm>> -> memref<1x100000x32xf32, #tpu.memory_space<hbm>>
        %dma_start3A_527 = tpu.memref_squeeze %dma_start3A_526 : memref<1x100000x32xf32, #tpu.memory_space<hbm>> -> memref<100000x32xf32, #tpu.memory_space<hbm>>
        %dma_start3A_528 = arith.constant 0 : i32
        %dma_start3A_529 = arith.constant 0 : i32
        %dma_start3A_530 = tpu.memref_slice %dma_start3A_527[%dma_start3A_528, %dma_start3A_529] : memref<100000x32xf32, #tpu.memory_space<hbm>> -> memref<100000x32xf32, #tpu.memory_space<hbm>>
        tpu.enqueue_indirect_dma source(%dma_start3A_530 : memref<100000x32xf32, #tpu.memory_space<hbm>>) target(%dma_start3A_520 : memref<128x32xf32, #tpu.memory_space<vmem>>) offsets(%dma_start3A_523 : memref<128xi32, #tpu.memory_space<vmem>>) semaphore(%arg13 : memref<!tpu.dma_semaphore, #tpu.memory_space<semaphore_mem>>)
        %dma_start3A_531 = arith.constant 1 : i32
        %dma_start3A_532 = arith.constant 1536 : i32
        %dma_start3A_533 = arith.constant 0 : i32
        %dma_start3A_534 = tpu.memref_slice %arg10[%dma_start3A_532, %dma_start3A_533] : memref<1664x32xf32, #tpu.memory_space<vmem>> -> memref<128x32xf32, #tpu.memory_space<vmem>>
        %dma_start3A_535 = arith.constant 1536 : i32
        %dma_start3A_536 = tpu.memref_slice %arg7[%dma_start3A_531, %dma_start3A_535] : memref<2x1664xi32, #tpu.memory_space<vmem>> -> memref<1x128xi32, #tpu.memory_space<vmem>>
        %dma_start3A_537 = tpu.memref_squeeze %dma_start3A_536 : memref<1x128xi32, #tpu.memory_space<vmem>> -> memref<128xi32, #tpu.memory_space<vmem>>
        %dma_start3A_538 = arith.constant 0 : i32
        %dma_start3A_539 = arith.constant 0 : i32
        %dma_start3A_540 = tpu.memref_slice %arg3[%scan3A_256, %dma_start3A_538, %dma_start3A_539] : memref<26x100000x32xf32, #tpu.memory_space<hbm>> -> memref<1x100000x32xf32, #tpu.memory_space<hbm>>
        %dma_start3A_541 = tpu.memref_squeeze %dma_start3A_540 : memref<1x100000x32xf32, #tpu.memory_space<hbm>> -> memref<100000x32xf32, #tpu.memory_space<hbm>>
        %dma_start3A_542 = arith.constant 0 : i32
        %dma_start3A_543 = arith.constant 0 : i32
        %dma_start3A_544 = tpu.memref_slice %dma_start3A_541[%dma_start3A_542, %dma_start3A_543] : memref<100000x32xf32, #tpu.memory_space<hbm>> -> memref<100000x32xf32, #tpu.memory_space<hbm>>
        tpu.enqueue_indirect_dma source(%dma_start3A_544 : memref<100000x32xf32, #tpu.memory_space<hbm>>) target(%dma_start3A_534 : memref<128x32xf32, #tpu.memory_space<vmem>>) offsets(%dma_start3A_537 : memref<128xi32, #tpu.memory_space<vmem>>) semaphore(%arg13 : memref<!tpu.dma_semaphore, #tpu.memory_space<semaphore_mem>>)
      } else {
      }
      %dma_wait3A_272 = arith.constant 0 : i32
      %dma_wait3A_273 = arith.constant 0 : i32
      %dma_wait3A_274 = tpu.memref_slice %arg3[%scan3A_256, %dma_wait3A_272, %dma_wait3A_273] : memref<26x100000x32xf32, #tpu.memory_space<hbm>> -> memref<1x100000x32xf32, #tpu.memory_space<hbm>>
      %dma_wait3A_275 = tpu.memref_squeeze %dma_wait3A_274 : memref<1x100000x32xf32, #tpu.memory_space<hbm>> -> memref<100000x32xf32, #tpu.memory_space<hbm>>
      %dma_wait3A_276 = arith.constant 0 : i32
      %dma_wait3A_277 = arith.constant 0 : i32
      %dma_wait3A_278 = tpu.memref_slice %dma_wait3A_275[%dma_wait3A_276, %dma_wait3A_277] : memref<100000x32xf32, #tpu.memory_space<hbm>> -> memref<1664x32xf32, #tpu.memory_space<hbm>>
      %dma_wait3A_279 = arith.constant 0 : i32
      %dma_wait3A_280 = arith.constant 0 : i32
      %dma_wait3A_281 = tpu.memref_slice %arg3[%scan3A_256, %dma_wait3A_279, %dma_wait3A_280] : memref<26x100000x32xf32, #tpu.memory_space<hbm>> -> memref<1x100000x32xf32, #tpu.memory_space<hbm>>
      %dma_wait3A_282 = tpu.memref_squeeze %dma_wait3A_281 : memref<1x100000x32xf32, #tpu.memory_space<hbm>> -> memref<100000x32xf32, #tpu.memory_space<hbm>>
      %dma_wait3A_283 = arith.constant 0 : i32
      %dma_wait3A_284 = arith.constant 0 : i32
      %dma_wait3A_285 = tpu.memref_slice %dma_wait3A_282[%dma_wait3A_283, %dma_wait3A_284] : memref<100000x32xf32, #tpu.memory_space<hbm>> -> memref<1664x32xf32, #tpu.memory_space<hbm>>
      tpu.wait_dma2 semaphore(%arg12 : memref<!tpu.dma_semaphore, #tpu.memory_space<semaphore_mem>>) src(%dma_wait3A_285 : memref<1664x32xf32, #tpu.memory_space<hbm>>) dst(%arg9 : memref<1664x32xf32, #tpu.memory_space<vmem>>)
      %scan3A_286 = arith.constant 0 : i32
      %scan3A_287 = arith.constant 0 : i32
      %scan3A_288 = arith.constant 16 : i32
      %scan3A_289 = arith.addi %scan3A_287, %scan3A_288 : i32
      %scan3A_290 = arith.constant 1 : i32
      scf.for %scan3A_335 = %scan3A_287 to %scan3A_289 step %scan3A_290  : i32 {
        %mul3A_336 = arith.constant 104 : i32
        %mul3A_337 = arith.muli %scan3A_335, %mul3A_336 : i32
        %add3A_338 = arith.constant 0 : i32
        %add3A_339 = arith.addi %mul3A_337, %add3A_338 : i32
        %get3A = arith.index_cast %add3A_339 : i32 to index
        %get3A_340 = arith.constant 0 : index
        %get3A_341 = tpu.vector_load %arg9[%get3A, %get3A_340] {strides = array<i32>} : memref<1664x32xf32, #tpu.memory_space<vmem>>, vector<1x16xf32>,
        %get3A_342 = vector.shape_cast %get3A_341 : vector<1x16xf32> to vector<16xf32>
        %get3A_343 = arith.index_cast %add3A_339 : i32 to index
        %get3A_344 = arith.constant 16 : index
        %get3A_345 = tpu.vector_load %arg9[%get3A_343, %get3A_344] {strides = array<i32>} : memref<1664x32xf32, #tpu.memory_space<vmem>>, vector<1x16xf32>,
        %get3A_346 = vector.shape_cast %get3A_345 : vector<1x16xf32> to vector<16xf32>
        %add3A_347 = arith.constant 1 : i32
        %add3A_348 = arith.addi %add3A_339, %add3A_347 : i32
        %get3A_349 = arith.index_cast %add3A_348 : i32 to index
        %get3A_350 = arith.constant 0 : index
        %get3A_351 = tpu.vector_load %arg9[%get3A_349, %get3A_350] {strides = array<i32>} : memref<1664x32xf32, #tpu.memory_space<vmem>>, vector<1x16xf32>,
        %get3A_352 = vector.shape_cast %get3A_351 : vector<1x16xf32> to vector<16xf32>
        %add3A_353 = arith.addf %get3A_342, %get3A_352 : vector<16xf32>
        %add3A_354 = arith.constant 1 : i32
        %add3A_355 = arith.addi %add3A_339, %add3A_354 : i32
        %get3A_356 = arith.index_cast %add3A_355 : i32 to index
        %get3A_357 = arith.constant 16 : index
        %get3A_358 = tpu.vector_load %arg9[%get3A_356, %get3A_357] {strides = array<i32>} : memref<1664x32xf32, #tpu.memory_space<vmem>>, vector<1x16xf32>,
        %get3A_359 = vector.shape_cast %get3A_358 : vector<1x16xf32> to vector<16xf32>
        %add3A_360 = arith.addf %get3A_346, %get3A_359 : vector<16xf32>
        %add3A_361 = arith.constant 2 : i32
        %add3A_362 = arith.addi %add3A_339, %add3A_361 : i32
        %get3A_363 = arith.index_cast %add3A_362 : i32 to index
        %get3A_364 = arith.constant 0 : index
        %get3A_365 = tpu.vector_load %arg9[%get3A_363, %get3A_364] {strides = array<i32>} : memref<1664x32xf32, #tpu.memory_space<vmem>>, vector<1x16xf32>,
        %get3A_366 = vector.shape_cast %get3A_365 : vector<1x16xf32> to vector<16xf32>
        %add3A_367 = arith.addf %add3A_353, %get3A_366 : vector<16xf32>
        %add3A_368 = arith.constant 2 : i32
        %add3A_369 = arith.addi %add3A_339, %add3A_368 : i32
        %get3A_370 = arith.index_cast %add3A_369 : i32 to index
        %get3A_371 = arith.constant 16 : index
        %get3A_372 = tpu.vector_load %arg9[%get3A_370, %get3A_371] {strides = array<i32>} : memref<1664x32xf32, #tpu.memory_space<vmem>>, vector<1x16xf32>,
        %get3A_373 = vector.shape_cast %get3A_372 : vector<1x16xf32> to vector<16xf32>
        %add3A_374 = arith.addf %add3A_360, %get3A_373 : vector<16xf32>
        %add3A_375 = arith.constant 3 : i32
        %add3A_376 = arith.addi %add3A_339, %add3A_375 : i32
        %get3A_377 = arith.index_cast %add3A_376 : i32 to index
        %get3A_378 = arith.constant 0 : index
        %get3A_379 = tpu.vector_load %arg9[%get3A_377, %get3A_378] {strides = array<i32>} : memref<1664x32xf32, #tpu.memory_space<vmem>>, vector<1x16xf32>,
        %get3A_380 = vector.shape_cast %get3A_379 : vector<1x16xf32> to vector<16xf32>
        %add3A_381 = arith.addf %add3A_367, %get3A_380 : vector<16xf32>
        %add3A_382 = arith.constant 3 : i32
        %add3A_383 = arith.addi %add3A_339, %add3A_382 : i32
        %get3A_384 = arith.index_cast %add3A_383 : i32 to index
        %get3A_385 = arith.constant 16 : index
        %get3A_386 = tpu.vector_load %arg9[%get3A_384, %get3A_385] {strides = array<i32>} : memref<1664x32xf32, #tpu.memory_space<vmem>>, vector<1x16xf32>,
        %get3A_387 = vector.shape_cast %get3A_386 : vector<1x16xf32> to vector<16xf32>
        %add3A_388 = arith.addf %add3A_374, %get3A_387 : vector<16xf32>
        %add3A_389 = arith.constant 4 : i32
        %add3A_390 = arith.addi %add3A_339, %add3A_389 : i32
        %get3A_391 = arith.index_cast %add3A_390 : i32 to index
        %get3A_392 = arith.constant 0 : index
        %get3A_393 = tpu.vector_load %arg9[%get3A_391, %get3A_392] {strides = array<i32>} : memref<1664x32xf32, #tpu.memory_space<vmem>>, vector<1x16xf32>,
        %get3A_394 = vector.shape_cast %get3A_393 : vector<1x16xf32> to vector<16xf32>
        %add3A_395 = arith.addf %add3A_381, %get3A_394 : vector<16xf32>
        %add3A_396 = arith.constant 4 : i32
        %add3A_397 = arith.addi %add3A_339, %add3A_396 : i32
        %get3A_398 = arith.index_cast %add3A_397 : i32 to index
        %get3A_399 = arith.constant 16 : index
        %get3A_400 = tpu.vector_load %arg9[%get3A_398, %get3A_399] {strides = array<i32>} : memref<1664x32xf32, #tpu.memory_space<vmem>>, vector<1x16xf32>,
        %get3A_401 = vector.shape_cast %get3A_400 : vector<1x16xf32> to vector<16xf32>
        %add3A_402 = arith.addf %add3A_388, %get3A_401 : vector<16xf32>
        %add3A_403 = arith.constant 5 : i32
        %add3A_404 = arith.addi %add3A_339, %add3A_403 : i32
        %get3A_405 = arith.index_cast %add3A_404 : i32 to index
        %get3A_406 = arith.constant 0 : index
        %get3A_407 = tpu.vector_load %arg9[%get3A_405, %get3A_406] {strides = array<i32>} : memref<1664x32xf32, #tpu.memory_space<vmem>>, vector<1x16xf32>,
        %get3A_408 = vector.shape_cast %get3A_407 : vector<1x16xf32> to vector<16xf32>
        %add3A_409 = arith.addf %add3A_395, %get3A_408 : vector<16xf32>
        %add3A_410 = arith.constant 5 : i32
        %add3A_411 = arith.addi %add3A_339, %add3A_410 : i32
        %get3A_412 = arith.index_cast %add3A_411 : i32 to index
        %get3A_413 = arith.constant 16 : index
        %get3A_414 = tpu.vector_load %arg9[%get3A_412, %get3A_413] {strides = array<i32>} : memref<1664x32xf32, #tpu.memory_space<vmem>>, vector<1x16xf32>,
        %get3A_415 = vector.shape_cast %get3A_414 : vector<1x16xf32> to vector<16xf32>
        %add3A_416 = arith.addf %add3A_402, %get3A_415 : vector<16xf32>
        %add3A_417 = arith.constant 6 : i32
        %add3A_418 = arith.addi %add3A_339, %add3A_417 : i32
        %get3A_419 = arith.index_cast %add3A_418 : i32 to index
        %get3A_420 = arith.constant 0 : index
        %get3A_421 = tpu.vector_load %arg9[%get3A_419, %get3A_420] {strides = array<i32>} : memref<1664x32xf32, #tpu.memory_space<vmem>>, vector<1x16xf32>,
        %get3A_422 = vector.shape_cast %get3A_421 : vector<1x16xf32> to vector<16xf32>
        %add3A_423 = arith.addf %add3A_409, %get3A_422 : vector<16xf32>
        %add3A_424 = arith.constant 6 : i32
        %add3A_425 = arith.addi %add3A_339, %add3A_424 : i32
        %get3A_426 = arith.index_cast %add3A_425 : i32 to index
        %get3A_427 = arith.constant 16 : index
        %get3A_428 = tpu.vector_load %arg9[%get3A_426, %get3A_427] {strides = array<i32>} : memref<1664x32xf32, #tpu.memory_space<vmem>>, vector<1x16xf32>,
        %get3A_429 = vector.shape_cast %get3A_428 : vector<1x16xf32> to vector<16xf32>
        %add3A_430 = arith.addf %add3A_416, %get3A_429 : vector<16xf32>
        %add3A_431 = arith.constant 7 : i32
        %add3A_432 = arith.addi %add3A_339, %add3A_431 : i32
        %get3A_433 = arith.index_cast %add3A_432 : i32 to index
        %get3A_434 = arith.constant 0 : index
        %get3A_435 = tpu.vector_load %arg9[%get3A_433, %get3A_434] {strides = array<i32>} : memref<1664x32xf32, #tpu.memory_space<vmem>>, vector<1x16xf32>,
        %get3A_436 = vector.shape_cast %get3A_435 : vector<1x16xf32> to vector<16xf32>
        %add3A_437 = arith.addf %add3A_423, %get3A_436 : vector<16xf32>
        %add3A_438 = arith.constant 7 : i32
        %add3A_439 = arith.addi %add3A_339, %add3A_438 : i32
        %get3A_440 = arith.index_cast %add3A_439 : i32 to index
        %get3A_441 = arith.constant 16 : index
        %get3A_442 = tpu.vector_load %arg9[%get3A_440, %get3A_441] {strides = array<i32>} : memref<1664x32xf32, #tpu.memory_space<vmem>>, vector<1x16xf32>,
        %get3A_443 = vector.shape_cast %get3A_442 : vector<1x16xf32> to vector<16xf32>
        %add3A_444 = arith.addf %add3A_430, %get3A_443 : vector<16xf32>
        %add3A_445 = arith.constant 8 : i32
        %add3A_446 = arith.addi %add3A_339, %add3A_445 : i32
        %get3A_447 = arith.index_cast %add3A_446 : i32 to index
        %get3A_448 = arith.constant 0 : index
        %get3A_449 = tpu.vector_load %arg9[%get3A_447, %get3A_448] {strides = array<i32>} : memref<1664x32xf32, #tpu.memory_space<vmem>>, vector<1x16xf32>,
        %get3A_450 = vector.shape_cast %get3A_449 : vector<1x16xf32> to vector<16xf32>
        %add3A_451 = arith.addf %add3A_437, %get3A_450 : vector<16xf32>
        %add3A_452 = arith.constant 8 : i32
        %add3A_453 = arith.addi %add3A_339, %add3A_452 : i32
        %get3A_454 = arith.index_cast %add3A_453 : i32 to index
        %get3A_455 = arith.constant 16 : index
        %get3A_456 = tpu.vector_load %arg9[%get3A_454, %get3A_455] {strides = array<i32>} : memref<1664x32xf32, #tpu.memory_space<vmem>>, vector<1x16xf32>,
        %get3A_457 = vector.shape_cast %get3A_456 : vector<1x16xf32> to vector<16xf32>
        %add3A_458 = arith.addf %add3A_444, %get3A_457 : vector<16xf32>
        %add3A_459 = arith.constant 9 : i32
        %add3A_460 = arith.addi %add3A_339, %add3A_459 : i32
        %get3A_461 = arith.index_cast %add3A_460 : i32 to index
        %get3A_462 = arith.constant 0 : index
        %get3A_463 = tpu.vector_load %arg9[%get3A_461, %get3A_462] {strides = array<i32>} : memref<1664x32xf32, #tpu.memory_space<vmem>>, vector<1x16xf32>,
        %get3A_464 = vector.shape_cast %get3A_463 : vector<1x16xf32> to vector<16xf32>
        %add3A_465 = arith.addf %add3A_451, %get3A_464 : vector<16xf32>
        %add3A_466 = arith.constant 9 : i32
        %add3A_467 = arith.addi %add3A_339, %add3A_466 : i32
        %get3A_468 = arith.index_cast %add3A_467 : i32 to index
        %get3A_469 = arith.constant 16 : index
        %get3A_470 = tpu.vector_load %arg9[%get3A_468, %get3A_469] {strides = array<i32>} : memref<1664x32xf32, #tpu.memory_space<vmem>>, vector<1x16xf32>,
        %get3A_471 = vector.shape_cast %get3A_470 : vector<1x16xf32> to vector<16xf32>
        %add3A_472 = arith.addf %add3A_458, %get3A_471 : vector<16xf32>
        %add3A_473 = arith.constant 10 : i32
        %add3A_474 = arith.addi %add3A_339, %add3A_473 : i32
        %get3A_475 = arith.index_cast %add3A_474 : i32 to index
        %get3A_476 = arith.constant 0 : index
        %get3A_477 = tpu.vector_load %arg9[%get3A_475, %get3A_476] {strides = array<i32>} : memref<1664x32xf32, #tpu.memory_space<vmem>>, vector<1x16xf32>,
        %get3A_478 = vector.shape_cast %get3A_477 : vector<1x16xf32> to vector<16xf32>
        %add3A_479 = arith.addf %add3A_465, %get3A_478 : vector<16xf32>
        %add3A_480 = arith.constant 10 : i32
        %add3A_481 = arith.addi %add3A_339, %add3A_480 : i32
        %get3A_482 = arith.index_cast %add3A_481 : i32 to index
        %get3A_483 = arith.constant 16 : index
        %get3A_484 = tpu.vector_load %arg9[%get3A_482, %get3A_483] {strides = array<i32>} : memref<1664x32xf32, #tpu.memory_space<vmem>>, vector<1x16xf32>,
        %get3A_485 = vector.shape_cast %get3A_484 : vector<1x16xf32> to vector<16xf32>
        %add3A_486 = arith.addf %add3A_472, %get3A_485 : vector<16xf32>
        %add3A_487 = arith.constant 11 : i32
        %add3A_488 = arith.addi %add3A_339, %add3A_487 : i32
        %get3A_489 = arith.index_cast %add3A_488 : i32 to index
        %get3A_490 = arith.constant 0 : index
        %get3A_491 = tpu.vector_load %arg9[%get3A_489, %get3A_490] {strides = array<i32>} : memref<1664x32xf32, #tpu.memory_space<vmem>>, vector<1x16xf32>,
        %get3A_492 = vector.shape_cast %get3A_491 : vector<1x16xf32> to vector<16xf32>
        %add3A_493 = arith.addf %add3A_479, %get3A_492 : vector<16xf32>
        %add3A_494 = arith.constant 11 : i32
        %add3A_495 = arith.addi %add3A_339, %add3A_494 : i32
        %get3A_496 = arith.index_cast %add3A_495 : i32 to index
        %get3A_497 = arith.constant 16 : index
        %get3A_498 = tpu.vector_load %arg9[%get3A_496, %get3A_497] {strides = array<i32>} : memref<1664x32xf32, #tpu.memory_space<vmem>>, vector<1x16xf32>,
        %get3A_499 = vector.shape_cast %get3A_498 : vector<1x16xf32> to vector<16xf32>
        %add3A_500 = arith.addf %add3A_486, %get3A_499 : vector<16xf32>
        %add3A_501 = arith.constant 12 : i32
        %add3A_502 = arith.addi %add3A_339, %add3A_501 : i32
        %get3A_503 = arith.index_cast %add3A_502 : i32 to index
        %get3A_504 = arith.constant 0 : index
        %get3A_505 = tpu.vector_load %arg9[%get3A_503, %get3A_504] {strides = array<i32>} : memref<1664x32xf32, #tpu.memory_space<vmem>>, vector<1x16xf32>,
        %get3A_506 = vector.shape_cast %get3A_505 : vector<1x16xf32> to vector<16xf32>
        %add3A_507 = arith.addf %add3A_493, %get3A_506 : vector<16xf32>
        %add3A_508 = arith.constant 12 : i32
        %add3A_509 = arith.addi %add3A_339, %add3A_508 : i32
        %get3A_510 = arith.index_cast %add3A_509 : i32 to index
        %get3A_511 = arith.constant 16 : index
        %get3A_512 = tpu.vector_load %arg9[%get3A_510, %get3A_511] {strides = array<i32>} : memref<1664x32xf32, #tpu.memory_space<vmem>>, vector<1x16xf32>,
        %get3A_513 = vector.shape_cast %get3A_512 : vector<1x16xf32> to vector<16xf32>
        %add3A_514 = arith.addf %add3A_500, %get3A_513 : vector<16xf32>
        %add3A_515 = arith.constant 13 : i32
        %add3A_516 = arith.addi %add3A_339, %add3A_515 : i32
        %get3A_517 = arith.index_cast %add3A_516 : i32 to index
        %get3A_518 = arith.constant 0 : index
        %get3A_519 = tpu.vector_load %arg9[%get3A_517, %get3A_518] {strides = array<i32>} : memref<1664x32xf32, #tpu.memory_space<vmem>>, vector<1x16xf32>,
        %get3A_520 = vector.shape_cast %get3A_519 : vector<1x16xf32> to vector<16xf32>
        %add3A_521 = arith.addf %add3A_507, %get3A_520 : vector<16xf32>
        %add3A_522 = arith.constant 13 : i32
        %add3A_523 = arith.addi %add3A_339, %add3A_522 : i32
        %get3A_524 = arith.index_cast %add3A_523 : i32 to index
        %get3A_525 = arith.constant 16 : index
        %get3A_526 = tpu.vector_load %arg9[%get3A_524, %get3A_525] {strides = array<i32>} : memref<1664x32xf32, #tpu.memory_space<vmem>>, vector<1x16xf32>,
        %get3A_527 = vector.shape_cast %get3A_526 : vector<1x16xf32> to vector<16xf32>
        %add3A_528 = arith.addf %add3A_514, %get3A_527 : vector<16xf32>
        %add3A_529 = arith.constant 14 : i32
        %add3A_530 = arith.addi %add3A_339, %add3A_529 : i32
        %get3A_531 = arith.index_cast %add3A_530 : i32 to index
        %get3A_532 = arith.constant 0 : index
        %get3A_533 = tpu.vector_load %arg9[%get3A_531, %get3A_532] {strides = array<i32>} : memref<1664x32xf32, #tpu.memory_space<vmem>>, vector<1x16xf32>,
        %get3A_534 = vector.shape_cast %get3A_533 : vector<1x16xf32> to vector<16xf32>
        %add3A_535 = arith.addf %add3A_521, %get3A_534 : vector<16xf32>
        %add3A_536 = arith.constant 14 : i32
        %add3A_537 = arith.addi %add3A_339, %add3A_536 : i32
        %get3A_538 = arith.index_cast %add3A_537 : i32 to index
        %get3A_539 = arith.constant 16 : index
        %get3A_540 = tpu.vector_load %arg9[%get3A_538, %get3A_539] {strides = array<i32>} : memref<1664x32xf32, #tpu.memory_space<vmem>>, vector<1x16xf32>,
        %get3A_541 = vector.shape_cast %get3A_540 : vector<1x16xf32> to vector<16xf32>
        %add3A_542 = arith.addf %add3A_528, %get3A_541 : vector<16xf32>
        %add3A_543 = arith.constant 15 : i32
        %add3A_544 = arith.addi %add3A_339, %add3A_543 : i32
        %get3A_545 = arith.index_cast %add3A_544 : i32 to index
        %get3A_546 = arith.constant 0 : index
        %get3A_547 = tpu.vector_load %arg9[%get3A_545, %get3A_546] {strides = array<i32>} : memref<1664x32xf32, #tpu.memory_space<vmem>>, vector<1x16xf32>,
        %get3A_548 = vector.shape_cast %get3A_547 : vector<1x16xf32> to vector<16xf32>
        %add3A_549 = arith.addf %add3A_535, %get3A_548 : vector<16xf32>
        %add3A_550 = arith.constant 15 : i32
        %add3A_551 = arith.addi %add3A_339, %add3A_550 : i32
        %get3A_552 = arith.index_cast %add3A_551 : i32 to index
        %get3A_553 = arith.constant 16 : index
        %get3A_554 = tpu.vector_load %arg9[%get3A_552, %get3A_553] {strides = array<i32>} : memref<1664x32xf32, #tpu.memory_space<vmem>>, vector<1x16xf32>,
        %get3A_555 = vector.shape_cast %get3A_554 : vector<1x16xf32> to vector<16xf32>
        %add3A_556 = arith.addf %add3A_542, %get3A_555 : vector<16xf32>
        %add3A_557 = arith.constant 16 : i32
        %add3A_558 = arith.addi %add3A_339, %add3A_557 : i32
        %get3A_559 = arith.index_cast %add3A_558 : i32 to index
        %get3A_560 = arith.constant 0 : index
        %get3A_561 = tpu.vector_load %arg9[%get3A_559, %get3A_560] {strides = array<i32>} : memref<1664x32xf32, #tpu.memory_space<vmem>>, vector<1x16xf32>,
        %get3A_562 = vector.shape_cast %get3A_561 : vector<1x16xf32> to vector<16xf32>
        %add3A_563 = arith.addf %add3A_549, %get3A_562 : vector<16xf32>
        %add3A_564 = arith.constant 16 : i32
        %add3A_565 = arith.addi %add3A_339, %add3A_564 : i32
        %get3A_566 = arith.index_cast %add3A_565 : i32 to index
        %get3A_567 = arith.constant 16 : index
        %get3A_568 = tpu.vector_load %arg9[%get3A_566, %get3A_567] {strides = array<i32>} : memref<1664x32xf32, #tpu.memory_space<vmem>>, vector<1x16xf32>,
        %get3A_569 = vector.shape_cast %get3A_568 : vector<1x16xf32> to vector<16xf32>
        %add3A_570 = arith.addf %add3A_556, %get3A_569 : vector<16xf32>
        %add3A_571 = arith.constant 17 : i32
        %add3A_572 = arith.addi %add3A_339, %add3A_571 : i32
        %get3A_573 = arith.index_cast %add3A_572 : i32 to index
        %get3A_574 = arith.constant 0 : index
        %get3A_575 = tpu.vector_load %arg9[%get3A_573, %get3A_574] {strides = array<i32>} : memref<1664x32xf32, #tpu.memory_space<vmem>>, vector<1x16xf32>,
        %get3A_576 = vector.shape_cast %get3A_575 : vector<1x16xf32> to vector<16xf32>
        %add3A_577 = arith.addf %add3A_563, %get3A_576 : vector<16xf32>
        %add3A_578 = arith.constant 17 : i32
        %add3A_579 = arith.addi %add3A_339, %add3A_578 : i32
        %get3A_580 = arith.index_cast %add3A_579 : i32 to index
        %get3A_581 = arith.constant 16 : index
        %get3A_582 = tpu.vector_load %arg9[%get3A_580, %get3A_581] {strides = array<i32>} : memref<1664x32xf32, #tpu.memory_space<vmem>>, vector<1x16xf32>,
        %get3A_583 = vector.shape_cast %get3A_582 : vector<1x16xf32> to vector<16xf32>
        %add3A_584 = arith.addf %add3A_570, %get3A_583 : vector<16xf32>
        %add3A_585 = arith.constant 18 : i32
        %add3A_586 = arith.addi %add3A_339, %add3A_585 : i32
        %get3A_587 = arith.index_cast %add3A_586 : i32 to index
        %get3A_588 = arith.constant 0 : index
        %get3A_589 = tpu.vector_load %arg9[%get3A_587, %get3A_588] {strides = array<i32>} : memref<1664x32xf32, #tpu.memory_space<vmem>>, vector<1x16xf32>,
        %get3A_590 = vector.shape_cast %get3A_589 : vector<1x16xf32> to vector<16xf32>
        %add3A_591 = arith.addf %add3A_577, %get3A_590 : vector<16xf32>
        %add3A_592 = arith.constant 18 : i32
        %add3A_593 = arith.addi %add3A_339, %add3A_592 : i32
        %get3A_594 = arith.index_cast %add3A_593 : i32 to index
        %get3A_595 = arith.constant 16 : index
        %get3A_596 = tpu.vector_load %arg9[%get3A_594, %get3A_595] {strides = array<i32>} : memref<1664x32xf32, #tpu.memory_space<vmem>>, vector<1x16xf32>,
        %get3A_597 = vector.shape_cast %get3A_596 : vector<1x16xf32> to vector<16xf32>
        %add3A_598 = arith.addf %add3A_584, %get3A_597 : vector<16xf32>
        %add3A_599 = arith.constant 19 : i32
        %add3A_600 = arith.addi %add3A_339, %add3A_599 : i32
        %get3A_601 = arith.index_cast %add3A_600 : i32 to index
        %get3A_602 = arith.constant 0 : index
        %get3A_603 = tpu.vector_load %arg9[%get3A_601, %get3A_602] {strides = array<i32>} : memref<1664x32xf32, #tpu.memory_space<vmem>>, vector<1x16xf32>,
        %get3A_604 = vector.shape_cast %get3A_603 : vector<1x16xf32> to vector<16xf32>
        %add3A_605 = arith.addf %add3A_591, %get3A_604 : vector<16xf32>
        %add3A_606 = arith.constant 19 : i32
        %add3A_607 = arith.addi %add3A_339, %add3A_606 : i32
        %get3A_608 = arith.index_cast %add3A_607 : i32 to index
        %get3A_609 = arith.constant 16 : index
        %get3A_610 = tpu.vector_load %arg9[%get3A_608, %get3A_609] {strides = array<i32>} : memref<1664x32xf32, #tpu.memory_space<vmem>>, vector<1x16xf32>,
        %get3A_611 = vector.shape_cast %get3A_610 : vector<1x16xf32> to vector<16xf32>
        %add3A_612 = arith.addf %add3A_598, %get3A_611 : vector<16xf32>
        %add3A_613 = arith.constant 20 : i32
        %add3A_614 = arith.addi %add3A_339, %add3A_613 : i32
        %get3A_615 = arith.index_cast %add3A_614 : i32 to index
        %get3A_616 = arith.constant 0 : index
        %get3A_617 = tpu.vector_load %arg9[%get3A_615, %get3A_616] {strides = array<i32>} : memref<1664x32xf32, #tpu.memory_space<vmem>>, vector<1x16xf32>,
        %get3A_618 = vector.shape_cast %get3A_617 : vector<1x16xf32> to vector<16xf32>
        %add3A_619 = arith.addf %add3A_605, %get3A_618 : vector<16xf32>
        %add3A_620 = arith.constant 20 : i32
        %add3A_621 = arith.addi %add3A_339, %add3A_620 : i32
        %get3A_622 = arith.index_cast %add3A_621 : i32 to index
        %get3A_623 = arith.constant 16 : index
        %get3A_624 = tpu.vector_load %arg9[%get3A_622, %get3A_623] {strides = array<i32>} : memref<1664x32xf32, #tpu.memory_space<vmem>>, vector<1x16xf32>,
        %get3A_625 = vector.shape_cast %get3A_624 : vector<1x16xf32> to vector<16xf32>
        %add3A_626 = arith.addf %add3A_612, %get3A_625 : vector<16xf32>
        %add3A_627 = arith.constant 21 : i32
        %add3A_628 = arith.addi %add3A_339, %add3A_627 : i32
        %get3A_629 = arith.index_cast %add3A_628 : i32 to index
        %get3A_630 = arith.constant 0 : index
        %get3A_631 = tpu.vector_load %arg9[%get3A_629, %get3A_630] {strides = array<i32>} : memref<1664x32xf32, #tpu.memory_space<vmem>>, vector<1x16xf32>,
        %get3A_632 = vector.shape_cast %get3A_631 : vector<1x16xf32> to vector<16xf32>
        %add3A_633 = arith.addf %add3A_619, %get3A_632 : vector<16xf32>
        %add3A_634 = arith.constant 21 : i32
        %add3A_635 = arith.addi %add3A_339, %add3A_634 : i32
        %get3A_636 = arith.index_cast %add3A_635 : i32 to index
        %get3A_637 = arith.constant 16 : index
        %get3A_638 = tpu.vector_load %arg9[%get3A_636, %get3A_637] {strides = array<i32>} : memref<1664x32xf32, #tpu.memory_space<vmem>>, vector<1x16xf32>,
        %get3A_639 = vector.shape_cast %get3A_638 : vector<1x16xf32> to vector<16xf32>
        %add3A_640 = arith.addf %add3A_626, %get3A_639 : vector<16xf32>
        %add3A_641 = arith.constant 22 : i32
        %add3A_642 = arith.addi %add3A_339, %add3A_641 : i32
        %get3A_643 = arith.index_cast %add3A_642 : i32 to index
        %get3A_644 = arith.constant 0 : index
        %get3A_645 = tpu.vector_load %arg9[%get3A_643, %get3A_644] {strides = array<i32>} : memref<1664x32xf32, #tpu.memory_space<vmem>>, vector<1x16xf32>,
        %get3A_646 = vector.shape_cast %get3A_645 : vector<1x16xf32> to vector<16xf32>
        %add3A_647 = arith.addf %add3A_633, %get3A_646 : vector<16xf32>
        %add3A_648 = arith.constant 22 : i32
        %add3A_649 = arith.addi %add3A_339, %add3A_648 : i32
        %get3A_650 = arith.index_cast %add3A_649 : i32 to index
        %get3A_651 = arith.constant 16 : index
        %get3A_652 = tpu.vector_load %arg9[%get3A_650, %get3A_651] {strides = array<i32>} : memref<1664x32xf32, #tpu.memory_space<vmem>>, vector<1x16xf32>,
        %get3A_653 = vector.shape_cast %get3A_652 : vector<1x16xf32> to vector<16xf32>
        %add3A_654 = arith.addf %add3A_640, %get3A_653 : vector<16xf32>
        %add3A_655 = arith.constant 23 : i32
        %add3A_656 = arith.addi %add3A_339, %add3A_655 : i32
        %get3A_657 = arith.index_cast %add3A_656 : i32 to index
        %get3A_658 = arith.constant 0 : index
        %get3A_659 = tpu.vector_load %arg9[%get3A_657, %get3A_658] {strides = array<i32>} : memref<1664x32xf32, #tpu.memory_space<vmem>>, vector<1x16xf32>,
        %get3A_660 = vector.shape_cast %get3A_659 : vector<1x16xf32> to vector<16xf32>
        %add3A_661 = arith.addf %add3A_647, %get3A_660 : vector<16xf32>
        %add3A_662 = arith.constant 23 : i32
        %add3A_663 = arith.addi %add3A_339, %add3A_662 : i32
        %get3A_664 = arith.index_cast %add3A_663 : i32 to index
        %get3A_665 = arith.constant 16 : index
        %get3A_666 = tpu.vector_load %arg9[%get3A_664, %get3A_665] {strides = array<i32>} : memref<1664x32xf32, #tpu.memory_space<vmem>>, vector<1x16xf32>,
        %get3A_667 = vector.shape_cast %get3A_666 : vector<1x16xf32> to vector<16xf32>
        %add3A_668 = arith.addf %add3A_654, %get3A_667 : vector<16xf32>
        %add3A_669 = arith.constant 24 : i32
        %add3A_670 = arith.addi %add3A_339, %add3A_669 : i32
        %get3A_671 = arith.index_cast %add3A_670 : i32 to index
        %get3A_672 = arith.constant 0 : index
        %get3A_673 = tpu.vector_load %arg9[%get3A_671, %get3A_672] {strides = array<i32>} : memref<1664x32xf32, #tpu.memory_space<vmem>>, vector<1x16xf32>,
        %get3A_674 = vector.shape_cast %get3A_673 : vector<1x16xf32> to vector<16xf32>
        %add3A_675 = arith.addf %add3A_661, %get3A_674 : vector<16xf32>
        %add3A_676 = arith.constant 24 : i32
        %add3A_677 = arith.addi %add3A_339, %add3A_676 : i32
        %get3A_678 = arith.index_cast %add3A_677 : i32 to index
        %get3A_679 = arith.constant 16 : index
        %get3A_680 = tpu.vector_load %arg9[%get3A_678, %get3A_679] {strides = array<i32>} : memref<1664x32xf32, #tpu.memory_space<vmem>>, vector<1x16xf32>,
        %get3A_681 = vector.shape_cast %get3A_680 : vector<1x16xf32> to vector<16xf32>
        %add3A_682 = arith.addf %add3A_668, %get3A_681 : vector<16xf32>
        %add3A_683 = arith.constant 25 : i32
        %add3A_684 = arith.addi %add3A_339, %add3A_683 : i32
        %get3A_685 = arith.index_cast %add3A_684 : i32 to index
        %get3A_686 = arith.constant 0 : index
        %get3A_687 = tpu.vector_load %arg9[%get3A_685, %get3A_686] {strides = array<i32>} : memref<1664x32xf32, #tpu.memory_space<vmem>>, vector<1x16xf32>,
        %get3A_688 = vector.shape_cast %get3A_687 : vector<1x16xf32> to vector<16xf32>
        %add3A_689 = arith.addf %add3A_675, %get3A_688 : vector<16xf32>
        %add3A_690 = arith.constant 25 : i32
        %add3A_691 = arith.addi %add3A_339, %add3A_690 : i32
        %get3A_692 = arith.index_cast %add3A_691 : i32 to index
        %get3A_693 = arith.constant 16 : index
        %get3A_694 = tpu.vector_load %arg9[%get3A_692, %get3A_693] {strides = array<i32>} : memref<1664x32xf32, #tpu.memory_space<vmem>>, vector<1x16xf32>,
        %get3A_695 = vector.shape_cast %get3A_694 : vector<1x16xf32> to vector<16xf32>
        %add3A_696 = arith.addf %add3A_682, %get3A_695 : vector<16xf32>
        %swap3A = arith.index_cast %scan3A_335 : i32 to index
        %swap3A_697 = arith.constant 0 : index
        %swap3A_698 = tpu.vector_load %arg11[%swap3A, %swap3A_697] {strides = array<i32>} : memref<16x128xf32, #tpu.memory_space<vmem>>, vector<1x16xf32>,
        %swap3A_699 = vector.shape_cast %swap3A_698 : vector<1x16xf32> to vector<16xf32>
        %swap3A_700 = vector.shape_cast %add3A_689 : vector<16xf32> to vector<1x16xf32>
        tpu.vector_store %arg11[%swap3A, %swap3A_697], %swap3A_700 {strides = array<i32>} : memref<16x128xf32, #tpu.memory_space<vmem>>, vector<1x16xf32>,
        %swap3A_701 = arith.index_cast %scan3A_335 : i32 to index
        %swap3A_702 = arith.constant 16 : index
        %swap3A_703 = tpu.vector_load %arg11[%swap3A_701, %swap3A_702] {strides = array<i32>} : memref<16x128xf32, #tpu.memory_space<vmem>>, vector<1x16xf32>,
        %swap3A_704 = vector.shape_cast %swap3A_703 : vector<1x16xf32> to vector<16xf32>
        %swap3A_705 = vector.shape_cast %add3A_696 : vector<16xf32> to vector<1x16xf32>
        tpu.vector_store %arg11[%swap3A_701, %swap3A_702], %swap3A_705 {strides = array<i32>} : memref<16x128xf32, #tpu.memory_space<vmem>>, vector<1x16xf32>,
        %mul3A_706 = arith.constant 104 : i32
        %mul3A_707 = arith.muli %scan3A_335, %mul3A_706 : i32
        %add3A_708 = arith.constant 26 : i32
        %add3A_709 = arith.addi %mul3A_707, %add3A_708 : i32
        %get3A_710 = arith.index_cast %add3A_709 : i32 to index
        %get3A_711 = arith.constant 0 : index
        %get3A_712 = tpu.vector_load %arg9[%get3A_710, %get3A_711] {strides = array<i32>} : memref<1664x32xf32, #tpu.memory_space<vmem>>, vector<1x16xf32>,
        %get3A_713 = vector.shape_cast %get3A_712 : vector<1x16xf32> to vector<16xf32>
        %get3A_714 = arith.index_cast %add3A_709 : i32 to index
        %get3A_715 = arith.constant 16 : index
        %get3A_716 = tpu.vector_load %arg9[%get3A_714, %get3A_715] {strides = array<i32>} : memref<1664x32xf32, #tpu.memory_space<vmem>>, vector<1x16xf32>,
        %get3A_717 = vector.shape_cast %get3A_716 : vector<1x16xf32> to vector<16xf32>
        %add3A_718 = arith.constant 1 : i32
        %add3A_719 = arith.addi %add3A_709, %add3A_718 : i32
        %get3A_720 = arith.index_cast %add3A_719 : i32 to index
        %get3A_721 = arith.constant 0 : index
        %get3A_722 = tpu.vector_load %arg9[%get3A_720, %get3A_721] {strides = array<i32>} : memref<1664x32xf32, #tpu.memory_space<vmem>>, vector<1x16xf32>,
        %get3A_723 = vector.shape_cast %get3A_722 : vector<1x16xf32> to vector<16xf32>
        %add3A_724 = arith.addf %get3A_713, %get3A_723 : vector<16xf32>
        %add3A_725 = arith.constant 1 : i32
        %add3A_726 = arith.addi %add3A_709, %add3A_725 : i32
        %get3A_727 = arith.index_cast %add3A_726 : i32 to index
        %get3A_728 = arith.constant 16 : index
        %get3A_729 = tpu.vector_load %arg9[%get3A_727, %get3A_728] {strides = array<i32>} : memref<1664x32xf32, #tpu.memory_space<vmem>>, vector<1x16xf32>,
        %get3A_730 = vector.shape_cast %get3A_729 : vector<1x16xf32> to vector<16xf32>
        %add3A_731 = arith.addf %get3A_717, %get3A_730 : vector<16xf32>
        %add3A_732 = arith.constant 2 : i32
        %add3A_733 = arith.addi %add3A_709, %add3A_732 : i32
        %get3A_734 = arith.index_cast %add3A_733 : i32 to index
        %get3A_735 = arith.constant 0 : index
        %get3A_736 = tpu.vector_load %arg9[%get3A_734, %get3A_735] {strides = array<i32>} : memref<1664x32xf32, #tpu.memory_space<vmem>>, vector<1x16xf32>,
        %get3A_737 = vector.shape_cast %get3A_736 : vector<1x16xf32> to vector<16xf32>
        %add3A_738 = arith.addf %add3A_724, %get3A_737 : vector<16xf32>
        %add3A_739 = arith.constant 2 : i32
        %add3A_740 = arith.addi %add3A_709, %add3A_739 : i32
        %get3A_741 = arith.index_cast %add3A_740 : i32 to index
        %get3A_742 = arith.constant 16 : index
        %get3A_743 = tpu.vector_load %arg9[%get3A_741, %get3A_742] {strides = array<i32>} : memref<1664x32xf32, #tpu.memory_space<vmem>>, vector<1x16xf32>,
        %get3A_744 = vector.shape_cast %get3A_743 : vector<1x16xf32> to vector<16xf32>
        %add3A_745 = arith.addf %add3A_731, %get3A_744 : vector<16xf32>
        %add3A_746 = arith.constant 3 : i32
        %add3A_747 = arith.addi %add3A_709, %add3A_746 : i32
        %get3A_748 = arith.index_cast %add3A_747 : i32 to index
        %get3A_749 = arith.constant 0 : index
        %get3A_750 = tpu.vector_load %arg9[%get3A_748, %get3A_749] {strides = array<i32>} : memref<1664x32xf32, #tpu.memory_space<vmem>>, vector<1x16xf32>,
        %get3A_751 = vector.shape_cast %get3A_750 : vector<1x16xf32> to vector<16xf32>
        %add3A_752 = arith.addf %add3A_738, %get3A_751 : vector<16xf32>
        %add3A_753 = arith.constant 3 : i32
        %add3A_754 = arith.addi %add3A_709, %add3A_753 : i32
        %get3A_755 = arith.index_cast %add3A_754 : i32 to index
        %get3A_756 = arith.constant 16 : index
        %get3A_757 = tpu.vector_load %arg9[%get3A_755, %get3A_756] {strides = array<i32>} : memref<1664x32xf32, #tpu.memory_space<vmem>>, vector<1x16xf32>,
        %get3A_758 = vector.shape_cast %get3A_757 : vector<1x16xf32> to vector<16xf32>
        %add3A_759 = arith.addf %add3A_745, %get3A_758 : vector<16xf32>
        %add3A_760 = arith.constant 4 : i32
        %add3A_761 = arith.addi %add3A_709, %add3A_760 : i32
        %get3A_762 = arith.index_cast %add3A_761 : i32 to index
        %get3A_763 = arith.constant 0 : index
        %get3A_764 = tpu.vector_load %arg9[%get3A_762, %get3A_763] {strides = array<i32>} : memref<1664x32xf32, #tpu.memory_space<vmem>>, vector<1x16xf32>,
        %get3A_765 = vector.shape_cast %get3A_764 : vector<1x16xf32> to vector<16xf32>
        %add3A_766 = arith.addf %add3A_752, %get3A_765 : vector<16xf32>
        %add3A_767 = arith.constant 4 : i32
        %add3A_768 = arith.addi %add3A_709, %add3A_767 : i32
        %get3A_769 = arith.index_cast %add3A_768 : i32 to index
        %get3A_770 = arith.constant 16 : index
        %get3A_771 = tpu.vector_load %arg9[%get3A_769, %get3A_770] {strides = array<i32>} : memref<1664x32xf32, #tpu.memory_space<vmem>>, vector<1x16xf32>,
        %get3A_772 = vector.shape_cast %get3A_771 : vector<1x16xf32> to vector<16xf32>
        %add3A_773 = arith.addf %add3A_759, %get3A_772 : vector<16xf32>
        %add3A_774 = arith.constant 5 : i32
        %add3A_775 = arith.addi %add3A_709, %add3A_774 : i32
        %get3A_776 = arith.index_cast %add3A_775 : i32 to index
        %get3A_777 = arith.constant 0 : index
        %get3A_778 = tpu.vector_load %arg9[%get3A_776, %get3A_777] {strides = array<i32>} : memref<1664x32xf32, #tpu.memory_space<vmem>>, vector<1x16xf32>,
        %get3A_779 = vector.shape_cast %get3A_778 : vector<1x16xf32> to vector<16xf32>
        %add3A_780 = arith.addf %add3A_766, %get3A_779 : vector<16xf32>
        %add3A_781 = arith.constant 5 : i32
        %add3A_782 = arith.addi %add3A_709, %add3A_781 : i32
        %get3A_783 = arith.index_cast %add3A_782 : i32 to index
        %get3A_784 = arith.constant 16 : index
        %get3A_785 = tpu.vector_load %arg9[%get3A_783, %get3A_784] {strides = array<i32>} : memref<1664x32xf32, #tpu.memory_space<vmem>>, vector<1x16xf32>,
        %get3A_786 = vector.shape_cast %get3A_785 : vector<1x16xf32> to vector<16xf32>
        %add3A_787 = arith.addf %add3A_773, %get3A_786 : vector<16xf32>
        %add3A_788 = arith.constant 6 : i32
        %add3A_789 = arith.addi %add3A_709, %add3A_788 : i32
        %get3A_790 = arith.index_cast %add3A_789 : i32 to index
        %get3A_791 = arith.constant 0 : index
        %get3A_792 = tpu.vector_load %arg9[%get3A_790, %get3A_791] {strides = array<i32>} : memref<1664x32xf32, #tpu.memory_space<vmem>>, vector<1x16xf32>,
        %get3A_793 = vector.shape_cast %get3A_792 : vector<1x16xf32> to vector<16xf32>
        %add3A_794 = arith.addf %add3A_780, %get3A_793 : vector<16xf32>
        %add3A_795 = arith.constant 6 : i32
        %add3A_796 = arith.addi %add3A_709, %add3A_795 : i32
        %get3A_797 = arith.index_cast %add3A_796 : i32 to index
        %get3A_798 = arith.constant 16 : index
        %get3A_799 = tpu.vector_load %arg9[%get3A_797, %get3A_798] {strides = array<i32>} : memref<1664x32xf32, #tpu.memory_space<vmem>>, vector<1x16xf32>,
        %get3A_800 = vector.shape_cast %get3A_799 : vector<1x16xf32> to vector<16xf32>
        %add3A_801 = arith.addf %add3A_787, %get3A_800 : vector<16xf32>
        %add3A_802 = arith.constant 7 : i32
        %add3A_803 = arith.addi %add3A_709, %add3A_802 : i32
        %get3A_804 = arith.index_cast %add3A_803 : i32 to index
        %get3A_805 = arith.constant 0 : index
        %get3A_806 = tpu.vector_load %arg9[%get3A_804, %get3A_805] {strides = array<i32>} : memref<1664x32xf32, #tpu.memory_space<vmem>>, vector<1x16xf32>,
        %get3A_807 = vector.shape_cast %get3A_806 : vector<1x16xf32> to vector<16xf32>
        %add3A_808 = arith.addf %add3A_794, %get3A_807 : vector<16xf32>
        %add3A_809 = arith.constant 7 : i32
        %add3A_810 = arith.addi %add3A_709, %add3A_809 : i32
        %get3A_811 = arith.index_cast %add3A_810 : i32 to index
        %get3A_812 = arith.constant 16 : index
        %get3A_813 = tpu.vector_load %arg9[%get3A_811, %get3A_812] {strides = array<i32>} : memref<1664x32xf32, #tpu.memory_space<vmem>>, vector<1x16xf32>,
        %get3A_814 = vector.shape_cast %get3A_813 : vector<1x16xf32> to vector<16xf32>
        %add3A_815 = arith.addf %add3A_801, %get3A_814 : vector<16xf32>
        %add3A_816 = arith.constant 8 : i32
        %add3A_817 = arith.addi %add3A_709, %add3A_816 : i32
        %get3A_818 = arith.index_cast %add3A_817 : i32 to index
        %get3A_819 = arith.constant 0 : index
        %get3A_820 = tpu.vector_load %arg9[%get3A_818, %get3A_819] {strides = array<i32>} : memref<1664x32xf32, #tpu.memory_space<vmem>>, vector<1x16xf32>,
        %get3A_821 = vector.shape_cast %get3A_820 : vector<1x16xf32> to vector<16xf32>
        %add3A_822 = arith.addf %add3A_808, %get3A_821 : vector<16xf32>
        %add3A_823 = arith.constant 8 : i32
        %add3A_824 = arith.addi %add3A_709, %add3A_823 : i32
        %get3A_825 = arith.index_cast %add3A_824 : i32 to index
        %get3A_826 = arith.constant 16 : index
        %get3A_827 = tpu.vector_load %arg9[%get3A_825, %get3A_826] {strides = array<i32>} : memref<1664x32xf32, #tpu.memory_space<vmem>>, vector<1x16xf32>,
        %get3A_828 = vector.shape_cast %get3A_827 : vector<1x16xf32> to vector<16xf32>
        %add3A_829 = arith.addf %add3A_815, %get3A_828 : vector<16xf32>
        %add3A_830 = arith.constant 9 : i32
        %add3A_831 = arith.addi %add3A_709, %add3A_830 : i32
        %get3A_832 = arith.index_cast %add3A_831 : i32 to index
        %get3A_833 = arith.constant 0 : index
        %get3A_834 = tpu.vector_load %arg9[%get3A_832, %get3A_833] {strides = array<i32>} : memref<1664x32xf32, #tpu.memory_space<vmem>>, vector<1x16xf32>,
        %get3A_835 = vector.shape_cast %get3A_834 : vector<1x16xf32> to vector<16xf32>
        %add3A_836 = arith.addf %add3A_822, %get3A_835 : vector<16xf32>
        %add3A_837 = arith.constant 9 : i32
        %add3A_838 = arith.addi %add3A_709, %add3A_837 : i32
        %get3A_839 = arith.index_cast %add3A_838 : i32 to index
        %get3A_840 = arith.constant 16 : index
        %get3A_841 = tpu.vector_load %arg9[%get3A_839, %get3A_840] {strides = array<i32>} : memref<1664x32xf32, #tpu.memory_space<vmem>>, vector<1x16xf32>,
        %get3A_842 = vector.shape_cast %get3A_841 : vector<1x16xf32> to vector<16xf32>
        %add3A_843 = arith.addf %add3A_829, %get3A_842 : vector<16xf32>
        %add3A_844 = arith.constant 10 : i32
        %add3A_845 = arith.addi %add3A_709, %add3A_844 : i32
        %get3A_846 = arith.index_cast %add3A_845 : i32 to index
        %get3A_847 = arith.constant 0 : index
        %get3A_848 = tpu.vector_load %arg9[%get3A_846, %get3A_847] {strides = array<i32>} : memref<1664x32xf32, #tpu.memory_space<vmem>>, vector<1x16xf32>,
        %get3A_849 = vector.shape_cast %get3A_848 : vector<1x16xf32> to vector<16xf32>
        %add3A_850 = arith.addf %add3A_836, %get3A_849 : vector<16xf32>
        %add3A_851 = arith.constant 10 : i32
        %add3A_852 = arith.addi %add3A_709, %add3A_851 : i32
        %get3A_853 = arith.index_cast %add3A_852 : i32 to index
        %get3A_854 = arith.constant 16 : index
        %get3A_855 = tpu.vector_load %arg9[%get3A_853, %get3A_854] {strides = array<i32>} : memref<1664x32xf32, #tpu.memory_space<vmem>>, vector<1x16xf32>,
        %get3A_856 = vector.shape_cast %get3A_855 : vector<1x16xf32> to vector<16xf32>
        %add3A_857 = arith.addf %add3A_843, %get3A_856 : vector<16xf32>
        %add3A_858 = arith.constant 11 : i32
        %add3A_859 = arith.addi %add3A_709, %add3A_858 : i32
        %get3A_860 = arith.index_cast %add3A_859 : i32 to index
        %get3A_861 = arith.constant 0 : index
        %get3A_862 = tpu.vector_load %arg9[%get3A_860, %get3A_861] {strides = array<i32>} : memref<1664x32xf32, #tpu.memory_space<vmem>>, vector<1x16xf32>,
        %get3A_863 = vector.shape_cast %get3A_862 : vector<1x16xf32> to vector<16xf32>
        %add3A_864 = arith.addf %add3A_850, %get3A_863 : vector<16xf32>
        %add3A_865 = arith.constant 11 : i32
        %add3A_866 = arith.addi %add3A_709, %add3A_865 : i32
        %get3A_867 = arith.index_cast %add3A_866 : i32 to index
        %get3A_868 = arith.constant 16 : index
        %get3A_869 = tpu.vector_load %arg9[%get3A_867, %get3A_868] {strides = array<i32>} : memref<1664x32xf32, #tpu.memory_space<vmem>>, vector<1x16xf32>,
        %get3A_870 = vector.shape_cast %get3A_869 : vector<1x16xf32> to vector<16xf32>
        %add3A_871 = arith.addf %add3A_857, %get3A_870 : vector<16xf32>
        %add3A_872 = arith.constant 12 : i32
        %add3A_873 = arith.addi %add3A_709, %add3A_872 : i32
        %get3A_874 = arith.index_cast %add3A_873 : i32 to index
        %get3A_875 = arith.constant 0 : index
        %get3A_876 = tpu.vector_load %arg9[%get3A_874, %get3A_875] {strides = array<i32>} : memref<1664x32xf32, #tpu.memory_space<vmem>>, vector<1x16xf32>,
        %get3A_877 = vector.shape_cast %get3A_876 : vector<1x16xf32> to vector<16xf32>
        %add3A_878 = arith.addf %add3A_864, %get3A_877 : vector<16xf32>
        %add3A_879 = arith.constant 12 : i32
        %add3A_880 = arith.addi %add3A_709, %add3A_879 : i32
        %get3A_881 = arith.index_cast %add3A_880 : i32 to index
        %get3A_882 = arith.constant 16 : index
        %get3A_883 = tpu.vector_load %arg9[%get3A_881, %get3A_882] {strides = array<i32>} : memref<1664x32xf32, #tpu.memory_space<vmem>>, vector<1x16xf32>,
        %get3A_884 = vector.shape_cast %get3A_883 : vector<1x16xf32> to vector<16xf32>
        %add3A_885 = arith.addf %add3A_871, %get3A_884 : vector<16xf32>
        %add3A_886 = arith.constant 13 : i32
        %add3A_887 = arith.addi %add3A_709, %add3A_886 : i32
        %get3A_888 = arith.index_cast %add3A_887 : i32 to index
        %get3A_889 = arith.constant 0 : index
        %get3A_890 = tpu.vector_load %arg9[%get3A_888, %get3A_889] {strides = array<i32>} : memref<1664x32xf32, #tpu.memory_space<vmem>>, vector<1x16xf32>,
        %get3A_891 = vector.shape_cast %get3A_890 : vector<1x16xf32> to vector<16xf32>
        %add3A_892 = arith.addf %add3A_878, %get3A_891 : vector<16xf32>
        %add3A_893 = arith.constant 13 : i32
        %add3A_894 = arith.addi %add3A_709, %add3A_893 : i32
        %get3A_895 = arith.index_cast %add3A_894 : i32 to index
        %get3A_896 = arith.constant 16 : index
        %get3A_897 = tpu.vector_load %arg9[%get3A_895, %get3A_896] {strides = array<i32>} : memref<1664x32xf32, #tpu.memory_space<vmem>>, vector<1x16xf32>,
        %get3A_898 = vector.shape_cast %get3A_897 : vector<1x16xf32> to vector<16xf32>
        %add3A_899 = arith.addf %add3A_885, %get3A_898 : vector<16xf32>
        %add3A_900 = arith.constant 14 : i32
        %add3A_901 = arith.addi %add3A_709, %add3A_900 : i32
        %get3A_902 = arith.index_cast %add3A_901 : i32 to index
        %get3A_903 = arith.constant 0 : index
        %get3A_904 = tpu.vector_load %arg9[%get3A_902, %get3A_903] {strides = array<i32>} : memref<1664x32xf32, #tpu.memory_space<vmem>>, vector<1x16xf32>,
        %get3A_905 = vector.shape_cast %get3A_904 : vector<1x16xf32> to vector<16xf32>
        %add3A_906 = arith.addf %add3A_892, %get3A_905 : vector<16xf32>
        %add3A_907 = arith.constant 14 : i32
        %add3A_908 = arith.addi %add3A_709, %add3A_907 : i32
        %get3A_909 = arith.index_cast %add3A_908 : i32 to index
        %get3A_910 = arith.constant 16 : index
        %get3A_911 = tpu.vector_load %arg9[%get3A_909, %get3A_910] {strides = array<i32>} : memref<1664x32xf32, #tpu.memory_space<vmem>>, vector<1x16xf32>,
        %get3A_912 = vector.shape_cast %get3A_911 : vector<1x16xf32> to vector<16xf32>
        %add3A_913 = arith.addf %add3A_899, %get3A_912 : vector<16xf32>
        %add3A_914 = arith.constant 15 : i32
        %add3A_915 = arith.addi %add3A_709, %add3A_914 : i32
        %get3A_916 = arith.index_cast %add3A_915 : i32 to index
        %get3A_917 = arith.constant 0 : index
        %get3A_918 = tpu.vector_load %arg9[%get3A_916, %get3A_917] {strides = array<i32>} : memref<1664x32xf32, #tpu.memory_space<vmem>>, vector<1x16xf32>,
        %get3A_919 = vector.shape_cast %get3A_918 : vector<1x16xf32> to vector<16xf32>
        %add3A_920 = arith.addf %add3A_906, %get3A_919 : vector<16xf32>
        %add3A_921 = arith.constant 15 : i32
        %add3A_922 = arith.addi %add3A_709, %add3A_921 : i32
        %get3A_923 = arith.index_cast %add3A_922 : i32 to index
        %get3A_924 = arith.constant 16 : index
        %get3A_925 = tpu.vector_load %arg9[%get3A_923, %get3A_924] {strides = array<i32>} : memref<1664x32xf32, #tpu.memory_space<vmem>>, vector<1x16xf32>,
        %get3A_926 = vector.shape_cast %get3A_925 : vector<1x16xf32> to vector<16xf32>
        %add3A_927 = arith.addf %add3A_913, %get3A_926 : vector<16xf32>
        %add3A_928 = arith.constant 16 : i32
        %add3A_929 = arith.addi %add3A_709, %add3A_928 : i32
        %get3A_930 = arith.index_cast %add3A_929 : i32 to index
        %get3A_931 = arith.constant 0 : index
        %get3A_932 = tpu.vector_load %arg9[%get3A_930, %get3A_931] {strides = array<i32>} : memref<1664x32xf32, #tpu.memory_space<vmem>>, vector<1x16xf32>,
        %get3A_933 = vector.shape_cast %get3A_932 : vector<1x16xf32> to vector<16xf32>
        %add3A_934 = arith.addf %add3A_920, %get3A_933 : vector<16xf32>
        %add3A_935 = arith.constant 16 : i32
        %add3A_936 = arith.addi %add3A_709, %add3A_935 : i32
        %get3A_937 = arith.index_cast %add3A_936 : i32 to index
        %get3A_938 = arith.constant 16 : index
        %get3A_939 = tpu.vector_load %arg9[%get3A_937, %get3A_938] {strides = array<i32>} : memref<1664x32xf32, #tpu.memory_space<vmem>>, vector<1x16xf32>,
        %get3A_940 = vector.shape_cast %get3A_939 : vector<1x16xf32> to vector<16xf32>
        %add3A_941 = arith.addf %add3A_927, %get3A_940 : vector<16xf32>
        %add3A_942 = arith.constant 17 : i32
        %add3A_943 = arith.addi %add3A_709, %add3A_942 : i32
        %get3A_944 = arith.index_cast %add3A_943 : i32 to index
        %get3A_945 = arith.constant 0 : index
        %get3A_946 = tpu.vector_load %arg9[%get3A_944, %get3A_945] {strides = array<i32>} : memref<1664x32xf32, #tpu.memory_space<vmem>>, vector<1x16xf32>,
        %get3A_947 = vector.shape_cast %get3A_946 : vector<1x16xf32> to vector<16xf32>
        %add3A_948 = arith.addf %add3A_934, %get3A_947 : vector<16xf32>
        %add3A_949 = arith.constant 17 : i32
        %add3A_950 = arith.addi %add3A_709, %add3A_949 : i32
        %get3A_951 = arith.index_cast %add3A_950 : i32 to index
        %get3A_952 = arith.constant 16 : index
        %get3A_953 = tpu.vector_load %arg9[%get3A_951, %get3A_952] {strides = array<i32>} : memref<1664x32xf32, #tpu.memory_space<vmem>>, vector<1x16xf32>,
        %get3A_954 = vector.shape_cast %get3A_953 : vector<1x16xf32> to vector<16xf32>
        %add3A_955 = arith.addf %add3A_941, %get3A_954 : vector<16xf32>
        %add3A_956 = arith.constant 18 : i32
        %add3A_957 = arith.addi %add3A_709, %add3A_956 : i32
        %get3A_958 = arith.index_cast %add3A_957 : i32 to index
        %get3A_959 = arith.constant 0 : index
        %get3A_960 = tpu.vector_load %arg9[%get3A_958, %get3A_959] {strides = array<i32>} : memref<1664x32xf32, #tpu.memory_space<vmem>>, vector<1x16xf32>,
        %get3A_961 = vector.shape_cast %get3A_960 : vector<1x16xf32> to vector<16xf32>
        %add3A_962 = arith.addf %add3A_948, %get3A_961 : vector<16xf32>
        %add3A_963 = arith.constant 18 : i32
        %add3A_964 = arith.addi %add3A_709, %add3A_963 : i32
        %get3A_965 = arith.index_cast %add3A_964 : i32 to index
        %get3A_966 = arith.constant 16 : index
        %get3A_967 = tpu.vector_load %arg9[%get3A_965, %get3A_966] {strides = array<i32>} : memref<1664x32xf32, #tpu.memory_space<vmem>>, vector<1x16xf32>,
        %get3A_968 = vector.shape_cast %get3A_967 : vector<1x16xf32> to vector<16xf32>
        %add3A_969 = arith.addf %add3A_955, %get3A_968 : vector<16xf32>
        %add3A_970 = arith.constant 19 : i32
        %add3A_971 = arith.addi %add3A_709, %add3A_970 : i32
        %get3A_972 = arith.index_cast %add3A_971 : i32 to index
        %get3A_973 = arith.constant 0 : index
        %get3A_974 = tpu.vector_load %arg9[%get3A_972, %get3A_973] {strides = array<i32>} : memref<1664x32xf32, #tpu.memory_space<vmem>>, vector<1x16xf32>,
        %get3A_975 = vector.shape_cast %get3A_974 : vector<1x16xf32> to vector<16xf32>
        %add3A_976 = arith.addf %add3A_962, %get3A_975 : vector<16xf32>
        %add3A_977 = arith.constant 19 : i32
        %add3A_978 = arith.addi %add3A_709, %add3A_977 : i32
        %get3A_979 = arith.index_cast %add3A_978 : i32 to index
        %get3A_980 = arith.constant 16 : index
        %get3A_981 = tpu.vector_load %arg9[%get3A_979, %get3A_980] {strides = array<i32>} : memref<1664x32xf32, #tpu.memory_space<vmem>>, vector<1x16xf32>,
        %get3A_982 = vector.shape_cast %get3A_981 : vector<1x16xf32> to vector<16xf32>
        %add3A_983 = arith.addf %add3A_969, %get3A_982 : vector<16xf32>
        %add3A_984 = arith.constant 20 : i32
        %add3A_985 = arith.addi %add3A_709, %add3A_984 : i32
        %get3A_986 = arith.index_cast %add3A_985 : i32 to index
        %get3A_987 = arith.constant 0 : index
        %get3A_988 = tpu.vector_load %arg9[%get3A_986, %get3A_987] {strides = array<i32>} : memref<1664x32xf32, #tpu.memory_space<vmem>>, vector<1x16xf32>,
        %get3A_989 = vector.shape_cast %get3A_988 : vector<1x16xf32> to vector<16xf32>
        %add3A_990 = arith.addf %add3A_976, %get3A_989 : vector<16xf32>
        %add3A_991 = arith.constant 20 : i32
        %add3A_992 = arith.addi %add3A_709, %add3A_991 : i32
        %get3A_993 = arith.index_cast %add3A_992 : i32 to index
        %get3A_994 = arith.constant 16 : index
        %get3A_995 = tpu.vector_load %arg9[%get3A_993, %get3A_994] {strides = array<i32>} : memref<1664x32xf32, #tpu.memory_space<vmem>>, vector<1x16xf32>,
        %get3A_996 = vector.shape_cast %get3A_995 : vector<1x16xf32> to vector<16xf32>
        %add3A_997 = arith.addf %add3A_983, %get3A_996 : vector<16xf32>
        %add3A_998 = arith.constant 21 : i32
        %add3A_999 = arith.addi %add3A_709, %add3A_998 : i32
        %get3A_1000 = arith.index_cast %add3A_999 : i32 to index
        %get3A_1001 = arith.constant 0 : index
        %get3A_1002 = tpu.vector_load %arg9[%get3A_1000, %get3A_1001] {strides = array<i32>} : memref<1664x32xf32, #tpu.memory_space<vmem>>, vector<1x16xf32>,
        %get3A_1003 = vector.shape_cast %get3A_1002 : vector<1x16xf32> to vector<16xf32>
        %add3A_1004 = arith.addf %add3A_990, %get3A_1003 : vector<16xf32>
        %add3A_1005 = arith.constant 21 : i32
        %add3A_1006 = arith.addi %add3A_709, %add3A_1005 : i32
        %get3A_1007 = arith.index_cast %add3A_1006 : i32 to index
        %get3A_1008 = arith.constant 16 : index
        %get3A_1009 = tpu.vector_load %arg9[%get3A_1007, %get3A_1008] {strides = array<i32>} : memref<1664x32xf32, #tpu.memory_space<vmem>>, vector<1x16xf32>,
        %get3A_1010 = vector.shape_cast %get3A_1009 : vector<1x16xf32> to vector<16xf32>
        %add3A_1011 = arith.addf %add3A_997, %get3A_1010 : vector<16xf32>
        %add3A_1012 = arith.constant 22 : i32
        %add3A_1013 = arith.addi %add3A_709, %add3A_1012 : i32
        %get3A_1014 = arith.index_cast %add3A_1013 : i32 to index
        %get3A_1015 = arith.constant 0 : index
        %get3A_1016 = tpu.vector_load %arg9[%get3A_1014, %get3A_1015] {strides = array<i32>} : memref<1664x32xf32, #tpu.memory_space<vmem>>, vector<1x16xf32>,
        %get3A_1017 = vector.shape_cast %get3A_1016 : vector<1x16xf32> to vector<16xf32>
        %add3A_1018 = arith.addf %add3A_1004, %get3A_1017 : vector<16xf32>
        %add3A_1019 = arith.constant 22 : i32
        %add3A_1020 = arith.addi %add3A_709, %add3A_1019 : i32
        %get3A_1021 = arith.index_cast %add3A_1020 : i32 to index
        %get3A_1022 = arith.constant 16 : index
        %get3A_1023 = tpu.vector_load %arg9[%get3A_1021, %get3A_1022] {strides = array<i32>} : memref<1664x32xf32, #tpu.memory_space<vmem>>, vector<1x16xf32>,
        %get3A_1024 = vector.shape_cast %get3A_1023 : vector<1x16xf32> to vector<16xf32>
        %add3A_1025 = arith.addf %add3A_1011, %get3A_1024 : vector<16xf32>
        %add3A_1026 = arith.constant 23 : i32
        %add3A_1027 = arith.addi %add3A_709, %add3A_1026 : i32
        %get3A_1028 = arith.index_cast %add3A_1027 : i32 to index
        %get3A_1029 = arith.constant 0 : index
        %get3A_1030 = tpu.vector_load %arg9[%get3A_1028, %get3A_1029] {strides = array<i32>} : memref<1664x32xf32, #tpu.memory_space<vmem>>, vector<1x16xf32>,
        %get3A_1031 = vector.shape_cast %get3A_1030 : vector<1x16xf32> to vector<16xf32>
        %add3A_1032 = arith.addf %add3A_1018, %get3A_1031 : vector<16xf32>
        %add3A_1033 = arith.constant 23 : i32
        %add3A_1034 = arith.addi %add3A_709, %add3A_1033 : i32
        %get3A_1035 = arith.index_cast %add3A_1034 : i32 to index
        %get3A_1036 = arith.constant 16 : index
        %get3A_1037 = tpu.vector_load %arg9[%get3A_1035, %get3A_1036] {strides = array<i32>} : memref<1664x32xf32, #tpu.memory_space<vmem>>, vector<1x16xf32>,
        %get3A_1038 = vector.shape_cast %get3A_1037 : vector<1x16xf32> to vector<16xf32>
        %add3A_1039 = arith.addf %add3A_1025, %get3A_1038 : vector<16xf32>
        %add3A_1040 = arith.constant 24 : i32
        %add3A_1041 = arith.addi %add3A_709, %add3A_1040 : i32
        %get3A_1042 = arith.index_cast %add3A_1041 : i32 to index
        %get3A_1043 = arith.constant 0 : index
        %get3A_1044 = tpu.vector_load %arg9[%get3A_1042, %get3A_1043] {strides = array<i32>} : memref<1664x32xf32, #tpu.memory_space<vmem>>, vector<1x16xf32>,
        %get3A_1045 = vector.shape_cast %get3A_1044 : vector<1x16xf32> to vector<16xf32>
        %add3A_1046 = arith.addf %add3A_1032, %get3A_1045 : vector<16xf32>
        %add3A_1047 = arith.constant 24 : i32
        %add3A_1048 = arith.addi %add3A_709, %add3A_1047 : i32
        %get3A_1049 = arith.index_cast %add3A_1048 : i32 to index
        %get3A_1050 = arith.constant 16 : index
        %get3A_1051 = tpu.vector_load %arg9[%get3A_1049, %get3A_1050] {strides = array<i32>} : memref<1664x32xf32, #tpu.memory_space<vmem>>, vector<1x16xf32>,
        %get3A_1052 = vector.shape_cast %get3A_1051 : vector<1x16xf32> to vector<16xf32>
        %add3A_1053 = arith.addf %add3A_1039, %get3A_1052 : vector<16xf32>
        %add3A_1054 = arith.constant 25 : i32
        %add3A_1055 = arith.addi %add3A_709, %add3A_1054 : i32
        %get3A_1056 = arith.index_cast %add3A_1055 : i32 to index
        %get3A_1057 = arith.constant 0 : index
        %get3A_1058 = tpu.vector_load %arg9[%get3A_1056, %get3A_1057] {strides = array<i32>} : memref<1664x32xf32, #tpu.memory_space<vmem>>, vector<1x16xf32>,
        %get3A_1059 = vector.shape_cast %get3A_1058 : vector<1x16xf32> to vector<16xf32>
        %add3A_1060 = arith.addf %add3A_1046, %get3A_1059 : vector<16xf32>
        %add3A_1061 = arith.constant 25 : i32
        %add3A_1062 = arith.addi %add3A_709, %add3A_1061 : i32
        %get3A_1063 = arith.index_cast %add3A_1062 : i32 to index
        %get3A_1064 = arith.constant 16 : index
        %get3A_1065 = tpu.vector_load %arg9[%get3A_1063, %get3A_1064] {strides = array<i32>} : memref<1664x32xf32, #tpu.memory_space<vmem>>, vector<1x16xf32>,
        %get3A_1066 = vector.shape_cast %get3A_1065 : vector<1x16xf32> to vector<16xf32>
        %add3A_1067 = arith.addf %add3A_1053, %get3A_1066 : vector<16xf32>
        %swap3A_1068 = arith.index_cast %scan3A_335 : i32 to index
        %swap3A_1069 = arith.constant 32 : index
        %swap3A_1070 = tpu.vector_load %arg11[%swap3A_1068, %swap3A_1069] {strides = array<i32>} : memref<16x128xf32, #tpu.memory_space<vmem>>, vector<1x16xf32>,
        %swap3A_1071 = vector.shape_cast %swap3A_1070 : vector<1x16xf32> to vector<16xf32>
        %swap3A_1072 = vector.shape_cast %add3A_1060 : vector<16xf32> to vector<1x16xf32>
        tpu.vector_store %arg11[%swap3A_1068, %swap3A_1069], %swap3A_1072 {strides = array<i32>} : memref<16x128xf32, #tpu.memory_space<vmem>>, vector<1x16xf32>,
        %swap3A_1073 = arith.index_cast %scan3A_335 : i32 to index
        %swap3A_1074 = arith.constant 48 : index
        %swap3A_1075 = tpu.vector_load %arg11[%swap3A_1073, %swap3A_1074] {strides = array<i32>} : memref<16x128xf32, #tpu.memory_space<vmem>>, vector<1x16xf32>,
        %swap3A_1076 = vector.shape_cast %swap3A_1075 : vector<1x16xf32> to vector<16xf32>
        %swap3A_1077 = vector.shape_cast %add3A_1067 : vector<16xf32> to vector<1x16xf32>
        tpu.vector_store %arg11[%swap3A_1073, %swap3A_1074], %swap3A_1077 {strides = array<i32>} : memref<16x128xf32, #tpu.memory_space<vmem>>, vector<1x16xf32>,
        %mul3A_1078 = arith.constant 104 : i32
        %mul3A_1079 = arith.muli %scan3A_335, %mul3A_1078 : i32
        %add3A_1080 = arith.constant 52 : i32
        %add3A_1081 = arith.addi %mul3A_1079, %add3A_1080 : i32
        %get3A_1082 = arith.index_cast %add3A_1081 : i32 to index
        %get3A_1083 = arith.constant 0 : index
        %get3A_1084 = tpu.vector_load %arg9[%get3A_1082, %get3A_1083] {strides = array<i32>} : memref<1664x32xf32, #tpu.memory_space<vmem>>, vector<1x16xf32>,
        %get3A_1085 = vector.shape_cast %get3A_1084 : vector<1x16xf32> to vector<16xf32>
        %get3A_1086 = arith.index_cast %add3A_1081 : i32 to index
        %get3A_1087 = arith.constant 16 : index
        %get3A_1088 = tpu.vector_load %arg9[%get3A_1086, %get3A_1087] {strides = array<i32>} : memref<1664x32xf32, #tpu.memory_space<vmem>>, vector<1x16xf32>,
        %get3A_1089 = vector.shape_cast %get3A_1088 : vector<1x16xf32> to vector<16xf32>
        %add3A_1090 = arith.constant 1 : i32
        %add3A_1091 = arith.addi %add3A_1081, %add3A_1090 : i32
        %get3A_1092 = arith.index_cast %add3A_1091 : i32 to index
        %get3A_1093 = arith.constant 0 : index
        %get3A_1094 = tpu.vector_load %arg9[%get3A_1092, %get3A_1093] {strides = array<i32>} : memref<1664x32xf32, #tpu.memory_space<vmem>>, vector<1x16xf32>,
        %get3A_1095 = vector.shape_cast %get3A_1094 : vector<1x16xf32> to vector<16xf32>
        %add3A_1096 = arith.addf %get3A_1085, %get3A_1095 : vector<16xf32>
        %add3A_1097 = arith.constant 1 : i32
        %add3A_1098 = arith.addi %add3A_1081, %add3A_1097 : i32
        %get3A_1099 = arith.index_cast %add3A_1098 : i32 to index
        %get3A_1100 = arith.constant 16 : index
        %get3A_1101 = tpu.vector_load %arg9[%get3A_1099, %get3A_1100] {strides = array<i32>} : memref<1664x32xf32, #tpu.memory_space<vmem>>, vector<1x16xf32>,
        %get3A_1102 = vector.shape_cast %get3A_1101 : vector<1x16xf32> to vector<16xf32>
        %add3A_1103 = arith.addf %get3A_1089, %get3A_1102 : vector<16xf32>
        %add3A_1104 = arith.constant 2 : i32
        %add3A_1105 = arith.addi %add3A_1081, %add3A_1104 : i32
        %get3A_1106 = arith.index_cast %add3A_1105 : i32 to index
        %get3A_1107 = arith.constant 0 : index
        %get3A_1108 = tpu.vector_load %arg9[%get3A_1106, %get3A_1107] {strides = array<i32>} : memref<1664x32xf32, #tpu.memory_space<vmem>>, vector<1x16xf32>,
        %get3A_1109 = vector.shape_cast %get3A_1108 : vector<1x16xf32> to vector<16xf32>
        %add3A_1110 = arith.addf %add3A_1096, %get3A_1109 : vector<16xf32>
        %add3A_1111 = arith.constant 2 : i32
        %add3A_1112 = arith.addi %add3A_1081, %add3A_1111 : i32
        %get3A_1113 = arith.index_cast %add3A_1112 : i32 to index
        %get3A_1114 = arith.constant 16 : index
        %get3A_1115 = tpu.vector_load %arg9[%get3A_1113, %get3A_1114] {strides = array<i32>} : memref<1664x32xf32, #tpu.memory_space<vmem>>, vector<1x16xf32>,
        %get3A_1116 = vector.shape_cast %get3A_1115 : vector<1x16xf32> to vector<16xf32>
        %add3A_1117 = arith.addf %add3A_1103, %get3A_1116 : vector<16xf32>
        %add3A_1118 = arith.constant 3 : i32
        %add3A_1119 = arith.addi %add3A_1081, %add3A_1118 : i32
        %get3A_1120 = arith.index_cast %add3A_1119 : i32 to index
        %get3A_1121 = arith.constant 0 : index
        %get3A_1122 = tpu.vector_load %arg9[%get3A_1120, %get3A_1121] {strides = array<i32>} : memref<1664x32xf32, #tpu.memory_space<vmem>>, vector<1x16xf32>,
        %get3A_1123 = vector.shape_cast %get3A_1122 : vector<1x16xf32> to vector<16xf32>
        %add3A_1124 = arith.addf %add3A_1110, %get3A_1123 : vector<16xf32>
        %add3A_1125 = arith.constant 3 : i32
        %add3A_1126 = arith.addi %add3A_1081, %add3A_1125 : i32
        %get3A_1127 = arith.index_cast %add3A_1126 : i32 to index
        %get3A_1128 = arith.constant 16 : index
        %get3A_1129 = tpu.vector_load %arg9[%get3A_1127, %get3A_1128] {strides = array<i32>} : memref<1664x32xf32, #tpu.memory_space<vmem>>, vector<1x16xf32>,
        %get3A_1130 = vector.shape_cast %get3A_1129 : vector<1x16xf32> to vector<16xf32>
        %add3A_1131 = arith.addf %add3A_1117, %get3A_1130 : vector<16xf32>
        %add3A_1132 = arith.constant 4 : i32
        %add3A_1133 = arith.addi %add3A_1081, %add3A_1132 : i32
        %get3A_1134 = arith.index_cast %add3A_1133 : i32 to index
        %get3A_1135 = arith.constant 0 : index
        %get3A_1136 = tpu.vector_load %arg9[%get3A_1134, %get3A_1135] {strides = array<i32>} : memref<1664x32xf32, #tpu.memory_space<vmem>>, vector<1x16xf32>,
        %get3A_1137 = vector.shape_cast %get3A_1136 : vector<1x16xf32> to vector<16xf32>
        %add3A_1138 = arith.addf %add3A_1124, %get3A_1137 : vector<16xf32>
        %add3A_1139 = arith.constant 4 : i32
        %add3A_1140 = arith.addi %add3A_1081, %add3A_1139 : i32
        %get3A_1141 = arith.index_cast %add3A_1140 : i32 to index
        %get3A_1142 = arith.constant 16 : index
        %get3A_1143 = tpu.vector_load %arg9[%get3A_1141, %get3A_1142] {strides = array<i32>} : memref<1664x32xf32, #tpu.memory_space<vmem>>, vector<1x16xf32>,
        %get3A_1144 = vector.shape_cast %get3A_1143 : vector<1x16xf32> to vector<16xf32>
        %add3A_1145 = arith.addf %add3A_1131, %get3A_1144 : vector<16xf32>
        %add3A_1146 = arith.constant 5 : i32
        %add3A_1147 = arith.addi %add3A_1081, %add3A_1146 : i32
        %get3A_1148 = arith.index_cast %add3A_1147 : i32 to index
        %get3A_1149 = arith.constant 0 : index
        %get3A_1150 = tpu.vector_load %arg9[%get3A_1148, %get3A_1149] {strides = array<i32>} : memref<1664x32xf32, #tpu.memory_space<vmem>>, vector<1x16xf32>,
        %get3A_1151 = vector.shape_cast %get3A_1150 : vector<1x16xf32> to vector<16xf32>
        %add3A_1152 = arith.addf %add3A_1138, %get3A_1151 : vector<16xf32>
        %add3A_1153 = arith.constant 5 : i32
        %add3A_1154 = arith.addi %add3A_1081, %add3A_1153 : i32
        %get3A_1155 = arith.index_cast %add3A_1154 : i32 to index
        %get3A_1156 = arith.constant 16 : index
        %get3A_1157 = tpu.vector_load %arg9[%get3A_1155, %get3A_1156] {strides = array<i32>} : memref<1664x32xf32, #tpu.memory_space<vmem>>, vector<1x16xf32>,
        %get3A_1158 = vector.shape_cast %get3A_1157 : vector<1x16xf32> to vector<16xf32>
        %add3A_1159 = arith.addf %add3A_1145, %get3A_1158 : vector<16xf32>
        %add3A_1160 = arith.constant 6 : i32
        %add3A_1161 = arith.addi %add3A_1081, %add3A_1160 : i32
        %get3A_1162 = arith.index_cast %add3A_1161 : i32 to index
        %get3A_1163 = arith.constant 0 : index
        %get3A_1164 = tpu.vector_load %arg9[%get3A_1162, %get3A_1163] {strides = array<i32>} : memref<1664x32xf32, #tpu.memory_space<vmem>>, vector<1x16xf32>,
        %get3A_1165 = vector.shape_cast %get3A_1164 : vector<1x16xf32> to vector<16xf32>
        %add3A_1166 = arith.addf %add3A_1152, %get3A_1165 : vector<16xf32>
        %add3A_1167 = arith.constant 6 : i32
        %add3A_1168 = arith.addi %add3A_1081, %add3A_1167 : i32
        %get3A_1169 = arith.index_cast %add3A_1168 : i32 to index
        %get3A_1170 = arith.constant 16 : index
        %get3A_1171 = tpu.vector_load %arg9[%get3A_1169, %get3A_1170] {strides = array<i32>} : memref<1664x32xf32, #tpu.memory_space<vmem>>, vector<1x16xf32>,
        %get3A_1172 = vector.shape_cast %get3A_1171 : vector<1x16xf32> to vector<16xf32>
        %add3A_1173 = arith.addf %add3A_1159, %get3A_1172 : vector<16xf32>
        %add3A_1174 = arith.constant 7 : i32
        %add3A_1175 = arith.addi %add3A_1081, %add3A_1174 : i32
        %get3A_1176 = arith.index_cast %add3A_1175 : i32 to index
        %get3A_1177 = arith.constant 0 : index
        %get3A_1178 = tpu.vector_load %arg9[%get3A_1176, %get3A_1177] {strides = array<i32>} : memref<1664x32xf32, #tpu.memory_space<vmem>>, vector<1x16xf32>,
        %get3A_1179 = vector.shape_cast %get3A_1178 : vector<1x16xf32> to vector<16xf32>
        %add3A_1180 = arith.addf %add3A_1166, %get3A_1179 : vector<16xf32>
        %add3A_1181 = arith.constant 7 : i32
        %add3A_1182 = arith.addi %add3A_1081, %add3A_1181 : i32
        %get3A_1183 = arith.index_cast %add3A_1182 : i32 to index
        %get3A_1184 = arith.constant 16 : index
        %get3A_1185 = tpu.vector_load %arg9[%get3A_1183, %get3A_1184] {strides = array<i32>} : memref<1664x32xf32, #tpu.memory_space<vmem>>, vector<1x16xf32>,
        %get3A_1186 = vector.shape_cast %get3A_1185 : vector<1x16xf32> to vector<16xf32>
        %add3A_1187 = arith.addf %add3A_1173, %get3A_1186 : vector<16xf32>
        %add3A_1188 = arith.constant 8 : i32
        %add3A_1189 = arith.addi %add3A_1081, %add3A_1188 : i32
        %get3A_1190 = arith.index_cast %add3A_1189 : i32 to index
        %get3A_1191 = arith.constant 0 : index
        %get3A_1192 = tpu.vector_load %arg9[%get3A_1190, %get3A_1191] {strides = array<i32>} : memref<1664x32xf32, #tpu.memory_space<vmem>>, vector<1x16xf32>,
        %get3A_1193 = vector.shape_cast %get3A_1192 : vector<1x16xf32> to vector<16xf32>
        %add3A_1194 = arith.addf %add3A_1180, %get3A_1193 : vector<16xf32>
        %add3A_1195 = arith.constant 8 : i32
        %add3A_1196 = arith.addi %add3A_1081, %add3A_1195 : i32
        %get3A_1197 = arith.index_cast %add3A_1196 : i32 to index
        %get3A_1198 = arith.constant 16 : index
        %get3A_1199 = tpu.vector_load %arg9[%get3A_1197, %get3A_1198] {strides = array<i32>} : memref<1664x32xf32, #tpu.memory_space<vmem>>, vector<1x16xf32>,
        %get3A_1200 = vector.shape_cast %get3A_1199 : vector<1x16xf32> to vector<16xf32>
        %add3A_1201 = arith.addf %add3A_1187, %get3A_1200 : vector<16xf32>
        %add3A_1202 = arith.constant 9 : i32
        %add3A_1203 = arith.addi %add3A_1081, %add3A_1202 : i32
        %get3A_1204 = arith.index_cast %add3A_1203 : i32 to index
        %get3A_1205 = arith.constant 0 : index
        %get3A_1206 = tpu.vector_load %arg9[%get3A_1204, %get3A_1205] {strides = array<i32>} : memref<1664x32xf32, #tpu.memory_space<vmem>>, vector<1x16xf32>,
        %get3A_1207 = vector.shape_cast %get3A_1206 : vector<1x16xf32> to vector<16xf32>
        %add3A_1208 = arith.addf %add3A_1194, %get3A_1207 : vector<16xf32>
        %add3A_1209 = arith.constant 9 : i32
        %add3A_1210 = arith.addi %add3A_1081, %add3A_1209 : i32
        %get3A_1211 = arith.index_cast %add3A_1210 : i32 to index
        %get3A_1212 = arith.constant 16 : index
        %get3A_1213 = tpu.vector_load %arg9[%get3A_1211, %get3A_1212] {strides = array<i32>} : memref<1664x32xf32, #tpu.memory_space<vmem>>, vector<1x16xf32>,
        %get3A_1214 = vector.shape_cast %get3A_1213 : vector<1x16xf32> to vector<16xf32>
        %add3A_1215 = arith.addf %add3A_1201, %get3A_1214 : vector<16xf32>
        %add3A_1216 = arith.constant 10 : i32
        %add3A_1217 = arith.addi %add3A_1081, %add3A_1216 : i32
        %get3A_1218 = arith.index_cast %add3A_1217 : i32 to index
        %get3A_1219 = arith.constant 0 : index
        %get3A_1220 = tpu.vector_load %arg9[%get3A_1218, %get3A_1219] {strides = array<i32>} : memref<1664x32xf32, #tpu.memory_space<vmem>>, vector<1x16xf32>,
        %get3A_1221 = vector.shape_cast %get3A_1220 : vector<1x16xf32> to vector<16xf32>
        %add3A_1222 = arith.addf %add3A_1208, %get3A_1221 : vector<16xf32>
        %add3A_1223 = arith.constant 10 : i32
        %add3A_1224 = arith.addi %add3A_1081, %add3A_1223 : i32
        %get3A_1225 = arith.index_cast %add3A_1224 : i32 to index
        %get3A_1226 = arith.constant 16 : index
        %get3A_1227 = tpu.vector_load %arg9[%get3A_1225, %get3A_1226] {strides = array<i32>} : memref<1664x32xf32, #tpu.memory_space<vmem>>, vector<1x16xf32>,
        %get3A_1228 = vector.shape_cast %get3A_1227 : vector<1x16xf32> to vector<16xf32>
        %add3A_1229 = arith.addf %add3A_1215, %get3A_1228 : vector<16xf32>
        %add3A_1230 = arith.constant 11 : i32
        %add3A_1231 = arith.addi %add3A_1081, %add3A_1230 : i32
        %get3A_1232 = arith.index_cast %add3A_1231 : i32 to index
        %get3A_1233 = arith.constant 0 : index
        %get3A_1234 = tpu.vector_load %arg9[%get3A_1232, %get3A_1233] {strides = array<i32>} : memref<1664x32xf32, #tpu.memory_space<vmem>>, vector<1x16xf32>,
        %get3A_1235 = vector.shape_cast %get3A_1234 : vector<1x16xf32> to vector<16xf32>
        %add3A_1236 = arith.addf %add3A_1222, %get3A_1235 : vector<16xf32>
        %add3A_1237 = arith.constant 11 : i32
        %add3A_1238 = arith.addi %add3A_1081, %add3A_1237 : i32
        %get3A_1239 = arith.index_cast %add3A_1238 : i32 to index
        %get3A_1240 = arith.constant 16 : index
        %get3A_1241 = tpu.vector_load %arg9[%get3A_1239, %get3A_1240] {strides = array<i32>} : memref<1664x32xf32, #tpu.memory_space<vmem>>, vector<1x16xf32>,
        %get3A_1242 = vector.shape_cast %get3A_1241 : vector<1x16xf32> to vector<16xf32>
        %add3A_1243 = arith.addf %add3A_1229, %get3A_1242 : vector<16xf32>
        %add3A_1244 = arith.constant 12 : i32
        %add3A_1245 = arith.addi %add3A_1081, %add3A_1244 : i32
        %get3A_1246 = arith.index_cast %add3A_1245 : i32 to index
        %get3A_1247 = arith.constant 0 : index
        %get3A_1248 = tpu.vector_load %arg9[%get3A_1246, %get3A_1247] {strides = array<i32>} : memref<1664x32xf32, #tpu.memory_space<vmem>>, vector<1x16xf32>,
        %get3A_1249 = vector.shape_cast %get3A_1248 : vector<1x16xf32> to vector<16xf32>
        %add3A_1250 = arith.addf %add3A_1236, %get3A_1249 : vector<16xf32>
        %add3A_1251 = arith.constant 12 : i32
        %add3A_1252 = arith.addi %add3A_1081, %add3A_1251 : i32
        %get3A_1253 = arith.index_cast %add3A_1252 : i32 to index
        %get3A_1254 = arith.constant 16 : index
        %get3A_1255 = tpu.vector_load %arg9[%get3A_1253, %get3A_1254] {strides = array<i32>} : memref<1664x32xf32, #tpu.memory_space<vmem>>, vector<1x16xf32>,
        %get3A_1256 = vector.shape_cast %get3A_1255 : vector<1x16xf32> to vector<16xf32>
        %add3A_1257 = arith.addf %add3A_1243, %get3A_1256 : vector<16xf32>
        %add3A_1258 = arith.constant 13 : i32
        %add3A_1259 = arith.addi %add3A_1081, %add3A_1258 : i32
        %get3A_1260 = arith.index_cast %add3A_1259 : i32 to index
        %get3A_1261 = arith.constant 0 : index
        %get3A_1262 = tpu.vector_load %arg9[%get3A_1260, %get3A_1261] {strides = array<i32>} : memref<1664x32xf32, #tpu.memory_space<vmem>>, vector<1x16xf32>,
        %get3A_1263 = vector.shape_cast %get3A_1262 : vector<1x16xf32> to vector<16xf32>
        %add3A_1264 = arith.addf %add3A_1250, %get3A_1263 : vector<16xf32>
        %add3A_1265 = arith.constant 13 : i32
        %add3A_1266 = arith.addi %add3A_1081, %add3A_1265 : i32
        %get3A_1267 = arith.index_cast %add3A_1266 : i32 to index
        %get3A_1268 = arith.constant 16 : index
        %get3A_1269 = tpu.vector_load %arg9[%get3A_1267, %get3A_1268] {strides = array<i32>} : memref<1664x32xf32, #tpu.memory_space<vmem>>, vector<1x16xf32>,
        %get3A_1270 = vector.shape_cast %get3A_1269 : vector<1x16xf32> to vector<16xf32>
        %add3A_1271 = arith.addf %add3A_1257, %get3A_1270 : vector<16xf32>
        %add3A_1272 = arith.constant 14 : i32
        %add3A_1273 = arith.addi %add3A_1081, %add3A_1272 : i32
        %get3A_1274 = arith.index_cast %add3A_1273 : i32 to index
        %get3A_1275 = arith.constant 0 : index
        %get3A_1276 = tpu.vector_load %arg9[%get3A_1274, %get3A_1275] {strides = array<i32>} : memref<1664x32xf32, #tpu.memory_space<vmem>>, vector<1x16xf32>,
        %get3A_1277 = vector.shape_cast %get3A_1276 : vector<1x16xf32> to vector<16xf32>
        %add3A_1278 = arith.addf %add3A_1264, %get3A_1277 : vector<16xf32>
        %add3A_1279 = arith.constant 14 : i32
        %add3A_1280 = arith.addi %add3A_1081, %add3A_1279 : i32
        %get3A_1281 = arith.index_cast %add3A_1280 : i32 to index
        %get3A_1282 = arith.constant 16 : index
        %get3A_1283 = tpu.vector_load %arg9[%get3A_1281, %get3A_1282] {strides = array<i32>} : memref<1664x32xf32, #tpu.memory_space<vmem>>, vector<1x16xf32>,
        %get3A_1284 = vector.shape_cast %get3A_1283 : vector<1x16xf32> to vector<16xf32>
        %add3A_1285 = arith.addf %add3A_1271, %get3A_1284 : vector<16xf32>
        %add3A_1286 = arith.constant 15 : i32
        %add3A_1287 = arith.addi %add3A_1081, %add3A_1286 : i32
        %get3A_1288 = arith.index_cast %add3A_1287 : i32 to index
        %get3A_1289 = arith.constant 0 : index
        %get3A_1290 = tpu.vector_load %arg9[%get3A_1288, %get3A_1289] {strides = array<i32>} : memref<1664x32xf32, #tpu.memory_space<vmem>>, vector<1x16xf32>,
        %get3A_1291 = vector.shape_cast %get3A_1290 : vector<1x16xf32> to vector<16xf32>
        %add3A_1292 = arith.addf %add3A_1278, %get3A_1291 : vector<16xf32>
        %add3A_1293 = arith.constant 15 : i32
        %add3A_1294 = arith.addi %add3A_1081, %add3A_1293 : i32
        %get3A_1295 = arith.index_cast %add3A_1294 : i32 to index
        %get3A_1296 = arith.constant 16 : index
        %get3A_1297 = tpu.vector_load %arg9[%get3A_1295, %get3A_1296] {strides = array<i32>} : memref<1664x32xf32, #tpu.memory_space<vmem>>, vector<1x16xf32>,
        %get3A_1298 = vector.shape_cast %get3A_1297 : vector<1x16xf32> to vector<16xf32>
        %add3A_1299 = arith.addf %add3A_1285, %get3A_1298 : vector<16xf32>
        %add3A_1300 = arith.constant 16 : i32
        %add3A_1301 = arith.addi %add3A_1081, %add3A_1300 : i32
        %get3A_1302 = arith.index_cast %add3A_1301 : i32 to index
        %get3A_1303 = arith.constant 0 : index
        %get3A_1304 = tpu.vector_load %arg9[%get3A_1302, %get3A_1303] {strides = array<i32>} : memref<1664x32xf32, #tpu.memory_space<vmem>>, vector<1x16xf32>,
        %get3A_1305 = vector.shape_cast %get3A_1304 : vector<1x16xf32> to vector<16xf32>
        %add3A_1306 = arith.addf %add3A_1292, %get3A_1305 : vector<16xf32>
        %add3A_1307 = arith.constant 16 : i32
        %add3A_1308 = arith.addi %add3A_1081, %add3A_1307 : i32
        %get3A_1309 = arith.index_cast %add3A_1308 : i32 to index
        %get3A_1310 = arith.constant 16 : index
        %get3A_1311 = tpu.vector_load %arg9[%get3A_1309, %get3A_1310] {strides = array<i32>} : memref<1664x32xf32, #tpu.memory_space<vmem>>, vector<1x16xf32>,
        %get3A_1312 = vector.shape_cast %get3A_1311 : vector<1x16xf32> to vector<16xf32>
        %add3A_1313 = arith.addf %add3A_1299, %get3A_1312 : vector<16xf32>
        %add3A_1314 = arith.constant 17 : i32
        %add3A_1315 = arith.addi %add3A_1081, %add3A_1314 : i32
        %get3A_1316 = arith.index_cast %add3A_1315 : i32 to index
        %get3A_1317 = arith.constant 0 : index
        %get3A_1318 = tpu.vector_load %arg9[%get3A_1316, %get3A_1317] {strides = array<i32>} : memref<1664x32xf32, #tpu.memory_space<vmem>>, vector<1x16xf32>,
        %get3A_1319 = vector.shape_cast %get3A_1318 : vector<1x16xf32> to vector<16xf32>
        %add3A_1320 = arith.addf %add3A_1306, %get3A_1319 : vector<16xf32>
        %add3A_1321 = arith.constant 17 : i32
        %add3A_1322 = arith.addi %add3A_1081, %add3A_1321 : i32
        %get3A_1323 = arith.index_cast %add3A_1322 : i32 to index
        %get3A_1324 = arith.constant 16 : index
        %get3A_1325 = tpu.vector_load %arg9[%get3A_1323, %get3A_1324] {strides = array<i32>} : memref<1664x32xf32, #tpu.memory_space<vmem>>, vector<1x16xf32>,
        %get3A_1326 = vector.shape_cast %get3A_1325 : vector<1x16xf32> to vector<16xf32>
        %add3A_1327 = arith.addf %add3A_1313, %get3A_1326 : vector<16xf32>
        %add3A_1328 = arith.constant 18 : i32
        %add3A_1329 = arith.addi %add3A_1081, %add3A_1328 : i32
        %get3A_1330 = arith.index_cast %add3A_1329 : i32 to index
        %get3A_1331 = arith.constant 0 : index
        %get3A_1332 = tpu.vector_load %arg9[%get3A_1330, %get3A_1331] {strides = array<i32>} : memref<1664x32xf32, #tpu.memory_space<vmem>>, vector<1x16xf32>,
        %get3A_1333 = vector.shape_cast %get3A_1332 : vector<1x16xf32> to vector<16xf32>
        %add3A_1334 = arith.addf %add3A_1320, %get3A_1333 : vector<16xf32>
        %add3A_1335 = arith.constant 18 : i32
        %add3A_1336 = arith.addi %add3A_1081, %add3A_1335 : i32
        %get3A_1337 = arith.index_cast %add3A_1336 : i32 to index
        %get3A_1338 = arith.constant 16 : index
        %get3A_1339 = tpu.vector_load %arg9[%get3A_1337, %get3A_1338] {strides = array<i32>} : memref<1664x32xf32, #tpu.memory_space<vmem>>, vector<1x16xf32>,
        %get3A_1340 = vector.shape_cast %get3A_1339 : vector<1x16xf32> to vector<16xf32>
        %add3A_1341 = arith.addf %add3A_1327, %get3A_1340 : vector<16xf32>
        %add3A_1342 = arith.constant 19 : i32
        %add3A_1343 = arith.addi %add3A_1081, %add3A_1342 : i32
        %get3A_1344 = arith.index_cast %add3A_1343 : i32 to index
        %get3A_1345 = arith.constant 0 : index
        %get3A_1346 = tpu.vector_load %arg9[%get3A_1344, %get3A_1345] {strides = array<i32>} : memref<1664x32xf32, #tpu.memory_space<vmem>>, vector<1x16xf32>,
        %get3A_1347 = vector.shape_cast %get3A_1346 : vector<1x16xf32> to vector<16xf32>
        %add3A_1348 = arith.addf %add3A_1334, %get3A_1347 : vector<16xf32>
        %add3A_1349 = arith.constant 19 : i32
        %add3A_1350 = arith.addi %add3A_1081, %add3A_1349 : i32
        %get3A_1351 = arith.index_cast %add3A_1350 : i32 to index
        %get3A_1352 = arith.constant 16 : index
        %get3A_1353 = tpu.vector_load %arg9[%get3A_1351, %get3A_1352] {strides = array<i32>} : memref<1664x32xf32, #tpu.memory_space<vmem>>, vector<1x16xf32>,
        %get3A_1354 = vector.shape_cast %get3A_1353 : vector<1x16xf32> to vector<16xf32>
        %add3A_1355 = arith.addf %add3A_1341, %get3A_1354 : vector<16xf32>
        %add3A_1356 = arith.constant 20 : i32
        %add3A_1357 = arith.addi %add3A_1081, %add3A_1356 : i32
        %get3A_1358 = arith.index_cast %add3A_1357 : i32 to index
        %get3A_1359 = arith.constant 0 : index
        %get3A_1360 = tpu.vector_load %arg9[%get3A_1358, %get3A_1359] {strides = array<i32>} : memref<1664x32xf32, #tpu.memory_space<vmem>>, vector<1x16xf32>,
        %get3A_1361 = vector.shape_cast %get3A_1360 : vector<1x16xf32> to vector<16xf32>
        %add3A_1362 = arith.addf %add3A_1348, %get3A_1361 : vector<16xf32>
        %add3A_1363 = arith.constant 20 : i32
        %add3A_1364 = arith.addi %add3A_1081, %add3A_1363 : i32
        %get3A_1365 = arith.index_cast %add3A_1364 : i32 to index
        %get3A_1366 = arith.constant 16 : index
        %get3A_1367 = tpu.vector_load %arg9[%get3A_1365, %get3A_1366] {strides = array<i32>} : memref<1664x32xf32, #tpu.memory_space<vmem>>, vector<1x16xf32>,
        %get3A_1368 = vector.shape_cast %get3A_1367 : vector<1x16xf32> to vector<16xf32>
        %add3A_1369 = arith.addf %add3A_1355, %get3A_1368 : vector<16xf32>
        %add3A_1370 = arith.constant 21 : i32
        %add3A_1371 = arith.addi %add3A_1081, %add3A_1370 : i32
        %get3A_1372 = arith.index_cast %add3A_1371 : i32 to index
        %get3A_1373 = arith.constant 0 : index
        %get3A_1374 = tpu.vector_load %arg9[%get3A_1372, %get3A_1373] {strides = array<i32>} : memref<1664x32xf32, #tpu.memory_space<vmem>>, vector<1x16xf32>,
        %get3A_1375 = vector.shape_cast %get3A_1374 : vector<1x16xf32> to vector<16xf32>
        %add3A_1376 = arith.addf %add3A_1362, %get3A_1375 : vector<16xf32>
        %add3A_1377 = arith.constant 21 : i32
        %add3A_1378 = arith.addi %add3A_1081, %add3A_1377 : i32
        %get3A_1379 = arith.index_cast %add3A_1378 : i32 to index
        %get3A_1380 = arith.constant 16 : index
        %get3A_1381 = tpu.vector_load %arg9[%get3A_1379, %get3A_1380] {strides = array<i32>} : memref<1664x32xf32, #tpu.memory_space<vmem>>, vector<1x16xf32>,
        %get3A_1382 = vector.shape_cast %get3A_1381 : vector<1x16xf32> to vector<16xf32>
        %add3A_1383 = arith.addf %add3A_1369, %get3A_1382 : vector<16xf32>
        %add3A_1384 = arith.constant 22 : i32
        %add3A_1385 = arith.addi %add3A_1081, %add3A_1384 : i32
        %get3A_1386 = arith.index_cast %add3A_1385 : i32 to index
        %get3A_1387 = arith.constant 0 : index
        %get3A_1388 = tpu.vector_load %arg9[%get3A_1386, %get3A_1387] {strides = array<i32>} : memref<1664x32xf32, #tpu.memory_space<vmem>>, vector<1x16xf32>,
        %get3A_1389 = vector.shape_cast %get3A_1388 : vector<1x16xf32> to vector<16xf32>
        %add3A_1390 = arith.addf %add3A_1376, %get3A_1389 : vector<16xf32>
        %add3A_1391 = arith.constant 22 : i32
        %add3A_1392 = arith.addi %add3A_1081, %add3A_1391 : i32
        %get3A_1393 = arith.index_cast %add3A_1392 : i32 to index
        %get3A_1394 = arith.constant 16 : index
        %get3A_1395 = tpu.vector_load %arg9[%get3A_1393, %get3A_1394] {strides = array<i32>} : memref<1664x32xf32, #tpu.memory_space<vmem>>, vector<1x16xf32>,
        %get3A_1396 = vector.shape_cast %get3A_1395 : vector<1x16xf32> to vector<16xf32>
        %add3A_1397 = arith.addf %add3A_1383, %get3A_1396 : vector<16xf32>
        %add3A_1398 = arith.constant 23 : i32
        %add3A_1399 = arith.addi %add3A_1081, %add3A_1398 : i32
        %get3A_1400 = arith.index_cast %add3A_1399 : i32 to index
        %get3A_1401 = arith.constant 0 : index
        %get3A_1402 = tpu.vector_load %arg9[%get3A_1400, %get3A_1401] {strides = array<i32>} : memref<1664x32xf32, #tpu.memory_space<vmem>>, vector<1x16xf32>,
        %get3A_1403 = vector.shape_cast %get3A_1402 : vector<1x16xf32> to vector<16xf32>
        %add3A_1404 = arith.addf %add3A_1390, %get3A_1403 : vector<16xf32>
        %add3A_1405 = arith.constant 23 : i32
        %add3A_1406 = arith.addi %add3A_1081, %add3A_1405 : i32
        %get3A_1407 = arith.index_cast %add3A_1406 : i32 to index
        %get3A_1408 = arith.constant 16 : index
        %get3A_1409 = tpu.vector_load %arg9[%get3A_1407, %get3A_1408] {strides = array<i32>} : memref<1664x32xf32, #tpu.memory_space<vmem>>, vector<1x16xf32>,
        %get3A_1410 = vector.shape_cast %get3A_1409 : vector<1x16xf32> to vector<16xf32>
        %add3A_1411 = arith.addf %add3A_1397, %get3A_1410 : vector<16xf32>
        %add3A_1412 = arith.constant 24 : i32
        %add3A_1413 = arith.addi %add3A_1081, %add3A_1412 : i32
        %get3A_1414 = arith.index_cast %add3A_1413 : i32 to index
        %get3A_1415 = arith.constant 0 : index
        %get3A_1416 = tpu.vector_load %arg9[%get3A_1414, %get3A_1415] {strides = array<i32>} : memref<1664x32xf32, #tpu.memory_space<vmem>>, vector<1x16xf32>,
        %get3A_1417 = vector.shape_cast %get3A_1416 : vector<1x16xf32> to vector<16xf32>
        %add3A_1418 = arith.addf %add3A_1404, %get3A_1417 : vector<16xf32>
        %add3A_1419 = arith.constant 24 : i32
        %add3A_1420 = arith.addi %add3A_1081, %add3A_1419 : i32
        %get3A_1421 = arith.index_cast %add3A_1420 : i32 to index
        %get3A_1422 = arith.constant 16 : index
        %get3A_1423 = tpu.vector_load %arg9[%get3A_1421, %get3A_1422] {strides = array<i32>} : memref<1664x32xf32, #tpu.memory_space<vmem>>, vector<1x16xf32>,
        %get3A_1424 = vector.shape_cast %get3A_1423 : vector<1x16xf32> to vector<16xf32>
        %add3A_1425 = arith.addf %add3A_1411, %get3A_1424 : vector<16xf32>
        %add3A_1426 = arith.constant 25 : i32
        %add3A_1427 = arith.addi %add3A_1081, %add3A_1426 : i32
        %get3A_1428 = arith.index_cast %add3A_1427 : i32 to index
        %get3A_1429 = arith.constant 0 : index
        %get3A_1430 = tpu.vector_load %arg9[%get3A_1428, %get3A_1429] {strides = array<i32>} : memref<1664x32xf32, #tpu.memory_space<vmem>>, vector<1x16xf32>,
        %get3A_1431 = vector.shape_cast %get3A_1430 : vector<1x16xf32> to vector<16xf32>
        %add3A_1432 = arith.addf %add3A_1418, %get3A_1431 : vector<16xf32>
        %add3A_1433 = arith.constant 25 : i32
        %add3A_1434 = arith.addi %add3A_1081, %add3A_1433 : i32
        %get3A_1435 = arith.index_cast %add3A_1434 : i32 to index
        %get3A_1436 = arith.constant 16 : index
        %get3A_1437 = tpu.vector_load %arg9[%get3A_1435, %get3A_1436] {strides = array<i32>} : memref<1664x32xf32, #tpu.memory_space<vmem>>, vector<1x16xf32>,
        %get3A_1438 = vector.shape_cast %get3A_1437 : vector<1x16xf32> to vector<16xf32>
        %add3A_1439 = arith.addf %add3A_1425, %get3A_1438 : vector<16xf32>
        %swap3A_1440 = arith.index_cast %scan3A_335 : i32 to index
        %swap3A_1441 = arith.constant 64 : index
        %swap3A_1442 = tpu.vector_load %arg11[%swap3A_1440, %swap3A_1441] {strides = array<i32>} : memref<16x128xf32, #tpu.memory_space<vmem>>, vector<1x16xf32>,
        %swap3A_1443 = vector.shape_cast %swap3A_1442 : vector<1x16xf32> to vector<16xf32>
        %swap3A_1444 = vector.shape_cast %add3A_1432 : vector<16xf32> to vector<1x16xf32>
        tpu.vector_store %arg11[%swap3A_1440, %swap3A_1441], %swap3A_1444 {strides = array<i32>} : memref<16x128xf32, #tpu.memory_space<vmem>>, vector<1x16xf32>,
        %swap3A_1445 = arith.index_cast %scan3A_335 : i32 to index
        %swap3A_1446 = arith.constant 80 : index
        %swap3A_1447 = tpu.vector_load %arg11[%swap3A_1445, %swap3A_1446] {strides = array<i32>} : memref<16x128xf32, #tpu.memory_space<vmem>>, vector<1x16xf32>,
        %swap3A_1448 = vector.shape_cast %swap3A_1447 : vector<1x16xf32> to vector<16xf32>
        %swap3A_1449 = vector.shape_cast %add3A_1439 : vector<16xf32> to vector<1x16xf32>
        tpu.vector_store %arg11[%swap3A_1445, %swap3A_1446], %swap3A_1449 {strides = array<i32>} : memref<16x128xf32, #tpu.memory_space<vmem>>, vector<1x16xf32>,
        %mul3A_1450 = arith.constant 104 : i32
        %mul3A_1451 = arith.muli %scan3A_335, %mul3A_1450 : i32
        %add3A_1452 = arith.constant 78 : i32
        %add3A_1453 = arith.addi %mul3A_1451, %add3A_1452 : i32
        %get3A_1454 = arith.index_cast %add3A_1453 : i32 to index
        %get3A_1455 = arith.constant 0 : index
        %get3A_1456 = tpu.vector_load %arg9[%get3A_1454, %get3A_1455] {strides = array<i32>} : memref<1664x32xf32, #tpu.memory_space<vmem>>, vector<1x16xf32>,
        %get3A_1457 = vector.shape_cast %get3A_1456 : vector<1x16xf32> to vector<16xf32>
        %get3A_1458 = arith.index_cast %add3A_1453 : i32 to index
        %get3A_1459 = arith.constant 16 : index
        %get3A_1460 = tpu.vector_load %arg9[%get3A_1458, %get3A_1459] {strides = array<i32>} : memref<1664x32xf32, #tpu.memory_space<vmem>>, vector<1x16xf32>,
        %get3A_1461 = vector.shape_cast %get3A_1460 : vector<1x16xf32> to vector<16xf32>
        %add3A_1462 = arith.constant 1 : i32
        %add3A_1463 = arith.addi %add3A_1453, %add3A_1462 : i32
        %get3A_1464 = arith.index_cast %add3A_1463 : i32 to index
        %get3A_1465 = arith.constant 0 : index
        %get3A_1466 = tpu.vector_load %arg9[%get3A_1464, %get3A_1465] {strides = array<i32>} : memref<1664x32xf32, #tpu.memory_space<vmem>>, vector<1x16xf32>,
        %get3A_1467 = vector.shape_cast %get3A_1466 : vector<1x16xf32> to vector<16xf32>
        %add3A_1468 = arith.addf %get3A_1457, %get3A_1467 : vector<16xf32>
        %add3A_1469 = arith.constant 1 : i32
        %add3A_1470 = arith.addi %add3A_1453, %add3A_1469 : i32
        %get3A_1471 = arith.index_cast %add3A_1470 : i32 to index
        %get3A_1472 = arith.constant 16 : index
        %get3A_1473 = tpu.vector_load %arg9[%get3A_1471, %get3A_1472] {strides = array<i32>} : memref<1664x32xf32, #tpu.memory_space<vmem>>, vector<1x16xf32>,
        %get3A_1474 = vector.shape_cast %get3A_1473 : vector<1x16xf32> to vector<16xf32>
        %add3A_1475 = arith.addf %get3A_1461, %get3A_1474 : vector<16xf32>
        %add3A_1476 = arith.constant 2 : i32
        %add3A_1477 = arith.addi %add3A_1453, %add3A_1476 : i32
        %get3A_1478 = arith.index_cast %add3A_1477 : i32 to index
        %get3A_1479 = arith.constant 0 : index
        %get3A_1480 = tpu.vector_load %arg9[%get3A_1478, %get3A_1479] {strides = array<i32>} : memref<1664x32xf32, #tpu.memory_space<vmem>>, vector<1x16xf32>,
        %get3A_1481 = vector.shape_cast %get3A_1480 : vector<1x16xf32> to vector<16xf32>
        %add3A_1482 = arith.addf %add3A_1468, %get3A_1481 : vector<16xf32>
        %add3A_1483 = arith.constant 2 : i32
        %add3A_1484 = arith.addi %add3A_1453, %add3A_1483 : i32
        %get3A_1485 = arith.index_cast %add3A_1484 : i32 to index
        %get3A_1486 = arith.constant 16 : index
        %get3A_1487 = tpu.vector_load %arg9[%get3A_1485, %get3A_1486] {strides = array<i32>} : memref<1664x32xf32, #tpu.memory_space<vmem>>, vector<1x16xf32>,
        %get3A_1488 = vector.shape_cast %get3A_1487 : vector<1x16xf32> to vector<16xf32>
        %add3A_1489 = arith.addf %add3A_1475, %get3A_1488 : vector<16xf32>
        %add3A_1490 = arith.constant 3 : i32
        %add3A_1491 = arith.addi %add3A_1453, %add3A_1490 : i32
        %get3A_1492 = arith.index_cast %add3A_1491 : i32 to index
        %get3A_1493 = arith.constant 0 : index
        %get3A_1494 = tpu.vector_load %arg9[%get3A_1492, %get3A_1493] {strides = array<i32>} : memref<1664x32xf32, #tpu.memory_space<vmem>>, vector<1x16xf32>,
        %get3A_1495 = vector.shape_cast %get3A_1494 : vector<1x16xf32> to vector<16xf32>
        %add3A_1496 = arith.addf %add3A_1482, %get3A_1495 : vector<16xf32>
        %add3A_1497 = arith.constant 3 : i32
        %add3A_1498 = arith.addi %add3A_1453, %add3A_1497 : i32
        %get3A_1499 = arith.index_cast %add3A_1498 : i32 to index
        %get3A_1500 = arith.constant 16 : index
        %get3A_1501 = tpu.vector_load %arg9[%get3A_1499, %get3A_1500] {strides = array<i32>} : memref<1664x32xf32, #tpu.memory_space<vmem>>, vector<1x16xf32>,
        %get3A_1502 = vector.shape_cast %get3A_1501 : vector<1x16xf32> to vector<16xf32>
        %add3A_1503 = arith.addf %add3A_1489, %get3A_1502 : vector<16xf32>
        %add3A_1504 = arith.constant 4 : i32
        %add3A_1505 = arith.addi %add3A_1453, %add3A_1504 : i32
        %get3A_1506 = arith.index_cast %add3A_1505 : i32 to index
        %get3A_1507 = arith.constant 0 : index
        %get3A_1508 = tpu.vector_load %arg9[%get3A_1506, %get3A_1507] {strides = array<i32>} : memref<1664x32xf32, #tpu.memory_space<vmem>>, vector<1x16xf32>,
        %get3A_1509 = vector.shape_cast %get3A_1508 : vector<1x16xf32> to vector<16xf32>
        %add3A_1510 = arith.addf %add3A_1496, %get3A_1509 : vector<16xf32>
        %add3A_1511 = arith.constant 4 : i32
        %add3A_1512 = arith.addi %add3A_1453, %add3A_1511 : i32
        %get3A_1513 = arith.index_cast %add3A_1512 : i32 to index
        %get3A_1514 = arith.constant 16 : index
        %get3A_1515 = tpu.vector_load %arg9[%get3A_1513, %get3A_1514] {strides = array<i32>} : memref<1664x32xf32, #tpu.memory_space<vmem>>, vector<1x16xf32>,
        %get3A_1516 = vector.shape_cast %get3A_1515 : vector<1x16xf32> to vector<16xf32>
        %add3A_1517 = arith.addf %add3A_1503, %get3A_1516 : vector<16xf32>
        %add3A_1518 = arith.constant 5 : i32
        %add3A_1519 = arith.addi %add3A_1453, %add3A_1518 : i32
        %get3A_1520 = arith.index_cast %add3A_1519 : i32 to index
        %get3A_1521 = arith.constant 0 : index
        %get3A_1522 = tpu.vector_load %arg9[%get3A_1520, %get3A_1521] {strides = array<i32>} : memref<1664x32xf32, #tpu.memory_space<vmem>>, vector<1x16xf32>,
        %get3A_1523 = vector.shape_cast %get3A_1522 : vector<1x16xf32> to vector<16xf32>
        %add3A_1524 = arith.addf %add3A_1510, %get3A_1523 : vector<16xf32>
        %add3A_1525 = arith.constant 5 : i32
        %add3A_1526 = arith.addi %add3A_1453, %add3A_1525 : i32
        %get3A_1527 = arith.index_cast %add3A_1526 : i32 to index
        %get3A_1528 = arith.constant 16 : index
        %get3A_1529 = tpu.vector_load %arg9[%get3A_1527, %get3A_1528] {strides = array<i32>} : memref<1664x32xf32, #tpu.memory_space<vmem>>, vector<1x16xf32>,
        %get3A_1530 = vector.shape_cast %get3A_1529 : vector<1x16xf32> to vector<16xf32>
        %add3A_1531 = arith.addf %add3A_1517, %get3A_1530 : vector<16xf32>
        %add3A_1532 = arith.constant 6 : i32
        %add3A_1533 = arith.addi %add3A_1453, %add3A_1532 : i32
        %get3A_1534 = arith.index_cast %add3A_1533 : i32 to index
        %get3A_1535 = arith.constant 0 : index
        %get3A_1536 = tpu.vector_load %arg9[%get3A_1534, %get3A_1535] {strides = array<i32>} : memref<1664x32xf32, #tpu.memory_space<vmem>>, vector<1x16xf32>,
        %get3A_1537 = vector.shape_cast %get3A_1536 : vector<1x16xf32> to vector<16xf32>
        %add3A_1538 = arith.addf %add3A_1524, %get3A_1537 : vector<16xf32>
        %add3A_1539 = arith.constant 6 : i32
        %add3A_1540 = arith.addi %add3A_1453, %add3A_1539 : i32
        %get3A_1541 = arith.index_cast %add3A_1540 : i32 to index
        %get3A_1542 = arith.constant 16 : index
        %get3A_1543 = tpu.vector_load %arg9[%get3A_1541, %get3A_1542] {strides = array<i32>} : memref<1664x32xf32, #tpu.memory_space<vmem>>, vector<1x16xf32>,
        %get3A_1544 = vector.shape_cast %get3A_1543 : vector<1x16xf32> to vector<16xf32>
        %add3A_1545 = arith.addf %add3A_1531, %get3A_1544 : vector<16xf32>
        %add3A_1546 = arith.constant 7 : i32
        %add3A_1547 = arith.addi %add3A_1453, %add3A_1546 : i32
        %get3A_1548 = arith.index_cast %add3A_1547 : i32 to index
        %get3A_1549 = arith.constant 0 : index
        %get3A_1550 = tpu.vector_load %arg9[%get3A_1548, %get3A_1549] {strides = array<i32>} : memref<1664x32xf32, #tpu.memory_space<vmem>>, vector<1x16xf32>,
        %get3A_1551 = vector.shape_cast %get3A_1550 : vector<1x16xf32> to vector<16xf32>
        %add3A_1552 = arith.addf %add3A_1538, %get3A_1551 : vector<16xf32>
        %add3A_1553 = arith.constant 7 : i32
        %add3A_1554 = arith.addi %add3A_1453, %add3A_1553 : i32
        %get3A_1555 = arith.index_cast %add3A_1554 : i32 to index
        %get3A_1556 = arith.constant 16 : index
        %get3A_1557 = tpu.vector_load %arg9[%get3A_1555, %get3A_1556] {strides = array<i32>} : memref<1664x32xf32, #tpu.memory_space<vmem>>, vector<1x16xf32>,
        %get3A_1558 = vector.shape_cast %get3A_1557 : vector<1x16xf32> to vector<16xf32>
        %add3A_1559 = arith.addf %add3A_1545, %get3A_1558 : vector<16xf32>
        %add3A_1560 = arith.constant 8 : i32
        %add3A_1561 = arith.addi %add3A_1453, %add3A_1560 : i32
        %get3A_1562 = arith.index_cast %add3A_1561 : i32 to index
        %get3A_1563 = arith.constant 0 : index
        %get3A_1564 = tpu.vector_load %arg9[%get3A_1562, %get3A_1563] {strides = array<i32>} : memref<1664x32xf32, #tpu.memory_space<vmem>>, vector<1x16xf32>,
        %get3A_1565 = vector.shape_cast %get3A_1564 : vector<1x16xf32> to vector<16xf32>
        %add3A_1566 = arith.addf %add3A_1552, %get3A_1565 : vector<16xf32>
        %add3A_1567 = arith.constant 8 : i32
        %add3A_1568 = arith.addi %add3A_1453, %add3A_1567 : i32
        %get3A_1569 = arith.index_cast %add3A_1568 : i32 to index
        %get3A_1570 = arith.constant 16 : index
        %get3A_1571 = tpu.vector_load %arg9[%get3A_1569, %get3A_1570] {strides = array<i32>} : memref<1664x32xf32, #tpu.memory_space<vmem>>, vector<1x16xf32>,
        %get3A_1572 = vector.shape_cast %get3A_1571 : vector<1x16xf32> to vector<16xf32>
        %add3A_1573 = arith.addf %add3A_1559, %get3A_1572 : vector<16xf32>
        %add3A_1574 = arith.constant 9 : i32
        %add3A_1575 = arith.addi %add3A_1453, %add3A_1574 : i32
        %get3A_1576 = arith.index_cast %add3A_1575 : i32 to index
        %get3A_1577 = arith.constant 0 : index
        %get3A_1578 = tpu.vector_load %arg9[%get3A_1576, %get3A_1577] {strides = array<i32>} : memref<1664x32xf32, #tpu.memory_space<vmem>>, vector<1x16xf32>,
        %get3A_1579 = vector.shape_cast %get3A_1578 : vector<1x16xf32> to vector<16xf32>
        %add3A_1580 = arith.addf %add3A_1566, %get3A_1579 : vector<16xf32>
        %add3A_1581 = arith.constant 9 : i32
        %add3A_1582 = arith.addi %add3A_1453, %add3A_1581 : i32
        %get3A_1583 = arith.index_cast %add3A_1582 : i32 to index
        %get3A_1584 = arith.constant 16 : index
        %get3A_1585 = tpu.vector_load %arg9[%get3A_1583, %get3A_1584] {strides = array<i32>} : memref<1664x32xf32, #tpu.memory_space<vmem>>, vector<1x16xf32>,
        %get3A_1586 = vector.shape_cast %get3A_1585 : vector<1x16xf32> to vector<16xf32>
        %add3A_1587 = arith.addf %add3A_1573, %get3A_1586 : vector<16xf32>
        %add3A_1588 = arith.constant 10 : i32
        %add3A_1589 = arith.addi %add3A_1453, %add3A_1588 : i32
        %get3A_1590 = arith.index_cast %add3A_1589 : i32 to index
        %get3A_1591 = arith.constant 0 : index
        %get3A_1592 = tpu.vector_load %arg9[%get3A_1590, %get3A_1591] {strides = array<i32>} : memref<1664x32xf32, #tpu.memory_space<vmem>>, vector<1x16xf32>,
        %get3A_1593 = vector.shape_cast %get3A_1592 : vector<1x16xf32> to vector<16xf32>
        %add3A_1594 = arith.addf %add3A_1580, %get3A_1593 : vector<16xf32>
        %add3A_1595 = arith.constant 10 : i32
        %add3A_1596 = arith.addi %add3A_1453, %add3A_1595 : i32
        %get3A_1597 = arith.index_cast %add3A_1596 : i32 to index
        %get3A_1598 = arith.constant 16 : index
        %get3A_1599 = tpu.vector_load %arg9[%get3A_1597, %get3A_1598] {strides = array<i32>} : memref<1664x32xf32, #tpu.memory_space<vmem>>, vector<1x16xf32>,
        %get3A_1600 = vector.shape_cast %get3A_1599 : vector<1x16xf32> to vector<16xf32>
        %add3A_1601 = arith.addf %add3A_1587, %get3A_1600 : vector<16xf32>
        %add3A_1602 = arith.constant 11 : i32
        %add3A_1603 = arith.addi %add3A_1453, %add3A_1602 : i32
        %get3A_1604 = arith.index_cast %add3A_1603 : i32 to index
        %get3A_1605 = arith.constant 0 : index
        %get3A_1606 = tpu.vector_load %arg9[%get3A_1604, %get3A_1605] {strides = array<i32>} : memref<1664x32xf32, #tpu.memory_space<vmem>>, vector<1x16xf32>,
        %get3A_1607 = vector.shape_cast %get3A_1606 : vector<1x16xf32> to vector<16xf32>
        %add3A_1608 = arith.addf %add3A_1594, %get3A_1607 : vector<16xf32>
        %add3A_1609 = arith.constant 11 : i32
        %add3A_1610 = arith.addi %add3A_1453, %add3A_1609 : i32
        %get3A_1611 = arith.index_cast %add3A_1610 : i32 to index
        %get3A_1612 = arith.constant 16 : index
        %get3A_1613 = tpu.vector_load %arg9[%get3A_1611, %get3A_1612] {strides = array<i32>} : memref<1664x32xf32, #tpu.memory_space<vmem>>, vector<1x16xf32>,
        %get3A_1614 = vector.shape_cast %get3A_1613 : vector<1x16xf32> to vector<16xf32>
        %add3A_1615 = arith.addf %add3A_1601, %get3A_1614 : vector<16xf32>
        %add3A_1616 = arith.constant 12 : i32
        %add3A_1617 = arith.addi %add3A_1453, %add3A_1616 : i32
        %get3A_1618 = arith.index_cast %add3A_1617 : i32 to index
        %get3A_1619 = arith.constant 0 : index
        %get3A_1620 = tpu.vector_load %arg9[%get3A_1618, %get3A_1619] {strides = array<i32>} : memref<1664x32xf32, #tpu.memory_space<vmem>>, vector<1x16xf32>,
        %get3A_1621 = vector.shape_cast %get3A_1620 : vector<1x16xf32> to vector<16xf32>
        %add3A_1622 = arith.addf %add3A_1608, %get3A_1621 : vector<16xf32>
        %add3A_1623 = arith.constant 12 : i32
        %add3A_1624 = arith.addi %add3A_1453, %add3A_1623 : i32
        %get3A_1625 = arith.index_cast %add3A_1624 : i32 to index
        %get3A_1626 = arith.constant 16 : index
        %get3A_1627 = tpu.vector_load %arg9[%get3A_1625, %get3A_1626] {strides = array<i32>} : memref<1664x32xf32, #tpu.memory_space<vmem>>, vector<1x16xf32>,
        %get3A_1628 = vector.shape_cast %get3A_1627 : vector<1x16xf32> to vector<16xf32>
        %add3A_1629 = arith.addf %add3A_1615, %get3A_1628 : vector<16xf32>
        %add3A_1630 = arith.constant 13 : i32
        %add3A_1631 = arith.addi %add3A_1453, %add3A_1630 : i32
        %get3A_1632 = arith.index_cast %add3A_1631 : i32 to index
        %get3A_1633 = arith.constant 0 : index
        %get3A_1634 = tpu.vector_load %arg9[%get3A_1632, %get3A_1633] {strides = array<i32>} : memref<1664x32xf32, #tpu.memory_space<vmem>>, vector<1x16xf32>,
        %get3A_1635 = vector.shape_cast %get3A_1634 : vector<1x16xf32> to vector<16xf32>
        %add3A_1636 = arith.addf %add3A_1622, %get3A_1635 : vector<16xf32>
        %add3A_1637 = arith.constant 13 : i32
        %add3A_1638 = arith.addi %add3A_1453, %add3A_1637 : i32
        %get3A_1639 = arith.index_cast %add3A_1638 : i32 to index
        %get3A_1640 = arith.constant 16 : index
        %get3A_1641 = tpu.vector_load %arg9[%get3A_1639, %get3A_1640] {strides = array<i32>} : memref<1664x32xf32, #tpu.memory_space<vmem>>, vector<1x16xf32>,
        %get3A_1642 = vector.shape_cast %get3A_1641 : vector<1x16xf32> to vector<16xf32>
        %add3A_1643 = arith.addf %add3A_1629, %get3A_1642 : vector<16xf32>
        %add3A_1644 = arith.constant 14 : i32
        %add3A_1645 = arith.addi %add3A_1453, %add3A_1644 : i32
        %get3A_1646 = arith.index_cast %add3A_1645 : i32 to index
        %get3A_1647 = arith.constant 0 : index
        %get3A_1648 = tpu.vector_load %arg9[%get3A_1646, %get3A_1647] {strides = array<i32>} : memref<1664x32xf32, #tpu.memory_space<vmem>>, vector<1x16xf32>,
        %get3A_1649 = vector.shape_cast %get3A_1648 : vector<1x16xf32> to vector<16xf32>
        %add3A_1650 = arith.addf %add3A_1636, %get3A_1649 : vector<16xf32>
        %add3A_1651 = arith.constant 14 : i32
        %add3A_1652 = arith.addi %add3A_1453, %add3A_1651 : i32
        %get3A_1653 = arith.index_cast %add3A_1652 : i32 to index
        %get3A_1654 = arith.constant 16 : index
        %get3A_1655 = tpu.vector_load %arg9[%get3A_1653, %get3A_1654] {strides = array<i32>} : memref<1664x32xf32, #tpu.memory_space<vmem>>, vector<1x16xf32>,
        %get3A_1656 = vector.shape_cast %get3A_1655 : vector<1x16xf32> to vector<16xf32>
        %add3A_1657 = arith.addf %add3A_1643, %get3A_1656 : vector<16xf32>
        %add3A_1658 = arith.constant 15 : i32
        %add3A_1659 = arith.addi %add3A_1453, %add3A_1658 : i32
        %get3A_1660 = arith.index_cast %add3A_1659 : i32 to index
        %get3A_1661 = arith.constant 0 : index
        %get3A_1662 = tpu.vector_load %arg9[%get3A_1660, %get3A_1661] {strides = array<i32>} : memref<1664x32xf32, #tpu.memory_space<vmem>>, vector<1x16xf32>,
        %get3A_1663 = vector.shape_cast %get3A_1662 : vector<1x16xf32> to vector<16xf32>
        %add3A_1664 = arith.addf %add3A_1650, %get3A_1663 : vector<16xf32>
        %add3A_1665 = arith.constant 15 : i32
        %add3A_1666 = arith.addi %add3A_1453, %add3A_1665 : i32
        %get3A_1667 = arith.index_cast %add3A_1666 : i32 to index
        %get3A_1668 = arith.constant 16 : index
        %get3A_1669 = tpu.vector_load %arg9[%get3A_1667, %get3A_1668] {strides = array<i32>} : memref<1664x32xf32, #tpu.memory_space<vmem>>, vector<1x16xf32>,
        %get3A_1670 = vector.shape_cast %get3A_1669 : vector<1x16xf32> to vector<16xf32>
        %add3A_1671 = arith.addf %add3A_1657, %get3A_1670 : vector<16xf32>
        %add3A_1672 = arith.constant 16 : i32
        %add3A_1673 = arith.addi %add3A_1453, %add3A_1672 : i32
        %get3A_1674 = arith.index_cast %add3A_1673 : i32 to index
        %get3A_1675 = arith.constant 0 : index
        %get3A_1676 = tpu.vector_load %arg9[%get3A_1674, %get3A_1675] {strides = array<i32>} : memref<1664x32xf32, #tpu.memory_space<vmem>>, vector<1x16xf32>,
        %get3A_1677 = vector.shape_cast %get3A_1676 : vector<1x16xf32> to vector<16xf32>
        %add3A_1678 = arith.addf %add3A_1664, %get3A_1677 : vector<16xf32>
        %add3A_1679 = arith.constant 16 : i32
        %add3A_1680 = arith.addi %add3A_1453, %add3A_1679 : i32
        %get3A_1681 = arith.index_cast %add3A_1680 : i32 to index
        %get3A_1682 = arith.constant 16 : index
        %get3A_1683 = tpu.vector_load %arg9[%get3A_1681, %get3A_1682] {strides = array<i32>} : memref<1664x32xf32, #tpu.memory_space<vmem>>, vector<1x16xf32>,
        %get3A_1684 = vector.shape_cast %get3A_1683 : vector<1x16xf32> to vector<16xf32>
        %add3A_1685 = arith.addf %add3A_1671, %get3A_1684 : vector<16xf32>
        %add3A_1686 = arith.constant 17 : i32
        %add3A_1687 = arith.addi %add3A_1453, %add3A_1686 : i32
        %get3A_1688 = arith.index_cast %add3A_1687 : i32 to index
        %get3A_1689 = arith.constant 0 : index
        %get3A_1690 = tpu.vector_load %arg9[%get3A_1688, %get3A_1689] {strides = array<i32>} : memref<1664x32xf32, #tpu.memory_space<vmem>>, vector<1x16xf32>,
        %get3A_1691 = vector.shape_cast %get3A_1690 : vector<1x16xf32> to vector<16xf32>
        %add3A_1692 = arith.addf %add3A_1678, %get3A_1691 : vector<16xf32>
        %add3A_1693 = arith.constant 17 : i32
        %add3A_1694 = arith.addi %add3A_1453, %add3A_1693 : i32
        %get3A_1695 = arith.index_cast %add3A_1694 : i32 to index
        %get3A_1696 = arith.constant 16 : index
        %get3A_1697 = tpu.vector_load %arg9[%get3A_1695, %get3A_1696] {strides = array<i32>} : memref<1664x32xf32, #tpu.memory_space<vmem>>, vector<1x16xf32>,
        %get3A_1698 = vector.shape_cast %get3A_1697 : vector<1x16xf32> to vector<16xf32>
        %add3A_1699 = arith.addf %add3A_1685, %get3A_1698 : vector<16xf32>
        %add3A_1700 = arith.constant 18 : i32
        %add3A_1701 = arith.addi %add3A_1453, %add3A_1700 : i32
        %get3A_1702 = arith.index_cast %add3A_1701 : i32 to index
        %get3A_1703 = arith.constant 0 : index
        %get3A_1704 = tpu.vector_load %arg9[%get3A_1702, %get3A_1703] {strides = array<i32>} : memref<1664x32xf32, #tpu.memory_space<vmem>>, vector<1x16xf32>,
        %get3A_1705 = vector.shape_cast %get3A_1704 : vector<1x16xf32> to vector<16xf32>
        %add3A_1706 = arith.addf %add3A_1692, %get3A_1705 : vector<16xf32>
        %add3A_1707 = arith.constant 18 : i32
        %add3A_1708 = arith.addi %add3A_1453, %add3A_1707 : i32
        %get3A_1709 = arith.index_cast %add3A_1708 : i32 to index
        %get3A_1710 = arith.constant 16 : index
        %get3A_1711 = tpu.vector_load %arg9[%get3A_1709, %get3A_1710] {strides = array<i32>} : memref<1664x32xf32, #tpu.memory_space<vmem>>, vector<1x16xf32>,
        %get3A_1712 = vector.shape_cast %get3A_1711 : vector<1x16xf32> to vector<16xf32>
        %add3A_1713 = arith.addf %add3A_1699, %get3A_1712 : vector<16xf32>
        %add3A_1714 = arith.constant 19 : i32
        %add3A_1715 = arith.addi %add3A_1453, %add3A_1714 : i32
        %get3A_1716 = arith.index_cast %add3A_1715 : i32 to index
        %get3A_1717 = arith.constant 0 : index
        %get3A_1718 = tpu.vector_load %arg9[%get3A_1716, %get3A_1717] {strides = array<i32>} : memref<1664x32xf32, #tpu.memory_space<vmem>>, vector<1x16xf32>,
        %get3A_1719 = vector.shape_cast %get3A_1718 : vector<1x16xf32> to vector<16xf32>
        %add3A_1720 = arith.addf %add3A_1706, %get3A_1719 : vector<16xf32>
        %add3A_1721 = arith.constant 19 : i32
        %add3A_1722 = arith.addi %add3A_1453, %add3A_1721 : i32
        %get3A_1723 = arith.index_cast %add3A_1722 : i32 to index
        %get3A_1724 = arith.constant 16 : index
        %get3A_1725 = tpu.vector_load %arg9[%get3A_1723, %get3A_1724] {strides = array<i32>} : memref<1664x32xf32, #tpu.memory_space<vmem>>, vector<1x16xf32>,
        %get3A_1726 = vector.shape_cast %get3A_1725 : vector<1x16xf32> to vector<16xf32>
        %add3A_1727 = arith.addf %add3A_1713, %get3A_1726 : vector<16xf32>
        %add3A_1728 = arith.constant 20 : i32
        %add3A_1729 = arith.addi %add3A_1453, %add3A_1728 : i32
        %get3A_1730 = arith.index_cast %add3A_1729 : i32 to index
        %get3A_1731 = arith.constant 0 : index
        %get3A_1732 = tpu.vector_load %arg9[%get3A_1730, %get3A_1731] {strides = array<i32>} : memref<1664x32xf32, #tpu.memory_space<vmem>>, vector<1x16xf32>,
        %get3A_1733 = vector.shape_cast %get3A_1732 : vector<1x16xf32> to vector<16xf32>
        %add3A_1734 = arith.addf %add3A_1720, %get3A_1733 : vector<16xf32>
        %add3A_1735 = arith.constant 20 : i32
        %add3A_1736 = arith.addi %add3A_1453, %add3A_1735 : i32
        %get3A_1737 = arith.index_cast %add3A_1736 : i32 to index
        %get3A_1738 = arith.constant 16 : index
        %get3A_1739 = tpu.vector_load %arg9[%get3A_1737, %get3A_1738] {strides = array<i32>} : memref<1664x32xf32, #tpu.memory_space<vmem>>, vector<1x16xf32>,
        %get3A_1740 = vector.shape_cast %get3A_1739 : vector<1x16xf32> to vector<16xf32>
        %add3A_1741 = arith.addf %add3A_1727, %get3A_1740 : vector<16xf32>
        %add3A_1742 = arith.constant 21 : i32
        %add3A_1743 = arith.addi %add3A_1453, %add3A_1742 : i32
        %get3A_1744 = arith.index_cast %add3A_1743 : i32 to index
        %get3A_1745 = arith.constant 0 : index
        %get3A_1746 = tpu.vector_load %arg9[%get3A_1744, %get3A_1745] {strides = array<i32>} : memref<1664x32xf32, #tpu.memory_space<vmem>>, vector<1x16xf32>,
        %get3A_1747 = vector.shape_cast %get3A_1746 : vector<1x16xf32> to vector<16xf32>
        %add3A_1748 = arith.addf %add3A_1734, %get3A_1747 : vector<16xf32>
        %add3A_1749 = arith.constant 21 : i32
        %add3A_1750 = arith.addi %add3A_1453, %add3A_1749 : i32
        %get3A_1751 = arith.index_cast %add3A_1750 : i32 to index
        %get3A_1752 = arith.constant 16 : index
        %get3A_1753 = tpu.vector_load %arg9[%get3A_1751, %get3A_1752] {strides = array<i32>} : memref<1664x32xf32, #tpu.memory_space<vmem>>, vector<1x16xf32>,
        %get3A_1754 = vector.shape_cast %get3A_1753 : vector<1x16xf32> to vector<16xf32>
        %add3A_1755 = arith.addf %add3A_1741, %get3A_1754 : vector<16xf32>
        %add3A_1756 = arith.constant 22 : i32
        %add3A_1757 = arith.addi %add3A_1453, %add3A_1756 : i32
        %get3A_1758 = arith.index_cast %add3A_1757 : i32 to index
        %get3A_1759 = arith.constant 0 : index
        %get3A_1760 = tpu.vector_load %arg9[%get3A_1758, %get3A_1759] {strides = array<i32>} : memref<1664x32xf32, #tpu.memory_space<vmem>>, vector<1x16xf32>,
        %get3A_1761 = vector.shape_cast %get3A_1760 : vector<1x16xf32> to vector<16xf32>
        %add3A_1762 = arith.addf %add3A_1748, %get3A_1761 : vector<16xf32>
        %add3A_1763 = arith.constant 22 : i32
        %add3A_1764 = arith.addi %add3A_1453, %add3A_1763 : i32
        %get3A_1765 = arith.index_cast %add3A_1764 : i32 to index
        %get3A_1766 = arith.constant 16 : index
        %get3A_1767 = tpu.vector_load %arg9[%get3A_1765, %get3A_1766] {strides = array<i32>} : memref<1664x32xf32, #tpu.memory_space<vmem>>, vector<1x16xf32>,
        %get3A_1768 = vector.shape_cast %get3A_1767 : vector<1x16xf32> to vector<16xf32>
        %add3A_1769 = arith.addf %add3A_1755, %get3A_1768 : vector<16xf32>
        %add3A_1770 = arith.constant 23 : i32
        %add3A_1771 = arith.addi %add3A_1453, %add3A_1770 : i32
        %get3A_1772 = arith.index_cast %add3A_1771 : i32 to index
        %get3A_1773 = arith.constant 0 : index
        %get3A_1774 = tpu.vector_load %arg9[%get3A_1772, %get3A_1773] {strides = array<i32>} : memref<1664x32xf32, #tpu.memory_space<vmem>>, vector<1x16xf32>,
        %get3A_1775 = vector.shape_cast %get3A_1774 : vector<1x16xf32> to vector<16xf32>
        %add3A_1776 = arith.addf %add3A_1762, %get3A_1775 : vector<16xf32>
        %add3A_1777 = arith.constant 23 : i32
        %add3A_1778 = arith.addi %add3A_1453, %add3A_1777 : i32
        %get3A_1779 = arith.index_cast %add3A_1778 : i32 to index
        %get3A_1780 = arith.constant 16 : index
        %get3A_1781 = tpu.vector_load %arg9[%get3A_1779, %get3A_1780] {strides = array<i32>} : memref<1664x32xf32, #tpu.memory_space<vmem>>, vector<1x16xf32>,
        %get3A_1782 = vector.shape_cast %get3A_1781 : vector<1x16xf32> to vector<16xf32>
        %add3A_1783 = arith.addf %add3A_1769, %get3A_1782 : vector<16xf32>
        %add3A_1784 = arith.constant 24 : i32
        %add3A_1785 = arith.addi %add3A_1453, %add3A_1784 : i32
        %get3A_1786 = arith.index_cast %add3A_1785 : i32 to index
        %get3A_1787 = arith.constant 0 : index
        %get3A_1788 = tpu.vector_load %arg9[%get3A_1786, %get3A_1787] {strides = array<i32>} : memref<1664x32xf32, #tpu.memory_space<vmem>>, vector<1x16xf32>,
        %get3A_1789 = vector.shape_cast %get3A_1788 : vector<1x16xf32> to vector<16xf32>
        %add3A_1790 = arith.addf %add3A_1776, %get3A_1789 : vector<16xf32>
        %add3A_1791 = arith.constant 24 : i32
        %add3A_1792 = arith.addi %add3A_1453, %add3A_1791 : i32
        %get3A_1793 = arith.index_cast %add3A_1792 : i32 to index
        %get3A_1794 = arith.constant 16 : index
        %get3A_1795 = tpu.vector_load %arg9[%get3A_1793, %get3A_1794] {strides = array<i32>} : memref<1664x32xf32, #tpu.memory_space<vmem>>, vector<1x16xf32>,
        %get3A_1796 = vector.shape_cast %get3A_1795 : vector<1x16xf32> to vector<16xf32>
        %add3A_1797 = arith.addf %add3A_1783, %get3A_1796 : vector<16xf32>
        %add3A_1798 = arith.constant 25 : i32
        %add3A_1799 = arith.addi %add3A_1453, %add3A_1798 : i32
        %get3A_1800 = arith.index_cast %add3A_1799 : i32 to index
        %get3A_1801 = arith.constant 0 : index
        %get3A_1802 = tpu.vector_load %arg9[%get3A_1800, %get3A_1801] {strides = array<i32>} : memref<1664x32xf32, #tpu.memory_space<vmem>>, vector<1x16xf32>,
        %get3A_1803 = vector.shape_cast %get3A_1802 : vector<1x16xf32> to vector<16xf32>
        %add3A_1804 = arith.addf %add3A_1790, %get3A_1803 : vector<16xf32>
        %add3A_1805 = arith.constant 25 : i32
        %add3A_1806 = arith.addi %add3A_1453, %add3A_1805 : i32
        %get3A_1807 = arith.index_cast %add3A_1806 : i32 to index
        %get3A_1808 = arith.constant 16 : index
        %get3A_1809 = tpu.vector_load %arg9[%get3A_1807, %get3A_1808] {strides = array<i32>} : memref<1664x32xf32, #tpu.memory_space<vmem>>, vector<1x16xf32>,
        %get3A_1810 = vector.shape_cast %get3A_1809 : vector<1x16xf32> to vector<16xf32>
        %add3A_1811 = arith.addf %add3A_1797, %get3A_1810 : vector<16xf32>
        %swap3A_1812 = arith.index_cast %scan3A_335 : i32 to index
        %swap3A_1813 = arith.constant 96 : index
        %swap3A_1814 = tpu.vector_load %arg11[%swap3A_1812, %swap3A_1813] {strides = array<i32>} : memref<16x128xf32, #tpu.memory_space<vmem>>, vector<1x16xf32>,
        %swap3A_1815 = vector.shape_cast %swap3A_1814 : vector<1x16xf32> to vector<16xf32>
        %swap3A_1816 = vector.shape_cast %add3A_1804 : vector<16xf32> to vector<1x16xf32>
        tpu.vector_store %arg11[%swap3A_1812, %swap3A_1813], %swap3A_1816 {strides = array<i32>} : memref<16x128xf32, #tpu.memory_space<vmem>>, vector<1x16xf32>,
        %swap3A_1817 = arith.index_cast %scan3A_335 : i32 to index
        %swap3A_1818 = arith.constant 112 : index
        %swap3A_1819 = tpu.vector_load %arg11[%swap3A_1817, %swap3A_1818] {strides = array<i32>} : memref<16x128xf32, #tpu.memory_space<vmem>>, vector<1x16xf32>,
        %swap3A_1820 = vector.shape_cast %swap3A_1819 : vector<1x16xf32> to vector<16xf32>
        %swap3A_1821 = vector.shape_cast %add3A_1811 : vector<16xf32> to vector<1x16xf32>
        tpu.vector_store %arg11[%swap3A_1817, %swap3A_1818], %swap3A_1821 {strides = array<i32>} : memref<16x128xf32, #tpu.memory_space<vmem>>, vector<1x16xf32>,
      }
      %scan3A_291 = arith.constant 16 : i32
      %mul3A_292 = arith.constant 1600 : i32
      %mul3A_293 = arith.muli %add3A, %mul3A_292 : i32
      %mul3A_294 = arith.constant 16 : i32
      %mul3A_295 = arith.muli %add3A_266, %mul3A_294 : i32
      %add3A_296 = arith.addi %mul3A_293, %mul3A_295 : i32
      "tpu.region"() ({
        %run_scoped3A = tpu.sem_alloc : memref<!tpu.dma_semaphore, #tpu.memory_space<semaphore_mem>>
        %dma_start3A_335 = arith.constant 0 : i32
        %dma_start3A_336 = tpu.memref_slice %arg5[%add3A_296, %dma_start3A_335] : memref<51200x128xf32, #tpu.memory_space<hbm>> -> memref<16x128xf32, #tpu.memory_space<hbm>>
        %dma_start3A_337 = arith.constant 0 : i32
        %dma_start3A_338 = tpu.memref_slice %arg5[%add3A_296, %dma_start3A_337] : memref<51200x128xf32, #tpu.memory_space<hbm>> -> memref<16x128xf32, #tpu.memory_space<hbm>>
        tpu.enqueue_dma source(%arg11 : memref<16x128xf32, #tpu.memory_space<vmem>>) target(%dma_start3A_338 : memref<16x128xf32, #tpu.memory_space<hbm>>) target_semaphore(%run_scoped3A : memref<!tpu.dma_semaphore, #tpu.memory_space<semaphore_mem>>)
        %dma_wait3A_339 = arith.constant 0 : i32
        %dma_wait3A_340 = tpu.memref_slice %arg5[%add3A_296, %dma_wait3A_339] : memref<51200x128xf32, #tpu.memory_space<hbm>> -> memref<16x128xf32, #tpu.memory_space<hbm>>
        %dma_wait3A_341 = arith.constant 0 : i32
        %dma_wait3A_342 = tpu.memref_slice %arg5[%add3A_296, %dma_wait3A_341] : memref<51200x128xf32, #tpu.memory_space<hbm>> -> memref<16x128xf32, #tpu.memory_space<hbm>>
        tpu.wait_dma2 semaphore(%run_scoped3A : memref<!tpu.dma_semaphore, #tpu.memory_space<semaphore_mem>>) src(%arg11 : memref<16x128xf32, #tpu.memory_space<vmem>>) dst(%dma_wait3A_342 : memref<16x128xf32, #tpu.memory_space<hbm>>)
        tpu.yield
      }) : () -> ()
      %mul3A_297 = arith.constant 2 : i32
      %mul3A_298 = arith.muli %scan3A_262, %mul3A_297 : i32
      %add3A_299 = arith.constant 1 : i32
      %add3A_300 = arith.addi %mul3A_298, %add3A_299 : i32
      %add3A_301 = arith.constant 2 : i32
      %add3A_302 = arith.addi %add3A_300, %add3A_301 : i32
      %sub3A_303 = arith.constant 1 : i32
      %sub3A_304 = arith.subi %add3A_302, %sub3A_303 : i32
      %lt3A_305 = arith.constant 100 : i32
      %lt3A_306 = arith.cmpi slt, %sub3A_304, %lt3A_305 : i32
      %convert_element_type3A_307 = arith.extui %lt3A_306 : i1 to i32
      %cond3A_308 = arith.constant 0 : i32
      %cond3A_309 = arith.cmpi ne, %convert_element_type3A_307, %cond3A_308 : i32
      scf.if %cond3A_309 {
        %add3A_335 = arith.constant 2 : i32
        %add3A_336 = arith.addi %add3A_300, %add3A_335 : i32
        %sub3A_337 = arith.constant 1 : i32
        %sub3A_338 = arith.subi %add3A_336, %sub3A_337 : i32
        %dma_wait3A_339 = arith.constant 0 : i32
        %dma_wait3A_340 = arith.constant 0 : i32
        %dma_wait3A_341 = tpu.memref_slice %arg6[%dma_wait3A_339, %dma_wait3A_340] : memref<2x1664xi32, #tpu.memory_space<vmem>> -> memref<1x1664xi32, #tpu.memory_space<vmem>>
        %dma_wait3A_342 = tpu.memref_squeeze %dma_wait3A_341 : memref<1x1664xi32, #tpu.memory_space<vmem>> -> memref<1664xi32, #tpu.memory_space<vmem>>
        %dma_wait3A_343 = arith.constant 0 : i32
        %dma_wait3A_344 = tpu.memref_slice %arg2[%dma_wait3A_343] : memref<5324800xi32, #tpu.memory_space<hbm>> -> memref<1664xi32, #tpu.memory_space<hbm>>
        %dma_wait3A_345 = arith.constant 0 : i32
        %dma_wait3A_346 = tpu.memref_slice %arg6[%dma_wait3A_339, %dma_wait3A_345] : memref<2x1664xi32, #tpu.memory_space<vmem>> -> memref<1x1664xi32, #tpu.memory_space<vmem>>
        %dma_wait3A_347 = tpu.memref_squeeze %dma_wait3A_346 : memref<1x1664xi32, #tpu.memory_space<vmem>> -> memref<1664xi32, #tpu.memory_space<vmem>>
        %dma_wait3A_348 = arith.constant 0 : i32
        %dma_wait3A_349 = tpu.memref_slice %arg2[%dma_wait3A_348] : memref<5324800xi32, #tpu.memory_space<hbm>> -> memref<1664xi32, #tpu.memory_space<hbm>>
        tpu.wait_dma2 semaphore(%arg14 : memref<!tpu.dma_semaphore, #tpu.memory_space<semaphore_mem>>) src(%dma_wait3A_349 : memref<1664xi32, #tpu.memory_space<hbm>>) dst(%dma_wait3A_347 : memref<1664xi32, #tpu.memory_space<vmem>>)
        %scan3A_350 = arith.constant 0 : i32
        %scan3A_351 = arith.constant 0 : i32
        %scan3A_352 = arith.constant 104 : i32
        %scan3A_353 = arith.addi %scan3A_351, %scan3A_352 : i32
        %scan3A_354 = arith.constant 1 : i32
        scf.for %scan3A_545 = %scan3A_351 to %scan3A_353 step %scan3A_354  : i32 {
          %mul3A_546 = arith.constant 16 : i32
          %mul3A_547 = arith.muli %scan3A_545, %mul3A_546 : i32
          %get3A = arith.constant 0 : i32
          %get3A_548 = arith.index_cast %get3A : i32 to index
          %get3A_549 = arith.index_cast %mul3A_547 : i32 to index
          %get3A_550 = tpu.vector_load %arg6[%get3A_548, %get3A_549] {strides = array<i32>} : memref<2x1664xi32, #tpu.memory_space<vmem>>, vector<1x16xi32>,
          %get3A_551 = vector.shape_cast %get3A_550 : vector<1x16xi32> to vector<16xi32>
          %mul3A_552 = arith.constant 16 : i32
          %mul3A_553 = arith.muli %scan3A_545, %mul3A_552 : i32
          %get3A_554 = arith.index_cast %mul3A_553 : i32 to index
          %get3A_555 = tpu.vector_load %arg8[%get3A_554] {strides = array<i32>} : memref<1664xi32, #tpu.memory_space<vmem>>, vector<16xi32>,
          %get3A_556 = vector.shape_cast %get3A_555 : vector<16xi32> to vector<16xi32>
          %add3A_557 = arith.addi %get3A_551, %get3A_556 : vector<16xi32>
          %mul3A_558 = arith.constant 16 : i32
          %mul3A_559 = arith.muli %scan3A_545, %mul3A_558 : i32
          %swap3A = arith.constant 0 : i32
          %swap3A_560 = arith.index_cast %swap3A : i32 to index
          %swap3A_561 = arith.index_cast %mul3A_559 : i32 to index
          %swap3A_562 = tpu.vector_load %arg7[%swap3A_560, %swap3A_561] {strides = array<i32>} : memref<2x1664xi32, #tpu.memory_space<vmem>>, vector<1x16xi32>,
          %swap3A_563 = vector.shape_cast %swap3A_562 : vector<1x16xi32> to vector<16xi32>
          %swap3A_564 = vector.shape_cast %add3A_557 : vector<16xi32> to vector<1x16xi32>
          tpu.vector_store %arg7[%swap3A_560, %swap3A_561], %swap3A_564 {strides = array<i32>} : memref<2x1664xi32, #tpu.memory_space<vmem>>, vector<1x16xi32>,
        }
        %scan3A_355 = arith.constant 104 : i32
        %add3A_356 = arith.constant 2 : i32
        %add3A_357 = arith.addi %sub3A_338, %add3A_356 : i32
        %lt3A_358 = arith.constant 100 : i32
        %lt3A_359 = arith.cmpi slt, %add3A_357, %lt3A_358 : i32
        %convert_element_type3A_360 = arith.extui %lt3A_359 : i1 to i32
        %cond3A_361 = arith.constant 0 : i32
        %cond3A_362 = arith.cmpi ne, %convert_element_type3A_360, %cond3A_361 : i32
        scf.if %cond3A_362 {
          %add3A_545 = arith.constant 2 : i32
          %add3A_546 = arith.addi %sub3A_338, %add3A_545 : i32
          %mul3A_547 = arith.constant 6400 : i32
          %mul3A_548 = arith.muli %add3A, %mul3A_547 : i32
          %mul3A_549 = arith.constant 64 : i32
          %mul3A_550 = arith.muli %add3A_546, %mul3A_549 : i32
          %add3A_551 = arith.addi %mul3A_548, %mul3A_550 : i32
          %mul3A_552 = arith.constant 26 : i32
          %mul3A_553 = arith.muli %add3A_551, %mul3A_552 : i32
          %dma_start3A_554 = arith.constant 0 : i32
          %dma_start3A_555 = arith.constant 0 : i32
          %dma_start3A_556 = tpu.memref_slice %arg6[%dma_start3A_554, %dma_start3A_555] : memref<2x1664xi32, #tpu.memory_space<vmem>> -> memref<1x1664xi32, #tpu.memory_space<vmem>>
          %dma_start3A_557 = tpu.memref_squeeze %dma_start3A_556 : memref<1x1664xi32, #tpu.memory_space<vmem>> -> memref<1664xi32, #tpu.memory_space<vmem>>
          %dma_start3A_558 = tpu.memref_slice %arg2[%mul3A_553] : memref<5324800xi32, #tpu.memory_space<hbm>> -> memref<1664xi32, #tpu.memory_space<hbm>>
          %dma_start3A_559 = arith.constant 0 : i32
          %dma_start3A_560 = tpu.memref_slice %arg6[%dma_start3A_554, %dma_start3A_559] : memref<2x1664xi32, #tpu.memory_space<vmem>> -> memref<1x1664xi32, #tpu.memory_space<vmem>>
          %dma_start3A_561 = tpu.memref_squeeze %dma_start3A_560 : memref<1x1664xi32, #tpu.memory_space<vmem>> -> memref<1664xi32, #tpu.memory_space<vmem>>
          %dma_start3A_562 = tpu.memref_slice %arg2[%mul3A_553] : memref<5324800xi32, #tpu.memory_space<hbm>> -> memref<1664xi32, #tpu.memory_space<hbm>>
          tpu.enqueue_dma source(%dma_start3A_562 : memref<1664xi32, #tpu.memory_space<hbm>>) target(%dma_start3A_561 : memref<1664xi32, #tpu.memory_space<vmem>>) target_semaphore(%arg14 : memref<!tpu.dma_semaphore, #tpu.memory_space<semaphore_mem>>)
        } else {
        }
        %dma_start3A_363 = arith.constant 0 : i32
        %dma_start3A_364 = arith.constant 0 : i32
        %dma_start3A_365 = arith.constant 0 : i32
        %dma_start3A_366 = tpu.memref_slice %arg9[%dma_start3A_364, %dma_start3A_365] : memref<1664x32xf32, #tpu.memory_space<vmem>> -> memref<128x32xf32, #tpu.memory_space<vmem>>
        %dma_start3A_367 = arith.constant 0 : i32
        %dma_start3A_368 = tpu.memref_slice %arg7[%dma_start3A_363, %dma_start3A_367] : memref<2x1664xi32, #tpu.memory_space<vmem>> -> memref<1x128xi32, #tpu.memory_space<vmem>>
        %dma_start3A_369 = tpu.memref_squeeze %dma_start3A_368 : memref<1x128xi32, #tpu.memory_space<vmem>> -> memref<128xi32, #tpu.memory_space<vmem>>
        %dma_start3A_370 = arith.constant 0 : i32
        %dma_start3A_371 = arith.constant 0 : i32
        %dma_start3A_372 = tpu.memref_slice %arg3[%scan3A_256, %dma_start3A_370, %dma_start3A_371] : memref<26x100000x32xf32, #tpu.memory_space<hbm>> -> memref<1x100000x32xf32, #tpu.memory_space<hbm>>
        %dma_start3A_373 = tpu.memref_squeeze %dma_start3A_372 : memref<1x100000x32xf32, #tpu.memory_space<hbm>> -> memref<100000x32xf32, #tpu.memory_space<hbm>>
        %dma_start3A_374 = arith.constant 0 : i32
        %dma_start3A_375 = arith.constant 0 : i32
        %dma_start3A_376 = tpu.memref_slice %dma_start3A_373[%dma_start3A_374, %dma_start3A_375] : memref<100000x32xf32, #tpu.memory_space<hbm>> -> memref<100000x32xf32, #tpu.memory_space<hbm>>
        tpu.enqueue_indirect_dma source(%dma_start3A_376 : memref<100000x32xf32, #tpu.memory_space<hbm>>) target(%dma_start3A_366 : memref<128x32xf32, #tpu.memory_space<vmem>>) offsets(%dma_start3A_369 : memref<128xi32, #tpu.memory_space<vmem>>) semaphore(%arg12 : memref<!tpu.dma_semaphore, #tpu.memory_space<semaphore_mem>>)
        %dma_start3A_377 = arith.constant 0 : i32
        %dma_start3A_378 = arith.constant 128 : i32
        %dma_start3A_379 = arith.constant 0 : i32
        %dma_start3A_380 = tpu.memref_slice %arg9[%dma_start3A_378, %dma_start3A_379] : memref<1664x32xf32, #tpu.memory_space<vmem>> -> memref<128x32xf32, #tpu.memory_space<vmem>>
        %dma_start3A_381 = arith.constant 128 : i32
        %dma_start3A_382 = tpu.memref_slice %arg7[%dma_start3A_377, %dma_start3A_381] : memref<2x1664xi32, #tpu.memory_space<vmem>> -> memref<1x128xi32, #tpu.memory_space<vmem>>
        %dma_start3A_383 = tpu.memref_squeeze %dma_start3A_382 : memref<1x128xi32, #tpu.memory_space<vmem>> -> memref<128xi32, #tpu.memory_space<vmem>>
        %dma_start3A_384 = arith.constant 0 : i32
        %dma_start3A_385 = arith.constant 0 : i32
        %dma_start3A_386 = tpu.memref_slice %arg3[%scan3A_256, %dma_start3A_384, %dma_start3A_385] : memref<26x100000x32xf32, #tpu.memory_space<hbm>> -> memref<1x100000x32xf32, #tpu.memory_space<hbm>>
        %dma_start3A_387 = tpu.memref_squeeze %dma_start3A_386 : memref<1x100000x32xf32, #tpu.memory_space<hbm>> -> memref<100000x32xf32, #tpu.memory_space<hbm>>
        %dma_start3A_388 = arith.constant 0 : i32
        %dma_start3A_389 = arith.constant 0 : i32
        %dma_start3A_390 = tpu.memref_slice %dma_start3A_387[%dma_start3A_388, %dma_start3A_389] : memref<100000x32xf32, #tpu.memory_space<hbm>> -> memref<100000x32xf32, #tpu.memory_space<hbm>>
        tpu.enqueue_indirect_dma source(%dma_start3A_390 : memref<100000x32xf32, #tpu.memory_space<hbm>>) target(%dma_start3A_380 : memref<128x32xf32, #tpu.memory_space<vmem>>) offsets(%dma_start3A_383 : memref<128xi32, #tpu.memory_space<vmem>>) semaphore(%arg12 : memref<!tpu.dma_semaphore, #tpu.memory_space<semaphore_mem>>)
        %dma_start3A_391 = arith.constant 0 : i32
        %dma_start3A_392 = arith.constant 256 : i32
        %dma_start3A_393 = arith.constant 0 : i32
        %dma_start3A_394 = tpu.memref_slice %arg9[%dma_start3A_392, %dma_start3A_393] : memref<1664x32xf32, #tpu.memory_space<vmem>> -> memref<128x32xf32, #tpu.memory_space<vmem>>
        %dma_start3A_395 = arith.constant 256 : i32
        %dma_start3A_396 = tpu.memref_slice %arg7[%dma_start3A_391, %dma_start3A_395] : memref<2x1664xi32, #tpu.memory_space<vmem>> -> memref<1x128xi32, #tpu.memory_space<vmem>>
        %dma_start3A_397 = tpu.memref_squeeze %dma_start3A_396 : memref<1x128xi32, #tpu.memory_space<vmem>> -> memref<128xi32, #tpu.memory_space<vmem>>
        %dma_start3A_398 = arith.constant 0 : i32
        %dma_start3A_399 = arith.constant 0 : i32
        %dma_start3A_400 = tpu.memref_slice %arg3[%scan3A_256, %dma_start3A_398, %dma_start3A_399] : memref<26x100000x32xf32, #tpu.memory_space<hbm>> -> memref<1x100000x32xf32, #tpu.memory_space<hbm>>
        %dma_start3A_401 = tpu.memref_squeeze %dma_start3A_400 : memref<1x100000x32xf32, #tpu.memory_space<hbm>> -> memref<100000x32xf32, #tpu.memory_space<hbm>>
        %dma_start3A_402 = arith.constant 0 : i32
        %dma_start3A_403 = arith.constant 0 : i32
        %dma_start3A_404 = tpu.memref_slice %dma_start3A_401[%dma_start3A_402, %dma_start3A_403] : memref<100000x32xf32, #tpu.memory_space<hbm>> -> memref<100000x32xf32, #tpu.memory_space<hbm>>
        tpu.enqueue_indirect_dma source(%dma_start3A_404 : memref<100000x32xf32, #tpu.memory_space<hbm>>) target(%dma_start3A_394 : memref<128x32xf32, #tpu.memory_space<vmem>>) offsets(%dma_start3A_397 : memref<128xi32, #tpu.memory_space<vmem>>) semaphore(%arg12 : memref<!tpu.dma_semaphore, #tpu.memory_space<semaphore_mem>>)
        %dma_start3A_405 = arith.constant 0 : i32
        %dma_start3A_406 = arith.constant 384 : i32
        %dma_start3A_407 = arith.constant 0 : i32
        %dma_start3A_408 = tpu.memref_slice %arg9[%dma_start3A_406, %dma_start3A_407] : memref<1664x32xf32, #tpu.memory_space<vmem>> -> memref<128x32xf32, #tpu.memory_space<vmem>>
        %dma_start3A_409 = arith.constant 384 : i32
        %dma_start3A_410 = tpu.memref_slice %arg7[%dma_start3A_405, %dma_start3A_409] : memref<2x1664xi32, #tpu.memory_space<vmem>> -> memref<1x128xi32, #tpu.memory_space<vmem>>
        %dma_start3A_411 = tpu.memref_squeeze %dma_start3A_410 : memref<1x128xi32, #tpu.memory_space<vmem>> -> memref<128xi32, #tpu.memory_space<vmem>>
        %dma_start3A_412 = arith.constant 0 : i32
        %dma_start3A_413 = arith.constant 0 : i32
        %dma_start3A_414 = tpu.memref_slice %arg3[%scan3A_256, %dma_start3A_412, %dma_start3A_413] : memref<26x100000x32xf32, #tpu.memory_space<hbm>> -> memref<1x100000x32xf32, #tpu.memory_space<hbm>>
        %dma_start3A_415 = tpu.memref_squeeze %dma_start3A_414 : memref<1x100000x32xf32, #tpu.memory_space<hbm>> -> memref<100000x32xf32, #tpu.memory_space<hbm>>
        %dma_start3A_416 = arith.constant 0 : i32
        %dma_start3A_417 = arith.constant 0 : i32
        %dma_start3A_418 = tpu.memref_slice %dma_start3A_415[%dma_start3A_416, %dma_start3A_417] : memref<100000x32xf32, #tpu.memory_space<hbm>> -> memref<100000x32xf32, #tpu.memory_space<hbm>>
        tpu.enqueue_indirect_dma source(%dma_start3A_418 : memref<100000x32xf32, #tpu.memory_space<hbm>>) target(%dma_start3A_408 : memref<128x32xf32, #tpu.memory_space<vmem>>) offsets(%dma_start3A_411 : memref<128xi32, #tpu.memory_space<vmem>>) semaphore(%arg12 : memref<!tpu.dma_semaphore, #tpu.memory_space<semaphore_mem>>)
        %dma_start3A_419 = arith.constant 0 : i32
        %dma_start3A_420 = arith.constant 512 : i32
        %dma_start3A_421 = arith.constant 0 : i32
        %dma_start3A_422 = tpu.memref_slice %arg9[%dma_start3A_420, %dma_start3A_421] : memref<1664x32xf32, #tpu.memory_space<vmem>> -> memref<128x32xf32, #tpu.memory_space<vmem>>
        %dma_start3A_423 = arith.constant 512 : i32
        %dma_start3A_424 = tpu.memref_slice %arg7[%dma_start3A_419, %dma_start3A_423] : memref<2x1664xi32, #tpu.memory_space<vmem>> -> memref<1x128xi32, #tpu.memory_space<vmem>>
        %dma_start3A_425 = tpu.memref_squeeze %dma_start3A_424 : memref<1x128xi32, #tpu.memory_space<vmem>> -> memref<128xi32, #tpu.memory_space<vmem>>
        %dma_start3A_426 = arith.constant 0 : i32
        %dma_start3A_427 = arith.constant 0 : i32
        %dma_start3A_428 = tpu.memref_slice %arg3[%scan3A_256, %dma_start3A_426, %dma_start3A_427] : memref<26x100000x32xf32, #tpu.memory_space<hbm>> -> memref<1x100000x32xf32, #tpu.memory_space<hbm>>
        %dma_start3A_429 = tpu.memref_squeeze %dma_start3A_428 : memref<1x100000x32xf32, #tpu.memory_space<hbm>> -> memref<100000x32xf32, #tpu.memory_space<hbm>>
        %dma_start3A_430 = arith.constant 0 : i32
        %dma_start3A_431 = arith.constant 0 : i32
        %dma_start3A_432 = tpu.memref_slice %dma_start3A_429[%dma_start3A_430, %dma_start3A_431] : memref<100000x32xf32, #tpu.memory_space<hbm>> -> memref<100000x32xf32, #tpu.memory_space<hbm>>
        tpu.enqueue_indirect_dma source(%dma_start3A_432 : memref<100000x32xf32, #tpu.memory_space<hbm>>) target(%dma_start3A_422 : memref<128x32xf32, #tpu.memory_space<vmem>>) offsets(%dma_start3A_425 : memref<128xi32, #tpu.memory_space<vmem>>) semaphore(%arg12 : memref<!tpu.dma_semaphore, #tpu.memory_space<semaphore_mem>>)
        %dma_start3A_433 = arith.constant 0 : i32
        %dma_start3A_434 = arith.constant 640 : i32
        %dma_start3A_435 = arith.constant 0 : i32
        %dma_start3A_436 = tpu.memref_slice %arg9[%dma_start3A_434, %dma_start3A_435] : memref<1664x32xf32, #tpu.memory_space<vmem>> -> memref<128x32xf32, #tpu.memory_space<vmem>>
        %dma_start3A_437 = arith.constant 640 : i32
        %dma_start3A_438 = tpu.memref_slice %arg7[%dma_start3A_433, %dma_start3A_437] : memref<2x1664xi32, #tpu.memory_space<vmem>> -> memref<1x128xi32, #tpu.memory_space<vmem>>
        %dma_start3A_439 = tpu.memref_squeeze %dma_start3A_438 : memref<1x128xi32, #tpu.memory_space<vmem>> -> memref<128xi32, #tpu.memory_space<vmem>>
        %dma_start3A_440 = arith.constant 0 : i32
        %dma_start3A_441 = arith.constant 0 : i32
        %dma_start3A_442 = tpu.memref_slice %arg3[%scan3A_256, %dma_start3A_440, %dma_start3A_441] : memref<26x100000x32xf32, #tpu.memory_space<hbm>> -> memref<1x100000x32xf32, #tpu.memory_space<hbm>>
        %dma_start3A_443 = tpu.memref_squeeze %dma_start3A_442 : memref<1x100000x32xf32, #tpu.memory_space<hbm>> -> memref<100000x32xf32, #tpu.memory_space<hbm>>
        %dma_start3A_444 = arith.constant 0 : i32
        %dma_start3A_445 = arith.constant 0 : i32
        %dma_start3A_446 = tpu.memref_slice %dma_start3A_443[%dma_start3A_444, %dma_start3A_445] : memref<100000x32xf32, #tpu.memory_space<hbm>> -> memref<100000x32xf32, #tpu.memory_space<hbm>>
        tpu.enqueue_indirect_dma source(%dma_start3A_446 : memref<100000x32xf32, #tpu.memory_space<hbm>>) target(%dma_start3A_436 : memref<128x32xf32, #tpu.memory_space<vmem>>) offsets(%dma_start3A_439 : memref<128xi32, #tpu.memory_space<vmem>>) semaphore(%arg12 : memref<!tpu.dma_semaphore, #tpu.memory_space<semaphore_mem>>)
        %dma_start3A_447 = arith.constant 0 : i32
        %dma_start3A_448 = arith.constant 768 : i32
        %dma_start3A_449 = arith.constant 0 : i32
        %dma_start3A_450 = tpu.memref_slice %arg9[%dma_start3A_448, %dma_start3A_449] : memref<1664x32xf32, #tpu.memory_space<vmem>> -> memref<128x32xf32, #tpu.memory_space<vmem>>
        %dma_start3A_451 = arith.constant 768 : i32
        %dma_start3A_452 = tpu.memref_slice %arg7[%dma_start3A_447, %dma_start3A_451] : memref<2x1664xi32, #tpu.memory_space<vmem>> -> memref<1x128xi32, #tpu.memory_space<vmem>>
        %dma_start3A_453 = tpu.memref_squeeze %dma_start3A_452 : memref<1x128xi32, #tpu.memory_space<vmem>> -> memref<128xi32, #tpu.memory_space<vmem>>
        %dma_start3A_454 = arith.constant 0 : i32
        %dma_start3A_455 = arith.constant 0 : i32
        %dma_start3A_456 = tpu.memref_slice %arg3[%scan3A_256, %dma_start3A_454, %dma_start3A_455] : memref<26x100000x32xf32, #tpu.memory_space<hbm>> -> memref<1x100000x32xf32, #tpu.memory_space<hbm>>
        %dma_start3A_457 = tpu.memref_squeeze %dma_start3A_456 : memref<1x100000x32xf32, #tpu.memory_space<hbm>> -> memref<100000x32xf32, #tpu.memory_space<hbm>>
        %dma_start3A_458 = arith.constant 0 : i32
        %dma_start3A_459 = arith.constant 0 : i32
        %dma_start3A_460 = tpu.memref_slice %dma_start3A_457[%dma_start3A_458, %dma_start3A_459] : memref<100000x32xf32, #tpu.memory_space<hbm>> -> memref<100000x32xf32, #tpu.memory_space<hbm>>
        tpu.enqueue_indirect_dma source(%dma_start3A_460 : memref<100000x32xf32, #tpu.memory_space<hbm>>) target(%dma_start3A_450 : memref<128x32xf32, #tpu.memory_space<vmem>>) offsets(%dma_start3A_453 : memref<128xi32, #tpu.memory_space<vmem>>) semaphore(%arg12 : memref<!tpu.dma_semaphore, #tpu.memory_space<semaphore_mem>>)
        %dma_start3A_461 = arith.constant 0 : i32
        %dma_start3A_462 = arith.constant 896 : i32
        %dma_start3A_463 = arith.constant 0 : i32
        %dma_start3A_464 = tpu.memref_slice %arg9[%dma_start3A_462, %dma_start3A_463] : memref<1664x32xf32, #tpu.memory_space<vmem>> -> memref<128x32xf32, #tpu.memory_space<vmem>>
        %dma_start3A_465 = arith.constant 896 : i32
        %dma_start3A_466 = tpu.memref_slice %arg7[%dma_start3A_461, %dma_start3A_465] : memref<2x1664xi32, #tpu.memory_space<vmem>> -> memref<1x128xi32, #tpu.memory_space<vmem>>
        %dma_start3A_467 = tpu.memref_squeeze %dma_start3A_466 : memref<1x128xi32, #tpu.memory_space<vmem>> -> memref<128xi32, #tpu.memory_space<vmem>>
        %dma_start3A_468 = arith.constant 0 : i32
        %dma_start3A_469 = arith.constant 0 : i32
        %dma_start3A_470 = tpu.memref_slice %arg3[%scan3A_256, %dma_start3A_468, %dma_start3A_469] : memref<26x100000x32xf32, #tpu.memory_space<hbm>> -> memref<1x100000x32xf32, #tpu.memory_space<hbm>>
        %dma_start3A_471 = tpu.memref_squeeze %dma_start3A_470 : memref<1x100000x32xf32, #tpu.memory_space<hbm>> -> memref<100000x32xf32, #tpu.memory_space<hbm>>
        %dma_start3A_472 = arith.constant 0 : i32
        %dma_start3A_473 = arith.constant 0 : i32
        %dma_start3A_474 = tpu.memref_slice %dma_start3A_471[%dma_start3A_472, %dma_start3A_473] : memref<100000x32xf32, #tpu.memory_space<hbm>> -> memref<100000x32xf32, #tpu.memory_space<hbm>>
        tpu.enqueue_indirect_dma source(%dma_start3A_474 : memref<100000x32xf32, #tpu.memory_space<hbm>>) target(%dma_start3A_464 : memref<128x32xf32, #tpu.memory_space<vmem>>) offsets(%dma_start3A_467 : memref<128xi32, #tpu.memory_space<vmem>>) semaphore(%arg12 : memref<!tpu.dma_semaphore, #tpu.memory_space<semaphore_mem>>)
        %dma_start3A_475 = arith.constant 0 : i32
        %dma_start3A_476 = arith.constant 1024 : i32
        %dma_start3A_477 = arith.constant 0 : i32
        %dma_start3A_478 = tpu.memref_slice %arg9[%dma_start3A_476, %dma_start3A_477] : memref<1664x32xf32, #tpu.memory_space<vmem>> -> memref<128x32xf32, #tpu.memory_space<vmem>>
        %dma_start3A_479 = arith.constant 1024 : i32
        %dma_start3A_480 = tpu.memref_slice %arg7[%dma_start3A_475, %dma_start3A_479] : memref<2x1664xi32, #tpu.memory_space<vmem>> -> memref<1x128xi32, #tpu.memory_space<vmem>>
        %dma_start3A_481 = tpu.memref_squeeze %dma_start3A_480 : memref<1x128xi32, #tpu.memory_space<vmem>> -> memref<128xi32, #tpu.memory_space<vmem>>
        %dma_start3A_482 = arith.constant 0 : i32
        %dma_start3A_483 = arith.constant 0 : i32
        %dma_start3A_484 = tpu.memref_slice %arg3[%scan3A_256, %dma_start3A_482, %dma_start3A_483] : memref<26x100000x32xf32, #tpu.memory_space<hbm>> -> memref<1x100000x32xf32, #tpu.memory_space<hbm>>
        %dma_start3A_485 = tpu.memref_squeeze %dma_start3A_484 : memref<1x100000x32xf32, #tpu.memory_space<hbm>> -> memref<100000x32xf32, #tpu.memory_space<hbm>>
        %dma_start3A_486 = arith.constant 0 : i32
        %dma_start3A_487 = arith.constant 0 : i32
        %dma_start3A_488 = tpu.memref_slice %dma_start3A_485[%dma_start3A_486, %dma_start3A_487] : memref<100000x32xf32, #tpu.memory_space<hbm>> -> memref<100000x32xf32, #tpu.memory_space<hbm>>
        tpu.enqueue_indirect_dma source(%dma_start3A_488 : memref<100000x32xf32, #tpu.memory_space<hbm>>) target(%dma_start3A_478 : memref<128x32xf32, #tpu.memory_space<vmem>>) offsets(%dma_start3A_481 : memref<128xi32, #tpu.memory_space<vmem>>) semaphore(%arg12 : memref<!tpu.dma_semaphore, #tpu.memory_space<semaphore_mem>>)
        %dma_start3A_489 = arith.constant 0 : i32
        %dma_start3A_490 = arith.constant 1152 : i32
        %dma_start3A_491 = arith.constant 0 : i32
        %dma_start3A_492 = tpu.memref_slice %arg9[%dma_start3A_490, %dma_start3A_491] : memref<1664x32xf32, #tpu.memory_space<vmem>> -> memref<128x32xf32, #tpu.memory_space<vmem>>
        %dma_start3A_493 = arith.constant 1152 : i32
        %dma_start3A_494 = tpu.memref_slice %arg7[%dma_start3A_489, %dma_start3A_493] : memref<2x1664xi32, #tpu.memory_space<vmem>> -> memref<1x128xi32, #tpu.memory_space<vmem>>
        %dma_start3A_495 = tpu.memref_squeeze %dma_start3A_494 : memref<1x128xi32, #tpu.memory_space<vmem>> -> memref<128xi32, #tpu.memory_space<vmem>>
        %dma_start3A_496 = arith.constant 0 : i32
        %dma_start3A_497 = arith.constant 0 : i32
        %dma_start3A_498 = tpu.memref_slice %arg3[%scan3A_256, %dma_start3A_496, %dma_start3A_497] : memref<26x100000x32xf32, #tpu.memory_space<hbm>> -> memref<1x100000x32xf32, #tpu.memory_space<hbm>>
        %dma_start3A_499 = tpu.memref_squeeze %dma_start3A_498 : memref<1x100000x32xf32, #tpu.memory_space<hbm>> -> memref<100000x32xf32, #tpu.memory_space<hbm>>
        %dma_start3A_500 = arith.constant 0 : i32
        %dma_start3A_501 = arith.constant 0 : i32
        %dma_start3A_502 = tpu.memref_slice %dma_start3A_499[%dma_start3A_500, %dma_start3A_501] : memref<100000x32xf32, #tpu.memory_space<hbm>> -> memref<100000x32xf32, #tpu.memory_space<hbm>>
        tpu.enqueue_indirect_dma source(%dma_start3A_502 : memref<100000x32xf32, #tpu.memory_space<hbm>>) target(%dma_start3A_492 : memref<128x32xf32, #tpu.memory_space<vmem>>) offsets(%dma_start3A_495 : memref<128xi32, #tpu.memory_space<vmem>>) semaphore(%arg12 : memref<!tpu.dma_semaphore, #tpu.memory_space<semaphore_mem>>)
        %dma_start3A_503 = arith.constant 0 : i32
        %dma_start3A_504 = arith.constant 1280 : i32
        %dma_start3A_505 = arith.constant 0 : i32
        %dma_start3A_506 = tpu.memref_slice %arg9[%dma_start3A_504, %dma_start3A_505] : memref<1664x32xf32, #tpu.memory_space<vmem>> -> memref<128x32xf32, #tpu.memory_space<vmem>>
        %dma_start3A_507 = arith.constant 1280 : i32
        %dma_start3A_508 = tpu.memref_slice %arg7[%dma_start3A_503, %dma_start3A_507] : memref<2x1664xi32, #tpu.memory_space<vmem>> -> memref<1x128xi32, #tpu.memory_space<vmem>>
        %dma_start3A_509 = tpu.memref_squeeze %dma_start3A_508 : memref<1x128xi32, #tpu.memory_space<vmem>> -> memref<128xi32, #tpu.memory_space<vmem>>
        %dma_start3A_510 = arith.constant 0 : i32
        %dma_start3A_511 = arith.constant 0 : i32
        %dma_start3A_512 = tpu.memref_slice %arg3[%scan3A_256, %dma_start3A_510, %dma_start3A_511] : memref<26x100000x32xf32, #tpu.memory_space<hbm>> -> memref<1x100000x32xf32, #tpu.memory_space<hbm>>
        %dma_start3A_513 = tpu.memref_squeeze %dma_start3A_512 : memref<1x100000x32xf32, #tpu.memory_space<hbm>> -> memref<100000x32xf32, #tpu.memory_space<hbm>>
        %dma_start3A_514 = arith.constant 0 : i32
        %dma_start3A_515 = arith.constant 0 : i32
        %dma_start3A_516 = tpu.memref_slice %dma_start3A_513[%dma_start3A_514, %dma_start3A_515] : memref<100000x32xf32, #tpu.memory_space<hbm>> -> memref<100000x32xf32, #tpu.memory_space<hbm>>
        tpu.enqueue_indirect_dma source(%dma_start3A_516 : memref<100000x32xf32, #tpu.memory_space<hbm>>) target(%dma_start3A_506 : memref<128x32xf32, #tpu.memory_space<vmem>>) offsets(%dma_start3A_509 : memref<128xi32, #tpu.memory_space<vmem>>) semaphore(%arg12 : memref<!tpu.dma_semaphore, #tpu.memory_space<semaphore_mem>>)
        %dma_start3A_517 = arith.constant 0 : i32
        %dma_start3A_518 = arith.constant 1408 : i32
        %dma_start3A_519 = arith.constant 0 : i32
        %dma_start3A_520 = tpu.memref_slice %arg9[%dma_start3A_518, %dma_start3A_519] : memref<1664x32xf32, #tpu.memory_space<vmem>> -> memref<128x32xf32, #tpu.memory_space<vmem>>
        %dma_start3A_521 = arith.constant 1408 : i32
        %dma_start3A_522 = tpu.memref_slice %arg7[%dma_start3A_517, %dma_start3A_521] : memref<2x1664xi32, #tpu.memory_space<vmem>> -> memref<1x128xi32, #tpu.memory_space<vmem>>
        %dma_start3A_523 = tpu.memref_squeeze %dma_start3A_522 : memref<1x128xi32, #tpu.memory_space<vmem>> -> memref<128xi32, #tpu.memory_space<vmem>>
        %dma_start3A_524 = arith.constant 0 : i32
        %dma_start3A_525 = arith.constant 0 : i32
        %dma_start3A_526 = tpu.memref_slice %arg3[%scan3A_256, %dma_start3A_524, %dma_start3A_525] : memref<26x100000x32xf32, #tpu.memory_space<hbm>> -> memref<1x100000x32xf32, #tpu.memory_space<hbm>>
        %dma_start3A_527 = tpu.memref_squeeze %dma_start3A_526 : memref<1x100000x32xf32, #tpu.memory_space<hbm>> -> memref<100000x32xf32, #tpu.memory_space<hbm>>
        %dma_start3A_528 = arith.constant 0 : i32
        %dma_start3A_529 = arith.constant 0 : i32
        %dma_start3A_530 = tpu.memref_slice %dma_start3A_527[%dma_start3A_528, %dma_start3A_529] : memref<100000x32xf32, #tpu.memory_space<hbm>> -> memref<100000x32xf32, #tpu.memory_space<hbm>>
        tpu.enqueue_indirect_dma source(%dma_start3A_530 : memref<100000x32xf32, #tpu.memory_space<hbm>>) target(%dma_start3A_520 : memref<128x32xf32, #tpu.memory_space<vmem>>) offsets(%dma_start3A_523 : memref<128xi32, #tpu.memory_space<vmem>>) semaphore(%arg12 : memref<!tpu.dma_semaphore, #tpu.memory_space<semaphore_mem>>)
        %dma_start3A_531 = arith.constant 0 : i32
        %dma_start3A_532 = arith.constant 1536 : i32
        %dma_start3A_533 = arith.constant 0 : i32
        %dma_start3A_534 = tpu.memref_slice %arg9[%dma_start3A_532, %dma_start3A_533] : memref<1664x32xf32, #tpu.memory_space<vmem>> -> memref<128x32xf32, #tpu.memory_space<vmem>>
        %dma_start3A_535 = arith.constant 1536 : i32
        %dma_start3A_536 = tpu.memref_slice %arg7[%dma_start3A_531, %dma_start3A_535] : memref<2x1664xi32, #tpu.memory_space<vmem>> -> memref<1x128xi32, #tpu.memory_space<vmem>>
        %dma_start3A_537 = tpu.memref_squeeze %dma_start3A_536 : memref<1x128xi32, #tpu.memory_space<vmem>> -> memref<128xi32, #tpu.memory_space<vmem>>
        %dma_start3A_538 = arith.constant 0 : i32
        %dma_start3A_539 = arith.constant 0 : i32
        %dma_start3A_540 = tpu.memref_slice %arg3[%scan3A_256, %dma_start3A_538, %dma_start3A_539] : memref<26x100000x32xf32, #tpu.memory_space<hbm>> -> memref<1x100000x32xf32, #tpu.memory_space<hbm>>
        %dma_start3A_541 = tpu.memref_squeeze %dma_start3A_540 : memref<1x100000x32xf32, #tpu.memory_space<hbm>> -> memref<100000x32xf32, #tpu.memory_space<hbm>>
        %dma_start3A_542 = arith.constant 0 : i32
        %dma_start3A_543 = arith.constant 0 : i32
        %dma_start3A_544 = tpu.memref_slice %dma_start3A_541[%dma_start3A_542, %dma_start3A_543] : memref<100000x32xf32, #tpu.memory_space<hbm>> -> memref<100000x32xf32, #tpu.memory_space<hbm>>
        tpu.enqueue_indirect_dma source(%dma_start3A_544 : memref<100000x32xf32, #tpu.memory_space<hbm>>) target(%dma_start3A_534 : memref<128x32xf32, #tpu.memory_space<vmem>>) offsets(%dma_start3A_537 : memref<128xi32, #tpu.memory_space<vmem>>) semaphore(%arg12 : memref<!tpu.dma_semaphore, #tpu.memory_space<semaphore_mem>>)
      } else {
      }
      %dma_wait3A_310 = arith.constant 0 : i32
      %dma_wait3A_311 = arith.constant 0 : i32
      %dma_wait3A_312 = tpu.memref_slice %arg3[%scan3A_256, %dma_wait3A_310, %dma_wait3A_311] : memref<26x100000x32xf32, #tpu.memory_space<hbm>> -> memref<1x100000x32xf32, #tpu.memory_space<hbm>>
      %dma_wait3A_313 = tpu.memref_squeeze %dma_wait3A_312 : memref<1x100000x32xf32, #tpu.memory_space<hbm>> -> memref<100000x32xf32, #tpu.memory_space<hbm>>
      %dma_wait3A_314 = arith.constant 0 : i32
      %dma_wait3A_315 = arith.constant 0 : i32
      %dma_wait3A_316 = tpu.memref_slice %dma_wait3A_313[%dma_wait3A_314, %dma_wait3A_315] : memref<100000x32xf32, #tpu.memory_space<hbm>> -> memref<1664x32xf32, #tpu.memory_space<hbm>>
      %dma_wait3A_317 = arith.constant 0 : i32
      %dma_wait3A_318 = arith.constant 0 : i32
      %dma_wait3A_319 = tpu.memref_slice %arg3[%scan3A_256, %dma_wait3A_317, %dma_wait3A_318] : memref<26x100000x32xf32, #tpu.memory_space<hbm>> -> memref<1x100000x32xf32, #tpu.memory_space<hbm>>
      %dma_wait3A_320 = tpu.memref_squeeze %dma_wait3A_319 : memref<1x100000x32xf32, #tpu.memory_space<hbm>> -> memref<100000x32xf32, #tpu.memory_space<hbm>>
      %dma_wait3A_321 = arith.constant 0 : i32
      %dma_wait3A_322 = arith.constant 0 : i32
      %dma_wait3A_323 = tpu.memref_slice %dma_wait3A_320[%dma_wait3A_321, %dma_wait3A_322] : memref<100000x32xf32, #tpu.memory_space<hbm>> -> memref<1664x32xf32, #tpu.memory_space<hbm>>
      tpu.wait_dma2 semaphore(%arg13 : memref<!tpu.dma_semaphore, #tpu.memory_space<semaphore_mem>>) src(%dma_wait3A_323 : memref<1664x32xf32, #tpu.memory_space<hbm>>) dst(%arg10 : memref<1664x32xf32, #tpu.memory_space<vmem>>)
      %scan3A_324 = arith.constant 0 : i32
      %scan3A_325 = arith.constant 0 : i32
      %scan3A_326 = arith.constant 16 : i32
      %scan3A_327 = arith.addi %scan3A_325, %scan3A_326 : i32
      %scan3A_328 = arith.constant 1 : i32
      scf.for %scan3A_335 = %scan3A_325 to %scan3A_327 step %scan3A_328  : i32 {
        %mul3A_336 = arith.constant 104 : i32
        %mul3A_337 = arith.muli %scan3A_335, %mul3A_336 : i32
        %add3A_338 = arith.constant 0 : i32
        %add3A_339 = arith.addi %mul3A_337, %add3A_338 : i32
        %get3A = arith.index_cast %add3A_339 : i32 to index
        %get3A_340 = arith.constant 0 : index
        %get3A_341 = tpu.vector_load %arg10[%get3A, %get3A_340] {strides = array<i32>} : memref<1664x32xf32, #tpu.memory_space<vmem>>, vector<1x16xf32>,
        %get3A_342 = vector.shape_cast %get3A_341 : vector<1x16xf32> to vector<16xf32>
        %get3A_343 = arith.index_cast %add3A_339 : i32 to index
        %get3A_344 = arith.constant 16 : index
        %get3A_345 = tpu.vector_load %arg10[%get3A_343, %get3A_344] {strides = array<i32>} : memref<1664x32xf32, #tpu.memory_space<vmem>>, vector<1x16xf32>,
        %get3A_346 = vector.shape_cast %get3A_345 : vector<1x16xf32> to vector<16xf32>
        %add3A_347 = arith.constant 1 : i32
        %add3A_348 = arith.addi %add3A_339, %add3A_347 : i32
        %get3A_349 = arith.index_cast %add3A_348 : i32 to index
        %get3A_350 = arith.constant 0 : index
        %get3A_351 = tpu.vector_load %arg10[%get3A_349, %get3A_350] {strides = array<i32>} : memref<1664x32xf32, #tpu.memory_space<vmem>>, vector<1x16xf32>,
        %get3A_352 = vector.shape_cast %get3A_351 : vector<1x16xf32> to vector<16xf32>
        %add3A_353 = arith.addf %get3A_342, %get3A_352 : vector<16xf32>
        %add3A_354 = arith.constant 1 : i32
        %add3A_355 = arith.addi %add3A_339, %add3A_354 : i32
        %get3A_356 = arith.index_cast %add3A_355 : i32 to index
        %get3A_357 = arith.constant 16 : index
        %get3A_358 = tpu.vector_load %arg10[%get3A_356, %get3A_357] {strides = array<i32>} : memref<1664x32xf32, #tpu.memory_space<vmem>>, vector<1x16xf32>,
        %get3A_359 = vector.shape_cast %get3A_358 : vector<1x16xf32> to vector<16xf32>
        %add3A_360 = arith.addf %get3A_346, %get3A_359 : vector<16xf32>
        %add3A_361 = arith.constant 2 : i32
        %add3A_362 = arith.addi %add3A_339, %add3A_361 : i32
        %get3A_363 = arith.index_cast %add3A_362 : i32 to index
        %get3A_364 = arith.constant 0 : index
        %get3A_365 = tpu.vector_load %arg10[%get3A_363, %get3A_364] {strides = array<i32>} : memref<1664x32xf32, #tpu.memory_space<vmem>>, vector<1x16xf32>,
        %get3A_366 = vector.shape_cast %get3A_365 : vector<1x16xf32> to vector<16xf32>
        %add3A_367 = arith.addf %add3A_353, %get3A_366 : vector<16xf32>
        %add3A_368 = arith.constant 2 : i32
        %add3A_369 = arith.addi %add3A_339, %add3A_368 : i32
        %get3A_370 = arith.index_cast %add3A_369 : i32 to index
        %get3A_371 = arith.constant 16 : index
        %get3A_372 = tpu.vector_load %arg10[%get3A_370, %get3A_371] {strides = array<i32>} : memref<1664x32xf32, #tpu.memory_space<vmem>>, vector<1x16xf32>,
        %get3A_373 = vector.shape_cast %get3A_372 : vector<1x16xf32> to vector<16xf32>
        %add3A_374 = arith.addf %add3A_360, %get3A_373 : vector<16xf32>
        %add3A_375 = arith.constant 3 : i32
        %add3A_376 = arith.addi %add3A_339, %add3A_375 : i32
        %get3A_377 = arith.index_cast %add3A_376 : i32 to index
        %get3A_378 = arith.constant 0 : index
        %get3A_379 = tpu.vector_load %arg10[%get3A_377, %get3A_378] {strides = array<i32>} : memref<1664x32xf32, #tpu.memory_space<vmem>>, vector<1x16xf32>,
        %get3A_380 = vector.shape_cast %get3A_379 : vector<1x16xf32> to vector<16xf32>
        %add3A_381 = arith.addf %add3A_367, %get3A_380 : vector<16xf32>
        %add3A_382 = arith.constant 3 : i32
        %add3A_383 = arith.addi %add3A_339, %add3A_382 : i32
        %get3A_384 = arith.index_cast %add3A_383 : i32 to index
        %get3A_385 = arith.constant 16 : index
        %get3A_386 = tpu.vector_load %arg10[%get3A_384, %get3A_385] {strides = array<i32>} : memref<1664x32xf32, #tpu.memory_space<vmem>>, vector<1x16xf32>,
        %get3A_387 = vector.shape_cast %get3A_386 : vector<1x16xf32> to vector<16xf32>
        %add3A_388 = arith.addf %add3A_374, %get3A_387 : vector<16xf32>
        %add3A_389 = arith.constant 4 : i32
        %add3A_390 = arith.addi %add3A_339, %add3A_389 : i32
        %get3A_391 = arith.index_cast %add3A_390 : i32 to index
        %get3A_392 = arith.constant 0 : index
        %get3A_393 = tpu.vector_load %arg10[%get3A_391, %get3A_392] {strides = array<i32>} : memref<1664x32xf32, #tpu.memory_space<vmem>>, vector<1x16xf32>,
        %get3A_394 = vector.shape_cast %get3A_393 : vector<1x16xf32> to vector<16xf32>
        %add3A_395 = arith.addf %add3A_381, %get3A_394 : vector<16xf32>
        %add3A_396 = arith.constant 4 : i32
        %add3A_397 = arith.addi %add3A_339, %add3A_396 : i32
        %get3A_398 = arith.index_cast %add3A_397 : i32 to index
        %get3A_399 = arith.constant 16 : index
        %get3A_400 = tpu.vector_load %arg10[%get3A_398, %get3A_399] {strides = array<i32>} : memref<1664x32xf32, #tpu.memory_space<vmem>>, vector<1x16xf32>,
        %get3A_401 = vector.shape_cast %get3A_400 : vector<1x16xf32> to vector<16xf32>
        %add3A_402 = arith.addf %add3A_388, %get3A_401 : vector<16xf32>
        %add3A_403 = arith.constant 5 : i32
        %add3A_404 = arith.addi %add3A_339, %add3A_403 : i32
        %get3A_405 = arith.index_cast %add3A_404 : i32 to index
        %get3A_406 = arith.constant 0 : index
        %get3A_407 = tpu.vector_load %arg10[%get3A_405, %get3A_406] {strides = array<i32>} : memref<1664x32xf32, #tpu.memory_space<vmem>>, vector<1x16xf32>,
        %get3A_408 = vector.shape_cast %get3A_407 : vector<1x16xf32> to vector<16xf32>
        %add3A_409 = arith.addf %add3A_395, %get3A_408 : vector<16xf32>
        %add3A_410 = arith.constant 5 : i32
        %add3A_411 = arith.addi %add3A_339, %add3A_410 : i32
        %get3A_412 = arith.index_cast %add3A_411 : i32 to index
        %get3A_413 = arith.constant 16 : index
        %get3A_414 = tpu.vector_load %arg10[%get3A_412, %get3A_413] {strides = array<i32>} : memref<1664x32xf32, #tpu.memory_space<vmem>>, vector<1x16xf32>,
        %get3A_415 = vector.shape_cast %get3A_414 : vector<1x16xf32> to vector<16xf32>
        %add3A_416 = arith.addf %add3A_402, %get3A_415 : vector<16xf32>
        %add3A_417 = arith.constant 6 : i32
        %add3A_418 = arith.addi %add3A_339, %add3A_417 : i32
        %get3A_419 = arith.index_cast %add3A_418 : i32 to index
        %get3A_420 = arith.constant 0 : index
        %get3A_421 = tpu.vector_load %arg10[%get3A_419, %get3A_420] {strides = array<i32>} : memref<1664x32xf32, #tpu.memory_space<vmem>>, vector<1x16xf32>,
        %get3A_422 = vector.shape_cast %get3A_421 : vector<1x16xf32> to vector<16xf32>
        %add3A_423 = arith.addf %add3A_409, %get3A_422 : vector<16xf32>
        %add3A_424 = arith.constant 6 : i32
        %add3A_425 = arith.addi %add3A_339, %add3A_424 : i32
        %get3A_426 = arith.index_cast %add3A_425 : i32 to index
        %get3A_427 = arith.constant 16 : index
        %get3A_428 = tpu.vector_load %arg10[%get3A_426, %get3A_427] {strides = array<i32>} : memref<1664x32xf32, #tpu.memory_space<vmem>>, vector<1x16xf32>,
        %get3A_429 = vector.shape_cast %get3A_428 : vector<1x16xf32> to vector<16xf32>
        %add3A_430 = arith.addf %add3A_416, %get3A_429 : vector<16xf32>
        %add3A_431 = arith.constant 7 : i32
        %add3A_432 = arith.addi %add3A_339, %add3A_431 : i32
        %get3A_433 = arith.index_cast %add3A_432 : i32 to index
        %get3A_434 = arith.constant 0 : index
        %get3A_435 = tpu.vector_load %arg10[%get3A_433, %get3A_434] {strides = array<i32>} : memref<1664x32xf32, #tpu.memory_space<vmem>>, vector<1x16xf32>,
        %get3A_436 = vector.shape_cast %get3A_435 : vector<1x16xf32> to vector<16xf32>
        %add3A_437 = arith.addf %add3A_423, %get3A_436 : vector<16xf32>
        %add3A_438 = arith.constant 7 : i32
        %add3A_439 = arith.addi %add3A_339, %add3A_438 : i32
        %get3A_440 = arith.index_cast %add3A_439 : i32 to index
        %get3A_441 = arith.constant 16 : index
        %get3A_442 = tpu.vector_load %arg10[%get3A_440, %get3A_441] {strides = array<i32>} : memref<1664x32xf32, #tpu.memory_space<vmem>>, vector<1x16xf32>,
        %get3A_443 = vector.shape_cast %get3A_442 : vector<1x16xf32> to vector<16xf32>
        %add3A_444 = arith.addf %add3A_430, %get3A_443 : vector<16xf32>
        %add3A_445 = arith.constant 8 : i32
        %add3A_446 = arith.addi %add3A_339, %add3A_445 : i32
        %get3A_447 = arith.index_cast %add3A_446 : i32 to index
        %get3A_448 = arith.constant 0 : index
        %get3A_449 = tpu.vector_load %arg10[%get3A_447, %get3A_448] {strides = array<i32>} : memref<1664x32xf32, #tpu.memory_space<vmem>>, vector<1x16xf32>,
        %get3A_450 = vector.shape_cast %get3A_449 : vector<1x16xf32> to vector<16xf32>
        %add3A_451 = arith.addf %add3A_437, %get3A_450 : vector<16xf32>
        %add3A_452 = arith.constant 8 : i32
        %add3A_453 = arith.addi %add3A_339, %add3A_452 : i32
        %get3A_454 = arith.index_cast %add3A_453 : i32 to index
        %get3A_455 = arith.constant 16 : index
        %get3A_456 = tpu.vector_load %arg10[%get3A_454, %get3A_455] {strides = array<i32>} : memref<1664x32xf32, #tpu.memory_space<vmem>>, vector<1x16xf32>,
        %get3A_457 = vector.shape_cast %get3A_456 : vector<1x16xf32> to vector<16xf32>
        %add3A_458 = arith.addf %add3A_444, %get3A_457 : vector<16xf32>
        %add3A_459 = arith.constant 9 : i32
        %add3A_460 = arith.addi %add3A_339, %add3A_459 : i32
        %get3A_461 = arith.index_cast %add3A_460 : i32 to index
        %get3A_462 = arith.constant 0 : index
        %get3A_463 = tpu.vector_load %arg10[%get3A_461, %get3A_462] {strides = array<i32>} : memref<1664x32xf32, #tpu.memory_space<vmem>>, vector<1x16xf32>,
        %get3A_464 = vector.shape_cast %get3A_463 : vector<1x16xf32> to vector<16xf32>
        %add3A_465 = arith.addf %add3A_451, %get3A_464 : vector<16xf32>
        %add3A_466 = arith.constant 9 : i32
        %add3A_467 = arith.addi %add3A_339, %add3A_466 : i32
        %get3A_468 = arith.index_cast %add3A_467 : i32 to index
        %get3A_469 = arith.constant 16 : index
        %get3A_470 = tpu.vector_load %arg10[%get3A_468, %get3A_469] {strides = array<i32>} : memref<1664x32xf32, #tpu.memory_space<vmem>>, vector<1x16xf32>,
        %get3A_471 = vector.shape_cast %get3A_470 : vector<1x16xf32> to vector<16xf32>
        %add3A_472 = arith.addf %add3A_458, %get3A_471 : vector<16xf32>
        %add3A_473 = arith.constant 10 : i32
        %add3A_474 = arith.addi %add3A_339, %add3A_473 : i32
        %get3A_475 = arith.index_cast %add3A_474 : i32 to index
        %get3A_476 = arith.constant 0 : index
        %get3A_477 = tpu.vector_load %arg10[%get3A_475, %get3A_476] {strides = array<i32>} : memref<1664x32xf32, #tpu.memory_space<vmem>>, vector<1x16xf32>,
        %get3A_478 = vector.shape_cast %get3A_477 : vector<1x16xf32> to vector<16xf32>
        %add3A_479 = arith.addf %add3A_465, %get3A_478 : vector<16xf32>
        %add3A_480 = arith.constant 10 : i32
        %add3A_481 = arith.addi %add3A_339, %add3A_480 : i32
        %get3A_482 = arith.index_cast %add3A_481 : i32 to index
        %get3A_483 = arith.constant 16 : index
        %get3A_484 = tpu.vector_load %arg10[%get3A_482, %get3A_483] {strides = array<i32>} : memref<1664x32xf32, #tpu.memory_space<vmem>>, vector<1x16xf32>,
        %get3A_485 = vector.shape_cast %get3A_484 : vector<1x16xf32> to vector<16xf32>
        %add3A_486 = arith.addf %add3A_472, %get3A_485 : vector<16xf32>
        %add3A_487 = arith.constant 11 : i32
        %add3A_488 = arith.addi %add3A_339, %add3A_487 : i32
        %get3A_489 = arith.index_cast %add3A_488 : i32 to index
        %get3A_490 = arith.constant 0 : index
        %get3A_491 = tpu.vector_load %arg10[%get3A_489, %get3A_490] {strides = array<i32>} : memref<1664x32xf32, #tpu.memory_space<vmem>>, vector<1x16xf32>,
        %get3A_492 = vector.shape_cast %get3A_491 : vector<1x16xf32> to vector<16xf32>
        %add3A_493 = arith.addf %add3A_479, %get3A_492 : vector<16xf32>
        %add3A_494 = arith.constant 11 : i32
        %add3A_495 = arith.addi %add3A_339, %add3A_494 : i32
        %get3A_496 = arith.index_cast %add3A_495 : i32 to index
        %get3A_497 = arith.constant 16 : index
        %get3A_498 = tpu.vector_load %arg10[%get3A_496, %get3A_497] {strides = array<i32>} : memref<1664x32xf32, #tpu.memory_space<vmem>>, vector<1x16xf32>,
        %get3A_499 = vector.shape_cast %get3A_498 : vector<1x16xf32> to vector<16xf32>
        %add3A_500 = arith.addf %add3A_486, %get3A_499 : vector<16xf32>
        %add3A_501 = arith.constant 12 : i32
        %add3A_502 = arith.addi %add3A_339, %add3A_501 : i32
        %get3A_503 = arith.index_cast %add3A_502 : i32 to index
        %get3A_504 = arith.constant 0 : index
        %get3A_505 = tpu.vector_load %arg10[%get3A_503, %get3A_504] {strides = array<i32>} : memref<1664x32xf32, #tpu.memory_space<vmem>>, vector<1x16xf32>,
        %get3A_506 = vector.shape_cast %get3A_505 : vector<1x16xf32> to vector<16xf32>
        %add3A_507 = arith.addf %add3A_493, %get3A_506 : vector<16xf32>
        %add3A_508 = arith.constant 12 : i32
        %add3A_509 = arith.addi %add3A_339, %add3A_508 : i32
        %get3A_510 = arith.index_cast %add3A_509 : i32 to index
        %get3A_511 = arith.constant 16 : index
        %get3A_512 = tpu.vector_load %arg10[%get3A_510, %get3A_511] {strides = array<i32>} : memref<1664x32xf32, #tpu.memory_space<vmem>>, vector<1x16xf32>,
        %get3A_513 = vector.shape_cast %get3A_512 : vector<1x16xf32> to vector<16xf32>
        %add3A_514 = arith.addf %add3A_500, %get3A_513 : vector<16xf32>
        %add3A_515 = arith.constant 13 : i32
        %add3A_516 = arith.addi %add3A_339, %add3A_515 : i32
        %get3A_517 = arith.index_cast %add3A_516 : i32 to index
        %get3A_518 = arith.constant 0 : index
        %get3A_519 = tpu.vector_load %arg10[%get3A_517, %get3A_518] {strides = array<i32>} : memref<1664x32xf32, #tpu.memory_space<vmem>>, vector<1x16xf32>,
        %get3A_520 = vector.shape_cast %get3A_519 : vector<1x16xf32> to vector<16xf32>
        %add3A_521 = arith.addf %add3A_507, %get3A_520 : vector<16xf32>
        %add3A_522 = arith.constant 13 : i32
        %add3A_523 = arith.addi %add3A_339, %add3A_522 : i32
        %get3A_524 = arith.index_cast %add3A_523 : i32 to index
        %get3A_525 = arith.constant 16 : index
        %get3A_526 = tpu.vector_load %arg10[%get3A_524, %get3A_525] {strides = array<i32>} : memref<1664x32xf32, #tpu.memory_space<vmem>>, vector<1x16xf32>,
        %get3A_527 = vector.shape_cast %get3A_526 : vector<1x16xf32> to vector<16xf32>
        %add3A_528 = arith.addf %add3A_514, %get3A_527 : vector<16xf32>
        %add3A_529 = arith.constant 14 : i32
        %add3A_530 = arith.addi %add3A_339, %add3A_529 : i32
        %get3A_531 = arith.index_cast %add3A_530 : i32 to index
        %get3A_532 = arith.constant 0 : index
        %get3A_533 = tpu.vector_load %arg10[%get3A_531, %get3A_532] {strides = array<i32>} : memref<1664x32xf32, #tpu.memory_space<vmem>>, vector<1x16xf32>,
        %get3A_534 = vector.shape_cast %get3A_533 : vector<1x16xf32> to vector<16xf32>
        %add3A_535 = arith.addf %add3A_521, %get3A_534 : vector<16xf32>
        %add3A_536 = arith.constant 14 : i32
        %add3A_537 = arith.addi %add3A_339, %add3A_536 : i32
        %get3A_538 = arith.index_cast %add3A_537 : i32 to index
        %get3A_539 = arith.constant 16 : index
        %get3A_540 = tpu.vector_load %arg10[%get3A_538, %get3A_539] {strides = array<i32>} : memref<1664x32xf32, #tpu.memory_space<vmem>>, vector<1x16xf32>,
        %get3A_541 = vector.shape_cast %get3A_540 : vector<1x16xf32> to vector<16xf32>
        %add3A_542 = arith.addf %add3A_528, %get3A_541 : vector<16xf32>
        %add3A_543 = arith.constant 15 : i32
        %add3A_544 = arith.addi %add3A_339, %add3A_543 : i32
        %get3A_545 = arith.index_cast %add3A_544 : i32 to index
        %get3A_546 = arith.constant 0 : index
        %get3A_547 = tpu.vector_load %arg10[%get3A_545, %get3A_546] {strides = array<i32>} : memref<1664x32xf32, #tpu.memory_space<vmem>>, vector<1x16xf32>,
        %get3A_548 = vector.shape_cast %get3A_547 : vector<1x16xf32> to vector<16xf32>
        %add3A_549 = arith.addf %add3A_535, %get3A_548 : vector<16xf32>
        %add3A_550 = arith.constant 15 : i32
        %add3A_551 = arith.addi %add3A_339, %add3A_550 : i32
        %get3A_552 = arith.index_cast %add3A_551 : i32 to index
        %get3A_553 = arith.constant 16 : index
        %get3A_554 = tpu.vector_load %arg10[%get3A_552, %get3A_553] {strides = array<i32>} : memref<1664x32xf32, #tpu.memory_space<vmem>>, vector<1x16xf32>,
        %get3A_555 = vector.shape_cast %get3A_554 : vector<1x16xf32> to vector<16xf32>
        %add3A_556 = arith.addf %add3A_542, %get3A_555 : vector<16xf32>
        %add3A_557 = arith.constant 16 : i32
        %add3A_558 = arith.addi %add3A_339, %add3A_557 : i32
        %get3A_559 = arith.index_cast %add3A_558 : i32 to index
        %get3A_560 = arith.constant 0 : index
        %get3A_561 = tpu.vector_load %arg10[%get3A_559, %get3A_560] {strides = array<i32>} : memref<1664x32xf32, #tpu.memory_space<vmem>>, vector<1x16xf32>,
        %get3A_562 = vector.shape_cast %get3A_561 : vector<1x16xf32> to vector<16xf32>
        %add3A_563 = arith.addf %add3A_549, %get3A_562 : vector<16xf32>
        %add3A_564 = arith.constant 16 : i32
        %add3A_565 = arith.addi %add3A_339, %add3A_564 : i32
        %get3A_566 = arith.index_cast %add3A_565 : i32 to index
        %get3A_567 = arith.constant 16 : index
        %get3A_568 = tpu.vector_load %arg10[%get3A_566, %get3A_567] {strides = array<i32>} : memref<1664x32xf32, #tpu.memory_space<vmem>>, vector<1x16xf32>,
        %get3A_569 = vector.shape_cast %get3A_568 : vector<1x16xf32> to vector<16xf32>
        %add3A_570 = arith.addf %add3A_556, %get3A_569 : vector<16xf32>
        %add3A_571 = arith.constant 17 : i32
        %add3A_572 = arith.addi %add3A_339, %add3A_571 : i32
        %get3A_573 = arith.index_cast %add3A_572 : i32 to index
        %get3A_574 = arith.constant 0 : index
        %get3A_575 = tpu.vector_load %arg10[%get3A_573, %get3A_574] {strides = array<i32>} : memref<1664x32xf32, #tpu.memory_space<vmem>>, vector<1x16xf32>,
        %get3A_576 = vector.shape_cast %get3A_575 : vector<1x16xf32> to vector<16xf32>
        %add3A_577 = arith.addf %add3A_563, %get3A_576 : vector<16xf32>
        %add3A_578 = arith.constant 17 : i32
        %add3A_579 = arith.addi %add3A_339, %add3A_578 : i32
        %get3A_580 = arith.index_cast %add3A_579 : i32 to index
        %get3A_581 = arith.constant 16 : index
        %get3A_582 = tpu.vector_load %arg10[%get3A_580, %get3A_581] {strides = array<i32>} : memref<1664x32xf32, #tpu.memory_space<vmem>>, vector<1x16xf32>,
        %get3A_583 = vector.shape_cast %get3A_582 : vector<1x16xf32> to vector<16xf32>
        %add3A_584 = arith.addf %add3A_570, %get3A_583 : vector<16xf32>
        %add3A_585 = arith.constant 18 : i32
        %add3A_586 = arith.addi %add3A_339, %add3A_585 : i32
        %get3A_587 = arith.index_cast %add3A_586 : i32 to index
        %get3A_588 = arith.constant 0 : index
        %get3A_589 = tpu.vector_load %arg10[%get3A_587, %get3A_588] {strides = array<i32>} : memref<1664x32xf32, #tpu.memory_space<vmem>>, vector<1x16xf32>,
        %get3A_590 = vector.shape_cast %get3A_589 : vector<1x16xf32> to vector<16xf32>
        %add3A_591 = arith.addf %add3A_577, %get3A_590 : vector<16xf32>
        %add3A_592 = arith.constant 18 : i32
        %add3A_593 = arith.addi %add3A_339, %add3A_592 : i32
        %get3A_594 = arith.index_cast %add3A_593 : i32 to index
        %get3A_595 = arith.constant 16 : index
        %get3A_596 = tpu.vector_load %arg10[%get3A_594, %get3A_595] {strides = array<i32>} : memref<1664x32xf32, #tpu.memory_space<vmem>>, vector<1x16xf32>,
        %get3A_597 = vector.shape_cast %get3A_596 : vector<1x16xf32> to vector<16xf32>
        %add3A_598 = arith.addf %add3A_584, %get3A_597 : vector<16xf32>
        %add3A_599 = arith.constant 19 : i32
        %add3A_600 = arith.addi %add3A_339, %add3A_599 : i32
        %get3A_601 = arith.index_cast %add3A_600 : i32 to index
        %get3A_602 = arith.constant 0 : index
        %get3A_603 = tpu.vector_load %arg10[%get3A_601, %get3A_602] {strides = array<i32>} : memref<1664x32xf32, #tpu.memory_space<vmem>>, vector<1x16xf32>,
        %get3A_604 = vector.shape_cast %get3A_603 : vector<1x16xf32> to vector<16xf32>
        %add3A_605 = arith.addf %add3A_591, %get3A_604 : vector<16xf32>
        %add3A_606 = arith.constant 19 : i32
        %add3A_607 = arith.addi %add3A_339, %add3A_606 : i32
        %get3A_608 = arith.index_cast %add3A_607 : i32 to index
        %get3A_609 = arith.constant 16 : index
        %get3A_610 = tpu.vector_load %arg10[%get3A_608, %get3A_609] {strides = array<i32>} : memref<1664x32xf32, #tpu.memory_space<vmem>>, vector<1x16xf32>,
        %get3A_611 = vector.shape_cast %get3A_610 : vector<1x16xf32> to vector<16xf32>
        %add3A_612 = arith.addf %add3A_598, %get3A_611 : vector<16xf32>
        %add3A_613 = arith.constant 20 : i32
        %add3A_614 = arith.addi %add3A_339, %add3A_613 : i32
        %get3A_615 = arith.index_cast %add3A_614 : i32 to index
        %get3A_616 = arith.constant 0 : index
        %get3A_617 = tpu.vector_load %arg10[%get3A_615, %get3A_616] {strides = array<i32>} : memref<1664x32xf32, #tpu.memory_space<vmem>>, vector<1x16xf32>,
        %get3A_618 = vector.shape_cast %get3A_617 : vector<1x16xf32> to vector<16xf32>
        %add3A_619 = arith.addf %add3A_605, %get3A_618 : vector<16xf32>
        %add3A_620 = arith.constant 20 : i32
        %add3A_621 = arith.addi %add3A_339, %add3A_620 : i32
        %get3A_622 = arith.index_cast %add3A_621 : i32 to index
        %get3A_623 = arith.constant 16 : index
        %get3A_624 = tpu.vector_load %arg10[%get3A_622, %get3A_623] {strides = array<i32>} : memref<1664x32xf32, #tpu.memory_space<vmem>>, vector<1x16xf32>,
        %get3A_625 = vector.shape_cast %get3A_624 : vector<1x16xf32> to vector<16xf32>
        %add3A_626 = arith.addf %add3A_612, %get3A_625 : vector<16xf32>
        %add3A_627 = arith.constant 21 : i32
        %add3A_628 = arith.addi %add3A_339, %add3A_627 : i32
        %get3A_629 = arith.index_cast %add3A_628 : i32 to index
        %get3A_630 = arith.constant 0 : index
        %get3A_631 = tpu.vector_load %arg10[%get3A_629, %get3A_630] {strides = array<i32>} : memref<1664x32xf32, #tpu.memory_space<vmem>>, vector<1x16xf32>,
        %get3A_632 = vector.shape_cast %get3A_631 : vector<1x16xf32> to vector<16xf32>
        %add3A_633 = arith.addf %add3A_619, %get3A_632 : vector<16xf32>
        %add3A_634 = arith.constant 21 : i32
        %add3A_635 = arith.addi %add3A_339, %add3A_634 : i32
        %get3A_636 = arith.index_cast %add3A_635 : i32 to index
        %get3A_637 = arith.constant 16 : index
        %get3A_638 = tpu.vector_load %arg10[%get3A_636, %get3A_637] {strides = array<i32>} : memref<1664x32xf32, #tpu.memory_space<vmem>>, vector<1x16xf32>,
        %get3A_639 = vector.shape_cast %get3A_638 : vector<1x16xf32> to vector<16xf32>
        %add3A_640 = arith.addf %add3A_626, %get3A_639 : vector<16xf32>
        %add3A_641 = arith.constant 22 : i32
        %add3A_642 = arith.addi %add3A_339, %add3A_641 : i32
        %get3A_643 = arith.index_cast %add3A_642 : i32 to index
        %get3A_644 = arith.constant 0 : index
        %get3A_645 = tpu.vector_load %arg10[%get3A_643, %get3A_644] {strides = array<i32>} : memref<1664x32xf32, #tpu.memory_space<vmem>>, vector<1x16xf32>,
        %get3A_646 = vector.shape_cast %get3A_645 : vector<1x16xf32> to vector<16xf32>
        %add3A_647 = arith.addf %add3A_633, %get3A_646 : vector<16xf32>
        %add3A_648 = arith.constant 22 : i32
        %add3A_649 = arith.addi %add3A_339, %add3A_648 : i32
        %get3A_650 = arith.index_cast %add3A_649 : i32 to index
        %get3A_651 = arith.constant 16 : index
        %get3A_652 = tpu.vector_load %arg10[%get3A_650, %get3A_651] {strides = array<i32>} : memref<1664x32xf32, #tpu.memory_space<vmem>>, vector<1x16xf32>,
        %get3A_653 = vector.shape_cast %get3A_652 : vector<1x16xf32> to vector<16xf32>
        %add3A_654 = arith.addf %add3A_640, %get3A_653 : vector<16xf32>
        %add3A_655 = arith.constant 23 : i32
        %add3A_656 = arith.addi %add3A_339, %add3A_655 : i32
        %get3A_657 = arith.index_cast %add3A_656 : i32 to index
        %get3A_658 = arith.constant 0 : index
        %get3A_659 = tpu.vector_load %arg10[%get3A_657, %get3A_658] {strides = array<i32>} : memref<1664x32xf32, #tpu.memory_space<vmem>>, vector<1x16xf32>,
        %get3A_660 = vector.shape_cast %get3A_659 : vector<1x16xf32> to vector<16xf32>
        %add3A_661 = arith.addf %add3A_647, %get3A_660 : vector<16xf32>
        %add3A_662 = arith.constant 23 : i32
        %add3A_663 = arith.addi %add3A_339, %add3A_662 : i32
        %get3A_664 = arith.index_cast %add3A_663 : i32 to index
        %get3A_665 = arith.constant 16 : index
        %get3A_666 = tpu.vector_load %arg10[%get3A_664, %get3A_665] {strides = array<i32>} : memref<1664x32xf32, #tpu.memory_space<vmem>>, vector<1x16xf32>,
        %get3A_667 = vector.shape_cast %get3A_666 : vector<1x16xf32> to vector<16xf32>
        %add3A_668 = arith.addf %add3A_654, %get3A_667 : vector<16xf32>
        %add3A_669 = arith.constant 24 : i32
        %add3A_670 = arith.addi %add3A_339, %add3A_669 : i32
        %get3A_671 = arith.index_cast %add3A_670 : i32 to index
        %get3A_672 = arith.constant 0 : index
        %get3A_673 = tpu.vector_load %arg10[%get3A_671, %get3A_672] {strides = array<i32>} : memref<1664x32xf32, #tpu.memory_space<vmem>>, vector<1x16xf32>,
        %get3A_674 = vector.shape_cast %get3A_673 : vector<1x16xf32> to vector<16xf32>
        %add3A_675 = arith.addf %add3A_661, %get3A_674 : vector<16xf32>
        %add3A_676 = arith.constant 24 : i32
        %add3A_677 = arith.addi %add3A_339, %add3A_676 : i32
        %get3A_678 = arith.index_cast %add3A_677 : i32 to index
        %get3A_679 = arith.constant 16 : index
        %get3A_680 = tpu.vector_load %arg10[%get3A_678, %get3A_679] {strides = array<i32>} : memref<1664x32xf32, #tpu.memory_space<vmem>>, vector<1x16xf32>,
        %get3A_681 = vector.shape_cast %get3A_680 : vector<1x16xf32> to vector<16xf32>
        %add3A_682 = arith.addf %add3A_668, %get3A_681 : vector<16xf32>
        %add3A_683 = arith.constant 25 : i32
        %add3A_684 = arith.addi %add3A_339, %add3A_683 : i32
        %get3A_685 = arith.index_cast %add3A_684 : i32 to index
        %get3A_686 = arith.constant 0 : index
        %get3A_687 = tpu.vector_load %arg10[%get3A_685, %get3A_686] {strides = array<i32>} : memref<1664x32xf32, #tpu.memory_space<vmem>>, vector<1x16xf32>,
        %get3A_688 = vector.shape_cast %get3A_687 : vector<1x16xf32> to vector<16xf32>
        %add3A_689 = arith.addf %add3A_675, %get3A_688 : vector<16xf32>
        %add3A_690 = arith.constant 25 : i32
        %add3A_691 = arith.addi %add3A_339, %add3A_690 : i32
        %get3A_692 = arith.index_cast %add3A_691 : i32 to index
        %get3A_693 = arith.constant 16 : index
        %get3A_694 = tpu.vector_load %arg10[%get3A_692, %get3A_693] {strides = array<i32>} : memref<1664x32xf32, #tpu.memory_space<vmem>>, vector<1x16xf32>,
        %get3A_695 = vector.shape_cast %get3A_694 : vector<1x16xf32> to vector<16xf32>
        %add3A_696 = arith.addf %add3A_682, %get3A_695 : vector<16xf32>
        %swap3A = arith.index_cast %scan3A_335 : i32 to index
        %swap3A_697 = arith.constant 0 : index
        %swap3A_698 = tpu.vector_load %arg11[%swap3A, %swap3A_697] {strides = array<i32>} : memref<16x128xf32, #tpu.memory_space<vmem>>, vector<1x16xf32>,
        %swap3A_699 = vector.shape_cast %swap3A_698 : vector<1x16xf32> to vector<16xf32>
        %swap3A_700 = vector.shape_cast %add3A_689 : vector<16xf32> to vector<1x16xf32>
        tpu.vector_store %arg11[%swap3A, %swap3A_697], %swap3A_700 {strides = array<i32>} : memref<16x128xf32, #tpu.memory_space<vmem>>, vector<1x16xf32>,
        %swap3A_701 = arith.index_cast %scan3A_335 : i32 to index
        %swap3A_702 = arith.constant 16 : index
        %swap3A_703 = tpu.vector_load %arg11[%swap3A_701, %swap3A_702] {strides = array<i32>} : memref<16x128xf32, #tpu.memory_space<vmem>>, vector<1x16xf32>,
        %swap3A_704 = vector.shape_cast %swap3A_703 : vector<1x16xf32> to vector<16xf32>
        %swap3A_705 = vector.shape_cast %add3A_696 : vector<16xf32> to vector<1x16xf32>
        tpu.vector_store %arg11[%swap3A_701, %swap3A_702], %swap3A_705 {strides = array<i32>} : memref<16x128xf32, #tpu.memory_space<vmem>>, vector<1x16xf32>,
        %mul3A_706 = arith.constant 104 : i32
        %mul3A_707 = arith.muli %scan3A_335, %mul3A_706 : i32
        %add3A_708 = arith.constant 26 : i32
        %add3A_709 = arith.addi %mul3A_707, %add3A_708 : i32
        %get3A_710 = arith.index_cast %add3A_709 : i32 to index
        %get3A_711 = arith.constant 0 : index
        %get3A_712 = tpu.vector_load %arg10[%get3A_710, %get3A_711] {strides = array<i32>} : memref<1664x32xf32, #tpu.memory_space<vmem>>, vector<1x16xf32>,
        %get3A_713 = vector.shape_cast %get3A_712 : vector<1x16xf32> to vector<16xf32>
        %get3A_714 = arith.index_cast %add3A_709 : i32 to index
        %get3A_715 = arith.constant 16 : index
        %get3A_716 = tpu.vector_load %arg10[%get3A_714, %get3A_715] {strides = array<i32>} : memref<1664x32xf32, #tpu.memory_space<vmem>>, vector<1x16xf32>,
        %get3A_717 = vector.shape_cast %get3A_716 : vector<1x16xf32> to vector<16xf32>
        %add3A_718 = arith.constant 1 : i32
        %add3A_719 = arith.addi %add3A_709, %add3A_718 : i32
        %get3A_720 = arith.index_cast %add3A_719 : i32 to index
        %get3A_721 = arith.constant 0 : index
        %get3A_722 = tpu.vector_load %arg10[%get3A_720, %get3A_721] {strides = array<i32>} : memref<1664x32xf32, #tpu.memory_space<vmem>>, vector<1x16xf32>,
        %get3A_723 = vector.shape_cast %get3A_722 : vector<1x16xf32> to vector<16xf32>
        %add3A_724 = arith.addf %get3A_713, %get3A_723 : vector<16xf32>
        %add3A_725 = arith.constant 1 : i32
        %add3A_726 = arith.addi %add3A_709, %add3A_725 : i32
        %get3A_727 = arith.index_cast %add3A_726 : i32 to index
        %get3A_728 = arith.constant 16 : index
        %get3A_729 = tpu.vector_load %arg10[%get3A_727, %get3A_728] {strides = array<i32>} : memref<1664x32xf32, #tpu.memory_space<vmem>>, vector<1x16xf32>,
        %get3A_730 = vector.shape_cast %get3A_729 : vector<1x16xf32> to vector<16xf32>
        %add3A_731 = arith.addf %get3A_717, %get3A_730 : vector<16xf32>
        %add3A_732 = arith.constant 2 : i32
        %add3A_733 = arith.addi %add3A_709, %add3A_732 : i32
        %get3A_734 = arith.index_cast %add3A_733 : i32 to index
        %get3A_735 = arith.constant 0 : index
        %get3A_736 = tpu.vector_load %arg10[%get3A_734, %get3A_735] {strides = array<i32>} : memref<1664x32xf32, #tpu.memory_space<vmem>>, vector<1x16xf32>,
        %get3A_737 = vector.shape_cast %get3A_736 : vector<1x16xf32> to vector<16xf32>
        %add3A_738 = arith.addf %add3A_724, %get3A_737 : vector<16xf32>
        %add3A_739 = arith.constant 2 : i32
        %add3A_740 = arith.addi %add3A_709, %add3A_739 : i32
        %get3A_741 = arith.index_cast %add3A_740 : i32 to index
        %get3A_742 = arith.constant 16 : index
        %get3A_743 = tpu.vector_load %arg10[%get3A_741, %get3A_742] {strides = array<i32>} : memref<1664x32xf32, #tpu.memory_space<vmem>>, vector<1x16xf32>,
        %get3A_744 = vector.shape_cast %get3A_743 : vector<1x16xf32> to vector<16xf32>
        %add3A_745 = arith.addf %add3A_731, %get3A_744 : vector<16xf32>
        %add3A_746 = arith.constant 3 : i32
        %add3A_747 = arith.addi %add3A_709, %add3A_746 : i32
        %get3A_748 = arith.index_cast %add3A_747 : i32 to index
        %get3A_749 = arith.constant 0 : index
        %get3A_750 = tpu.vector_load %arg10[%get3A_748, %get3A_749] {strides = array<i32>} : memref<1664x32xf32, #tpu.memory_space<vmem>>, vector<1x16xf32>,
        %get3A_751 = vector.shape_cast %get3A_750 : vector<1x16xf32> to vector<16xf32>
        %add3A_752 = arith.addf %add3A_738, %get3A_751 : vector<16xf32>
        %add3A_753 = arith.constant 3 : i32
        %add3A_754 = arith.addi %add3A_709, %add3A_753 : i32
        %get3A_755 = arith.index_cast %add3A_754 : i32 to index
        %get3A_756 = arith.constant 16 : index
        %get3A_757 = tpu.vector_load %arg10[%get3A_755, %get3A_756] {strides = array<i32>} : memref<1664x32xf32, #tpu.memory_space<vmem>>, vector<1x16xf32>,
        %get3A_758 = vector.shape_cast %get3A_757 : vector<1x16xf32> to vector<16xf32>
        %add3A_759 = arith.addf %add3A_745, %get3A_758 : vector<16xf32>
        %add3A_760 = arith.constant 4 : i32
        %add3A_761 = arith.addi %add3A_709, %add3A_760 : i32
        %get3A_762 = arith.index_cast %add3A_761 : i32 to index
        %get3A_763 = arith.constant 0 : index
        %get3A_764 = tpu.vector_load %arg10[%get3A_762, %get3A_763] {strides = array<i32>} : memref<1664x32xf32, #tpu.memory_space<vmem>>, vector<1x16xf32>,
        %get3A_765 = vector.shape_cast %get3A_764 : vector<1x16xf32> to vector<16xf32>
        %add3A_766 = arith.addf %add3A_752, %get3A_765 : vector<16xf32>
        %add3A_767 = arith.constant 4 : i32
        %add3A_768 = arith.addi %add3A_709, %add3A_767 : i32
        %get3A_769 = arith.index_cast %add3A_768 : i32 to index
        %get3A_770 = arith.constant 16 : index
        %get3A_771 = tpu.vector_load %arg10[%get3A_769, %get3A_770] {strides = array<i32>} : memref<1664x32xf32, #tpu.memory_space<vmem>>, vector<1x16xf32>,
        %get3A_772 = vector.shape_cast %get3A_771 : vector<1x16xf32> to vector<16xf32>
        %add3A_773 = arith.addf %add3A_759, %get3A_772 : vector<16xf32>
        %add3A_774 = arith.constant 5 : i32
        %add3A_775 = arith.addi %add3A_709, %add3A_774 : i32
        %get3A_776 = arith.index_cast %add3A_775 : i32 to index
        %get3A_777 = arith.constant 0 : index
        %get3A_778 = tpu.vector_load %arg10[%get3A_776, %get3A_777] {strides = array<i32>} : memref<1664x32xf32, #tpu.memory_space<vmem>>, vector<1x16xf32>,
        %get3A_779 = vector.shape_cast %get3A_778 : vector<1x16xf32> to vector<16xf32>
        %add3A_780 = arith.addf %add3A_766, %get3A_779 : vector<16xf32>
        %add3A_781 = arith.constant 5 : i32
        %add3A_782 = arith.addi %add3A_709, %add3A_781 : i32
        %get3A_783 = arith.index_cast %add3A_782 : i32 to index
        %get3A_784 = arith.constant 16 : index
        %get3A_785 = tpu.vector_load %arg10[%get3A_783, %get3A_784] {strides = array<i32>} : memref<1664x32xf32, #tpu.memory_space<vmem>>, vector<1x16xf32>,
        %get3A_786 = vector.shape_cast %get3A_785 : vector<1x16xf32> to vector<16xf32>
        %add3A_787 = arith.addf %add3A_773, %get3A_786 : vector<16xf32>
        %add3A_788 = arith.constant 6 : i32
        %add3A_789 = arith.addi %add3A_709, %add3A_788 : i32
        %get3A_790 = arith.index_cast %add3A_789 : i32 to index
        %get3A_791 = arith.constant 0 : index
        %get3A_792 = tpu.vector_load %arg10[%get3A_790, %get3A_791] {strides = array<i32>} : memref<1664x32xf32, #tpu.memory_space<vmem>>, vector<1x16xf32>,
        %get3A_793 = vector.shape_cast %get3A_792 : vector<1x16xf32> to vector<16xf32>
        %add3A_794 = arith.addf %add3A_780, %get3A_793 : vector<16xf32>
        %add3A_795 = arith.constant 6 : i32
        %add3A_796 = arith.addi %add3A_709, %add3A_795 : i32
        %get3A_797 = arith.index_cast %add3A_796 : i32 to index
        %get3A_798 = arith.constant 16 : index
        %get3A_799 = tpu.vector_load %arg10[%get3A_797, %get3A_798] {strides = array<i32>} : memref<1664x32xf32, #tpu.memory_space<vmem>>, vector<1x16xf32>,
        %get3A_800 = vector.shape_cast %get3A_799 : vector<1x16xf32> to vector<16xf32>
        %add3A_801 = arith.addf %add3A_787, %get3A_800 : vector<16xf32>
        %add3A_802 = arith.constant 7 : i32
        %add3A_803 = arith.addi %add3A_709, %add3A_802 : i32
        %get3A_804 = arith.index_cast %add3A_803 : i32 to index
        %get3A_805 = arith.constant 0 : index
        %get3A_806 = tpu.vector_load %arg10[%get3A_804, %get3A_805] {strides = array<i32>} : memref<1664x32xf32, #tpu.memory_space<vmem>>, vector<1x16xf32>,
        %get3A_807 = vector.shape_cast %get3A_806 : vector<1x16xf32> to vector<16xf32>
        %add3A_808 = arith.addf %add3A_794, %get3A_807 : vector<16xf32>
        %add3A_809 = arith.constant 7 : i32
        %add3A_810 = arith.addi %add3A_709, %add3A_809 : i32
        %get3A_811 = arith.index_cast %add3A_810 : i32 to index
        %get3A_812 = arith.constant 16 : index
        %get3A_813 = tpu.vector_load %arg10[%get3A_811, %get3A_812] {strides = array<i32>} : memref<1664x32xf32, #tpu.memory_space<vmem>>, vector<1x16xf32>,
        %get3A_814 = vector.shape_cast %get3A_813 : vector<1x16xf32> to vector<16xf32>
        %add3A_815 = arith.addf %add3A_801, %get3A_814 : vector<16xf32>
        %add3A_816 = arith.constant 8 : i32
        %add3A_817 = arith.addi %add3A_709, %add3A_816 : i32
        %get3A_818 = arith.index_cast %add3A_817 : i32 to index
        %get3A_819 = arith.constant 0 : index
        %get3A_820 = tpu.vector_load %arg10[%get3A_818, %get3A_819] {strides = array<i32>} : memref<1664x32xf32, #tpu.memory_space<vmem>>, vector<1x16xf32>,
        %get3A_821 = vector.shape_cast %get3A_820 : vector<1x16xf32> to vector<16xf32>
        %add3A_822 = arith.addf %add3A_808, %get3A_821 : vector<16xf32>
        %add3A_823 = arith.constant 8 : i32
        %add3A_824 = arith.addi %add3A_709, %add3A_823 : i32
        %get3A_825 = arith.index_cast %add3A_824 : i32 to index
        %get3A_826 = arith.constant 16 : index
        %get3A_827 = tpu.vector_load %arg10[%get3A_825, %get3A_826] {strides = array<i32>} : memref<1664x32xf32, #tpu.memory_space<vmem>>, vector<1x16xf32>,
        %get3A_828 = vector.shape_cast %get3A_827 : vector<1x16xf32> to vector<16xf32>
        %add3A_829 = arith.addf %add3A_815, %get3A_828 : vector<16xf32>
        %add3A_830 = arith.constant 9 : i32
        %add3A_831 = arith.addi %add3A_709, %add3A_830 : i32
        %get3A_832 = arith.index_cast %add3A_831 : i32 to index
        %get3A_833 = arith.constant 0 : index
        %get3A_834 = tpu.vector_load %arg10[%get3A_832, %get3A_833] {strides = array<i32>} : memref<1664x32xf32, #tpu.memory_space<vmem>>, vector<1x16xf32>,
        %get3A_835 = vector.shape_cast %get3A_834 : vector<1x16xf32> to vector<16xf32>
        %add3A_836 = arith.addf %add3A_822, %get3A_835 : vector<16xf32>
        %add3A_837 = arith.constant 9 : i32
        %add3A_838 = arith.addi %add3A_709, %add3A_837 : i32
        %get3A_839 = arith.index_cast %add3A_838 : i32 to index
        %get3A_840 = arith.constant 16 : index
        %get3A_841 = tpu.vector_load %arg10[%get3A_839, %get3A_840] {strides = array<i32>} : memref<1664x32xf32, #tpu.memory_space<vmem>>, vector<1x16xf32>,
        %get3A_842 = vector.shape_cast %get3A_841 : vector<1x16xf32> to vector<16xf32>
        %add3A_843 = arith.addf %add3A_829, %get3A_842 : vector<16xf32>
        %add3A_844 = arith.constant 10 : i32
        %add3A_845 = arith.addi %add3A_709, %add3A_844 : i32
        %get3A_846 = arith.index_cast %add3A_845 : i32 to index
        %get3A_847 = arith.constant 0 : index
        %get3A_848 = tpu.vector_load %arg10[%get3A_846, %get3A_847] {strides = array<i32>} : memref<1664x32xf32, #tpu.memory_space<vmem>>, vector<1x16xf32>,
        %get3A_849 = vector.shape_cast %get3A_848 : vector<1x16xf32> to vector<16xf32>
        %add3A_850 = arith.addf %add3A_836, %get3A_849 : vector<16xf32>
        %add3A_851 = arith.constant 10 : i32
        %add3A_852 = arith.addi %add3A_709, %add3A_851 : i32
        %get3A_853 = arith.index_cast %add3A_852 : i32 to index
        %get3A_854 = arith.constant 16 : index
        %get3A_855 = tpu.vector_load %arg10[%get3A_853, %get3A_854] {strides = array<i32>} : memref<1664x32xf32, #tpu.memory_space<vmem>>, vector<1x16xf32>,
        %get3A_856 = vector.shape_cast %get3A_855 : vector<1x16xf32> to vector<16xf32>
        %add3A_857 = arith.addf %add3A_843, %get3A_856 : vector<16xf32>
        %add3A_858 = arith.constant 11 : i32
        %add3A_859 = arith.addi %add3A_709, %add3A_858 : i32
        %get3A_860 = arith.index_cast %add3A_859 : i32 to index
        %get3A_861 = arith.constant 0 : index
        %get3A_862 = tpu.vector_load %arg10[%get3A_860, %get3A_861] {strides = array<i32>} : memref<1664x32xf32, #tpu.memory_space<vmem>>, vector<1x16xf32>,
        %get3A_863 = vector.shape_cast %get3A_862 : vector<1x16xf32> to vector<16xf32>
        %add3A_864 = arith.addf %add3A_850, %get3A_863 : vector<16xf32>
        %add3A_865 = arith.constant 11 : i32
        %add3A_866 = arith.addi %add3A_709, %add3A_865 : i32
        %get3A_867 = arith.index_cast %add3A_866 : i32 to index
        %get3A_868 = arith.constant 16 : index
        %get3A_869 = tpu.vector_load %arg10[%get3A_867, %get3A_868] {strides = array<i32>} : memref<1664x32xf32, #tpu.memory_space<vmem>>, vector<1x16xf32>,
        %get3A_870 = vector.shape_cast %get3A_869 : vector<1x16xf32> to vector<16xf32>
        %add3A_871 = arith.addf %add3A_857, %get3A_870 : vector<16xf32>
        %add3A_872 = arith.constant 12 : i32
        %add3A_873 = arith.addi %add3A_709, %add3A_872 : i32
        %get3A_874 = arith.index_cast %add3A_873 : i32 to index
        %get3A_875 = arith.constant 0 : index
        %get3A_876 = tpu.vector_load %arg10[%get3A_874, %get3A_875] {strides = array<i32>} : memref<1664x32xf32, #tpu.memory_space<vmem>>, vector<1x16xf32>,
        %get3A_877 = vector.shape_cast %get3A_876 : vector<1x16xf32> to vector<16xf32>
        %add3A_878 = arith.addf %add3A_864, %get3A_877 : vector<16xf32>
        %add3A_879 = arith.constant 12 : i32
        %add3A_880 = arith.addi %add3A_709, %add3A_879 : i32
        %get3A_881 = arith.index_cast %add3A_880 : i32 to index
        %get3A_882 = arith.constant 16 : index
        %get3A_883 = tpu.vector_load %arg10[%get3A_881, %get3A_882] {strides = array<i32>} : memref<1664x32xf32, #tpu.memory_space<vmem>>, vector<1x16xf32>,
        %get3A_884 = vector.shape_cast %get3A_883 : vector<1x16xf32> to vector<16xf32>
        %add3A_885 = arith.addf %add3A_871, %get3A_884 : vector<16xf32>
        %add3A_886 = arith.constant 13 : i32
        %add3A_887 = arith.addi %add3A_709, %add3A_886 : i32
        %get3A_888 = arith.index_cast %add3A_887 : i32 to index
        %get3A_889 = arith.constant 0 : index
        %get3A_890 = tpu.vector_load %arg10[%get3A_888, %get3A_889] {strides = array<i32>} : memref<1664x32xf32, #tpu.memory_space<vmem>>, vector<1x16xf32>,
        %get3A_891 = vector.shape_cast %get3A_890 : vector<1x16xf32> to vector<16xf32>
        %add3A_892 = arith.addf %add3A_878, %get3A_891 : vector<16xf32>
        %add3A_893 = arith.constant 13 : i32
        %add3A_894 = arith.addi %add3A_709, %add3A_893 : i32
        %get3A_895 = arith.index_cast %add3A_894 : i32 to index
        %get3A_896 = arith.constant 16 : index
        %get3A_897 = tpu.vector_load %arg10[%get3A_895, %get3A_896] {strides = array<i32>} : memref<1664x32xf32, #tpu.memory_space<vmem>>, vector<1x16xf32>,
        %get3A_898 = vector.shape_cast %get3A_897 : vector<1x16xf32> to vector<16xf32>
        %add3A_899 = arith.addf %add3A_885, %get3A_898 : vector<16xf32>
        %add3A_900 = arith.constant 14 : i32
        %add3A_901 = arith.addi %add3A_709, %add3A_900 : i32
        %get3A_902 = arith.index_cast %add3A_901 : i32 to index
        %get3A_903 = arith.constant 0 : index
        %get3A_904 = tpu.vector_load %arg10[%get3A_902, %get3A_903] {strides = array<i32>} : memref<1664x32xf32, #tpu.memory_space<vmem>>, vector<1x16xf32>,
        %get3A_905 = vector.shape_cast %get3A_904 : vector<1x16xf32> to vector<16xf32>
        %add3A_906 = arith.addf %add3A_892, %get3A_905 : vector<16xf32>
        %add3A_907 = arith.constant 14 : i32
        %add3A_908 = arith.addi %add3A_709, %add3A_907 : i32
        %get3A_909 = arith.index_cast %add3A_908 : i32 to index
        %get3A_910 = arith.constant 16 : index
        %get3A_911 = tpu.vector_load %arg10[%get3A_909, %get3A_910] {strides = array<i32>} : memref<1664x32xf32, #tpu.memory_space<vmem>>, vector<1x16xf32>,
        %get3A_912 = vector.shape_cast %get3A_911 : vector<1x16xf32> to vector<16xf32>
        %add3A_913 = arith.addf %add3A_899, %get3A_912 : vector<16xf32>
        %add3A_914 = arith.constant 15 : i32
        %add3A_915 = arith.addi %add3A_709, %add3A_914 : i32
        %get3A_916 = arith.index_cast %add3A_915 : i32 to index
        %get3A_917 = arith.constant 0 : index
        %get3A_918 = tpu.vector_load %arg10[%get3A_916, %get3A_917] {strides = array<i32>} : memref<1664x32xf32, #tpu.memory_space<vmem>>, vector<1x16xf32>,
        %get3A_919 = vector.shape_cast %get3A_918 : vector<1x16xf32> to vector<16xf32>
        %add3A_920 = arith.addf %add3A_906, %get3A_919 : vector<16xf32>
        %add3A_921 = arith.constant 15 : i32
        %add3A_922 = arith.addi %add3A_709, %add3A_921 : i32
        %get3A_923 = arith.index_cast %add3A_922 : i32 to index
        %get3A_924 = arith.constant 16 : index
        %get3A_925 = tpu.vector_load %arg10[%get3A_923, %get3A_924] {strides = array<i32>} : memref<1664x32xf32, #tpu.memory_space<vmem>>, vector<1x16xf32>,
        %get3A_926 = vector.shape_cast %get3A_925 : vector<1x16xf32> to vector<16xf32>
        %add3A_927 = arith.addf %add3A_913, %get3A_926 : vector<16xf32>
        %add3A_928 = arith.constant 16 : i32
        %add3A_929 = arith.addi %add3A_709, %add3A_928 : i32
        %get3A_930 = arith.index_cast %add3A_929 : i32 to index
        %get3A_931 = arith.constant 0 : index
        %get3A_932 = tpu.vector_load %arg10[%get3A_930, %get3A_931] {strides = array<i32>} : memref<1664x32xf32, #tpu.memory_space<vmem>>, vector<1x16xf32>,
        %get3A_933 = vector.shape_cast %get3A_932 : vector<1x16xf32> to vector<16xf32>
        %add3A_934 = arith.addf %add3A_920, %get3A_933 : vector<16xf32>
        %add3A_935 = arith.constant 16 : i32
        %add3A_936 = arith.addi %add3A_709, %add3A_935 : i32
        %get3A_937 = arith.index_cast %add3A_936 : i32 to index
        %get3A_938 = arith.constant 16 : index
        %get3A_939 = tpu.vector_load %arg10[%get3A_937, %get3A_938] {strides = array<i32>} : memref<1664x32xf32, #tpu.memory_space<vmem>>, vector<1x16xf32>,
        %get3A_940 = vector.shape_cast %get3A_939 : vector<1x16xf32> to vector<16xf32>
        %add3A_941 = arith.addf %add3A_927, %get3A_940 : vector<16xf32>
        %add3A_942 = arith.constant 17 : i32
        %add3A_943 = arith.addi %add3A_709, %add3A_942 : i32
        %get3A_944 = arith.index_cast %add3A_943 : i32 to index
        %get3A_945 = arith.constant 0 : index
        %get3A_946 = tpu.vector_load %arg10[%get3A_944, %get3A_945] {strides = array<i32>} : memref<1664x32xf32, #tpu.memory_space<vmem>>, vector<1x16xf32>,
        %get3A_947 = vector.shape_cast %get3A_946 : vector<1x16xf32> to vector<16xf32>
        %add3A_948 = arith.addf %add3A_934, %get3A_947 : vector<16xf32>
        %add3A_949 = arith.constant 17 : i32
        %add3A_950 = arith.addi %add3A_709, %add3A_949 : i32
        %get3A_951 = arith.index_cast %add3A_950 : i32 to index
        %get3A_952 = arith.constant 16 : index
        %get3A_953 = tpu.vector_load %arg10[%get3A_951, %get3A_952] {strides = array<i32>} : memref<1664x32xf32, #tpu.memory_space<vmem>>, vector<1x16xf32>,
        %get3A_954 = vector.shape_cast %get3A_953 : vector<1x16xf32> to vector<16xf32>
        %add3A_955 = arith.addf %add3A_941, %get3A_954 : vector<16xf32>
        %add3A_956 = arith.constant 18 : i32
        %add3A_957 = arith.addi %add3A_709, %add3A_956 : i32
        %get3A_958 = arith.index_cast %add3A_957 : i32 to index
        %get3A_959 = arith.constant 0 : index
        %get3A_960 = tpu.vector_load %arg10[%get3A_958, %get3A_959] {strides = array<i32>} : memref<1664x32xf32, #tpu.memory_space<vmem>>, vector<1x16xf32>,
        %get3A_961 = vector.shape_cast %get3A_960 : vector<1x16xf32> to vector<16xf32>
        %add3A_962 = arith.addf %add3A_948, %get3A_961 : vector<16xf32>
        %add3A_963 = arith.constant 18 : i32
        %add3A_964 = arith.addi %add3A_709, %add3A_963 : i32
        %get3A_965 = arith.index_cast %add3A_964 : i32 to index
        %get3A_966 = arith.constant 16 : index
        %get3A_967 = tpu.vector_load %arg10[%get3A_965, %get3A_966] {strides = array<i32>} : memref<1664x32xf32, #tpu.memory_space<vmem>>, vector<1x16xf32>,
        %get3A_968 = vector.shape_cast %get3A_967 : vector<1x16xf32> to vector<16xf32>
        %add3A_969 = arith.addf %add3A_955, %get3A_968 : vector<16xf32>
        %add3A_970 = arith.constant 19 : i32
        %add3A_971 = arith.addi %add3A_709, %add3A_970 : i32
        %get3A_972 = arith.index_cast %add3A_971 : i32 to index
        %get3A_973 = arith.constant 0 : index
        %get3A_974 = tpu.vector_load %arg10[%get3A_972, %get3A_973] {strides = array<i32>} : memref<1664x32xf32, #tpu.memory_space<vmem>>, vector<1x16xf32>,
        %get3A_975 = vector.shape_cast %get3A_974 : vector<1x16xf32> to vector<16xf32>
        %add3A_976 = arith.addf %add3A_962, %get3A_975 : vector<16xf32>
        %add3A_977 = arith.constant 19 : i32
        %add3A_978 = arith.addi %add3A_709, %add3A_977 : i32
        %get3A_979 = arith.index_cast %add3A_978 : i32 to index
        %get3A_980 = arith.constant 16 : index
        %get3A_981 = tpu.vector_load %arg10[%get3A_979, %get3A_980] {strides = array<i32>} : memref<1664x32xf32, #tpu.memory_space<vmem>>, vector<1x16xf32>,
        %get3A_982 = vector.shape_cast %get3A_981 : vector<1x16xf32> to vector<16xf32>
        %add3A_983 = arith.addf %add3A_969, %get3A_982 : vector<16xf32>
        %add3A_984 = arith.constant 20 : i32
        %add3A_985 = arith.addi %add3A_709, %add3A_984 : i32
        %get3A_986 = arith.index_cast %add3A_985 : i32 to index
        %get3A_987 = arith.constant 0 : index
        %get3A_988 = tpu.vector_load %arg10[%get3A_986, %get3A_987] {strides = array<i32>} : memref<1664x32xf32, #tpu.memory_space<vmem>>, vector<1x16xf32>,
        %get3A_989 = vector.shape_cast %get3A_988 : vector<1x16xf32> to vector<16xf32>
        %add3A_990 = arith.addf %add3A_976, %get3A_989 : vector<16xf32>
        %add3A_991 = arith.constant 20 : i32
        %add3A_992 = arith.addi %add3A_709, %add3A_991 : i32
        %get3A_993 = arith.index_cast %add3A_992 : i32 to index
        %get3A_994 = arith.constant 16 : index
        %get3A_995 = tpu.vector_load %arg10[%get3A_993, %get3A_994] {strides = array<i32>} : memref<1664x32xf32, #tpu.memory_space<vmem>>, vector<1x16xf32>,
        %get3A_996 = vector.shape_cast %get3A_995 : vector<1x16xf32> to vector<16xf32>
        %add3A_997 = arith.addf %add3A_983, %get3A_996 : vector<16xf32>
        %add3A_998 = arith.constant 21 : i32
        %add3A_999 = arith.addi %add3A_709, %add3A_998 : i32
        %get3A_1000 = arith.index_cast %add3A_999 : i32 to index
        %get3A_1001 = arith.constant 0 : index
        %get3A_1002 = tpu.vector_load %arg10[%get3A_1000, %get3A_1001] {strides = array<i32>} : memref<1664x32xf32, #tpu.memory_space<vmem>>, vector<1x16xf32>,
        %get3A_1003 = vector.shape_cast %get3A_1002 : vector<1x16xf32> to vector<16xf32>
        %add3A_1004 = arith.addf %add3A_990, %get3A_1003 : vector<16xf32>
        %add3A_1005 = arith.constant 21 : i32
        %add3A_1006 = arith.addi %add3A_709, %add3A_1005 : i32
        %get3A_1007 = arith.index_cast %add3A_1006 : i32 to index
        %get3A_1008 = arith.constant 16 : index
        %get3A_1009 = tpu.vector_load %arg10[%get3A_1007, %get3A_1008] {strides = array<i32>} : memref<1664x32xf32, #tpu.memory_space<vmem>>, vector<1x16xf32>,
        %get3A_1010 = vector.shape_cast %get3A_1009 : vector<1x16xf32> to vector<16xf32>
        %add3A_1011 = arith.addf %add3A_997, %get3A_1010 : vector<16xf32>
        %add3A_1012 = arith.constant 22 : i32
        %add3A_1013 = arith.addi %add3A_709, %add3A_1012 : i32
        %get3A_1014 = arith.index_cast %add3A_1013 : i32 to index
        %get3A_1015 = arith.constant 0 : index
        %get3A_1016 = tpu.vector_load %arg10[%get3A_1014, %get3A_1015] {strides = array<i32>} : memref<1664x32xf32, #tpu.memory_space<vmem>>, vector<1x16xf32>,
        %get3A_1017 = vector.shape_cast %get3A_1016 : vector<1x16xf32> to vector<16xf32>
        %add3A_1018 = arith.addf %add3A_1004, %get3A_1017 : vector<16xf32>
        %add3A_1019 = arith.constant 22 : i32
        %add3A_1020 = arith.addi %add3A_709, %add3A_1019 : i32
        %get3A_1021 = arith.index_cast %add3A_1020 : i32 to index
        %get3A_1022 = arith.constant 16 : index
        %get3A_1023 = tpu.vector_load %arg10[%get3A_1021, %get3A_1022] {strides = array<i32>} : memref<1664x32xf32, #tpu.memory_space<vmem>>, vector<1x16xf32>,
        %get3A_1024 = vector.shape_cast %get3A_1023 : vector<1x16xf32> to vector<16xf32>
        %add3A_1025 = arith.addf %add3A_1011, %get3A_1024 : vector<16xf32>
        %add3A_1026 = arith.constant 23 : i32
        %add3A_1027 = arith.addi %add3A_709, %add3A_1026 : i32
        %get3A_1028 = arith.index_cast %add3A_1027 : i32 to index
        %get3A_1029 = arith.constant 0 : index
        %get3A_1030 = tpu.vector_load %arg10[%get3A_1028, %get3A_1029] {strides = array<i32>} : memref<1664x32xf32, #tpu.memory_space<vmem>>, vector<1x16xf32>,
        %get3A_1031 = vector.shape_cast %get3A_1030 : vector<1x16xf32> to vector<16xf32>
        %add3A_1032 = arith.addf %add3A_1018, %get3A_1031 : vector<16xf32>
        %add3A_1033 = arith.constant 23 : i32
        %add3A_1034 = arith.addi %add3A_709, %add3A_1033 : i32
        %get3A_1035 = arith.index_cast %add3A_1034 : i32 to index
        %get3A_1036 = arith.constant 16 : index
        %get3A_1037 = tpu.vector_load %arg10[%get3A_1035, %get3A_1036] {strides = array<i32>} : memref<1664x32xf32, #tpu.memory_space<vmem>>, vector<1x16xf32>,
        %get3A_1038 = vector.shape_cast %get3A_1037 : vector<1x16xf32> to vector<16xf32>
        %add3A_1039 = arith.addf %add3A_1025, %get3A_1038 : vector<16xf32>
        %add3A_1040 = arith.constant 24 : i32
        %add3A_1041 = arith.addi %add3A_709, %add3A_1040 : i32
        %get3A_1042 = arith.index_cast %add3A_1041 : i32 to index
        %get3A_1043 = arith.constant 0 : index
        %get3A_1044 = tpu.vector_load %arg10[%get3A_1042, %get3A_1043] {strides = array<i32>} : memref<1664x32xf32, #tpu.memory_space<vmem>>, vector<1x16xf32>,
        %get3A_1045 = vector.shape_cast %get3A_1044 : vector<1x16xf32> to vector<16xf32>
        %add3A_1046 = arith.addf %add3A_1032, %get3A_1045 : vector<16xf32>
        %add3A_1047 = arith.constant 24 : i32
        %add3A_1048 = arith.addi %add3A_709, %add3A_1047 : i32
        %get3A_1049 = arith.index_cast %add3A_1048 : i32 to index
        %get3A_1050 = arith.constant 16 : index
        %get3A_1051 = tpu.vector_load %arg10[%get3A_1049, %get3A_1050] {strides = array<i32>} : memref<1664x32xf32, #tpu.memory_space<vmem>>, vector<1x16xf32>,
        %get3A_1052 = vector.shape_cast %get3A_1051 : vector<1x16xf32> to vector<16xf32>
        %add3A_1053 = arith.addf %add3A_1039, %get3A_1052 : vector<16xf32>
        %add3A_1054 = arith.constant 25 : i32
        %add3A_1055 = arith.addi %add3A_709, %add3A_1054 : i32
        %get3A_1056 = arith.index_cast %add3A_1055 : i32 to index
        %get3A_1057 = arith.constant 0 : index
        %get3A_1058 = tpu.vector_load %arg10[%get3A_1056, %get3A_1057] {strides = array<i32>} : memref<1664x32xf32, #tpu.memory_space<vmem>>, vector<1x16xf32>,
        %get3A_1059 = vector.shape_cast %get3A_1058 : vector<1x16xf32> to vector<16xf32>
        %add3A_1060 = arith.addf %add3A_1046, %get3A_1059 : vector<16xf32>
        %add3A_1061 = arith.constant 25 : i32
        %add3A_1062 = arith.addi %add3A_709, %add3A_1061 : i32
        %get3A_1063 = arith.index_cast %add3A_1062 : i32 to index
        %get3A_1064 = arith.constant 16 : index
        %get3A_1065 = tpu.vector_load %arg10[%get3A_1063, %get3A_1064] {strides = array<i32>} : memref<1664x32xf32, #tpu.memory_space<vmem>>, vector<1x16xf32>,
        %get3A_1066 = vector.shape_cast %get3A_1065 : vector<1x16xf32> to vector<16xf32>
        %add3A_1067 = arith.addf %add3A_1053, %get3A_1066 : vector<16xf32>
        %swap3A_1068 = arith.index_cast %scan3A_335 : i32 to index
        %swap3A_1069 = arith.constant 32 : index
        %swap3A_1070 = tpu.vector_load %arg11[%swap3A_1068, %swap3A_1069] {strides = array<i32>} : memref<16x128xf32, #tpu.memory_space<vmem>>, vector<1x16xf32>,
        %swap3A_1071 = vector.shape_cast %swap3A_1070 : vector<1x16xf32> to vector<16xf32>
        %swap3A_1072 = vector.shape_cast %add3A_1060 : vector<16xf32> to vector<1x16xf32>
        tpu.vector_store %arg11[%swap3A_1068, %swap3A_1069], %swap3A_1072 {strides = array<i32>} : memref<16x128xf32, #tpu.memory_space<vmem>>, vector<1x16xf32>,
        %swap3A_1073 = arith.index_cast %scan3A_335 : i32 to index
        %swap3A_1074 = arith.constant 48 : index
        %swap3A_1075 = tpu.vector_load %arg11[%swap3A_1073, %swap3A_1074] {strides = array<i32>} : memref<16x128xf32, #tpu.memory_space<vmem>>, vector<1x16xf32>,
        %swap3A_1076 = vector.shape_cast %swap3A_1075 : vector<1x16xf32> to vector<16xf32>
        %swap3A_1077 = vector.shape_cast %add3A_1067 : vector<16xf32> to vector<1x16xf32>
        tpu.vector_store %arg11[%swap3A_1073, %swap3A_1074], %swap3A_1077 {strides = array<i32>} : memref<16x128xf32, #tpu.memory_space<vmem>>, vector<1x16xf32>,
        %mul3A_1078 = arith.constant 104 : i32
        %mul3A_1079 = arith.muli %scan3A_335, %mul3A_1078 : i32
        %add3A_1080 = arith.constant 52 : i32
        %add3A_1081 = arith.addi %mul3A_1079, %add3A_1080 : i32
        %get3A_1082 = arith.index_cast %add3A_1081 : i32 to index
        %get3A_1083 = arith.constant 0 : index
        %get3A_1084 = tpu.vector_load %arg10[%get3A_1082, %get3A_1083] {strides = array<i32>} : memref<1664x32xf32, #tpu.memory_space<vmem>>, vector<1x16xf32>,
        %get3A_1085 = vector.shape_cast %get3A_1084 : vector<1x16xf32> to vector<16xf32>
        %get3A_1086 = arith.index_cast %add3A_1081 : i32 to index
        %get3A_1087 = arith.constant 16 : index
        %get3A_1088 = tpu.vector_load %arg10[%get3A_1086, %get3A_1087] {strides = array<i32>} : memref<1664x32xf32, #tpu.memory_space<vmem>>, vector<1x16xf32>,
        %get3A_1089 = vector.shape_cast %get3A_1088 : vector<1x16xf32> to vector<16xf32>
        %add3A_1090 = arith.constant 1 : i32
        %add3A_1091 = arith.addi %add3A_1081, %add3A_1090 : i32
        %get3A_1092 = arith.index_cast %add3A_1091 : i32 to index
        %get3A_1093 = arith.constant 0 : index
        %get3A_1094 = tpu.vector_load %arg10[%get3A_1092, %get3A_1093] {strides = array<i32>} : memref<1664x32xf32, #tpu.memory_space<vmem>>, vector<1x16xf32>,
        %get3A_1095 = vector.shape_cast %get3A_1094 : vector<1x16xf32> to vector<16xf32>
        %add3A_1096 = arith.addf %get3A_1085, %get3A_1095 : vector<16xf32>
        %add3A_1097 = arith.constant 1 : i32
        %add3A_1098 = arith.addi %add3A_1081, %add3A_1097 : i32
        %get3A_1099 = arith.index_cast %add3A_1098 : i32 to index
        %get3A_1100 = arith.constant 16 : index
        %get3A_1101 = tpu.vector_load %arg10[%get3A_1099, %get3A_1100] {strides = array<i32>} : memref<1664x32xf32, #tpu.memory_space<vmem>>, vector<1x16xf32>,
        %get3A_1102 = vector.shape_cast %get3A_1101 : vector<1x16xf32> to vector<16xf32>
        %add3A_1103 = arith.addf %get3A_1089, %get3A_1102 : vector<16xf32>
        %add3A_1104 = arith.constant 2 : i32
        %add3A_1105 = arith.addi %add3A_1081, %add3A_1104 : i32
        %get3A_1106 = arith.index_cast %add3A_1105 : i32 to index
        %get3A_1107 = arith.constant 0 : index
        %get3A_1108 = tpu.vector_load %arg10[%get3A_1106, %get3A_1107] {strides = array<i32>} : memref<1664x32xf32, #tpu.memory_space<vmem>>, vector<1x16xf32>,
        %get3A_1109 = vector.shape_cast %get3A_1108 : vector<1x16xf32> to vector<16xf32>
        %add3A_1110 = arith.addf %add3A_1096, %get3A_1109 : vector<16xf32>
        %add3A_1111 = arith.constant 2 : i32
        %add3A_1112 = arith.addi %add3A_1081, %add3A_1111 : i32
        %get3A_1113 = arith.index_cast %add3A_1112 : i32 to index
        %get3A_1114 = arith.constant 16 : index
        %get3A_1115 = tpu.vector_load %arg10[%get3A_1113, %get3A_1114] {strides = array<i32>} : memref<1664x32xf32, #tpu.memory_space<vmem>>, vector<1x16xf32>,
        %get3A_1116 = vector.shape_cast %get3A_1115 : vector<1x16xf32> to vector<16xf32>
        %add3A_1117 = arith.addf %add3A_1103, %get3A_1116 : vector<16xf32>
        %add3A_1118 = arith.constant 3 : i32
        %add3A_1119 = arith.addi %add3A_1081, %add3A_1118 : i32
        %get3A_1120 = arith.index_cast %add3A_1119 : i32 to index
        %get3A_1121 = arith.constant 0 : index
        %get3A_1122 = tpu.vector_load %arg10[%get3A_1120, %get3A_1121] {strides = array<i32>} : memref<1664x32xf32, #tpu.memory_space<vmem>>, vector<1x16xf32>,
        %get3A_1123 = vector.shape_cast %get3A_1122 : vector<1x16xf32> to vector<16xf32>
        %add3A_1124 = arith.addf %add3A_1110, %get3A_1123 : vector<16xf32>
        %add3A_1125 = arith.constant 3 : i32
        %add3A_1126 = arith.addi %add3A_1081, %add3A_1125 : i32
        %get3A_1127 = arith.index_cast %add3A_1126 : i32 to index
        %get3A_1128 = arith.constant 16 : index
        %get3A_1129 = tpu.vector_load %arg10[%get3A_1127, %get3A_1128] {strides = array<i32>} : memref<1664x32xf32, #tpu.memory_space<vmem>>, vector<1x16xf32>,
        %get3A_1130 = vector.shape_cast %get3A_1129 : vector<1x16xf32> to vector<16xf32>
        %add3A_1131 = arith.addf %add3A_1117, %get3A_1130 : vector<16xf32>
        %add3A_1132 = arith.constant 4 : i32
        %add3A_1133 = arith.addi %add3A_1081, %add3A_1132 : i32
        %get3A_1134 = arith.index_cast %add3A_1133 : i32 to index
        %get3A_1135 = arith.constant 0 : index
        %get3A_1136 = tpu.vector_load %arg10[%get3A_1134, %get3A_1135] {strides = array<i32>} : memref<1664x32xf32, #tpu.memory_space<vmem>>, vector<1x16xf32>,
        %get3A_1137 = vector.shape_cast %get3A_1136 : vector<1x16xf32> to vector<16xf32>
        %add3A_1138 = arith.addf %add3A_1124, %get3A_1137 : vector<16xf32>
        %add3A_1139 = arith.constant 4 : i32
        %add3A_1140 = arith.addi %add3A_1081, %add3A_1139 : i32
        %get3A_1141 = arith.index_cast %add3A_1140 : i32 to index
        %get3A_1142 = arith.constant 16 : index
        %get3A_1143 = tpu.vector_load %arg10[%get3A_1141, %get3A_1142] {strides = array<i32>} : memref<1664x32xf32, #tpu.memory_space<vmem>>, vector<1x16xf32>,
        %get3A_1144 = vector.shape_cast %get3A_1143 : vector<1x16xf32> to vector<16xf32>
        %add3A_1145 = arith.addf %add3A_1131, %get3A_1144 : vector<16xf32>
        %add3A_1146 = arith.constant 5 : i32
        %add3A_1147 = arith.addi %add3A_1081, %add3A_1146 : i32
        %get3A_1148 = arith.index_cast %add3A_1147 : i32 to index
        %get3A_1149 = arith.constant 0 : index
        %get3A_1150 = tpu.vector_load %arg10[%get3A_1148, %get3A_1149] {strides = array<i32>} : memref<1664x32xf32, #tpu.memory_space<vmem>>, vector<1x16xf32>,
        %get3A_1151 = vector.shape_cast %get3A_1150 : vector<1x16xf32> to vector<16xf32>
        %add3A_1152 = arith.addf %add3A_1138, %get3A_1151 : vector<16xf32>
        %add3A_1153 = arith.constant 5 : i32
        %add3A_1154 = arith.addi %add3A_1081, %add3A_1153 : i32
        %get3A_1155 = arith.index_cast %add3A_1154 : i32 to index
        %get3A_1156 = arith.constant 16 : index
        %get3A_1157 = tpu.vector_load %arg10[%get3A_1155, %get3A_1156] {strides = array<i32>} : memref<1664x32xf32, #tpu.memory_space<vmem>>, vector<1x16xf32>,
        %get3A_1158 = vector.shape_cast %get3A_1157 : vector<1x16xf32> to vector<16xf32>
        %add3A_1159 = arith.addf %add3A_1145, %get3A_1158 : vector<16xf32>
        %add3A_1160 = arith.constant 6 : i32
        %add3A_1161 = arith.addi %add3A_1081, %add3A_1160 : i32
        %get3A_1162 = arith.index_cast %add3A_1161 : i32 to index
        %get3A_1163 = arith.constant 0 : index
        %get3A_1164 = tpu.vector_load %arg10[%get3A_1162, %get3A_1163] {strides = array<i32>} : memref<1664x32xf32, #tpu.memory_space<vmem>>, vector<1x16xf32>,
        %get3A_1165 = vector.shape_cast %get3A_1164 : vector<1x16xf32> to vector<16xf32>
        %add3A_1166 = arith.addf %add3A_1152, %get3A_1165 : vector<16xf32>
        %add3A_1167 = arith.constant 6 : i32
        %add3A_1168 = arith.addi %add3A_1081, %add3A_1167 : i32
        %get3A_1169 = arith.index_cast %add3A_1168 : i32 to index
        %get3A_1170 = arith.constant 16 : index
        %get3A_1171 = tpu.vector_load %arg10[%get3A_1169, %get3A_1170] {strides = array<i32>} : memref<1664x32xf32, #tpu.memory_space<vmem>>, vector<1x16xf32>,
        %get3A_1172 = vector.shape_cast %get3A_1171 : vector<1x16xf32> to vector<16xf32>
        %add3A_1173 = arith.addf %add3A_1159, %get3A_1172 : vector<16xf32>
        %add3A_1174 = arith.constant 7 : i32
        %add3A_1175 = arith.addi %add3A_1081, %add3A_1174 : i32
        %get3A_1176 = arith.index_cast %add3A_1175 : i32 to index
        %get3A_1177 = arith.constant 0 : index
        %get3A_1178 = tpu.vector_load %arg10[%get3A_1176, %get3A_1177] {strides = array<i32>} : memref<1664x32xf32, #tpu.memory_space<vmem>>, vector<1x16xf32>,
        %get3A_1179 = vector.shape_cast %get3A_1178 : vector<1x16xf32> to vector<16xf32>
        %add3A_1180 = arith.addf %add3A_1166, %get3A_1179 : vector<16xf32>
        %add3A_1181 = arith.constant 7 : i32
        %add3A_1182 = arith.addi %add3A_1081, %add3A_1181 : i32
        %get3A_1183 = arith.index_cast %add3A_1182 : i32 to index
        %get3A_1184 = arith.constant 16 : index
        %get3A_1185 = tpu.vector_load %arg10[%get3A_1183, %get3A_1184] {strides = array<i32>} : memref<1664x32xf32, #tpu.memory_space<vmem>>, vector<1x16xf32>,
        %get3A_1186 = vector.shape_cast %get3A_1185 : vector<1x16xf32> to vector<16xf32>
        %add3A_1187 = arith.addf %add3A_1173, %get3A_1186 : vector<16xf32>
        %add3A_1188 = arith.constant 8 : i32
        %add3A_1189 = arith.addi %add3A_1081, %add3A_1188 : i32
        %get3A_1190 = arith.index_cast %add3A_1189 : i32 to index
        %get3A_1191 = arith.constant 0 : index
        %get3A_1192 = tpu.vector_load %arg10[%get3A_1190, %get3A_1191] {strides = array<i32>} : memref<1664x32xf32, #tpu.memory_space<vmem>>, vector<1x16xf32>,
        %get3A_1193 = vector.shape_cast %get3A_1192 : vector<1x16xf32> to vector<16xf32>
        %add3A_1194 = arith.addf %add3A_1180, %get3A_1193 : vector<16xf32>
        %add3A_1195 = arith.constant 8 : i32
        %add3A_1196 = arith.addi %add3A_1081, %add3A_1195 : i32
        %get3A_1197 = arith.index_cast %add3A_1196 : i32 to index
        %get3A_1198 = arith.constant 16 : index
        %get3A_1199 = tpu.vector_load %arg10[%get3A_1197, %get3A_1198] {strides = array<i32>} : memref<1664x32xf32, #tpu.memory_space<vmem>>, vector<1x16xf32>,
        %get3A_1200 = vector.shape_cast %get3A_1199 : vector<1x16xf32> to vector<16xf32>
        %add3A_1201 = arith.addf %add3A_1187, %get3A_1200 : vector<16xf32>
        %add3A_1202 = arith.constant 9 : i32
        %add3A_1203 = arith.addi %add3A_1081, %add3A_1202 : i32
        %get3A_1204 = arith.index_cast %add3A_1203 : i32 to index
        %get3A_1205 = arith.constant 0 : index
        %get3A_1206 = tpu.vector_load %arg10[%get3A_1204, %get3A_1205] {strides = array<i32>} : memref<1664x32xf32, #tpu.memory_space<vmem>>, vector<1x16xf32>,
        %get3A_1207 = vector.shape_cast %get3A_1206 : vector<1x16xf32> to vector<16xf32>
        %add3A_1208 = arith.addf %add3A_1194, %get3A_1207 : vector<16xf32>
        %add3A_1209 = arith.constant 9 : i32
        %add3A_1210 = arith.addi %add3A_1081, %add3A_1209 : i32
        %get3A_1211 = arith.index_cast %add3A_1210 : i32 to index
        %get3A_1212 = arith.constant 16 : index
        %get3A_1213 = tpu.vector_load %arg10[%get3A_1211, %get3A_1212] {strides = array<i32>} : memref<1664x32xf32, #tpu.memory_space<vmem>>, vector<1x16xf32>,
        %get3A_1214 = vector.shape_cast %get3A_1213 : vector<1x16xf32> to vector<16xf32>
        %add3A_1215 = arith.addf %add3A_1201, %get3A_1214 : vector<16xf32>
        %add3A_1216 = arith.constant 10 : i32
        %add3A_1217 = arith.addi %add3A_1081, %add3A_1216 : i32
        %get3A_1218 = arith.index_cast %add3A_1217 : i32 to index
        %get3A_1219 = arith.constant 0 : index
        %get3A_1220 = tpu.vector_load %arg10[%get3A_1218, %get3A_1219] {strides = array<i32>} : memref<1664x32xf32, #tpu.memory_space<vmem>>, vector<1x16xf32>,
        %get3A_1221 = vector.shape_cast %get3A_1220 : vector<1x16xf32> to vector<16xf32>
        %add3A_1222 = arith.addf %add3A_1208, %get3A_1221 : vector<16xf32>
        %add3A_1223 = arith.constant 10 : i32
        %add3A_1224 = arith.addi %add3A_1081, %add3A_1223 : i32
        %get3A_1225 = arith.index_cast %add3A_1224 : i32 to index
        %get3A_1226 = arith.constant 16 : index
        %get3A_1227 = tpu.vector_load %arg10[%get3A_1225, %get3A_1226] {strides = array<i32>} : memref<1664x32xf32, #tpu.memory_space<vmem>>, vector<1x16xf32>,
        %get3A_1228 = vector.shape_cast %get3A_1227 : vector<1x16xf32> to vector<16xf32>
        %add3A_1229 = arith.addf %add3A_1215, %get3A_1228 : vector<16xf32>
        %add3A_1230 = arith.constant 11 : i32
        %add3A_1231 = arith.addi %add3A_1081, %add3A_1230 : i32
        %get3A_1232 = arith.index_cast %add3A_1231 : i32 to index
        %get3A_1233 = arith.constant 0 : index
        %get3A_1234 = tpu.vector_load %arg10[%get3A_1232, %get3A_1233] {strides = array<i32>} : memref<1664x32xf32, #tpu.memory_space<vmem>>, vector<1x16xf32>,
        %get3A_1235 = vector.shape_cast %get3A_1234 : vector<1x16xf32> to vector<16xf32>
        %add3A_1236 = arith.addf %add3A_1222, %get3A_1235 : vector<16xf32>
        %add3A_1237 = arith.constant 11 : i32
        %add3A_1238 = arith.addi %add3A_1081, %add3A_1237 : i32
        %get3A_1239 = arith.index_cast %add3A_1238 : i32 to index
        %get3A_1240 = arith.constant 16 : index
        %get3A_1241 = tpu.vector_load %arg10[%get3A_1239, %get3A_1240] {strides = array<i32>} : memref<1664x32xf32, #tpu.memory_space<vmem>>, vector<1x16xf32>,
        %get3A_1242 = vector.shape_cast %get3A_1241 : vector<1x16xf32> to vector<16xf32>
        %add3A_1243 = arith.addf %add3A_1229, %get3A_1242 : vector<16xf32>
        %add3A_1244 = arith.constant 12 : i32
        %add3A_1245 = arith.addi %add3A_1081, %add3A_1244 : i32
        %get3A_1246 = arith.index_cast %add3A_1245 : i32 to index
        %get3A_1247 = arith.constant 0 : index
        %get3A_1248 = tpu.vector_load %arg10[%get3A_1246, %get3A_1247] {strides = array<i32>} : memref<1664x32xf32, #tpu.memory_space<vmem>>, vector<1x16xf32>,
        %get3A_1249 = vector.shape_cast %get3A_1248 : vector<1x16xf32> to vector<16xf32>
        %add3A_1250 = arith.addf %add3A_1236, %get3A_1249 : vector<16xf32>
        %add3A_1251 = arith.constant 12 : i32
        %add3A_1252 = arith.addi %add3A_1081, %add3A_1251 : i32
        %get3A_1253 = arith.index_cast %add3A_1252 : i32 to index
        %get3A_1254 = arith.constant 16 : index
        %get3A_1255 = tpu.vector_load %arg10[%get3A_1253, %get3A_1254] {strides = array<i32>} : memref<1664x32xf32, #tpu.memory_space<vmem>>, vector<1x16xf32>,
        %get3A_1256 = vector.shape_cast %get3A_1255 : vector<1x16xf32> to vector<16xf32>
        %add3A_1257 = arith.addf %add3A_1243, %get3A_1256 : vector<16xf32>
        %add3A_1258 = arith.constant 13 : i32
        %add3A_1259 = arith.addi %add3A_1081, %add3A_1258 : i32
        %get3A_1260 = arith.index_cast %add3A_1259 : i32 to index
        %get3A_1261 = arith.constant 0 : index
        %get3A_1262 = tpu.vector_load %arg10[%get3A_1260, %get3A_1261] {strides = array<i32>} : memref<1664x32xf32, #tpu.memory_space<vmem>>, vector<1x16xf32>,
        %get3A_1263 = vector.shape_cast %get3A_1262 : vector<1x16xf32> to vector<16xf32>
        %add3A_1264 = arith.addf %add3A_1250, %get3A_1263 : vector<16xf32>
        %add3A_1265 = arith.constant 13 : i32
        %add3A_1266 = arith.addi %add3A_1081, %add3A_1265 : i32
        %get3A_1267 = arith.index_cast %add3A_1266 : i32 to index
        %get3A_1268 = arith.constant 16 : index
        %get3A_1269 = tpu.vector_load %arg10[%get3A_1267, %get3A_1268] {strides = array<i32>} : memref<1664x32xf32, #tpu.memory_space<vmem>>, vector<1x16xf32>,
        %get3A_1270 = vector.shape_cast %get3A_1269 : vector<1x16xf32> to vector<16xf32>
        %add3A_1271 = arith.addf %add3A_1257, %get3A_1270 : vector<16xf32>
        %add3A_1272 = arith.constant 14 : i32
        %add3A_1273 = arith.addi %add3A_1081, %add3A_1272 : i32
        %get3A_1274 = arith.index_cast %add3A_1273 : i32 to index
        %get3A_1275 = arith.constant 0 : index
        %get3A_1276 = tpu.vector_load %arg10[%get3A_1274, %get3A_1275] {strides = array<i32>} : memref<1664x32xf32, #tpu.memory_space<vmem>>, vector<1x16xf32>,
        %get3A_1277 = vector.shape_cast %get3A_1276 : vector<1x16xf32> to vector<16xf32>
        %add3A_1278 = arith.addf %add3A_1264, %get3A_1277 : vector<16xf32>
        %add3A_1279 = arith.constant 14 : i32
        %add3A_1280 = arith.addi %add3A_1081, %add3A_1279 : i32
        %get3A_1281 = arith.index_cast %add3A_1280 : i32 to index
        %get3A_1282 = arith.constant 16 : index
        %get3A_1283 = tpu.vector_load %arg10[%get3A_1281, %get3A_1282] {strides = array<i32>} : memref<1664x32xf32, #tpu.memory_space<vmem>>, vector<1x16xf32>,
        %get3A_1284 = vector.shape_cast %get3A_1283 : vector<1x16xf32> to vector<16xf32>
        %add3A_1285 = arith.addf %add3A_1271, %get3A_1284 : vector<16xf32>
        %add3A_1286 = arith.constant 15 : i32
        %add3A_1287 = arith.addi %add3A_1081, %add3A_1286 : i32
        %get3A_1288 = arith.index_cast %add3A_1287 : i32 to index
        %get3A_1289 = arith.constant 0 : index
        %get3A_1290 = tpu.vector_load %arg10[%get3A_1288, %get3A_1289] {strides = array<i32>} : memref<1664x32xf32, #tpu.memory_space<vmem>>, vector<1x16xf32>,
        %get3A_1291 = vector.shape_cast %get3A_1290 : vector<1x16xf32> to vector<16xf32>
        %add3A_1292 = arith.addf %add3A_1278, %get3A_1291 : vector<16xf32>
        %add3A_1293 = arith.constant 15 : i32
        %add3A_1294 = arith.addi %add3A_1081, %add3A_1293 : i32
        %get3A_1295 = arith.index_cast %add3A_1294 : i32 to index
        %get3A_1296 = arith.constant 16 : index
        %get3A_1297 = tpu.vector_load %arg10[%get3A_1295, %get3A_1296] {strides = array<i32>} : memref<1664x32xf32, #tpu.memory_space<vmem>>, vector<1x16xf32>,
        %get3A_1298 = vector.shape_cast %get3A_1297 : vector<1x16xf32> to vector<16xf32>
        %add3A_1299 = arith.addf %add3A_1285, %get3A_1298 : vector<16xf32>
        %add3A_1300 = arith.constant 16 : i32
        %add3A_1301 = arith.addi %add3A_1081, %add3A_1300 : i32
        %get3A_1302 = arith.index_cast %add3A_1301 : i32 to index
        %get3A_1303 = arith.constant 0 : index
        %get3A_1304 = tpu.vector_load %arg10[%get3A_1302, %get3A_1303] {strides = array<i32>} : memref<1664x32xf32, #tpu.memory_space<vmem>>, vector<1x16xf32>,
        %get3A_1305 = vector.shape_cast %get3A_1304 : vector<1x16xf32> to vector<16xf32>
        %add3A_1306 = arith.addf %add3A_1292, %get3A_1305 : vector<16xf32>
        %add3A_1307 = arith.constant 16 : i32
        %add3A_1308 = arith.addi %add3A_1081, %add3A_1307 : i32
        %get3A_1309 = arith.index_cast %add3A_1308 : i32 to index
        %get3A_1310 = arith.constant 16 : index
        %get3A_1311 = tpu.vector_load %arg10[%get3A_1309, %get3A_1310] {strides = array<i32>} : memref<1664x32xf32, #tpu.memory_space<vmem>>, vector<1x16xf32>,
        %get3A_1312 = vector.shape_cast %get3A_1311 : vector<1x16xf32> to vector<16xf32>
        %add3A_1313 = arith.addf %add3A_1299, %get3A_1312 : vector<16xf32>
        %add3A_1314 = arith.constant 17 : i32
        %add3A_1315 = arith.addi %add3A_1081, %add3A_1314 : i32
        %get3A_1316 = arith.index_cast %add3A_1315 : i32 to index
        %get3A_1317 = arith.constant 0 : index
        %get3A_1318 = tpu.vector_load %arg10[%get3A_1316, %get3A_1317] {strides = array<i32>} : memref<1664x32xf32, #tpu.memory_space<vmem>>, vector<1x16xf32>,
        %get3A_1319 = vector.shape_cast %get3A_1318 : vector<1x16xf32> to vector<16xf32>
        %add3A_1320 = arith.addf %add3A_1306, %get3A_1319 : vector<16xf32>
        %add3A_1321 = arith.constant 17 : i32
        %add3A_1322 = arith.addi %add3A_1081, %add3A_1321 : i32
        %get3A_1323 = arith.index_cast %add3A_1322 : i32 to index
        %get3A_1324 = arith.constant 16 : index
        %get3A_1325 = tpu.vector_load %arg10[%get3A_1323, %get3A_1324] {strides = array<i32>} : memref<1664x32xf32, #tpu.memory_space<vmem>>, vector<1x16xf32>,
        %get3A_1326 = vector.shape_cast %get3A_1325 : vector<1x16xf32> to vector<16xf32>
        %add3A_1327 = arith.addf %add3A_1313, %get3A_1326 : vector<16xf32>
        %add3A_1328 = arith.constant 18 : i32
        %add3A_1329 = arith.addi %add3A_1081, %add3A_1328 : i32
        %get3A_1330 = arith.index_cast %add3A_1329 : i32 to index
        %get3A_1331 = arith.constant 0 : index
        %get3A_1332 = tpu.vector_load %arg10[%get3A_1330, %get3A_1331] {strides = array<i32>} : memref<1664x32xf32, #tpu.memory_space<vmem>>, vector<1x16xf32>,
        %get3A_1333 = vector.shape_cast %get3A_1332 : vector<1x16xf32> to vector<16xf32>
        %add3A_1334 = arith.addf %add3A_1320, %get3A_1333 : vector<16xf32>
        %add3A_1335 = arith.constant 18 : i32
        %add3A_1336 = arith.addi %add3A_1081, %add3A_1335 : i32
        %get3A_1337 = arith.index_cast %add3A_1336 : i32 to index
        %get3A_1338 = arith.constant 16 : index
        %get3A_1339 = tpu.vector_load %arg10[%get3A_1337, %get3A_1338] {strides = array<i32>} : memref<1664x32xf32, #tpu.memory_space<vmem>>, vector<1x16xf32>,
        %get3A_1340 = vector.shape_cast %get3A_1339 : vector<1x16xf32> to vector<16xf32>
        %add3A_1341 = arith.addf %add3A_1327, %get3A_1340 : vector<16xf32>
        %add3A_1342 = arith.constant 19 : i32
        %add3A_1343 = arith.addi %add3A_1081, %add3A_1342 : i32
        %get3A_1344 = arith.index_cast %add3A_1343 : i32 to index
        %get3A_1345 = arith.constant 0 : index
        %get3A_1346 = tpu.vector_load %arg10[%get3A_1344, %get3A_1345] {strides = array<i32>} : memref<1664x32xf32, #tpu.memory_space<vmem>>, vector<1x16xf32>,
        %get3A_1347 = vector.shape_cast %get3A_1346 : vector<1x16xf32> to vector<16xf32>
        %add3A_1348 = arith.addf %add3A_1334, %get3A_1347 : vector<16xf32>
        %add3A_1349 = arith.constant 19 : i32
        %add3A_1350 = arith.addi %add3A_1081, %add3A_1349 : i32
        %get3A_1351 = arith.index_cast %add3A_1350 : i32 to index
        %get3A_1352 = arith.constant 16 : index
        %get3A_1353 = tpu.vector_load %arg10[%get3A_1351, %get3A_1352] {strides = array<i32>} : memref<1664x32xf32, #tpu.memory_space<vmem>>, vector<1x16xf32>,
        %get3A_1354 = vector.shape_cast %get3A_1353 : vector<1x16xf32> to vector<16xf32>
        %add3A_1355 = arith.addf %add3A_1341, %get3A_1354 : vector<16xf32>
        %add3A_1356 = arith.constant 20 : i32
        %add3A_1357 = arith.addi %add3A_1081, %add3A_1356 : i32
        %get3A_1358 = arith.index_cast %add3A_1357 : i32 to index
        %get3A_1359 = arith.constant 0 : index
        %get3A_1360 = tpu.vector_load %arg10[%get3A_1358, %get3A_1359] {strides = array<i32>} : memref<1664x32xf32, #tpu.memory_space<vmem>>, vector<1x16xf32>,
        %get3A_1361 = vector.shape_cast %get3A_1360 : vector<1x16xf32> to vector<16xf32>
        %add3A_1362 = arith.addf %add3A_1348, %get3A_1361 : vector<16xf32>
        %add3A_1363 = arith.constant 20 : i32
        %add3A_1364 = arith.addi %add3A_1081, %add3A_1363 : i32
        %get3A_1365 = arith.index_cast %add3A_1364 : i32 to index
        %get3A_1366 = arith.constant 16 : index
        %get3A_1367 = tpu.vector_load %arg10[%get3A_1365, %get3A_1366] {strides = array<i32>} : memref<1664x32xf32, #tpu.memory_space<vmem>>, vector<1x16xf32>,
        %get3A_1368 = vector.shape_cast %get3A_1367 : vector<1x16xf32> to vector<16xf32>
        %add3A_1369 = arith.addf %add3A_1355, %get3A_1368 : vector<16xf32>
        %add3A_1370 = arith.constant 21 : i32
        %add3A_1371 = arith.addi %add3A_1081, %add3A_1370 : i32
        %get3A_1372 = arith.index_cast %add3A_1371 : i32 to index
        %get3A_1373 = arith.constant 0 : index
        %get3A_1374 = tpu.vector_load %arg10[%get3A_1372, %get3A_1373] {strides = array<i32>} : memref<1664x32xf32, #tpu.memory_space<vmem>>, vector<1x16xf32>,
        %get3A_1375 = vector.shape_cast %get3A_1374 : vector<1x16xf32> to vector<16xf32>
        %add3A_1376 = arith.addf %add3A_1362, %get3A_1375 : vector<16xf32>
        %add3A_1377 = arith.constant 21 : i32
        %add3A_1378 = arith.addi %add3A_1081, %add3A_1377 : i32
        %get3A_1379 = arith.index_cast %add3A_1378 : i32 to index
        %get3A_1380 = arith.constant 16 : index
        %get3A_1381 = tpu.vector_load %arg10[%get3A_1379, %get3A_1380] {strides = array<i32>} : memref<1664x32xf32, #tpu.memory_space<vmem>>, vector<1x16xf32>,
        %get3A_1382 = vector.shape_cast %get3A_1381 : vector<1x16xf32> to vector<16xf32>
        %add3A_1383 = arith.addf %add3A_1369, %get3A_1382 : vector<16xf32>
        %add3A_1384 = arith.constant 22 : i32
        %add3A_1385 = arith.addi %add3A_1081, %add3A_1384 : i32
        %get3A_1386 = arith.index_cast %add3A_1385 : i32 to index
        %get3A_1387 = arith.constant 0 : index
        %get3A_1388 = tpu.vector_load %arg10[%get3A_1386, %get3A_1387] {strides = array<i32>} : memref<1664x32xf32, #tpu.memory_space<vmem>>, vector<1x16xf32>,
        %get3A_1389 = vector.shape_cast %get3A_1388 : vector<1x16xf32> to vector<16xf32>
        %add3A_1390 = arith.addf %add3A_1376, %get3A_1389 : vector<16xf32>
        %add3A_1391 = arith.constant 22 : i32
        %add3A_1392 = arith.addi %add3A_1081, %add3A_1391 : i32
        %get3A_1393 = arith.index_cast %add3A_1392 : i32 to index
        %get3A_1394 = arith.constant 16 : index
        %get3A_1395 = tpu.vector_load %arg10[%get3A_1393, %get3A_1394] {strides = array<i32>} : memref<1664x32xf32, #tpu.memory_space<vmem>>, vector<1x16xf32>,
        %get3A_1396 = vector.shape_cast %get3A_1395 : vector<1x16xf32> to vector<16xf32>
        %add3A_1397 = arith.addf %add3A_1383, %get3A_1396 : vector<16xf32>
        %add3A_1398 = arith.constant 23 : i32
        %add3A_1399 = arith.addi %add3A_1081, %add3A_1398 : i32
        %get3A_1400 = arith.index_cast %add3A_1399 : i32 to index
        %get3A_1401 = arith.constant 0 : index
        %get3A_1402 = tpu.vector_load %arg10[%get3A_1400, %get3A_1401] {strides = array<i32>} : memref<1664x32xf32, #tpu.memory_space<vmem>>, vector<1x16xf32>,
        %get3A_1403 = vector.shape_cast %get3A_1402 : vector<1x16xf32> to vector<16xf32>
        %add3A_1404 = arith.addf %add3A_1390, %get3A_1403 : vector<16xf32>
        %add3A_1405 = arith.constant 23 : i32
        %add3A_1406 = arith.addi %add3A_1081, %add3A_1405 : i32
        %get3A_1407 = arith.index_cast %add3A_1406 : i32 to index
        %get3A_1408 = arith.constant 16 : index
        %get3A_1409 = tpu.vector_load %arg10[%get3A_1407, %get3A_1408] {strides = array<i32>} : memref<1664x32xf32, #tpu.memory_space<vmem>>, vector<1x16xf32>,
        %get3A_1410 = vector.shape_cast %get3A_1409 : vector<1x16xf32> to vector<16xf32>
        %add3A_1411 = arith.addf %add3A_1397, %get3A_1410 : vector<16xf32>
        %add3A_1412 = arith.constant 24 : i32
        %add3A_1413 = arith.addi %add3A_1081, %add3A_1412 : i32
        %get3A_1414 = arith.index_cast %add3A_1413 : i32 to index
        %get3A_1415 = arith.constant 0 : index
        %get3A_1416 = tpu.vector_load %arg10[%get3A_1414, %get3A_1415] {strides = array<i32>} : memref<1664x32xf32, #tpu.memory_space<vmem>>, vector<1x16xf32>,
        %get3A_1417 = vector.shape_cast %get3A_1416 : vector<1x16xf32> to vector<16xf32>
        %add3A_1418 = arith.addf %add3A_1404, %get3A_1417 : vector<16xf32>
        %add3A_1419 = arith.constant 24 : i32
        %add3A_1420 = arith.addi %add3A_1081, %add3A_1419 : i32
        %get3A_1421 = arith.index_cast %add3A_1420 : i32 to index
        %get3A_1422 = arith.constant 16 : index
        %get3A_1423 = tpu.vector_load %arg10[%get3A_1421, %get3A_1422] {strides = array<i32>} : memref<1664x32xf32, #tpu.memory_space<vmem>>, vector<1x16xf32>,
        %get3A_1424 = vector.shape_cast %get3A_1423 : vector<1x16xf32> to vector<16xf32>
        %add3A_1425 = arith.addf %add3A_1411, %get3A_1424 : vector<16xf32>
        %add3A_1426 = arith.constant 25 : i32
        %add3A_1427 = arith.addi %add3A_1081, %add3A_1426 : i32
        %get3A_1428 = arith.index_cast %add3A_1427 : i32 to index
        %get3A_1429 = arith.constant 0 : index
        %get3A_1430 = tpu.vector_load %arg10[%get3A_1428, %get3A_1429] {strides = array<i32>} : memref<1664x32xf32, #tpu.memory_space<vmem>>, vector<1x16xf32>,
        %get3A_1431 = vector.shape_cast %get3A_1430 : vector<1x16xf32> to vector<16xf32>
        %add3A_1432 = arith.addf %add3A_1418, %get3A_1431 : vector<16xf32>
        %add3A_1433 = arith.constant 25 : i32
        %add3A_1434 = arith.addi %add3A_1081, %add3A_1433 : i32
        %get3A_1435 = arith.index_cast %add3A_1434 : i32 to index
        %get3A_1436 = arith.constant 16 : index
        %get3A_1437 = tpu.vector_load %arg10[%get3A_1435, %get3A_1436] {strides = array<i32>} : memref<1664x32xf32, #tpu.memory_space<vmem>>, vector<1x16xf32>,
        %get3A_1438 = vector.shape_cast %get3A_1437 : vector<1x16xf32> to vector<16xf32>
        %add3A_1439 = arith.addf %add3A_1425, %get3A_1438 : vector<16xf32>
        %swap3A_1440 = arith.index_cast %scan3A_335 : i32 to index
        %swap3A_1441 = arith.constant 64 : index
        %swap3A_1442 = tpu.vector_load %arg11[%swap3A_1440, %swap3A_1441] {strides = array<i32>} : memref<16x128xf32, #tpu.memory_space<vmem>>, vector<1x16xf32>,
        %swap3A_1443 = vector.shape_cast %swap3A_1442 : vector<1x16xf32> to vector<16xf32>
        %swap3A_1444 = vector.shape_cast %add3A_1432 : vector<16xf32> to vector<1x16xf32>
        tpu.vector_store %arg11[%swap3A_1440, %swap3A_1441], %swap3A_1444 {strides = array<i32>} : memref<16x128xf32, #tpu.memory_space<vmem>>, vector<1x16xf32>,
        %swap3A_1445 = arith.index_cast %scan3A_335 : i32 to index
        %swap3A_1446 = arith.constant 80 : index
        %swap3A_1447 = tpu.vector_load %arg11[%swap3A_1445, %swap3A_1446] {strides = array<i32>} : memref<16x128xf32, #tpu.memory_space<vmem>>, vector<1x16xf32>,
        %swap3A_1448 = vector.shape_cast %swap3A_1447 : vector<1x16xf32> to vector<16xf32>
        %swap3A_1449 = vector.shape_cast %add3A_1439 : vector<16xf32> to vector<1x16xf32>
        tpu.vector_store %arg11[%swap3A_1445, %swap3A_1446], %swap3A_1449 {strides = array<i32>} : memref<16x128xf32, #tpu.memory_space<vmem>>, vector<1x16xf32>,
        %mul3A_1450 = arith.constant 104 : i32
        %mul3A_1451 = arith.muli %scan3A_335, %mul3A_1450 : i32
        %add3A_1452 = arith.constant 78 : i32
        %add3A_1453 = arith.addi %mul3A_1451, %add3A_1452 : i32
        %get3A_1454 = arith.index_cast %add3A_1453 : i32 to index
        %get3A_1455 = arith.constant 0 : index
        %get3A_1456 = tpu.vector_load %arg10[%get3A_1454, %get3A_1455] {strides = array<i32>} : memref<1664x32xf32, #tpu.memory_space<vmem>>, vector<1x16xf32>,
        %get3A_1457 = vector.shape_cast %get3A_1456 : vector<1x16xf32> to vector<16xf32>
        %get3A_1458 = arith.index_cast %add3A_1453 : i32 to index
        %get3A_1459 = arith.constant 16 : index
        %get3A_1460 = tpu.vector_load %arg10[%get3A_1458, %get3A_1459] {strides = array<i32>} : memref<1664x32xf32, #tpu.memory_space<vmem>>, vector<1x16xf32>,
        %get3A_1461 = vector.shape_cast %get3A_1460 : vector<1x16xf32> to vector<16xf32>
        %add3A_1462 = arith.constant 1 : i32
        %add3A_1463 = arith.addi %add3A_1453, %add3A_1462 : i32
        %get3A_1464 = arith.index_cast %add3A_1463 : i32 to index
        %get3A_1465 = arith.constant 0 : index
        %get3A_1466 = tpu.vector_load %arg10[%get3A_1464, %get3A_1465] {strides = array<i32>} : memref<1664x32xf32, #tpu.memory_space<vmem>>, vector<1x16xf32>,
        %get3A_1467 = vector.shape_cast %get3A_1466 : vector<1x16xf32> to vector<16xf32>
        %add3A_1468 = arith.addf %get3A_1457, %get3A_1467 : vector<16xf32>
        %add3A_1469 = arith.constant 1 : i32
        %add3A_1470 = arith.addi %add3A_1453, %add3A_1469 : i32
        %get3A_1471 = arith.index_cast %add3A_1470 : i32 to index
        %get3A_1472 = arith.constant 16 : index
        %get3A_1473 = tpu.vector_load %arg10[%get3A_1471, %get3A_1472] {strides = array<i32>} : memref<1664x32xf32, #tpu.memory_space<vmem>>, vector<1x16xf32>,
        %get3A_1474 = vector.shape_cast %get3A_1473 : vector<1x16xf32> to vector<16xf32>
        %add3A_1475 = arith.addf %get3A_1461, %get3A_1474 : vector<16xf32>
        %add3A_1476 = arith.constant 2 : i32
        %add3A_1477 = arith.addi %add3A_1453, %add3A_1476 : i32
        %get3A_1478 = arith.index_cast %add3A_1477 : i32 to index
        %get3A_1479 = arith.constant 0 : index
        %get3A_1480 = tpu.vector_load %arg10[%get3A_1478, %get3A_1479] {strides = array<i32>} : memref<1664x32xf32, #tpu.memory_space<vmem>>, vector<1x16xf32>,
        %get3A_1481 = vector.shape_cast %get3A_1480 : vector<1x16xf32> to vector<16xf32>
        %add3A_1482 = arith.addf %add3A_1468, %get3A_1481 : vector<16xf32>
        %add3A_1483 = arith.constant 2 : i32
        %add3A_1484 = arith.addi %add3A_1453, %add3A_1483 : i32
        %get3A_1485 = arith.index_cast %add3A_1484 : i32 to index
        %get3A_1486 = arith.constant 16 : index
        %get3A_1487 = tpu.vector_load %arg10[%get3A_1485, %get3A_1486] {strides = array<i32>} : memref<1664x32xf32, #tpu.memory_space<vmem>>, vector<1x16xf32>,
        %get3A_1488 = vector.shape_cast %get3A_1487 : vector<1x16xf32> to vector<16xf32>
        %add3A_1489 = arith.addf %add3A_1475, %get3A_1488 : vector<16xf32>
        %add3A_1490 = arith.constant 3 : i32
        %add3A_1491 = arith.addi %add3A_1453, %add3A_1490 : i32
        %get3A_1492 = arith.index_cast %add3A_1491 : i32 to index
        %get3A_1493 = arith.constant 0 : index
        %get3A_1494 = tpu.vector_load %arg10[%get3A_1492, %get3A_1493] {strides = array<i32>} : memref<1664x32xf32, #tpu.memory_space<vmem>>, vector<1x16xf32>,
        %get3A_1495 = vector.shape_cast %get3A_1494 : vector<1x16xf32> to vector<16xf32>
        %add3A_1496 = arith.addf %add3A_1482, %get3A_1495 : vector<16xf32>
        %add3A_1497 = arith.constant 3 : i32
        %add3A_1498 = arith.addi %add3A_1453, %add3A_1497 : i32
        %get3A_1499 = arith.index_cast %add3A_1498 : i32 to index
        %get3A_1500 = arith.constant 16 : index
        %get3A_1501 = tpu.vector_load %arg10[%get3A_1499, %get3A_1500] {strides = array<i32>} : memref<1664x32xf32, #tpu.memory_space<vmem>>, vector<1x16xf32>,
        %get3A_1502 = vector.shape_cast %get3A_1501 : vector<1x16xf32> to vector<16xf32>
        %add3A_1503 = arith.addf %add3A_1489, %get3A_1502 : vector<16xf32>
        %add3A_1504 = arith.constant 4 : i32
        %add3A_1505 = arith.addi %add3A_1453, %add3A_1504 : i32
        %get3A_1506 = arith.index_cast %add3A_1505 : i32 to index
        %get3A_1507 = arith.constant 0 : index
        %get3A_1508 = tpu.vector_load %arg10[%get3A_1506, %get3A_1507] {strides = array<i32>} : memref<1664x32xf32, #tpu.memory_space<vmem>>, vector<1x16xf32>,
        %get3A_1509 = vector.shape_cast %get3A_1508 : vector<1x16xf32> to vector<16xf32>
        %add3A_1510 = arith.addf %add3A_1496, %get3A_1509 : vector<16xf32>
        %add3A_1511 = arith.constant 4 : i32
        %add3A_1512 = arith.addi %add3A_1453, %add3A_1511 : i32
        %get3A_1513 = arith.index_cast %add3A_1512 : i32 to index
        %get3A_1514 = arith.constant 16 : index
        %get3A_1515 = tpu.vector_load %arg10[%get3A_1513, %get3A_1514] {strides = array<i32>} : memref<1664x32xf32, #tpu.memory_space<vmem>>, vector<1x16xf32>,
        %get3A_1516 = vector.shape_cast %get3A_1515 : vector<1x16xf32> to vector<16xf32>
        %add3A_1517 = arith.addf %add3A_1503, %get3A_1516 : vector<16xf32>
        %add3A_1518 = arith.constant 5 : i32
        %add3A_1519 = arith.addi %add3A_1453, %add3A_1518 : i32
        %get3A_1520 = arith.index_cast %add3A_1519 : i32 to index
        %get3A_1521 = arith.constant 0 : index
        %get3A_1522 = tpu.vector_load %arg10[%get3A_1520, %get3A_1521] {strides = array<i32>} : memref<1664x32xf32, #tpu.memory_space<vmem>>, vector<1x16xf32>,
        %get3A_1523 = vector.shape_cast %get3A_1522 : vector<1x16xf32> to vector<16xf32>
        %add3A_1524 = arith.addf %add3A_1510, %get3A_1523 : vector<16xf32>
        %add3A_1525 = arith.constant 5 : i32
        %add3A_1526 = arith.addi %add3A_1453, %add3A_1525 : i32
        %get3A_1527 = arith.index_cast %add3A_1526 : i32 to index
        %get3A_1528 = arith.constant 16 : index
        %get3A_1529 = tpu.vector_load %arg10[%get3A_1527, %get3A_1528] {strides = array<i32>} : memref<1664x32xf32, #tpu.memory_space<vmem>>, vector<1x16xf32>,
        %get3A_1530 = vector.shape_cast %get3A_1529 : vector<1x16xf32> to vector<16xf32>
        %add3A_1531 = arith.addf %add3A_1517, %get3A_1530 : vector<16xf32>
        %add3A_1532 = arith.constant 6 : i32
        %add3A_1533 = arith.addi %add3A_1453, %add3A_1532 : i32
        %get3A_1534 = arith.index_cast %add3A_1533 : i32 to index
        %get3A_1535 = arith.constant 0 : index
        %get3A_1536 = tpu.vector_load %arg10[%get3A_1534, %get3A_1535] {strides = array<i32>} : memref<1664x32xf32, #tpu.memory_space<vmem>>, vector<1x16xf32>,
        %get3A_1537 = vector.shape_cast %get3A_1536 : vector<1x16xf32> to vector<16xf32>
        %add3A_1538 = arith.addf %add3A_1524, %get3A_1537 : vector<16xf32>
        %add3A_1539 = arith.constant 6 : i32
        %add3A_1540 = arith.addi %add3A_1453, %add3A_1539 : i32
        %get3A_1541 = arith.index_cast %add3A_1540 : i32 to index
        %get3A_1542 = arith.constant 16 : index
        %get3A_1543 = tpu.vector_load %arg10[%get3A_1541, %get3A_1542] {strides = array<i32>} : memref<1664x32xf32, #tpu.memory_space<vmem>>, vector<1x16xf32>,
        %get3A_1544 = vector.shape_cast %get3A_1543 : vector<1x16xf32> to vector<16xf32>
        %add3A_1545 = arith.addf %add3A_1531, %get3A_1544 : vector<16xf32>
        %add3A_1546 = arith.constant 7 : i32
        %add3A_1547 = arith.addi %add3A_1453, %add3A_1546 : i32
        %get3A_1548 = arith.index_cast %add3A_1547 : i32 to index
        %get3A_1549 = arith.constant 0 : index
        %get3A_1550 = tpu.vector_load %arg10[%get3A_1548, %get3A_1549] {strides = array<i32>} : memref<1664x32xf32, #tpu.memory_space<vmem>>, vector<1x16xf32>,
        %get3A_1551 = vector.shape_cast %get3A_1550 : vector<1x16xf32> to vector<16xf32>
        %add3A_1552 = arith.addf %add3A_1538, %get3A_1551 : vector<16xf32>
        %add3A_1553 = arith.constant 7 : i32
        %add3A_1554 = arith.addi %add3A_1453, %add3A_1553 : i32
        %get3A_1555 = arith.index_cast %add3A_1554 : i32 to index
        %get3A_1556 = arith.constant 16 : index
        %get3A_1557 = tpu.vector_load %arg10[%get3A_1555, %get3A_1556] {strides = array<i32>} : memref<1664x32xf32, #tpu.memory_space<vmem>>, vector<1x16xf32>,
        %get3A_1558 = vector.shape_cast %get3A_1557 : vector<1x16xf32> to vector<16xf32>
        %add3A_1559 = arith.addf %add3A_1545, %get3A_1558 : vector<16xf32>
        %add3A_1560 = arith.constant 8 : i32
        %add3A_1561 = arith.addi %add3A_1453, %add3A_1560 : i32
        %get3A_1562 = arith.index_cast %add3A_1561 : i32 to index
        %get3A_1563 = arith.constant 0 : index
        %get3A_1564 = tpu.vector_load %arg10[%get3A_1562, %get3A_1563] {strides = array<i32>} : memref<1664x32xf32, #tpu.memory_space<vmem>>, vector<1x16xf32>,
        %get3A_1565 = vector.shape_cast %get3A_1564 : vector<1x16xf32> to vector<16xf32>
        %add3A_1566 = arith.addf %add3A_1552, %get3A_1565 : vector<16xf32>
        %add3A_1567 = arith.constant 8 : i32
        %add3A_1568 = arith.addi %add3A_1453, %add3A_1567 : i32
        %get3A_1569 = arith.index_cast %add3A_1568 : i32 to index
        %get3A_1570 = arith.constant 16 : index
        %get3A_1571 = tpu.vector_load %arg10[%get3A_1569, %get3A_1570] {strides = array<i32>} : memref<1664x32xf32, #tpu.memory_space<vmem>>, vector<1x16xf32>,
        %get3A_1572 = vector.shape_cast %get3A_1571 : vector<1x16xf32> to vector<16xf32>
        %add3A_1573 = arith.addf %add3A_1559, %get3A_1572 : vector<16xf32>
        %add3A_1574 = arith.constant 9 : i32
        %add3A_1575 = arith.addi %add3A_1453, %add3A_1574 : i32
        %get3A_1576 = arith.index_cast %add3A_1575 : i32 to index
        %get3A_1577 = arith.constant 0 : index
        %get3A_1578 = tpu.vector_load %arg10[%get3A_1576, %get3A_1577] {strides = array<i32>} : memref<1664x32xf32, #tpu.memory_space<vmem>>, vector<1x16xf32>,
        %get3A_1579 = vector.shape_cast %get3A_1578 : vector<1x16xf32> to vector<16xf32>
        %add3A_1580 = arith.addf %add3A_1566, %get3A_1579 : vector<16xf32>
        %add3A_1581 = arith.constant 9 : i32
        %add3A_1582 = arith.addi %add3A_1453, %add3A_1581 : i32
        %get3A_1583 = arith.index_cast %add3A_1582 : i32 to index
        %get3A_1584 = arith.constant 16 : index
        %get3A_1585 = tpu.vector_load %arg10[%get3A_1583, %get3A_1584] {strides = array<i32>} : memref<1664x32xf32, #tpu.memory_space<vmem>>, vector<1x16xf32>,
        %get3A_1586 = vector.shape_cast %get3A_1585 : vector<1x16xf32> to vector<16xf32>
        %add3A_1587 = arith.addf %add3A_1573, %get3A_1586 : vector<16xf32>
        %add3A_1588 = arith.constant 10 : i32
        %add3A_1589 = arith.addi %add3A_1453, %add3A_1588 : i32
        %get3A_1590 = arith.index_cast %add3A_1589 : i32 to index
        %get3A_1591 = arith.constant 0 : index
        %get3A_1592 = tpu.vector_load %arg10[%get3A_1590, %get3A_1591] {strides = array<i32>} : memref<1664x32xf32, #tpu.memory_space<vmem>>, vector<1x16xf32>,
        %get3A_1593 = vector.shape_cast %get3A_1592 : vector<1x16xf32> to vector<16xf32>
        %add3A_1594 = arith.addf %add3A_1580, %get3A_1593 : vector<16xf32>
        %add3A_1595 = arith.constant 10 : i32
        %add3A_1596 = arith.addi %add3A_1453, %add3A_1595 : i32
        %get3A_1597 = arith.index_cast %add3A_1596 : i32 to index
        %get3A_1598 = arith.constant 16 : index
        %get3A_1599 = tpu.vector_load %arg10[%get3A_1597, %get3A_1598] {strides = array<i32>} : memref<1664x32xf32, #tpu.memory_space<vmem>>, vector<1x16xf32>,
        %get3A_1600 = vector.shape_cast %get3A_1599 : vector<1x16xf32> to vector<16xf32>
        %add3A_1601 = arith.addf %add3A_1587, %get3A_1600 : vector<16xf32>
        %add3A_1602 = arith.constant 11 : i32
        %add3A_1603 = arith.addi %add3A_1453, %add3A_1602 : i32
        %get3A_1604 = arith.index_cast %add3A_1603 : i32 to index
        %get3A_1605 = arith.constant 0 : index
        %get3A_1606 = tpu.vector_load %arg10[%get3A_1604, %get3A_1605] {strides = array<i32>} : memref<1664x32xf32, #tpu.memory_space<vmem>>, vector<1x16xf32>,
        %get3A_1607 = vector.shape_cast %get3A_1606 : vector<1x16xf32> to vector<16xf32>
        %add3A_1608 = arith.addf %add3A_1594, %get3A_1607 : vector<16xf32>
        %add3A_1609 = arith.constant 11 : i32
        %add3A_1610 = arith.addi %add3A_1453, %add3A_1609 : i32
        %get3A_1611 = arith.index_cast %add3A_1610 : i32 to index
        %get3A_1612 = arith.constant 16 : index
        %get3A_1613 = tpu.vector_load %arg10[%get3A_1611, %get3A_1612] {strides = array<i32>} : memref<1664x32xf32, #tpu.memory_space<vmem>>, vector<1x16xf32>,
        %get3A_1614 = vector.shape_cast %get3A_1613 : vector<1x16xf32> to vector<16xf32>
        %add3A_1615 = arith.addf %add3A_1601, %get3A_1614 : vector<16xf32>
        %add3A_1616 = arith.constant 12 : i32
        %add3A_1617 = arith.addi %add3A_1453, %add3A_1616 : i32
        %get3A_1618 = arith.index_cast %add3A_1617 : i32 to index
        %get3A_1619 = arith.constant 0 : index
        %get3A_1620 = tpu.vector_load %arg10[%get3A_1618, %get3A_1619] {strides = array<i32>} : memref<1664x32xf32, #tpu.memory_space<vmem>>, vector<1x16xf32>,
        %get3A_1621 = vector.shape_cast %get3A_1620 : vector<1x16xf32> to vector<16xf32>
        %add3A_1622 = arith.addf %add3A_1608, %get3A_1621 : vector<16xf32>
        %add3A_1623 = arith.constant 12 : i32
        %add3A_1624 = arith.addi %add3A_1453, %add3A_1623 : i32
        %get3A_1625 = arith.index_cast %add3A_1624 : i32 to index
        %get3A_1626 = arith.constant 16 : index
        %get3A_1627 = tpu.vector_load %arg10[%get3A_1625, %get3A_1626] {strides = array<i32>} : memref<1664x32xf32, #tpu.memory_space<vmem>>, vector<1x16xf32>,
        %get3A_1628 = vector.shape_cast %get3A_1627 : vector<1x16xf32> to vector<16xf32>
        %add3A_1629 = arith.addf %add3A_1615, %get3A_1628 : vector<16xf32>
        %add3A_1630 = arith.constant 13 : i32
        %add3A_1631 = arith.addi %add3A_1453, %add3A_1630 : i32
        %get3A_1632 = arith.index_cast %add3A_1631 : i32 to index
        %get3A_1633 = arith.constant 0 : index
        %get3A_1634 = tpu.vector_load %arg10[%get3A_1632, %get3A_1633] {strides = array<i32>} : memref<1664x32xf32, #tpu.memory_space<vmem>>, vector<1x16xf32>,
        %get3A_1635 = vector.shape_cast %get3A_1634 : vector<1x16xf32> to vector<16xf32>
        %add3A_1636 = arith.addf %add3A_1622, %get3A_1635 : vector<16xf32>
        %add3A_1637 = arith.constant 13 : i32
        %add3A_1638 = arith.addi %add3A_1453, %add3A_1637 : i32
        %get3A_1639 = arith.index_cast %add3A_1638 : i32 to index
        %get3A_1640 = arith.constant 16 : index
        %get3A_1641 = tpu.vector_load %arg10[%get3A_1639, %get3A_1640] {strides = array<i32>} : memref<1664x32xf32, #tpu.memory_space<vmem>>, vector<1x16xf32>,
        %get3A_1642 = vector.shape_cast %get3A_1641 : vector<1x16xf32> to vector<16xf32>
        %add3A_1643 = arith.addf %add3A_1629, %get3A_1642 : vector<16xf32>
        %add3A_1644 = arith.constant 14 : i32
        %add3A_1645 = arith.addi %add3A_1453, %add3A_1644 : i32
        %get3A_1646 = arith.index_cast %add3A_1645 : i32 to index
        %get3A_1647 = arith.constant 0 : index
        %get3A_1648 = tpu.vector_load %arg10[%get3A_1646, %get3A_1647] {strides = array<i32>} : memref<1664x32xf32, #tpu.memory_space<vmem>>, vector<1x16xf32>,
        %get3A_1649 = vector.shape_cast %get3A_1648 : vector<1x16xf32> to vector<16xf32>
        %add3A_1650 = arith.addf %add3A_1636, %get3A_1649 : vector<16xf32>
        %add3A_1651 = arith.constant 14 : i32
        %add3A_1652 = arith.addi %add3A_1453, %add3A_1651 : i32
        %get3A_1653 = arith.index_cast %add3A_1652 : i32 to index
        %get3A_1654 = arith.constant 16 : index
        %get3A_1655 = tpu.vector_load %arg10[%get3A_1653, %get3A_1654] {strides = array<i32>} : memref<1664x32xf32, #tpu.memory_space<vmem>>, vector<1x16xf32>,
        %get3A_1656 = vector.shape_cast %get3A_1655 : vector<1x16xf32> to vector<16xf32>
        %add3A_1657 = arith.addf %add3A_1643, %get3A_1656 : vector<16xf32>
        %add3A_1658 = arith.constant 15 : i32
        %add3A_1659 = arith.addi %add3A_1453, %add3A_1658 : i32
        %get3A_1660 = arith.index_cast %add3A_1659 : i32 to index
        %get3A_1661 = arith.constant 0 : index
        %get3A_1662 = tpu.vector_load %arg10[%get3A_1660, %get3A_1661] {strides = array<i32>} : memref<1664x32xf32, #tpu.memory_space<vmem>>, vector<1x16xf32>,
        %get3A_1663 = vector.shape_cast %get3A_1662 : vector<1x16xf32> to vector<16xf32>
        %add3A_1664 = arith.addf %add3A_1650, %get3A_1663 : vector<16xf32>
        %add3A_1665 = arith.constant 15 : i32
        %add3A_1666 = arith.addi %add3A_1453, %add3A_1665 : i32
        %get3A_1667 = arith.index_cast %add3A_1666 : i32 to index
        %get3A_1668 = arith.constant 16 : index
        %get3A_1669 = tpu.vector_load %arg10[%get3A_1667, %get3A_1668] {strides = array<i32>} : memref<1664x32xf32, #tpu.memory_space<vmem>>, vector<1x16xf32>,
        %get3A_1670 = vector.shape_cast %get3A_1669 : vector<1x16xf32> to vector<16xf32>
        %add3A_1671 = arith.addf %add3A_1657, %get3A_1670 : vector<16xf32>
        %add3A_1672 = arith.constant 16 : i32
        %add3A_1673 = arith.addi %add3A_1453, %add3A_1672 : i32
        %get3A_1674 = arith.index_cast %add3A_1673 : i32 to index
        %get3A_1675 = arith.constant 0 : index
        %get3A_1676 = tpu.vector_load %arg10[%get3A_1674, %get3A_1675] {strides = array<i32>} : memref<1664x32xf32, #tpu.memory_space<vmem>>, vector<1x16xf32>,
        %get3A_1677 = vector.shape_cast %get3A_1676 : vector<1x16xf32> to vector<16xf32>
        %add3A_1678 = arith.addf %add3A_1664, %get3A_1677 : vector<16xf32>
        %add3A_1679 = arith.constant 16 : i32
        %add3A_1680 = arith.addi %add3A_1453, %add3A_1679 : i32
        %get3A_1681 = arith.index_cast %add3A_1680 : i32 to index
        %get3A_1682 = arith.constant 16 : index
        %get3A_1683 = tpu.vector_load %arg10[%get3A_1681, %get3A_1682] {strides = array<i32>} : memref<1664x32xf32, #tpu.memory_space<vmem>>, vector<1x16xf32>,
        %get3A_1684 = vector.shape_cast %get3A_1683 : vector<1x16xf32> to vector<16xf32>
        %add3A_1685 = arith.addf %add3A_1671, %get3A_1684 : vector<16xf32>
        %add3A_1686 = arith.constant 17 : i32
        %add3A_1687 = arith.addi %add3A_1453, %add3A_1686 : i32
        %get3A_1688 = arith.index_cast %add3A_1687 : i32 to index
        %get3A_1689 = arith.constant 0 : index
        %get3A_1690 = tpu.vector_load %arg10[%get3A_1688, %get3A_1689] {strides = array<i32>} : memref<1664x32xf32, #tpu.memory_space<vmem>>, vector<1x16xf32>,
        %get3A_1691 = vector.shape_cast %get3A_1690 : vector<1x16xf32> to vector<16xf32>
        %add3A_1692 = arith.addf %add3A_1678, %get3A_1691 : vector<16xf32>
        %add3A_1693 = arith.constant 17 : i32
        %add3A_1694 = arith.addi %add3A_1453, %add3A_1693 : i32
        %get3A_1695 = arith.index_cast %add3A_1694 : i32 to index
        %get3A_1696 = arith.constant 16 : index
        %get3A_1697 = tpu.vector_load %arg10[%get3A_1695, %get3A_1696] {strides = array<i32>} : memref<1664x32xf32, #tpu.memory_space<vmem>>, vector<1x16xf32>,
        %get3A_1698 = vector.shape_cast %get3A_1697 : vector<1x16xf32> to vector<16xf32>
        %add3A_1699 = arith.addf %add3A_1685, %get3A_1698 : vector<16xf32>
        %add3A_1700 = arith.constant 18 : i32
        %add3A_1701 = arith.addi %add3A_1453, %add3A_1700 : i32
        %get3A_1702 = arith.index_cast %add3A_1701 : i32 to index
        %get3A_1703 = arith.constant 0 : index
        %get3A_1704 = tpu.vector_load %arg10[%get3A_1702, %get3A_1703] {strides = array<i32>} : memref<1664x32xf32, #tpu.memory_space<vmem>>, vector<1x16xf32>,
        %get3A_1705 = vector.shape_cast %get3A_1704 : vector<1x16xf32> to vector<16xf32>
        %add3A_1706 = arith.addf %add3A_1692, %get3A_1705 : vector<16xf32>
        %add3A_1707 = arith.constant 18 : i32
        %add3A_1708 = arith.addi %add3A_1453, %add3A_1707 : i32
        %get3A_1709 = arith.index_cast %add3A_1708 : i32 to index
        %get3A_1710 = arith.constant 16 : index
        %get3A_1711 = tpu.vector_load %arg10[%get3A_1709, %get3A_1710] {strides = array<i32>} : memref<1664x32xf32, #tpu.memory_space<vmem>>, vector<1x16xf32>,
        %get3A_1712 = vector.shape_cast %get3A_1711 : vector<1x16xf32> to vector<16xf32>
        %add3A_1713 = arith.addf %add3A_1699, %get3A_1712 : vector<16xf32>
        %add3A_1714 = arith.constant 19 : i32
        %add3A_1715 = arith.addi %add3A_1453, %add3A_1714 : i32
        %get3A_1716 = arith.index_cast %add3A_1715 : i32 to index
        %get3A_1717 = arith.constant 0 : index
        %get3A_1718 = tpu.vector_load %arg10[%get3A_1716, %get3A_1717] {strides = array<i32>} : memref<1664x32xf32, #tpu.memory_space<vmem>>, vector<1x16xf32>,
        %get3A_1719 = vector.shape_cast %get3A_1718 : vector<1x16xf32> to vector<16xf32>
        %add3A_1720 = arith.addf %add3A_1706, %get3A_1719 : vector<16xf32>
        %add3A_1721 = arith.constant 19 : i32
        %add3A_1722 = arith.addi %add3A_1453, %add3A_1721 : i32
        %get3A_1723 = arith.index_cast %add3A_1722 : i32 to index
        %get3A_1724 = arith.constant 16 : index
        %get3A_1725 = tpu.vector_load %arg10[%get3A_1723, %get3A_1724] {strides = array<i32>} : memref<1664x32xf32, #tpu.memory_space<vmem>>, vector<1x16xf32>,
        %get3A_1726 = vector.shape_cast %get3A_1725 : vector<1x16xf32> to vector<16xf32>
        %add3A_1727 = arith.addf %add3A_1713, %get3A_1726 : vector<16xf32>
        %add3A_1728 = arith.constant 20 : i32
        %add3A_1729 = arith.addi %add3A_1453, %add3A_1728 : i32
        %get3A_1730 = arith.index_cast %add3A_1729 : i32 to index
        %get3A_1731 = arith.constant 0 : index
        %get3A_1732 = tpu.vector_load %arg10[%get3A_1730, %get3A_1731] {strides = array<i32>} : memref<1664x32xf32, #tpu.memory_space<vmem>>, vector<1x16xf32>,
        %get3A_1733 = vector.shape_cast %get3A_1732 : vector<1x16xf32> to vector<16xf32>
        %add3A_1734 = arith.addf %add3A_1720, %get3A_1733 : vector<16xf32>
        %add3A_1735 = arith.constant 20 : i32
        %add3A_1736 = arith.addi %add3A_1453, %add3A_1735 : i32
        %get3A_1737 = arith.index_cast %add3A_1736 : i32 to index
        %get3A_1738 = arith.constant 16 : index
        %get3A_1739 = tpu.vector_load %arg10[%get3A_1737, %get3A_1738] {strides = array<i32>} : memref<1664x32xf32, #tpu.memory_space<vmem>>, vector<1x16xf32>,
        %get3A_1740 = vector.shape_cast %get3A_1739 : vector<1x16xf32> to vector<16xf32>
        %add3A_1741 = arith.addf %add3A_1727, %get3A_1740 : vector<16xf32>
        %add3A_1742 = arith.constant 21 : i32
        %add3A_1743 = arith.addi %add3A_1453, %add3A_1742 : i32
        %get3A_1744 = arith.index_cast %add3A_1743 : i32 to index
        %get3A_1745 = arith.constant 0 : index
        %get3A_1746 = tpu.vector_load %arg10[%get3A_1744, %get3A_1745] {strides = array<i32>} : memref<1664x32xf32, #tpu.memory_space<vmem>>, vector<1x16xf32>,
        %get3A_1747 = vector.shape_cast %get3A_1746 : vector<1x16xf32> to vector<16xf32>
        %add3A_1748 = arith.addf %add3A_1734, %get3A_1747 : vector<16xf32>
        %add3A_1749 = arith.constant 21 : i32
        %add3A_1750 = arith.addi %add3A_1453, %add3A_1749 : i32
        %get3A_1751 = arith.index_cast %add3A_1750 : i32 to index
        %get3A_1752 = arith.constant 16 : index
        %get3A_1753 = tpu.vector_load %arg10[%get3A_1751, %get3A_1752] {strides = array<i32>} : memref<1664x32xf32, #tpu.memory_space<vmem>>, vector<1x16xf32>,
        %get3A_1754 = vector.shape_cast %get3A_1753 : vector<1x16xf32> to vector<16xf32>
        %add3A_1755 = arith.addf %add3A_1741, %get3A_1754 : vector<16xf32>
        %add3A_1756 = arith.constant 22 : i32
        %add3A_1757 = arith.addi %add3A_1453, %add3A_1756 : i32
        %get3A_1758 = arith.index_cast %add3A_1757 : i32 to index
        %get3A_1759 = arith.constant 0 : index
        %get3A_1760 = tpu.vector_load %arg10[%get3A_1758, %get3A_1759] {strides = array<i32>} : memref<1664x32xf32, #tpu.memory_space<vmem>>, vector<1x16xf32>,
        %get3A_1761 = vector.shape_cast %get3A_1760 : vector<1x16xf32> to vector<16xf32>
        %add3A_1762 = arith.addf %add3A_1748, %get3A_1761 : vector<16xf32>
        %add3A_1763 = arith.constant 22 : i32
        %add3A_1764 = arith.addi %add3A_1453, %add3A_1763 : i32
        %get3A_1765 = arith.index_cast %add3A_1764 : i32 to index
        %get3A_1766 = arith.constant 16 : index
        %get3A_1767 = tpu.vector_load %arg10[%get3A_1765, %get3A_1766] {strides = array<i32>} : memref<1664x32xf32, #tpu.memory_space<vmem>>, vector<1x16xf32>,
        %get3A_1768 = vector.shape_cast %get3A_1767 : vector<1x16xf32> to vector<16xf32>
        %add3A_1769 = arith.addf %add3A_1755, %get3A_1768 : vector<16xf32>
        %add3A_1770 = arith.constant 23 : i32
        %add3A_1771 = arith.addi %add3A_1453, %add3A_1770 : i32
        %get3A_1772 = arith.index_cast %add3A_1771 : i32 to index
        %get3A_1773 = arith.constant 0 : index
        %get3A_1774 = tpu.vector_load %arg10[%get3A_1772, %get3A_1773] {strides = array<i32>} : memref<1664x32xf32, #tpu.memory_space<vmem>>, vector<1x16xf32>,
        %get3A_1775 = vector.shape_cast %get3A_1774 : vector<1x16xf32> to vector<16xf32>
        %add3A_1776 = arith.addf %add3A_1762, %get3A_1775 : vector<16xf32>
        %add3A_1777 = arith.constant 23 : i32
        %add3A_1778 = arith.addi %add3A_1453, %add3A_1777 : i32
        %get3A_1779 = arith.index_cast %add3A_1778 : i32 to index
        %get3A_1780 = arith.constant 16 : index
        %get3A_1781 = tpu.vector_load %arg10[%get3A_1779, %get3A_1780] {strides = array<i32>} : memref<1664x32xf32, #tpu.memory_space<vmem>>, vector<1x16xf32>,
        %get3A_1782 = vector.shape_cast %get3A_1781 : vector<1x16xf32> to vector<16xf32>
        %add3A_1783 = arith.addf %add3A_1769, %get3A_1782 : vector<16xf32>
        %add3A_1784 = arith.constant 24 : i32
        %add3A_1785 = arith.addi %add3A_1453, %add3A_1784 : i32
        %get3A_1786 = arith.index_cast %add3A_1785 : i32 to index
        %get3A_1787 = arith.constant 0 : index
        %get3A_1788 = tpu.vector_load %arg10[%get3A_1786, %get3A_1787] {strides = array<i32>} : memref<1664x32xf32, #tpu.memory_space<vmem>>, vector<1x16xf32>,
        %get3A_1789 = vector.shape_cast %get3A_1788 : vector<1x16xf32> to vector<16xf32>
        %add3A_1790 = arith.addf %add3A_1776, %get3A_1789 : vector<16xf32>
        %add3A_1791 = arith.constant 24 : i32
        %add3A_1792 = arith.addi %add3A_1453, %add3A_1791 : i32
        %get3A_1793 = arith.index_cast %add3A_1792 : i32 to index
        %get3A_1794 = arith.constant 16 : index
        %get3A_1795 = tpu.vector_load %arg10[%get3A_1793, %get3A_1794] {strides = array<i32>} : memref<1664x32xf32, #tpu.memory_space<vmem>>, vector<1x16xf32>,
        %get3A_1796 = vector.shape_cast %get3A_1795 : vector<1x16xf32> to vector<16xf32>
        %add3A_1797 = arith.addf %add3A_1783, %get3A_1796 : vector<16xf32>
        %add3A_1798 = arith.constant 25 : i32
        %add3A_1799 = arith.addi %add3A_1453, %add3A_1798 : i32
        %get3A_1800 = arith.index_cast %add3A_1799 : i32 to index
        %get3A_1801 = arith.constant 0 : index
        %get3A_1802 = tpu.vector_load %arg10[%get3A_1800, %get3A_1801] {strides = array<i32>} : memref<1664x32xf32, #tpu.memory_space<vmem>>, vector<1x16xf32>,
        %get3A_1803 = vector.shape_cast %get3A_1802 : vector<1x16xf32> to vector<16xf32>
        %add3A_1804 = arith.addf %add3A_1790, %get3A_1803 : vector<16xf32>
        %add3A_1805 = arith.constant 25 : i32
        %add3A_1806 = arith.addi %add3A_1453, %add3A_1805 : i32
        %get3A_1807 = arith.index_cast %add3A_1806 : i32 to index
        %get3A_1808 = arith.constant 16 : index
        %get3A_1809 = tpu.vector_load %arg10[%get3A_1807, %get3A_1808] {strides = array<i32>} : memref<1664x32xf32, #tpu.memory_space<vmem>>, vector<1x16xf32>,
        %get3A_1810 = vector.shape_cast %get3A_1809 : vector<1x16xf32> to vector<16xf32>
        %add3A_1811 = arith.addf %add3A_1797, %get3A_1810 : vector<16xf32>
        %swap3A_1812 = arith.index_cast %scan3A_335 : i32 to index
        %swap3A_1813 = arith.constant 96 : index
        %swap3A_1814 = tpu.vector_load %arg11[%swap3A_1812, %swap3A_1813] {strides = array<i32>} : memref<16x128xf32, #tpu.memory_space<vmem>>, vector<1x16xf32>,
        %swap3A_1815 = vector.shape_cast %swap3A_1814 : vector<1x16xf32> to vector<16xf32>
        %swap3A_1816 = vector.shape_cast %add3A_1804 : vector<16xf32> to vector<1x16xf32>
        tpu.vector_store %arg11[%swap3A_1812, %swap3A_1813], %swap3A_1816 {strides = array<i32>} : memref<16x128xf32, #tpu.memory_space<vmem>>, vector<1x16xf32>,
        %swap3A_1817 = arith.index_cast %scan3A_335 : i32 to index
        %swap3A_1818 = arith.constant 112 : index
        %swap3A_1819 = tpu.vector_load %arg11[%swap3A_1817, %swap3A_1818] {strides = array<i32>} : memref<16x128xf32, #tpu.memory_space<vmem>>, vector<1x16xf32>,
        %swap3A_1820 = vector.shape_cast %swap3A_1819 : vector<1x16xf32> to vector<16xf32>
        %swap3A_1821 = vector.shape_cast %add3A_1811 : vector<16xf32> to vector<1x16xf32>
        tpu.vector_store %arg11[%swap3A_1817, %swap3A_1818], %swap3A_1821 {strides = array<i32>} : memref<16x128xf32, #tpu.memory_space<vmem>>, vector<1x16xf32>,
      }
      %scan3A_329 = arith.constant 16 : i32
      %mul3A_330 = arith.constant 1600 : i32
      %mul3A_331 = arith.muli %add3A, %mul3A_330 : i32
      %mul3A_332 = arith.constant 16 : i32
      %mul3A_333 = arith.muli %add3A_300, %mul3A_332 : i32
      %add3A_334 = arith.addi %mul3A_331, %mul3A_333 : i32
      "tpu.region"() ({
        %run_scoped3A = tpu.sem_alloc : memref<!tpu.dma_semaphore, #tpu.memory_space<semaphore_mem>>
        %dma_start3A_335 = arith.constant 0 : i32
        %dma_start3A_336 = tpu.memref_slice %arg5[%add3A_334, %dma_start3A_335] : memref<51200x128xf32, #tpu.memory_space<hbm>> -> memref<16x128xf32, #tpu.memory_space<hbm>>
        %dma_start3A_337 = arith.constant 0 : i32
        %dma_start3A_338 = tpu.memref_slice %arg5[%add3A_334, %dma_start3A_337] : memref<51200x128xf32, #tpu.memory_space<hbm>> -> memref<16x128xf32, #tpu.memory_space<hbm>>
        tpu.enqueue_dma source(%arg11 : memref<16x128xf32, #tpu.memory_space<vmem>>) target(%dma_start3A_338 : memref<16x128xf32, #tpu.memory_space<hbm>>) target_semaphore(%run_scoped3A : memref<!tpu.dma_semaphore, #tpu.memory_space<semaphore_mem>>)
        %dma_wait3A_339 = arith.constant 0 : i32
        %dma_wait3A_340 = tpu.memref_slice %arg5[%add3A_334, %dma_wait3A_339] : memref<51200x128xf32, #tpu.memory_space<hbm>> -> memref<16x128xf32, #tpu.memory_space<hbm>>
        %dma_wait3A_341 = arith.constant 0 : i32
        %dma_wait3A_342 = tpu.memref_slice %arg5[%add3A_334, %dma_wait3A_341] : memref<51200x128xf32, #tpu.memory_space<hbm>> -> memref<16x128xf32, #tpu.memory_space<hbm>>
        tpu.wait_dma2 semaphore(%run_scoped3A : memref<!tpu.dma_semaphore, #tpu.memory_space<semaphore_mem>>) src(%arg11 : memref<16x128xf32, #tpu.memory_space<vmem>>) dst(%dma_wait3A_342 : memref<16x128xf32, #tpu.memory_space<hbm>>)
        tpu.yield
      }) : () -> ()
    }
    %scan3A_261 = arith.constant 50 : i32
    return
  }
}

</mosaic_0001>

<sc_bundles>
// kernel: kernel.3.cloned.1.call-start
scs
__scs_entry_jumppad:
0x0: {  	(pc) =	sbr.rel $0x88, $3  }
0x1: {  	(tag) =	ssettag $0x0;
	lr =	simm.s32 $0x1  }
0x2: {  	[smem:$0x3F9F] =	sst lr;
	_ =	strace $0xD0000000  }
0x3: {  	_ = 	snop  }
0x4: {  	_ = 	snop  }
0x5: {  	_ = 	snop  }
0x6: {  	_ = 	snop  }
0x7: {  	_ = 	snop  }
__scs_overlays_trampoline_lowered:
0x8: {  	[smem:$0x3FAE] =	sst s0  }
0x9: {  	[smem:$0x3FAF] =	sst s1  }
0xa: {  	[smem:$0x3FB0] =	sst s2  }
0xb: {  	[smem:$0x3FB1] =	sst s3  }
0xc: {  	[smem:$0x3FB2] =	sst s4  }
0xd: {  	[smem:$0x3FB3] =	sst s5  }
0xe: {  	[smem:$0x3FB4] =	sst s6  }
0xf: {  	[smem:$0x3FB5] =	sst s7  }
0x10: {  	[smem:$0x3FB6] =	sst s8  }
0x11: {  	[smem:$0x3FB7] =	sst s9;
	s0 =	simm.s32 @!p0 $0x0  }
0x12: {  	s1 =	sld [smem:$0x3F9D];
	s0 =	simm.s32 @p0 $0x1  }
0x13: {  	[smem:$0x3FB8] =	sst s0;
	s0 =	simm.s32 @!p1 $0x0  }
0x14: {  	s2 =	sld [smem:$0x3F9C];
	s0 =	simm.s32 @p1 $0x1  }
0x15: {  	[smem:$0x3FB9] =	sst s0;
	s0 =	simm.s32 @!p2 $0x0  }
0x16: {  	s3 =	sld [smem:$0x3FDB];
	s0 =	simm.s32 @p2 $0x1  }
0x17: {  	s4 =	simm.s32 $0x1BF5;
	[smem:$0x3FBB] =	sst s0  }
0x18: {  	s0 =	sld [smem:$0x3F9E];
	_ =	swait.ge [sflag:s4], $0x0  }
0x19: {  	s7 =	sld [smem:$0x3F9F]  }
0x1a: {  	s8 =	sadd.s32 $0xFFFFE003, lr  }
0x1b: {  	s9 =	sadd.s32 $0xFFFFFEF7, lr;
	s5 =	simm.s32 $0xFFFFFFFF;
	p2 =	slt.u32 s8, $0xFFFFF086  }
0x1c: {  	p1 =	slt.u32 s9, $0xF7A;
	s5 =	simm.s32 @!p2 $0x0  }
0x1d: {  	s5 =	simm.s32 @p1 $0x1;
	p0 =	seq.s32 s7, s2  }
0x1e: {  	s7 =	smul.u32 @!p0 $0xF7A, s2;
	p2 =	seq.s32 @!p0 s5, $0x0  }
0x1f: {  	s9 =	smul.u32 $0xF7A, s1;
	s8 =	simm.s32 @!p0 $0x1BF5;
	p2 =	por !p2, p0  }
0x20: {  	[sflag:s8] =	ssyncset.s32 @!p0 $0xFFFFF086;
	s6 =	sadd.s32 @!p0 s3, s7;
	s7 =	simm.s32 @!p0 $0x108  }
0x21: {  	s3 =	sadd.s32 s3, s9;
	s6 =	sadd.s32 @!p0 $0x88, s6;
	s7 =	simm.s32 @p2 $0x1082  }
0x22: {  	[simem:s7], [sflag:s8] =	dma.local @!p0 [hbm:s6], $0xF7A  }
0x23: {  	s9 =	sor.u32 $0xD0000000, s2;
	s6 =	simm.s32 $0x108;
	_ =	swait.ge @!p0 [sflag:s8], $0x0  }
0x24: {  	s3 =	sadd.s32 $0x88, s3;
	s6 =	simm.s32 @!p1 $0x1082;
	[sflag:s4] =	ssyncset.s32 $0xFFFFF086  }
0x25: {  	[simem:s6], [sflag:s4] =	dma.local [hbm:s3], $0xF7A  }
0x26: {  	[smem:$0x3F9F] =	sst s1;
	(tag) =	ssettag s2;
	_ =	strace s9  }
0x27: {  	s1 =	sld [smem:$0x3FAF]  }
0x28: {  	s2 =	sld [smem:$0x3FB0]  }
0x29: {  	s4 =	sld [smem:$0x3FB2]  }
0x2a: {  	p0 =	seq.s32 s5, $0x0;
	s5 =	sld [smem:$0x3FB3]  }
0x2b: {  	s6 =	sld [smem:$0x3FB4]  }
0x2c: {  	s7 =	sld [smem:$0x3FB5]  }
0x2d: {  	s3 =	simm.s32 $0x108;
	s8 =	sld [smem:$0x3FB6]  }
0x2e: {  	s3 =	simm.s32 @!p0 $0x1082;
	s9 =	sld [smem:$0x3FB7]  }
0x2f: {  	lr =	sadd.s32 s0, s3;
	s0 =	sld [smem:$0x3FAE]  }
0x30: {  	s3 =	sld [smem:$0x3FB1]  }
0x31: {  	[smem:$0x3FBA] =	sst s10  }
0x32: {  	s10 =	sld [smem:$0x3FB8];
	_ =	sdelay $0x3  }
0x33: {  	p0 =	seq.s32 s10, $0x1;
	s10 =	sld [smem:$0x3FBA];
	_ =	sdelay $0x3  }
0x34: {  	[smem:$0x3FBA] =	sst s10  }
0x35: {  	s10 =	sld [smem:$0x3FB9];
	_ =	sdelay $0x3  }
0x36: {  	p1 =	seq.s32 s10, $0x1;
	s10 =	sld [smem:$0x3FBA];
	_ =	sdelay $0x3  }
0x37: {  	[smem:$0x3FBA] =	sst s10  }
0x38: {  	s10 =	sld [smem:$0x3FBB]  }
0x39: {  	_ = 	snop;
	(pc) =	sbr.ind lr, $3  }
0x3a: {  	_ = 	snop  }
0x3b: {  	_ = 	snop  }
0x3c: {  	p2 =	seq.s32 s10, $0x1;
	s10 =	sld [smem:$0x3FBA]  }
0x3d: {  	_ =	shalt  }
0x3e: {  	_ =	shalt  }
0x3f: {  	_ =	shalt  }
0x40: {  	_ =	shalt  }
0x41: {  	_ =	shalt  }
0x42: {  	_ =	shalt  }
0x43: {  	_ =	shalt  }
0x44: {  	_ =	shalt  }
0x45: {  	_ =	shalt  }
0x46: {  	_ =	shalt  }
0x47: {  	_ =	shalt  }
0x48: {  	_ =	shalt  }
0x49: {  	_ =	shalt  }
0x4a: {  	_ =	shalt  }
0x4b: {  	_ =	shalt  }
0x4c: {  	_ =	shalt  }
0x4d: {  	_ =	shalt  }
0x4e: {  	_ =	shalt  }
0x4f: {  	_ =	shalt  }
0x50: {  	_ =	shalt  }
0x51: {  	_ =	shalt  }
0x52: {  	_ =	shalt  }
0x53: {  	_ =	shalt  }
0x54: {  	_ =	shalt  }
0x55: {  	_ =	shalt  }
0x56: {  	_ =	shalt  }
0x57: {  	_ =	shalt  }
0x58: {  	_ =	shalt  }
0x59: {  	_ =	shalt  }
0x5a: {  	_ =	shalt  }
0x5b: {  	_ =	shalt  }
0x5c: {  	_ =	shalt  }
0x5d: {  	_ =	shalt  }
0x5e: {  	_ =	shalt  }
0x5f: {  	_ =	shalt  }
0x60: {  	_ =	shalt  }
0x61: {  	_ =	shalt  }
0x62: {  	_ =	shalt  }
0x63: {  	_ =	shalt  }
0x64: {  	_ =	shalt  }
0x65: {  	_ =	shalt  }
0x66: {  	_ =	shalt  }
0x67: {  	_ =	shalt  }
0x68: {  	_ =	shalt  }
0x69: {  	_ =	shalt  }
0x6a: {  	_ =	shalt  }
0x6b: {  	_ =	shalt  }
0x6c: {  	_ =	shalt  }
0x6d: {  	_ =	shalt  }
0x6e: {  	_ =	shalt  }
0x6f: {  	_ =	shalt  }
0x70: {  	_ =	shalt  }
0x71: {  	_ =	shalt  }
0x72: {  	_ =	shalt  }
0x73: {  	_ =	shalt  }
0x74: {  	_ =	shalt  }
0x75: {  	_ =	shalt  }
0x76: {  	_ =	shalt  }
0x77: {  	_ =	shalt  }
0x78: {  	_ =	shalt  }
0x79: {  	_ =	shalt  }
0x7a: {  	_ =	shalt  }
0x7b: {  	_ =	shalt  }
0x7c: {  	_ =	shalt  }
0x7d: {  	_ =	shalt  }
0x7e: {  	_ =	shalt  }
0x7f: {  	_ =	shalt  }
0x80: {  	_ =	shalt  }
0x81: {  	_ =	shalt  }
0x82: {  	_ =	shalt  }
0x83: {  	_ =	shalt  }
0x84: {  	_ =	shalt  }
0x85: {  	_ =	shalt  }
0x86: {  	_ =	shalt  }
0x87: {  	_ =	shalt  }
.Lfunc_end0:
.L_simem_size_0:
called_computation_lowered:
.L_overlay_start_0:
0x88: {  	s2 =	sld [smem:$0x3FD9]  }
0x89: {  	s3 =	sld [smem:$0x3FFE];
	_ =	sdelay $0x1  }
0x8a: {  	s1 =	srdreg.scid  }
0x8b: {  	s0 =	sand.u32 $0x1, s1  }
0x8c: {  	s17 =	sshll.u32 s0, $0xA;
	s2 =	sadd.s32 s3, s2  }
0x8d: {  	s2 =	sadd.s32 s2, s17  }
0x8e: {  	[smem:$0x3FC6] =	sst s2  }
0x8f: {  	_ = 	snop  }
0x90: {  	s2 =	sld [smem:$0x3FD0];
	(tm) =	ssettm $0x1  }
0x91: {  	s18 =	sld [smem:$0x3FFB];
	_ =	sdelay $0x3  }
0x92: {  	_ =	strace s18  }
0x93: {  	s3 =	sld [smem:$0x3FFC];
	_ =	sdelay $0x3  }
0x94: {  	_ =	strace s3  }
0x95: {  	s3 =	sld [smem:$0x3FFD];
	_ =	sdelay $0x3  }
0x96: {  	_ =	strace s3  }
0x97: {  	_ =	strace $0x8FFFFFFF  }
0x98: {  	s19 =	sld [smem:$0x3FDB];
	_ =	sdelay $0x1  }
0x99: {  	s4 =	simm.s32 $_scs_section_size  }
0x9a: {  	s5 =	simm.s32 $_size__tile_overlayer_lowered;
	s6 =	simm.s32 $_tile_overlayer_lowered  }
0x9b: {  	s22 =	simm.s32 $0x1BFF;
	s21 =	sshll.u32 s6, $0x1;
	s3 =	sadd.s32 s4, s19  }
0x9c: {  	s7 =	simm.s32 $0x0;
	s20 =	sshll.u32 s5, $0x1;
	s5 =	sadd.s32 s21, s3  }
0x9d: {  	[timem:s7], [sflag:s22] =	dma.local [hbm:s5], s20  }
0x9e: {  	_ =	swait.ge [sflag:s22], s20  }
0x9f: {  	s4 =	ssub.s32 $0x0, s20;
	[sflag:s22] =	ssyncset.done $0x0  }
0xa0: {  	[sflag:s22] =	ssyncadd.s32 s4;
	_ =	sdelay $0x1  }
0xa1: {  	s23 =	simm.s32 $0x1B8B  }
0xa2: {  	_ =	swait.ge [sflag:s23], $0x1  }
0xa3: {  	[sflag:s23] =	ssyncset.done $0x0  }
0xa4: {  	s25 =	simm.s32 $0x1B8E;
	s24 =	sld [smem:$0x3FFE];
	[sflag:s23] =	ssyncadd.s32 $0xFFFFFFFF  }
0xa5: {  	s26 =	simm.s32 $execute0_lowered;
	[smem:$0x3FD2] =	sst s25  }
0xa6: {  	s5 =	sshll.u32 s26, $0x1;
	_ =	strace $0x80000046;
	[dreg:$0x1] =	wrdreg $0xFFFFFFFF  }
0xa7: {  	s28 =	simm.s32 $_size_execute0_lowered;
	s3 =	sadd.s32 s3, s5;
	[dreg:$0x0] =	wrdreg $0x0  }
0xa8: {  	s5 =	sshll.u32 s28, $0x1;
	[dreg:$0x2] =	wrdreg s3  }
0xa9: {  	[dreg:$0x3] =	wrdreg s5  }
0xaa: {  	[dreg:$0x4] =	wrdreg $0xC0  }
0xab: {  	_ =	task [dreg:s7], $0x5FFFF  }
0xac: {  	[dreg:$0x1] =	wrdreg $0xFFFFFFFF  }
0xad: {  	[dreg:$0x0] =	wrdreg $0x60  }
0xae: {  	[dreg:$0x2] =	wrdreg s24  }
0xaf: {  	[dreg:$0x3] =	wrdreg s2  }
0xb0: {  	[dreg:$0x4] =	wrdreg $0x9  }
0xb1: {  	_ =	task.clear_ibuf [dreg:s7], $0x5FFFF;
	_ =	strace $0x90000046  }
0xb2: {  	s29 =	simm.s32 $0x9;
	_ =	strace $0x80000048  }
0xb3: {  	_ =	swait.ge [sflag:s29], $0x1  }
0xb4: {  	[sflag:s29] =	ssyncadd.s32 $0xFFFFFFFF  }
0xb5: {  	_ =	strace $0x90000048  }
0xb6: {  	_ =	sfence  }
0xb7: {  	s30 =	sld [smem:$0x0];
	_ =	sdelay $0x2  }
0xb8: {  	s31 =	sshll.u32 s1, $0xD;
	s1 =	sshrl.u32 s1, $0x2  }
0xb9: {  	s3 =	sand.u32 $0x4000, s31;
	s1 =	sadd.s32 s1, s30  }
0xba: {  	s0 =	sor.u32 s3, s0;
	s1 =	sshll.u32 s1, $0x11  }
0xbb: {  	s0 =	sor.u32 s1, s0  }
0xbc: {  	s0 =	sadd.s32 $0x8F2B, s0  }
0xbd: {  	[sflag:s0] =	ssyncadd.remote.s32 $0x1  }
0xbe: {  	_ =	sfence.sel $0xFFFF  }
0xbf: {  	[dreg:$0x0] =	wrdreg $0xFFFFFFFF;
	(pc) =	sbr.abs _section_cstart, $3  }
0xc0: {  	[dreg:$0x1] =	wrdreg $0xFFFFFFFF  }
0xc1: {  	_ =	task.clear_ibuf [dreg:s7], $0x2FFFF;
	_ =	strace $0x9FFFFFFF  }
0xc2: {  	(tm) =	ssettm $0x7FFFFFFF  }
0xc3: {  	_ =	shalt  }
tec
execute0_lowered:
.L_overlay_start_1:
0x0: {  	(tag) =	ssettag $0x1  }
0x1: {  	s0 =	rddreg [dreg:$0x0]  }
0x2: {  	s2 =	rddreg [dreg:$0x1];
	s3 =	simm.s32 $0x0  }
0x3: {  	s1 =	srdreg.scid;
	s4 =	stileid.u32;
	s16 =	simm.s32 $0x5  }
0x4: {  	s18 =	simm.s32 $0x3;
	s19 =	simm.s32 $0x80;
	s12 =	simm.s32 $0x18080  }
0x5: {  	s28 =	simm.s32 $0x1880;
	s29 =	simm.s32 $0x19080;
	s30 =	simm.s32 $0x1900  }
0x6: {  	s31 =	simm.s32 $0x1A080;
	s1 =	sand.u32 $0x1, s1;
	s5 =	sshll.u32 s4, $0x1  }
0x7: {  	s15 =	simm.s32 $0x1;
	s17 =	simm.s32 $0x1C080;
	s6 =	sor.u32 s1, s5  }
0x8: {  	[smem:$0x7FF] =	sst s3;
	s4 =	sadd.s32 $0x380800, s0;
	s7 =	smul.u32 $0x28A00, s6  }
0x9: {  	s5 =	sadd.s32 $0x27ACC00, s0;
	s21 =	ssub.s32 $0x2, s1;
	s22 =	smul.u32 $0x5140, s6  }
0xa: {  	s0 =	sadd.s32 $0x800, s0;
	s8 =	sshrl.u32 s21, $0x1;
	s9 =	smul.u32 $0x1900, s6  }
0xb: {  	_ =	strace $0x80000047;
	[dreg:$0x3] =	wrdreg s0;
	s0 =	ssub.s32 s21, s8  }
0xc: {  	s7 =	sshrl.u32 s7, $0x3;
	s1 =	sadd.s32 s4, s22;
	s11 =	sor.u32 $0xC0, s9  }
0xd: {  	s26 =	sadd.s32 $0x100, s9;
	s0 =	smax.u32 s0, $0x1;
	[dreg:$0x4] =	wrdreg s1  }
0xe: {  	s22 =	simm.s32 $0x16080;
	s9 =	simm.s32 $0x0;
	[dreg:$0x7] =	wrdreg s26  }
0xf: {  	s23 =	sadd.s32 s4, s7;
	s7 =	smul.u32 $0x32000, s6;
	[dreg:$0x8] =	wrdreg s0  }
0x10: {  	s26 =	simm.s32 $0x4;
	s0 =	simm.s32 $0x1980;
	s24 =	sadd.s32 $0xD0, s23  }
0x11: {  	s1 =	simm.s32 $0x1B080;
	s25 =	sadd.s32 $0x1A0, s23;
	[dreg:$0x5] =	wrdreg s24  }
0x12: {  	s6 =	simm.s32 $0x2;
	s23 =	simm.s32 $0x1780;
	[dreg:$0x6] =	wrdreg s25  }
0x13: {  	s13 =	sor.u32 $0x800, s7;
	s24 =	simm.s32 $0x17080;
	s25 =	simm.s32 $0x1800  }
.LBB2_1:
0x14: {  	[dreg:$0x9] =	wrdreg s9  }
0x15: {  	s8 =	rddreg [dreg:$0x3];
	s10 =	simm.s32 $0x1A00  }
0x16: {  	[tilespmem:s10], [sflag:$0x5] =	stream.linear.gather [hbm4b:s8+s3], $0x680, $0x38;
	[tilespmem:$0x1C880] =	vst v63  }
0x17: {  	_ =	swait.ge [sflag:s16], $0x680  }
0x18: {  	[sflag:s16] =	ssyncset.done $0x0  }
0x19: {  	s14 =	rddreg [dreg:$0x4];
	[sflag:s16] =	ssyncadd.s32 $0xFFFFF980  }
0x1a: {  	[tilespmem:s3], [sflag:$0x3] =	stream.linear.gather [hbm4b:s14+s3], $0x680, $0x38;
	[tilespmem:$0x1C880] =	vst v63  }
0x1b: {  	s21 =	simm.s32 $0x680;
	s20 =	rddreg [dreg:$0x5]  }
0x1c: {  	[tilespmem:s21], [sflag:$0x4] =	stream.linear.gather [hbm4b:s20+s3], $0x680, $0x38;
	[tilespmem:$0x1C880] =	vst v63  }
0x1d: {  	_ =	swait.ge [sflag:s18], $0x680  }
0x1e: {  	[sflag:s18] =	ssyncset.done $0x0  }
0x1f: {  	s8 =	simm.s32 $0x0;
	[sflag:s18] =	ssyncadd.s32 $0xFFFFF980  }
0x20: {  	v0 =	vld [tilespmem:s8+$0x0]  }
0x21: {  	s9 =	simm.s32 $0x40;
	v1 =	vld [tilespmem:s8+$0x1A00]  }
.LBB2_2:
0x22: {  	p0 =	sne.s32 s9, $0x19C0  }
.Ltmp0:
0x23: {  	_ = 	snop;
	(pc) =	sbr.rel @p0 .LBB2_2-.Ltmp0, $4  }
0x24: {  	_ = 	snop  }
0x25: {  	s10 =	sshra.s32 s9, $0x2  }
0x26: {  	s9 =	sadd.s32 $0x40, s9;
	v2 =	vadd.s32 v0, v1;
	v0 =	vld [tilespmem:s10+$0x0]  }
0x27: {  	v1 =	vld [tilespmem:s10+$0x1A00];
	[tilespmem:s8+$0xD00] =	vst v2;
	s8 =	smov.u32 s10  }
0x28: {  	_ =	sdelay $0x3  }
0x29: {  	v0 =	vadd.s32 v0, v1  }
0x2a: {  	s9 =	rddreg [dreg:$0x6];
	[tilespmem:s8+$0xD00] =	vst v0;
	s8 =	simm.s32 $0x0  }
0x2b: {  	[tilespmem:s8], [sflag:$0x3] =	stream.linear.gather [hbm4b:s9+s8], $0x680, $0x38;
	[tilespmem:$0x1C880] =	vst v63  }
0x2c: {  	s21 =	simm.s32 $0xD00;
	s10 =	simm.s32 $0x2080  }
0x2d: {  	[tilespmem:s10], [sflag:$0x1] =	stream.indirect.gather [hbm4b:s5+s19], $0x20, s21, s19, $0xb8;
	[tilespmem:$0x1C880] =	vst v63  }
0x2e: {  	s14 =	simm.s32 $0x3080;
	s10 =	simm.s32 $0xD80  }
0x2f: {  	[tilespmem:s14], [sflag:$0x1] =	stream.indirect.gather [hbm4b:s5+s19], $0x20, s10, s19, $0xb8;
	[tilespmem:$0x1C880] =	vst v63  }
0x30: {  	s20 =	simm.s32 $0xE00;
	s21 =	simm.s32 $0x4080  }
0x31: {  	[tilespmem:s21], [sflag:$0x1] =	stream.indirect.gather [hbm4b:s5+s19], $0x20, s20, s19, $0xb8;
	[tilespmem:$0x1C880] =	vst v63  }
0x32: {  	s10 =	simm.s32 $0xE80;
	s14 =	simm.s32 $0x5080  }
0x33: {  	[tilespmem:s14], [sflag:$0x1] =	stream.indirect.gather [hbm4b:s5+s19], $0x20, s10, s19, $0xb8;
	[tilespmem:$0x1C880] =	vst v63  }
0x34: {  	s20 =	simm.s32 $0xF00;
	s21 =	simm.s32 $0x6080  }
0x35: {  	[tilespmem:s21], [sflag:$0x1] =	stream.indirect.gather [hbm4b:s5+s19], $0x20, s20, s19, $0xb8;
	[tilespmem:$0x1C880] =	vst v63  }
0x36: {  	s10 =	simm.s32 $0xF80;
	s14 =	simm.s32 $0x7080  }
0x37: {  	[tilespmem:s14], [sflag:$0x1] =	stream.indirect.gather [hbm4b:s5+s19], $0x20, s10, s19, $0xb8;
	[tilespmem:$0x1C880] =	vst v63  }
0x38: {  	s20 =	simm.s32 $0x1000;
	s21 =	simm.s32 $0x8080  }
0x39: {  	[tilespmem:s21], [sflag:$0x1] =	stream.indirect.gather [hbm4b:s5+s19], $0x20, s20, s19, $0xb8;
	[tilespmem:$0x1C880] =	vst v63  }
0x3a: {  	s10 =	simm.s32 $0x1080;
	s14 =	simm.s32 $0x9080  }
0x3b: {  	[tilespmem:s14], [sflag:$0x1] =	stream.indirect.gather [hbm4b:s5+s19], $0x20, s10, s19, $0xb8;
	[tilespmem:$0x1C880] =	vst v63  }
0x3c: {  	s20 =	simm.s32 $0x1100;
	s21 =	simm.s32 $0xA080  }
0x3d: {  	[tilespmem:s21], [sflag:$0x1] =	stream.indirect.gather [hbm4b:s5+s19], $0x20, s20, s19, $0xb8;
	[tilespmem:$0x1C880] =	vst v63  }
0x3e: {  	s10 =	simm.s32 $0x1180;
	s14 =	simm.s32 $0xB080  }
0x3f: {  	[tilespmem:s14], [sflag:$0x1] =	stream.indirect.gather [hbm4b:s5+s19], $0x20, s10, s19, $0xb8;
	[tilespmem:$0x1C880] =	vst v63  }
0x40: {  	s20 =	simm.s32 $0x1200;
	s21 =	simm.s32 $0xC080  }
0x41: {  	[tilespmem:s21], [sflag:$0x1] =	stream.indirect.gather [hbm4b:s5+s19], $0x20, s20, s19, $0xb8;
	[tilespmem:$0x1C880] =	vst v63  }
0x42: {  	s10 =	simm.s32 $0x1280;
	s14 =	simm.s32 $0xD080  }
0x43: {  	[tilespmem:s14], [sflag:$0x1] =	stream.indirect.gather [hbm4b:s5+s19], $0x20, s10, s19, $0xb8;
	[tilespmem:$0x1C880] =	vst v63  }
0x44: {  	s20 =	simm.s32 $0x1300;
	s21 =	simm.s32 $0xE080  }
0x45: {  	[tilespmem:s21], [sflag:$0x1] =	stream.indirect.gather [hbm4b:s5+s19], $0x20, s20, s19, $0xb8;
	[tilespmem:$0x1C880] =	vst v63  }
.LBB2_4:
0x46: {  	_ =	swait.ge [sflag:s26], $0x680  }
0x47: {  	[sflag:s26] =	ssyncset.done $0x0  }
0x48: {  	s9 =	simm.s32 $0x0;
	[sflag:s26] =	ssyncadd.s32 $0xFFFFF980  }
0x49: {  	v0 =	vld [tilespmem:s9+$0x680]  }
0x4a: {  	s10 =	simm.s32 $0x40;
	v1 =	vld [tilespmem:s9+$0x1A00]  }
.LBB2_5:
0x4b: {  	p0 =	sne.s32 s10, $0x19C0  }
.Ltmp1:
0x4c: {  	_ = 	snop;
	(pc) =	sbr.rel @p0 .LBB2_5-.Ltmp1, $4  }
0x4d: {  	_ = 	snop  }
0x4e: {  	s14 =	sshra.s32 s10, $0x2  }
0x4f: {  	s10 =	sadd.s32 $0x40, s10;
	v2 =	vadd.s32 v0, v1;
	v0 =	vld [tilespmem:s14+$0x680]  }
0x50: {  	v1 =	vld [tilespmem:s14+$0x1A00];
	[tilespmem:s9+$0x1380] =	vst v2;
	s9 =	smov.u32 s14  }
0x51: {  	p0 =	seq.s32 s8, $0x31  }
0x52: {  	s10 =	sshll.u32 @!p0 s8, $0x7  }
0x53: {  	s10 =	sadd.s32 @!p0 s10, s11  }
0x54: {  	s10 =	smul.u32 @!p0 $0x1A, s10;
	_ =	sdelay $0x1  }
0x55: {  	v0 =	vadd.s32 v0, v1;
	s10 =	sshrl.u32 @!p0 s10, $0x3  }
0x56: {  	s14 =	simm.s32 @!p0 $0x680;
	[tilespmem:s9+$0x1380] =	vst v0;
	s9 =	sadd.s32 @!p0 s4, s10;
	s10 =	simm.s32 @!p0 $0x0  }
0x57: {  	[tilespmem:s14], [sflag:$0x4] =	stream.linear.gather @!p0 [hbm4b:s9+s10], $0x680, $0x38;
	[tilespmem:$0x1C880] =	vst v63  }
0x58: {  	s20 =	simm.s32 $0x1380;
	s21 =	simm.s32 $0xF080  }
0x59: {  	[tilespmem:s21], [sflag:$0x2] =	stream.indirect.gather [hbm4b:s5+s19], $0x20, s20, s19, $0xb8;
	[tilespmem:$0x1C880] =	vst v63  }
0x5a: {  	s10 =	simm.s32 $0x1400;
	s14 =	simm.s32 $0x10080  }
0x5b: {  	[tilespmem:s14], [sflag:$0x2] =	stream.indirect.gather [hbm4b:s5+s19], $0x20, s10, s19, $0xb8;
	[tilespmem:$0x1C880] =	vst v63  }
0x5c: {  	s20 =	simm.s32 $0x1480;
	s21 =	simm.s32 $0x11080  }
0x5d: {  	[tilespmem:s21], [sflag:$0x2] =	stream.indirect.gather [hbm4b:s5+s19], $0x20, s20, s19, $0xb8;
	[tilespmem:$0x1C880] =	vst v63  }
0x5e: {  	s10 =	simm.s32 $0x1500;
	s14 =	simm.s32 $0x12080  }
0x5f: {  	[tilespmem:s14], [sflag:$0x2] =	stream.indirect.gather [hbm4b:s5+s19], $0x20, s10, s19, $0xb8;
	[tilespmem:$0x1C880] =	vst v63  }
0x60: {  	s20 =	simm.s32 $0x1580;
	s21 =	simm.s32 $0x13080  }
0x61: {  	[tilespmem:s21], [sflag:$0x2] =	stream.indirect.gather [hbm4b:s5+s19], $0x20, s20, s19, $0xb8;
	[tilespmem:$0x1C880] =	vst v63  }
0x62: {  	s10 =	simm.s32 $0x1600;
	s14 =	simm.s32 $0x14080  }
0x63: {  	[tilespmem:s14], [sflag:$0x2] =	stream.indirect.gather [hbm4b:s5+s19], $0x20, s10, s19, $0xb8;
	[tilespmem:$0x1C880] =	vst v63  }
0x64: {  	s20 =	simm.s32 $0x1680;
	s21 =	simm.s32 $0x15080  }
0x65: {  	[tilespmem:s21], [sflag:$0x2] =	stream.indirect.gather [hbm4b:s5+s19], $0x20, s20, s19, $0xb8;
	[tilespmem:$0x1C880] =	vst v63  }
0x66: {  	s14 =	simm.s32 $0x1700  }
0x67: {  	[tilespmem:s22], [sflag:$0x2] =	stream.indirect.gather [hbm4b:s5+s19], $0x20, s14, s19, $0xb8;
	[tilespmem:$0x1C880] =	vst v63  }
0x68: {  	_ = 	snop  }
0x69: {  	[tilespmem:s24], [sflag:$0x2] =	stream.indirect.gather [hbm4b:s5+s19], $0x20, s23, s19, $0xb8;
	[tilespmem:$0x1C880] =	vst v63  }
0x6a: {  	_ = 	snop  }
0x6b: {  	[tilespmem:s12], [sflag:$0x2] =	stream.indirect.gather [hbm4b:s5+s19], $0x20, s25, s19, $0xb8;
	[tilespmem:$0x1C880] =	vst v63  }
0x6c: {  	_ = 	snop  }
0x6d: {  	[tilespmem:s29], [sflag:$0x2] =	stream.indirect.gather [hbm4b:s5+s19], $0x20, s28, s19, $0xb8;
	[tilespmem:$0x1C880] =	vst v63  }
0x6e: {  	_ = 	snop  }
0x6f: {  	[tilespmem:s31], [sflag:$0x2] =	stream.indirect.gather [hbm4b:s5+s19], $0x20, s30, s19, $0xb8;
	[tilespmem:$0x1C880] =	vst v63  }
0x70: {  	s20 =	simm.s32 $0x0  }
0x71: {  	[tilespmem:s1], [sflag:$0x2] =	stream.indirect.gather [hbm4b:s5+s19], $0x20, s0, s19, $0xb8;
	[tilespmem:$0x1C880] =	vst v63  }
0x72: {  	s9 =	smul.u32 $0x3400, s20;
	_ =	swait.ge [sflag:s15], $0xD000  }
0x73: {  	[sflag:s15] =	ssyncset.done $0x0  }
0x74: {  	s10 =	sshra.s32 s9, $0x2;
	[sflag:s15] =	ssyncadd.s32 $0xFFFF3000  }
0x75: {  	v0 =	vld [tilespmem:s10+$0x20B0]  }
0x76: {  	v1 =	vld [tilespmem:s10+$0x20A0]  }
0x77: {  	v2 =	vld [tilespmem:s10+$0x2080]  }
0x78: {  	v3 =	vld [tilespmem:s10+$0x2090]  }
0x79: {  	v4 =	vld [tilespmem:s10+$0x20C0]  }
0x7a: {  	v5 =	vld [tilespmem:s10+$0x20D0]  }
0x7b: {  	v6 =	vld [tilespmem:s10+$0x20E0]  }
0x7c: {  	v1 =	vadd.f32 v1, v2;
	v2 =	vld [tilespmem:s10+$0x20F0]  }
0x7d: {  	v0 =	vadd.f32 v0, v3;
	v3 =	vld [tilespmem:s10+$0x2100]  }
0x7e: {  	v1 =	vadd.f32 v4, v1;
	v4 =	vld [tilespmem:s10+$0x2110]  }
0x7f: {  	v0 =	vadd.f32 v5, v0;
	v5 =	vld [tilespmem:s10+$0x2120]  }
0x80: {  	v1 =	vadd.f32 v6, v1;
	v6 =	vld [tilespmem:s10+$0x2130]  }
0x81: {  	v0 =	vadd.f32 v2, v0;
	v2 =	vld [tilespmem:s10+$0x2140]  }
0x82: {  	v1 =	vadd.f32 v3, v1;
	v3 =	vld [tilespmem:s10+$0x2150]  }
0x83: {  	v0 =	vadd.f32 v4, v0;
	v4 =	vld [tilespmem:s10+$0x2160]  }
0x84: {  	v1 =	vadd.f32 v5, v1;
	v5 =	vld [tilespmem:s10+$0x2170]  }
0x85: {  	v0 =	vadd.f32 v6, v0;
	v6 =	vld [tilespmem:s10+$0x2180]  }
0x86: {  	v1 =	vadd.f32 v2, v1;
	v2 =	vld [tilespmem:s10+$0x2190]  }
0x87: {  	v0 =	vadd.f32 v3, v0;
	v3 =	vld [tilespmem:s10+$0x21A0]  }
0x88: {  	v1 =	vadd.f32 v4, v1;
	v4 =	vld [tilespmem:s10+$0x21B0]  }
0x89: {  	v0 =	vadd.f32 v5, v0;
	v5 =	vld [tilespmem:s10+$0x21C0]  }
0x8a: {  	v1 =	vadd.f32 v6, v1;
	v6 =	vld [tilespmem:s10+$0x21D0]  }
0x8b: {  	v0 =	vadd.f32 v2, v0;
	v2 =	vld [tilespmem:s10+$0x21E0]  }
0x8c: {  	v1 =	vadd.f32 v3, v1;
	v3 =	vld [tilespmem:s10+$0x21F0]  }
0x8d: {  	v0 =	vadd.f32 v4, v0;
	v4 =	vld [tilespmem:s10+$0x2200]  }
0x8e: {  	v1 =	vadd.f32 v5, v1;
	v5 =	vld [tilespmem:s10+$0x2210]  }
0x8f: {  	v0 =	vadd.f32 v6, v0;
	v6 =	vld [tilespmem:s10+$0x2220]  }
0x90: {  	v1 =	vadd.f32 v2, v1;
	v2 =	vld [tilespmem:s10+$0x2230]  }
0x91: {  	v0 =	vadd.f32 v3, v0;
	v3 =	vld [tilespmem:s10+$0x2240]  }
0x92: {  	v1 =	vadd.f32 v4, v1;
	v4 =	vld [tilespmem:s10+$0x2250]  }
0x93: {  	v0 =	vadd.f32 v5, v0;
	v5 =	vld [tilespmem:s10+$0x2260]  }
0x94: {  	v1 =	vadd.f32 v6, v1;
	v6 =	vld [tilespmem:s10+$0x2270]  }
0x95: {  	v0 =	vadd.f32 v2, v0;
	v2 =	vld [tilespmem:s10+$0x2280]  }
0x96: {  	v1 =	vadd.f32 v3, v1;
	v3 =	vld [tilespmem:s10+$0x2290]  }
0x97: {  	v0 =	vadd.f32 v4, v0;
	v4 =	vld [tilespmem:s10+$0x22A0]  }
0x98: {  	v1 =	vadd.f32 v5, v1;
	v5 =	vld [tilespmem:s10+$0x22B0]  }
0x99: {  	v0 =	vadd.f32 v6, v0;
	v6 =	vld [tilespmem:s10+$0x22C0]  }
0x9a: {  	v1 =	vadd.f32 v2, v1;
	v2 =	vld [tilespmem:s10+$0x22D0]  }
0x9b: {  	v0 =	vadd.f32 v3, v0;
	v3 =	vld [tilespmem:s10+$0x22E0]  }
0x9c: {  	v1 =	vadd.f32 v4, v1;
	v4 =	vld [tilespmem:s10+$0x22F0]  }
0x9d: {  	v0 =	vadd.f32 v5, v0;
	v5 =	vld [tilespmem:s10+$0x2300]  }
0x9e: {  	v1 =	vadd.f32 v6, v1;
	v6 =	vld [tilespmem:s10+$0x2310]  }
0x9f: {  	v0 =	vadd.f32 v2, v0;
	v2 =	vld [tilespmem:s10+$0x2320]  }
0xa0: {  	v1 =	vadd.f32 v3, v1;
	v3 =	vld [tilespmem:s10+$0x2330]  }
0xa1: {  	v0 =	vadd.f32 v4, v0;
	v4 =	vld [tilespmem:s10+$0x2340]  }
0xa2: {  	v1 =	vadd.f32 v5, v1;
	v5 =	vld [tilespmem:s10+$0x2350]  }
0xa3: {  	v0 =	vadd.f32 v6, v0;
	v6 =	vld [tilespmem:s10+$0x2360]  }
0xa4: {  	v1 =	vadd.f32 v2, v1;
	v2 =	vld [tilespmem:s10+$0x2370]  }
0xa5: {  	v0 =	vadd.f32 v3, v0;
	v3 =	vld [tilespmem:s10+$0x2380]  }
0xa6: {  	v1 =	vadd.f32 v4, v1;
	v4 =	vld [tilespmem:s10+$0x2390]  }
0xa7: {  	v0 =	vadd.f32 v5, v0;
	v5 =	vld [tilespmem:s10+$0x23A0]  }
0xa8: {  	v1 =	vadd.f32 v6, v1;
	v6 =	vld [tilespmem:s10+$0x23B0]  }
0xa9: {  	v0 =	vadd.f32 v2, v0  }
0xaa: {  	v1 =	vadd.f32 v3, v1  }
0xab: {  	v0 =	vadd.f32 v4, v0  }
0xac: {  	s21 =	simm.s32 $0x0;
	v1 =	vadd.f32 v5, v1  }
0xad: {  	s14 =	sand.u32 $0x3FFFFF80, s21;
	v0 =	vadd.f32 v6, v0  }
0xae: {  	[tilespmem:s14+$0x1C080] =	vst v1  }
0xaf: {  	[tilespmem:s14+$0x1C090] =	vst v0  }
0xb0: {  	v0 =	vld [tilespmem:s10+$0x23F0]  }
0xb1: {  	v1 =	vld [tilespmem:s10+$0x23E0]  }
0xb2: {  	v2 =	vld [tilespmem:s10+$0x23C0]  }
0xb3: {  	v3 =	vld [tilespmem:s10+$0x23D0]  }
0xb4: {  	v4 =	vld [tilespmem:s10+$0x2400]  }
0xb5: {  	v5 =	vld [tilespmem:s10+$0x2410]  }
0xb6: {  	v6 =	vld [tilespmem:s10+$0x2420]  }
0xb7: {  	v1 =	vadd.f32 v1, v2;
	v2 =	vld [tilespmem:s10+$0x2430]  }
0xb8: {  	v0 =	vadd.f32 v0, v3;
	v3 =	vld [tilespmem:s10+$0x2440]  }
0xb9: {  	v1 =	vadd.f32 v4, v1;
	v4 =	vld [tilespmem:s10+$0x2450]  }
0xba: {  	v0 =	vadd.f32 v5, v0;
	v5 =	vld [tilespmem:s10+$0x2460]  }
0xbb: {  	v1 =	vadd.f32 v6, v1;
	v6 =	vld [tilespmem:s10+$0x2470]  }
0xbc: {  	v0 =	vadd.f32 v2, v0;
	v2 =	vld [tilespmem:s10+$0x2480]  }
0xbd: {  	v1 =	vadd.f32 v3, v1;
	v3 =	vld [tilespmem:s10+$0x2490]  }
0xbe: {  	v0 =	vadd.f32 v4, v0;
	v4 =	vld [tilespmem:s10+$0x24A0]  }
0xbf: {  	v1 =	vadd.f32 v5, v1;
	v5 =	vld [tilespmem:s10+$0x24B0]  }
0xc0: {  	v0 =	vadd.f32 v6, v0;
	v6 =	vld [tilespmem:s10+$0x24C0]  }
0xc1: {  	v1 =	vadd.f32 v2, v1;
	v2 =	vld [tilespmem:s10+$0x24D0]  }
0xc2: {  	v0 =	vadd.f32 v3, v0;
	v3 =	vld [tilespmem:s10+$0x24E0]  }
0xc3: {  	v1 =	vadd.f32 v4, v1;
	v4 =	vld [tilespmem:s10+$0x24F0]  }
0xc4: {  	v0 =	vadd.f32 v5, v0;
	v5 =	vld [tilespmem:s10+$0x2500]  }
0xc5: {  	v1 =	vadd.f32 v6, v1;
	v6 =	vld [tilespmem:s10+$0x2510]  }
0xc6: {  	v0 =	vadd.f32 v2, v0;
	v2 =	vld [tilespmem:s10+$0x2520]  }
0xc7: {  	v1 =	vadd.f32 v3, v1;
	v3 =	vld [tilespmem:s10+$0x2530]  }
0xc8: {  	v0 =	vadd.f32 v4, v0;
	v4 =	vld [tilespmem:s10+$0x2540]  }
0xc9: {  	v1 =	vadd.f32 v5, v1;
	v5 =	vld [tilespmem:s10+$0x2550]  }
0xca: {  	v0 =	vadd.f32 v6, v0;
	v6 =	vld [tilespmem:s10+$0x2560]  }
0xcb: {  	v1 =	vadd.f32 v2, v1;
	v2 =	vld [tilespmem:s10+$0x2570]  }
0xcc: {  	v0 =	vadd.f32 v3, v0;
	v3 =	vld [tilespmem:s10+$0x2580]  }
0xcd: {  	v1 =	vadd.f32 v4, v1;
	v4 =	vld [tilespmem:s10+$0x2590]  }
0xce: {  	v0 =	vadd.f32 v5, v0;
	v5 =	vld [tilespmem:s10+$0x25A0]  }
0xcf: {  	v1 =	vadd.f32 v6, v1;
	v6 =	vld [tilespmem:s10+$0x25B0]  }
0xd0: {  	v0 =	vadd.f32 v2, v0;
	v2 =	vld [tilespmem:s10+$0x25C0]  }
0xd1: {  	v1 =	vadd.f32 v3, v1;
	v3 =	vld [tilespmem:s10+$0x25D0]  }
0xd2: {  	v0 =	vadd.f32 v4, v0;
	v4 =	vld [tilespmem:s10+$0x25E0]  }
0xd3: {  	v1 =	vadd.f32 v5, v1;
	v5 =	vld [tilespmem:s10+$0x25F0]  }
0xd4: {  	v0 =	vadd.f32 v6, v0;
	v6 =	vld [tilespmem:s10+$0x2600]  }
0xd5: {  	v1 =	vadd.f32 v2, v1;
	v2 =	vld [tilespmem:s10+$0x2610]  }
0xd6: {  	v0 =	vadd.f32 v3, v0;
	v3 =	vld [tilespmem:s10+$0x2620]  }
0xd7: {  	v1 =	vadd.f32 v4, v1;
	v4 =	vld [tilespmem:s10+$0x2630]  }
0xd8: {  	v0 =	vadd.f32 v5, v0;
	v5 =	vld [tilespmem:s10+$0x2640]  }
0xd9: {  	v1 =	vadd.f32 v6, v1;
	v6 =	vld [tilespmem:s10+$0x2650]  }
0xda: {  	v0 =	vadd.f32 v2, v0;
	v2 =	vld [tilespmem:s10+$0x2660]  }
0xdb: {  	v1 =	vadd.f32 v3, v1;
	v3 =	vld [tilespmem:s10+$0x2670]  }
0xdc: {  	v0 =	vadd.f32 v4, v0;
	v4 =	vld [tilespmem:s10+$0x2680]  }
0xdd: {  	v1 =	vadd.f32 v5, v1;
	v5 =	vld [tilespmem:s10+$0x2690]  }
0xde: {  	v0 =	vadd.f32 v6, v0;
	v6 =	vld [tilespmem:s10+$0x26A0]  }
0xdf: {  	v1 =	vadd.f32 v2, v1;
	v2 =	vld [tilespmem:s10+$0x26B0]  }
0xe0: {  	v0 =	vadd.f32 v3, v0;
	v3 =	vld [tilespmem:s10+$0x26C0]  }
0xe1: {  	v1 =	vadd.f32 v4, v1;
	v4 =	vld [tilespmem:s10+$0x26D0]  }
0xe2: {  	v0 =	vadd.f32 v5, v0;
	v5 =	vld [tilespmem:s10+$0x26E0]  }
0xe3: {  	v1 =	vadd.f32 v6, v1;
	v6 =	vld [tilespmem:s10+$0x26F0]  }
0xe4: {  	v0 =	vadd.f32 v2, v0  }
0xe5: {  	v1 =	vadd.f32 v3, v1  }
0xe6: {  	v0 =	vadd.f32 v4, v0  }
0xe7: {  	v1 =	vadd.f32 v5, v1  }
0xe8: {  	v0 =	vadd.f32 v6, v0  }
0xe9: {  	[tilespmem:s14+$0x1C0A0] =	vst v1  }
0xea: {  	[tilespmem:s14+$0x1C0B0] =	vst v0  }
0xeb: {  	v0 =	vld [tilespmem:s10+$0x2730]  }
0xec: {  	v1 =	vld [tilespmem:s10+$0x2720]  }
0xed: {  	v2 =	vld [tilespmem:s10+$0x2700]  }
0xee: {  	v3 =	vld [tilespmem:s10+$0x2710]  }
0xef: {  	v4 =	vld [tilespmem:s10+$0x2740]  }
0xf0: {  	v5 =	vld [tilespmem:s10+$0x2750]  }
0xf1: {  	v6 =	vld [tilespmem:s10+$0x2760]  }
0xf2: {  	v1 =	vadd.f32 v1, v2;
	v2 =	vld [tilespmem:s10+$0x2770]  }
0xf3: {  	v0 =	vadd.f32 v0, v3;
	v3 =	vld [tilespmem:s10+$0x2780]  }
0xf4: {  	v1 =	vadd.f32 v4, v1;
	v4 =	vld [tilespmem:s10+$0x2790]  }
0xf5: {  	v0 =	vadd.f32 v5, v0;
	v5 =	vld [tilespmem:s10+$0x27A0]  }
0xf6: {  	v1 =	vadd.f32 v6, v1;
	v6 =	vld [tilespmem:s10+$0x27B0]  }
0xf7: {  	v0 =	vadd.f32 v2, v0;
	v2 =	vld [tilespmem:s10+$0x27C0]  }
0xf8: {  	v1 =	vadd.f32 v3, v1;
	v3 =	vld [tilespmem:s10+$0x27D0]  }
0xf9: {  	v0 =	vadd.f32 v4, v0;
	v4 =	vld [tilespmem:s10+$0x27E0]  }
0xfa: {  	v1 =	vadd.f32 v5, v1;
	v5 =	vld [tilespmem:s10+$0x27F0]  }
0xfb: {  	v0 =	vadd.f32 v6, v0;
	v6 =	vld [tilespmem:s10+$0x2800]  }
0xfc: {  	v1 =	vadd.f32 v2, v1;
	v2 =	vld [tilespmem:s10+$0x2810]  }
0xfd: {  	v0 =	vadd.f32 v3, v0;
	v3 =	vld [tilespmem:s10+$0x2820]  }
0xfe: {  	v1 =	vadd.f32 v4, v1;
	v4 =	vld [tilespmem:s10+$0x2830]  }
0xff: {  	v0 =	vadd.f32 v5, v0;
	v5 =	vld [tilespmem:s10+$0x2840]  }
0x100: {  	v1 =	vadd.f32 v6, v1;
	v6 =	vld [tilespmem:s10+$0x2850]  }
0x101: {  	v0 =	vadd.f32 v2, v0;
	v2 =	vld [tilespmem:s10+$0x2860]  }
0x102: {  	v1 =	vadd.f32 v3, v1;
	v3 =	vld [tilespmem:s10+$0x2870]  }
0x103: {  	v0 =	vadd.f32 v4, v0;
	v4 =	vld [tilespmem:s10+$0x2880]  }
0x104: {  	v1 =	vadd.f32 v5, v1;
	v5 =	vld [tilespmem:s10+$0x2890]  }
0x105: {  	v0 =	vadd.f32 v6, v0;
	v6 =	vld [tilespmem:s10+$0x28A0]  }
0x106: {  	v1 =	vadd.f32 v2, v1;
	v2 =	vld [tilespmem:s10+$0x28B0]  }
0x107: {  	v0 =	vadd.f32 v3, v0;
	v3 =	vld [tilespmem:s10+$0x28C0]  }
0x108: {  	v1 =	vadd.f32 v4, v1;
	v4 =	vld [tilespmem:s10+$0x28D0]  }
0x109: {  	v0 =	vadd.f32 v5, v0;
	v5 =	vld [tilespmem:s10+$0x28E0]  }
0x10a: {  	v1 =	vadd.f32 v6, v1;
	v6 =	vld [tilespmem:s10+$0x28F0]  }
0x10b: {  	v0 =	vadd.f32 v2, v0;
	v2 =	vld [tilespmem:s10+$0x2900]  }
0x10c: {  	v1 =	vadd.f32 v3, v1;
	v3 =	vld [tilespmem:s10+$0x2910]  }
0x10d: {  	v0 =	vadd.f32 v4, v0;
	v4 =	vld [tilespmem:s10+$0x2920]  }
0x10e: {  	v1 =	vadd.f32 v5, v1;
	v5 =	vld [tilespmem:s10+$0x2930]  }
0x10f: {  	v0 =	vadd.f32 v6, v0;
	v6 =	vld [tilespmem:s10+$0x2940]  }
0x110: {  	v1 =	vadd.f32 v2, v1;
	v2 =	vld [tilespmem:s10+$0x2950]  }
0x111: {  	v0 =	vadd.f32 v3, v0;
	v3 =	vld [tilespmem:s10+$0x2960]  }
0x112: {  	v1 =	vadd.f32 v4, v1;
	v4 =	vld [tilespmem:s10+$0x2970]  }
0x113: {  	v0 =	vadd.f32 v5, v0;
	v5 =	vld [tilespmem:s10+$0x2980]  }
0x114: {  	v1 =	vadd.f32 v6, v1;
	v6 =	vld [tilespmem:s10+$0x2990]  }
0x115: {  	v0 =	vadd.f32 v2, v0;
	v2 =	vld [tilespmem:s10+$0x29A0]  }
0x116: {  	v1 =	vadd.f32 v3, v1;
	v3 =	vld [tilespmem:s10+$0x29B0]  }
0x117: {  	v0 =	vadd.f32 v4, v0;
	v4 =	vld [tilespmem:s10+$0x29C0]  }
0x118: {  	v1 =	vadd.f32 v5, v1;
	v5 =	vld [tilespmem:s10+$0x29D0]  }
0x119: {  	v0 =	vadd.f32 v6, v0;
	v6 =	vld [tilespmem:s10+$0x29E0]  }
0x11a: {  	v1 =	vadd.f32 v2, v1;
	v2 =	vld [tilespmem:s10+$0x29F0]  }
0x11b: {  	v0 =	vadd.f32 v3, v0;
	v3 =	vld [tilespmem:s10+$0x2A00]  }
0x11c: {  	v1 =	vadd.f32 v4, v1;
	v4 =	vld [tilespmem:s10+$0x2A10]  }
0x11d: {  	v0 =	vadd.f32 v5, v0;
	v5 =	vld [tilespmem:s10+$0x2A20]  }
0x11e: {  	v1 =	vadd.f32 v6, v1;
	v6 =	vld [tilespmem:s10+$0x2A30]  }
0x11f: {  	v0 =	vadd.f32 v2, v0  }
0x120: {  	v1 =	vadd.f32 v3, v1  }
0x121: {  	v0 =	vadd.f32 v4, v0  }
0x122: {  	v1 =	vadd.f32 v5, v1  }
0x123: {  	v0 =	vadd.f32 v6, v0  }
0x124: {  	[tilespmem:s14+$0x1C0C0] =	vst v1  }
0x125: {  	[tilespmem:s14+$0x1C0D0] =	vst v0  }
0x126: {  	v0 =	vld [tilespmem:s10+$0x2A40]  }
0x127: {  	v1 =	vld [tilespmem:s10+$0x2A60]  }
0x128: {  	v2 =	vld [tilespmem:s10+$0x2A70]  }
0x129: {  	v3 =	vld [tilespmem:s10+$0x2A50]  }
0x12a: {  	v4 =	vld [tilespmem:s10+$0x2A80]  }
0x12b: {  	v5 =	vld [tilespmem:s10+$0x2A90]  }
0x12c: {  	v6 =	vld [tilespmem:s10+$0x2AA0]  }
0x12d: {  	v0 =	vadd.f32 v1, v0;
	v1 =	vld [tilespmem:s10+$0x2AB0]  }
0x12e: {  	v7 =	vld [tilespmem:s10+$0x2AC0];
	v2 =	vadd.f32 v2, v3  }
0x12f: {  	v3 =	vld [tilespmem:s10+$0x2AD0];
	v0 =	vadd.f32 v4, v0  }
0x130: {  	v4 =	vld [tilespmem:s10+$0x2AE0];
	v2 =	vadd.f32 v5, v2  }
0x131: {  	v5 =	vld [tilespmem:s10+$0x2AF0];
	v0 =	vadd.f32 v6, v0  }
0x132: {  	v6 =	vld [tilespmem:s10+$0x2B00];
	v1 =	vadd.f32 v1, v2  }
0x133: {  	v2 =	vld [tilespmem:s10+$0x2B10];
	v0 =	vadd.f32 v7, v0  }
0x134: {  	v7 =	vld [tilespmem:s10+$0x2B20];
	v1 =	vadd.f32 v3, v1  }
0x135: {  	v3 =	vld [tilespmem:s10+$0x2B30];
	v0 =	vadd.f32 v4, v0  }
0x136: {  	v4 =	vld [tilespmem:s10+$0x2B40];
	v1 =	vadd.f32 v5, v1  }
0x137: {  	v5 =	vld [tilespmem:s10+$0x2B50];
	v0 =	vadd.f32 v6, v0  }
0x138: {  	v6 =	vld [tilespmem:s10+$0x2B60];
	v1 =	vadd.f32 v2, v1  }
0x139: {  	v2 =	vld [tilespmem:s10+$0x2B70];
	v0 =	vadd.f32 v7, v0  }
0x13a: {  	v7 =	vld [tilespmem:s10+$0x2B80];
	v1 =	vadd.f32 v3, v1  }
0x13b: {  	v3 =	vld [tilespmem:s10+$0x2B90];
	v0 =	vadd.f32 v4, v0  }
0x13c: {  	v4 =	vld [tilespmem:s10+$0x2BA0];
	v1 =	vadd.f32 v5, v1  }
0x13d: {  	v5 =	vld [tilespmem:s10+$0x2BB0];
	v0 =	vadd.f32 v6, v0  }
0x13e: {  	v6 =	vld [tilespmem:s10+$0x2BC0];
	v1 =	vadd.f32 v2, v1  }
0x13f: {  	v2 =	vld [tilespmem:s10+$0x2BD0];
	v0 =	vadd.f32 v7, v0  }
0x140: {  	v7 =	vld [tilespmem:s10+$0x2BE0];
	v1 =	vadd.f32 v3, v1  }
0x141: {  	v3 =	vld [tilespmem:s10+$0x2BF0];
	v0 =	vadd.f32 v4, v0  }
0x142: {  	v4 =	vld [tilespmem:s10+$0x2C00];
	v1 =	vadd.f32 v5, v1  }
0x143: {  	v5 =	vld [tilespmem:s10+$0x2C10];
	v0 =	vadd.f32 v6, v0  }
0x144: {  	v6 =	vld [tilespmem:s10+$0x2C20];
	v1 =	vadd.f32 v2, v1  }
0x145: {  	v2 =	vld [tilespmem:s10+$0x2C30];
	v0 =	vadd.f32 v7, v0  }
0x146: {  	v7 =	vld [tilespmem:s10+$0x2C40];
	v1 =	vadd.f32 v3, v1  }
0x147: {  	v3 =	vld [tilespmem:s10+$0x2C50];
	v0 =	vadd.f32 v4, v0  }
0x148: {  	v4 =	vld [tilespmem:s10+$0x2C60];
	v1 =	vadd.f32 v5, v1  }
0x149: {  	v5 =	vld [tilespmem:s10+$0x2C70];
	v0 =	vadd.f32 v6, v0  }
0x14a: {  	v6 =	vld [tilespmem:s10+$0x2C80];
	v1 =	vadd.f32 v2, v1  }
0x14b: {  	v2 =	vld [tilespmem:s10+$0x2C90];
	v0 =	vadd.f32 v7, v0  }
0x14c: {  	v7 =	vld [tilespmem:s10+$0x2CA0];
	v1 =	vadd.f32 v3, v1  }
0x14d: {  	v0 =	vadd.f32 v4, v0;
	v4 =	vld [tilespmem:s10+$0x2CB0]  }
0x14e: {  	v8 =	vld [tilespmem:s10+$0x2CC0];
	v1 =	vadd.f32 v5, v1  }
0x14f: {  	v3 =	vld [tilespmem:s10+$0x2CD0];
	v5 =	vadd.f32 v6, v0  }
0x150: {  	v0 =	vld [tilespmem:s10+$0x2CE0];
	v6 =	vadd.f32 v2, v1  }
0x151: {  	v2 =	vld [tilespmem:s10+$0x2CF0];
	v5 =	vadd.f32 v7, v5  }
0x152: {  	v1 =	vld [tilespmem:s10+$0x2D00];
	v6 =	vadd.f32 v4, v6  }
0x153: {  	s20 =	simm.s32 $0x1;
	s9 =	sshll.u32 s8, $0xC;
	v4 =	vld [tilespmem:s10+$0x2D10];
	v5 =	vadd.f32 v8, v5  }
.LBB2_7:
0x154: {  	p1 =	sne.s32 s20, $0xF;
	v3 =	vadd.f32 v3, v6;
	v6 =	vld [tilespmem:s10+$0x2D20];
	s21 =	smov.u32 s20;
	s20 =	sadd.s32 $0x1, s20  }
0x155: {  	v0 =	vadd.f32 v0, v5;
	v5 =	vld [tilespmem:s10+$0x2D30]  }
0x156: {  	v2 =	vadd.f32 v2, v3;
	v3 =	vld [tilespmem:s10+$0x2D40]  }
0x157: {  	v0 =	vadd.f32 v1, v0;
	v1 =	vld [tilespmem:s10+$0x2D50]  }
0x158: {  	v2 =	vadd.f32 v4, v2;
	v4 =	vld [tilespmem:s10+$0x2D60]  }
0x159: {  	v0 =	vadd.f32 v6, v0;
	v6 =	vld [tilespmem:s10+$0x2D70]  }
0x15a: {  	v2 =	vadd.f32 v5, v2  }
0x15b: {  	v0 =	vadd.f32 v3, v0  }
0x15c: {  	v1 =	vadd.f32 v1, v2  }
0x15d: {  	v0 =	vadd.f32 v4, v0  }
0x15e: {  	v1 =	vadd.f32 v6, v1  }
0x15f: {  	[tilespmem:s14+$0x1C0E0] =	vst v0  }
0x160: {  	s10 =	smul.u32 $0x3400, s21;
	[tilespmem:s14+$0x1C0F0] =	vst v1;
	_ =	sdelay $0x1  }
0x161: {  	s10 =	sshra.s32 s10, $0x2  }
0x162: {  	v0 =	vld [tilespmem:s10+$0x20B0]  }
0x163: {  	v1 =	vld [tilespmem:s10+$0x20A0]  }
0x164: {  	v2 =	vld [tilespmem:s10+$0x2080]  }
0x165: {  	v3 =	vld [tilespmem:s10+$0x2090]  }
0x166: {  	v4 =	vld [tilespmem:s10+$0x20C0]  }
0x167: {  	v5 =	vld [tilespmem:s10+$0x20D0]  }
0x168: {  	v6 =	vld [tilespmem:s10+$0x20E0]  }
0x169: {  	v1 =	vadd.f32 v1, v2;
	v2 =	vld [tilespmem:s10+$0x20F0]  }
0x16a: {  	v0 =	vadd.f32 v0, v3;
	v3 =	vld [tilespmem:s10+$0x2100]  }
0x16b: {  	v1 =	vadd.f32 v4, v1;
	v4 =	vld [tilespmem:s10+$0x2110]  }
0x16c: {  	v0 =	vadd.f32 v5, v0;
	v5 =	vld [tilespmem:s10+$0x2120]  }
0x16d: {  	v1 =	vadd.f32 v6, v1;
	v6 =	vld [tilespmem:s10+$0x2130]  }
0x16e: {  	v0 =	vadd.f32 v2, v0;
	v2 =	vld [tilespmem:s10+$0x2140]  }
0x16f: {  	v1 =	vadd.f32 v3, v1;
	v3 =	vld [tilespmem:s10+$0x2150]  }
0x170: {  	v0 =	vadd.f32 v4, v0;
	v4 =	vld [tilespmem:s10+$0x2160]  }
0x171: {  	v1 =	vadd.f32 v5, v1;
	v5 =	vld [tilespmem:s10+$0x2170]  }
0x172: {  	v0 =	vadd.f32 v6, v0;
	v6 =	vld [tilespmem:s10+$0x2180]  }
0x173: {  	v1 =	vadd.f32 v2, v1;
	v2 =	vld [tilespmem:s10+$0x2190]  }
0x174: {  	v0 =	vadd.f32 v3, v0;
	v3 =	vld [tilespmem:s10+$0x21A0]  }
0x175: {  	v1 =	vadd.f32 v4, v1;
	v4 =	vld [tilespmem:s10+$0x21B0]  }
0x176: {  	v0 =	vadd.f32 v5, v0;
	v5 =	vld [tilespmem:s10+$0x21C0]  }
0x177: {  	v1 =	vadd.f32 v6, v1;
	v6 =	vld [tilespmem:s10+$0x21D0]  }
0x178: {  	v0 =	vadd.f32 v2, v0;
	v2 =	vld [tilespmem:s10+$0x21E0]  }
0x179: {  	v1 =	vadd.f32 v3, v1;
	v3 =	vld [tilespmem:s10+$0x21F0]  }
0x17a: {  	v0 =	vadd.f32 v4, v0;
	v4 =	vld [tilespmem:s10+$0x2200]  }
0x17b: {  	v1 =	vadd.f32 v5, v1;
	v5 =	vld [tilespmem:s10+$0x2210]  }
0x17c: {  	v0 =	vadd.f32 v6, v0;
	v6 =	vld [tilespmem:s10+$0x2220]  }
0x17d: {  	v1 =	vadd.f32 v2, v1;
	v2 =	vld [tilespmem:s10+$0x2230]  }
0x17e: {  	v0 =	vadd.f32 v3, v0;
	v3 =	vld [tilespmem:s10+$0x2240]  }
0x17f: {  	v1 =	vadd.f32 v4, v1;
	v4 =	vld [tilespmem:s10+$0x2250]  }
0x180: {  	v0 =	vadd.f32 v5, v0;
	v5 =	vld [tilespmem:s10+$0x2260]  }
0x181: {  	v1 =	vadd.f32 v6, v1;
	v6 =	vld [tilespmem:s10+$0x2270]  }
0x182: {  	v0 =	vadd.f32 v2, v0;
	v2 =	vld [tilespmem:s10+$0x2280]  }
0x183: {  	v1 =	vadd.f32 v3, v1;
	v3 =	vld [tilespmem:s10+$0x2290]  }
0x184: {  	v0 =	vadd.f32 v4, v0;
	v4 =	vld [tilespmem:s10+$0x22A0]  }
0x185: {  	v1 =	vadd.f32 v5, v1;
	v5 =	vld [tilespmem:s10+$0x22B0]  }
0x186: {  	v0 =	vadd.f32 v6, v0;
	v6 =	vld [tilespmem:s10+$0x22C0]  }
0x187: {  	v1 =	vadd.f32 v2, v1;
	v2 =	vld [tilespmem:s10+$0x22D0]  }
0x188: {  	v0 =	vadd.f32 v3, v0;
	v3 =	vld [tilespmem:s10+$0x22E0]  }
0x189: {  	v1 =	vadd.f32 v4, v1;
	v4 =	vld [tilespmem:s10+$0x22F0]  }
0x18a: {  	v0 =	vadd.f32 v5, v0;
	v5 =	vld [tilespmem:s10+$0x2300]  }
0x18b: {  	v1 =	vadd.f32 v6, v1;
	v6 =	vld [tilespmem:s10+$0x2310]  }
0x18c: {  	v0 =	vadd.f32 v2, v0;
	v2 =	vld [tilespmem:s10+$0x2320]  }
0x18d: {  	v1 =	vadd.f32 v3, v1;
	v3 =	vld [tilespmem:s10+$0x2330]  }
0x18e: {  	v0 =	vadd.f32 v4, v0;
	v4 =	vld [tilespmem:s10+$0x2340]  }
0x18f: {  	v1 =	vadd.f32 v5, v1;
	v5 =	vld [tilespmem:s10+$0x2350]  }
0x190: {  	v0 =	vadd.f32 v6, v0;
	v6 =	vld [tilespmem:s10+$0x2360]  }
0x191: {  	v1 =	vadd.f32 v2, v1;
	v2 =	vld [tilespmem:s10+$0x2370]  }
0x192: {  	v0 =	vadd.f32 v3, v0;
	v3 =	vld [tilespmem:s10+$0x2380]  }
0x193: {  	v1 =	vadd.f32 v4, v1;
	v4 =	vld [tilespmem:s10+$0x2390]  }
0x194: {  	v0 =	vadd.f32 v5, v0;
	v5 =	vld [tilespmem:s10+$0x23A0]  }
0x195: {  	v1 =	vadd.f32 v6, v1;
	v6 =	vld [tilespmem:s10+$0x23B0]  }
0x196: {  	v0 =	vadd.f32 v2, v0  }
0x197: {  	v1 =	vadd.f32 v3, v1  }
0x198: {  	v0 =	vadd.f32 v4, v0  }
0x199: {  	s14 =	sshll.u32 s21, $0x7;
	v1 =	vadd.f32 v5, v1  }
0x19a: {  	s14 =	sand.u32 $0x3FFFFF80, s14;
	v0 =	vadd.f32 v6, v0  }
0x19b: {  	[tilespmem:s14+$0x1C080] =	vst v1  }
0x19c: {  	[tilespmem:s14+$0x1C090] =	vst v0  }
0x19d: {  	v0 =	vld [tilespmem:s10+$0x23F0]  }
0x19e: {  	v1 =	vld [tilespmem:s10+$0x23E0]  }
0x19f: {  	v2 =	vld [tilespmem:s10+$0x23C0]  }
0x1a0: {  	v3 =	vld [tilespmem:s10+$0x23D0]  }
0x1a1: {  	v4 =	vld [tilespmem:s10+$0x2400]  }
0x1a2: {  	v5 =	vld [tilespmem:s10+$0x2410]  }
0x1a3: {  	v6 =	vld [tilespmem:s10+$0x2420]  }
0x1a4: {  	v1 =	vadd.f32 v1, v2;
	v2 =	vld [tilespmem:s10+$0x2430]  }
0x1a5: {  	v0 =	vadd.f32 v0, v3;
	v3 =	vld [tilespmem:s10+$0x2440]  }
0x1a6: {  	v1 =	vadd.f32 v4, v1;
	v4 =	vld [tilespmem:s10+$0x2450]  }
0x1a7: {  	v0 =	vadd.f32 v5, v0;
	v5 =	vld [tilespmem:s10+$0x2460]  }
0x1a8: {  	v1 =	vadd.f32 v6, v1;
	v6 =	vld [tilespmem:s10+$0x2470]  }
0x1a9: {  	v0 =	vadd.f32 v2, v0;
	v2 =	vld [tilespmem:s10+$0x2480]  }
0x1aa: {  	v1 =	vadd.f32 v3, v1;
	v3 =	vld [tilespmem:s10+$0x2490]  }
0x1ab: {  	v0 =	vadd.f32 v4, v0;
	v4 =	vld [tilespmem:s10+$0x24A0]  }
0x1ac: {  	v1 =	vadd.f32 v5, v1;
	v5 =	vld [tilespmem:s10+$0x24B0]  }
0x1ad: {  	v0 =	vadd.f32 v6, v0;
	v6 =	vld [tilespmem:s10+$0x24C0]  }
0x1ae: {  	v1 =	vadd.f32 v2, v1;
	v2 =	vld [tilespmem:s10+$0x24D0]  }
0x1af: {  	v0 =	vadd.f32 v3, v0;
	v3 =	vld [tilespmem:s10+$0x24E0]  }
0x1b0: {  	v1 =	vadd.f32 v4, v1;
	v4 =	vld [tilespmem:s10+$0x24F0]  }
0x1b1: {  	v0 =	vadd.f32 v5, v0;
	v5 =	vld [tilespmem:s10+$0x2500]  }
0x1b2: {  	v1 =	vadd.f32 v6, v1;
	v6 =	vld [tilespmem:s10+$0x2510]  }
0x1b3: {  	v0 =	vadd.f32 v2, v0;
	v2 =	vld [tilespmem:s10+$0x2520]  }
0x1b4: {  	v1 =	vadd.f32 v3, v1;
	v3 =	vld [tilespmem:s10+$0x2530]  }
0x1b5: {  	v0 =	vadd.f32 v4, v0;
	v4 =	vld [tilespmem:s10+$0x2540]  }
0x1b6: {  	v1 =	vadd.f32 v5, v1;
	v5 =	vld [tilespmem:s10+$0x2550]  }
0x1b7: {  	v0 =	vadd.f32 v6, v0;
	v6 =	vld [tilespmem:s10+$0x2560]  }
0x1b8: {  	v1 =	vadd.f32 v2, v1;
	v2 =	vld [tilespmem:s10+$0x2570]  }
0x1b9: {  	v0 =	vadd.f32 v3, v0;
	v3 =	vld [tilespmem:s10+$0x2580]  }
0x1ba: {  	v1 =	vadd.f32 v4, v1;
	v4 =	vld [tilespmem:s10+$0x2590]  }
0x1bb: {  	v0 =	vadd.f32 v5, v0;
	v5 =	vld [tilespmem:s10+$0x25A0]  }
0x1bc: {  	v1 =	vadd.f32 v6, v1;
	v6 =	vld [tilespmem:s10+$0x25B0]  }
0x1bd: {  	v0 =	vadd.f32 v2, v0;
	v2 =	vld [tilespmem:s10+$0x25C0]  }
0x1be: {  	v1 =	vadd.f32 v3, v1;
	v3 =	vld [tilespmem:s10+$0x25D0]  }
0x1bf: {  	v0 =	vadd.f32 v4, v0;
	v4 =	vld [tilespmem:s10+$0x25E0]  }
0x1c0: {  	v1 =	vadd.f32 v5, v1;
	v5 =	vld [tilespmem:s10+$0x25F0]  }
0x1c1: {  	v0 =	vadd.f32 v6, v0;
	v6 =	vld [tilespmem:s10+$0x2600]  }
0x1c2: {  	v1 =	vadd.f32 v2, v1;
	v2 =	vld [tilespmem:s10+$0x2610]  }
0x1c3: {  	v0 =	vadd.f32 v3, v0;
	v3 =	vld [tilespmem:s10+$0x2620]  }
0x1c4: {  	v1 =	vadd.f32 v4, v1;
	v4 =	vld [tilespmem:s10+$0x2630]  }
0x1c5: {  	v0 =	vadd.f32 v5, v0;
	v5 =	vld [tilespmem:s10+$0x2640]  }
0x1c6: {  	v1 =	vadd.f32 v6, v1;
	v6 =	vld [tilespmem:s10+$0x2650]  }
0x1c7: {  	v0 =	vadd.f32 v2, v0;
	v2 =	vld [tilespmem:s10+$0x2660]  }
0x1c8: {  	v1 =	vadd.f32 v3, v1;
	v3 =	vld [tilespmem:s10+$0x2670]  }
0x1c9: {  	v0 =	vadd.f32 v4, v0;
	v4 =	vld [tilespmem:s10+$0x2680]  }
0x1ca: {  	v1 =	vadd.f32 v5, v1;
	v5 =	vld [tilespmem:s10+$0x2690]  }
0x1cb: {  	v0 =	vadd.f32 v6, v0;
	v6 =	vld [tilespmem:s10+$0x26A0]  }
0x1cc: {  	v1 =	vadd.f32 v2, v1;
	v2 =	vld [tilespmem:s10+$0x26B0]  }
0x1cd: {  	v0 =	vadd.f32 v3, v0;
	v3 =	vld [tilespmem:s10+$0x26C0]  }
0x1ce: {  	v1 =	vadd.f32 v4, v1;
	v4 =	vld [tilespmem:s10+$0x26D0]  }
0x1cf: {  	v0 =	vadd.f32 v5, v0;
	v5 =	vld [tilespmem:s10+$0x26E0]  }
0x1d0: {  	v1 =	vadd.f32 v6, v1;
	v6 =	vld [tilespmem:s10+$0x26F0]  }
0x1d1: {  	v0 =	vadd.f32 v2, v0  }
0x1d2: {  	v1 =	vadd.f32 v3, v1  }
0x1d3: {  	v0 =	vadd.f32 v4, v0  }
0x1d4: {  	v1 =	vadd.f32 v5, v1  }
0x1d5: {  	v0 =	vadd.f32 v6, v0  }
0x1d6: {  	[tilespmem:s14+$0x1C0A0] =	vst v1  }
0x1d7: {  	[tilespmem:s14+$0x1C0B0] =	vst v0  }
0x1d8: {  	v0 =	vld [tilespmem:s10+$0x2730]  }
0x1d9: {  	v1 =	vld [tilespmem:s10+$0x2720]  }
0x1da: {  	v2 =	vld [tilespmem:s10+$0x2700]  }
0x1db: {  	v3 =	vld [tilespmem:s10+$0x2710]  }
0x1dc: {  	v4 =	vld [tilespmem:s10+$0x2740]  }
0x1dd: {  	v5 =	vld [tilespmem:s10+$0x2750]  }
0x1de: {  	v6 =	vld [tilespmem:s10+$0x2760]  }
0x1df: {  	v1 =	vadd.f32 v1, v2;
	v2 =	vld [tilespmem:s10+$0x2770]  }
0x1e0: {  	v0 =	vadd.f32 v0, v3;
	v3 =	vld [tilespmem:s10+$0x2780]  }
0x1e1: {  	v1 =	vadd.f32 v4, v1;
	v4 =	vld [tilespmem:s10+$0x2790]  }
0x1e2: {  	v0 =	vadd.f32 v5, v0;
	v5 =	vld [tilespmem:s10+$0x27A0]  }
0x1e3: {  	v1 =	vadd.f32 v6, v1;
	v6 =	vld [tilespmem:s10+$0x27B0]  }
0x1e4: {  	v0 =	vadd.f32 v2, v0;
	v2 =	vld [tilespmem:s10+$0x27C0]  }
0x1e5: {  	v1 =	vadd.f32 v3, v1;
	v3 =	vld [tilespmem:s10+$0x27D0]  }
0x1e6: {  	v0 =	vadd.f32 v4, v0;
	v4 =	vld [tilespmem:s10+$0x27E0]  }
0x1e7: {  	v1 =	vadd.f32 v5, v1;
	v5 =	vld [tilespmem:s10+$0x27F0]  }
0x1e8: {  	v0 =	vadd.f32 v6, v0;
	v6 =	vld [tilespmem:s10+$0x2800]  }
0x1e9: {  	v1 =	vadd.f32 v2, v1;
	v2 =	vld [tilespmem:s10+$0x2810]  }
0x1ea: {  	v0 =	vadd.f32 v3, v0;
	v3 =	vld [tilespmem:s10+$0x2820]  }
0x1eb: {  	v1 =	vadd.f32 v4, v1;
	v4 =	vld [tilespmem:s10+$0x2830]  }
0x1ec: {  	v0 =	vadd.f32 v5, v0;
	v5 =	vld [tilespmem:s10+$0x2840]  }
0x1ed: {  	v1 =	vadd.f32 v6, v1;
	v6 =	vld [tilespmem:s10+$0x2850]  }
0x1ee: {  	v0 =	vadd.f32 v2, v0;
	v2 =	vld [tilespmem:s10+$0x2860]  }
0x1ef: {  	v1 =	vadd.f32 v3, v1;
	v3 =	vld [tilespmem:s10+$0x2870]  }
0x1f0: {  	v0 =	vadd.f32 v4, v0;
	v4 =	vld [tilespmem:s10+$0x2880]  }
0x1f1: {  	v1 =	vadd.f32 v5, v1;
	v5 =	vld [tilespmem:s10+$0x2890]  }
0x1f2: {  	v0 =	vadd.f32 v6, v0;
	v6 =	vld [tilespmem:s10+$0x28A0]  }
0x1f3: {  	v1 =	vadd.f32 v2, v1;
	v2 =	vld [tilespmem:s10+$0x28B0]  }
0x1f4: {  	v0 =	vadd.f32 v3, v0;
	v3 =	vld [tilespmem:s10+$0x28C0]  }
0x1f5: {  	v1 =	vadd.f32 v4, v1;
	v4 =	vld [tilespmem:s10+$0x28D0]  }
0x1f6: {  	v0 =	vadd.f32 v5, v0;
	v5 =	vld [tilespmem:s10+$0x28E0]  }
0x1f7: {  	v1 =	vadd.f32 v6, v1;
	v6 =	vld [tilespmem:s10+$0x28F0]  }
0x1f8: {  	v0 =	vadd.f32 v2, v0;
	v2 =	vld [tilespmem:s10+$0x2900]  }
0x1f9: {  	v1 =	vadd.f32 v3, v1;
	v3 =	vld [tilespmem:s10+$0x2910]  }
0x1fa: {  	v0 =	vadd.f32 v4, v0;
	v4 =	vld [tilespmem:s10+$0x2920]  }
0x1fb: {  	v1 =	vadd.f32 v5, v1;
	v5 =	vld [tilespmem:s10+$0x2930]  }
0x1fc: {  	v0 =	vadd.f32 v6, v0;
	v6 =	vld [tilespmem:s10+$0x2940]  }
0x1fd: {  	v1 =	vadd.f32 v2, v1;
	v2 =	vld [tilespmem:s10+$0x2950]  }
0x1fe: {  	v0 =	vadd.f32 v3, v0;
	v3 =	vld [tilespmem:s10+$0x2960]  }
0x1ff: {  	v1 =	vadd.f32 v4, v1;
	v4 =	vld [tilespmem:s10+$0x2970]  }
0x200: {  	v0 =	vadd.f32 v5, v0;
	v5 =	vld [tilespmem:s10+$0x2980]  }
0x201: {  	v1 =	vadd.f32 v6, v1;
	v6 =	vld [tilespmem:s10+$0x2990]  }
0x202: {  	v0 =	vadd.f32 v2, v0;
	v2 =	vld [tilespmem:s10+$0x29A0]  }
0x203: {  	v1 =	vadd.f32 v3, v1;
	v3 =	vld [tilespmem:s10+$0x29B0]  }
0x204: {  	v0 =	vadd.f32 v4, v0;
	v4 =	vld [tilespmem:s10+$0x29C0]  }
0x205: {  	v1 =	vadd.f32 v5, v1;
	v5 =	vld [tilespmem:s10+$0x29D0]  }
0x206: {  	v0 =	vadd.f32 v6, v0;
	v6 =	vld [tilespmem:s10+$0x29E0]  }
0x207: {  	v1 =	vadd.f32 v2, v1;
	v2 =	vld [tilespmem:s10+$0x29F0]  }
0x208: {  	v0 =	vadd.f32 v3, v0;
	v3 =	vld [tilespmem:s10+$0x2A00]  }
0x209: {  	v1 =	vadd.f32 v4, v1;
	v4 =	vld [tilespmem:s10+$0x2A10]  }
0x20a: {  	v0 =	vadd.f32 v5, v0;
	v5 =	vld [tilespmem:s10+$0x2A20]  }
0x20b: {  	v1 =	vadd.f32 v6, v1;
	v6 =	vld [tilespmem:s10+$0x2A30]  }
0x20c: {  	v0 =	vadd.f32 v2, v0  }
0x20d: {  	v1 =	vadd.f32 v3, v1  }
0x20e: {  	v0 =	vadd.f32 v4, v0  }
0x20f: {  	v1 =	vadd.f32 v5, v1  }
0x210: {  	v0 =	vadd.f32 v6, v0  }
0x211: {  	[tilespmem:s14+$0x1C0C0] =	vst v1  }
0x212: {  	[tilespmem:s14+$0x1C0D0] =	vst v0  }
0x213: {  	v0 =	vld [tilespmem:s10+$0x2A40]  }
0x214: {  	v1 =	vld [tilespmem:s10+$0x2A60]  }
0x215: {  	v2 =	vld [tilespmem:s10+$0x2A70]  }
0x216: {  	v3 =	vld [tilespmem:s10+$0x2A50]  }
0x217: {  	v4 =	vld [tilespmem:s10+$0x2A80]  }
0x218: {  	v5 =	vld [tilespmem:s10+$0x2A90]  }
0x219: {  	v6 =	vld [tilespmem:s10+$0x2AA0]  }
0x21a: {  	v0 =	vadd.f32 v1, v0;
	v1 =	vld [tilespmem:s10+$0x2AB0]  }
0x21b: {  	v2 =	vadd.f32 v2, v3;
	v3 =	vld [tilespmem:s10+$0x2AC0]  }
0x21c: {  	v0 =	vadd.f32 v4, v0;
	v4 =	vld [tilespmem:s10+$0x2AD0]  }
0x21d: {  	v2 =	vadd.f32 v5, v2;
	v5 =	vld [tilespmem:s10+$0x2AE0]  }
0x21e: {  	v0 =	vadd.f32 v6, v0;
	v6 =	vld [tilespmem:s10+$0x2AF0]  }
0x21f: {  	v1 =	vadd.f32 v1, v2;
	v2 =	vld [tilespmem:s10+$0x2B00]  }
0x220: {  	v0 =	vadd.f32 v3, v0;
	v3 =	vld [tilespmem:s10+$0x2B10]  }
0x221: {  	v1 =	vadd.f32 v4, v1;
	v4 =	vld [tilespmem:s10+$0x2B20]  }
0x222: {  	v0 =	vadd.f32 v5, v0;
	v5 =	vld [tilespmem:s10+$0x2B30]  }
0x223: {  	v1 =	vadd.f32 v6, v1;
	v6 =	vld [tilespmem:s10+$0x2B40]  }
0x224: {  	v0 =	vadd.f32 v2, v0;
	v2 =	vld [tilespmem:s10+$0x2B50]  }
0x225: {  	v1 =	vadd.f32 v3, v1;
	v3 =	vld [tilespmem:s10+$0x2B60]  }
0x226: {  	v0 =	vadd.f32 v4, v0;
	v4 =	vld [tilespmem:s10+$0x2B70]  }
0x227: {  	v1 =	vadd.f32 v5, v1;
	v5 =	vld [tilespmem:s10+$0x2B80]  }
0x228: {  	v0 =	vadd.f32 v6, v0;
	v6 =	vld [tilespmem:s10+$0x2B90]  }
0x229: {  	v1 =	vadd.f32 v2, v1;
	v2 =	vld [tilespmem:s10+$0x2BA0]  }
0x22a: {  	v0 =	vadd.f32 v3, v0;
	v3 =	vld [tilespmem:s10+$0x2BB0]  }
0x22b: {  	v1 =	vadd.f32 v4, v1;
	v4 =	vld [tilespmem:s10+$0x2BC0]  }
0x22c: {  	v0 =	vadd.f32 v5, v0;
	v5 =	vld [tilespmem:s10+$0x2BD0]  }
0x22d: {  	v1 =	vadd.f32 v6, v1;
	v6 =	vld [tilespmem:s10+$0x2BE0]  }
0x22e: {  	v0 =	vadd.f32 v2, v0;
	v2 =	vld [tilespmem:s10+$0x2BF0]  }
0x22f: {  	v1 =	vadd.f32 v3, v1;
	v3 =	vld [tilespmem:s10+$0x2C00]  }
0x230: {  	v0 =	vadd.f32 v4, v0;
	v4 =	vld [tilespmem:s10+$0x2C10]  }
0x231: {  	v1 =	vadd.f32 v5, v1;
	v5 =	vld [tilespmem:s10+$0x2C20]  }
0x232: {  	v0 =	vadd.f32 v6, v0;
	v6 =	vld [tilespmem:s10+$0x2C30]  }
0x233: {  	v1 =	vadd.f32 v2, v1;
	v2 =	vld [tilespmem:s10+$0x2C40]  }
0x234: {  	v0 =	vadd.f32 v3, v0;
	v3 =	vld [tilespmem:s10+$0x2C50]  }
0x235: {  	v1 =	vadd.f32 v4, v1;
	v4 =	vld [tilespmem:s10+$0x2C60]  }
0x236: {  	v0 =	vadd.f32 v5, v0;
	v5 =	vld [tilespmem:s10+$0x2C70]  }
0x237: {  	v1 =	vadd.f32 v6, v1;
	v6 =	vld [tilespmem:s10+$0x2C80]  }
0x238: {  	v0 =	vadd.f32 v2, v0;
	v2 =	vld [tilespmem:s10+$0x2C90]  }
0x239: {  	v1 =	vadd.f32 v3, v1;
	v7 =	vld [tilespmem:s10+$0x2CA0]  }
0x23a: {  	v0 =	vadd.f32 v4, v0;
	v4 =	vld [tilespmem:s10+$0x2CB0]  }
0x23b: {  	v1 =	vadd.f32 v5, v1;
	v5 =	vld [tilespmem:s10+$0x2CC0]  }
.Ltmp2:
0x23c: {  	v6 =	vadd.f32 v6, v0;
	v3 =	vld [tilespmem:s10+$0x2CD0];
	(pc) =	sbr.rel @p1 .LBB2_7-.Ltmp2, $4  }
0x23d: {  	v1 =	vadd.f32 v2, v1;
	v0 =	vld [tilespmem:s10+$0x2CE0]  }
0x23e: {  	v7 =	vadd.f32 v7, v6;
	v2 =	vld [tilespmem:s10+$0x2CF0]  }
0x23f: {  	v6 =	vadd.f32 v4, v1;
	v1 =	vld [tilespmem:s10+$0x2D00]  }
0x240: {  	v5 =	vadd.f32 v5, v7;
	v4 =	vld [tilespmem:s10+$0x2D10]  }
0x241: {  	v3 =	vadd.f32 v3, v6;
	v58 =	vld [tilespmem:s10+$0x2D20]  }
0x242: {  	v59 =	vld [tilespmem:s10+$0x2D30];
	v0 =	vadd.f32 v0, v5  }
0x243: {  	v60 =	vld [tilespmem:s10+$0x2D40];
	v2 =	vadd.f32 v2, v3  }
0x244: {  	v61 =	vld [tilespmem:s10+$0x2D50];
	v0 =	vadd.f32 v1, v0  }
0x245: {  	v62 =	vld [tilespmem:s10+$0x2D60];
	v2 =	vadd.f32 v4, v2  }
0x246: {  	v63 =	vld [tilespmem:s10+$0x2D70];
	v0 =	vadd.f32 v58, v0  }
0x247: {  	v2 =	vadd.f32 v59, v2  }
0x248: {  	v0 =	vadd.f32 v60, v0  }
0x249: {  	v1 =	vadd.f32 v61, v2  }
0x24a: {  	v0 =	vadd.f32 v62, v0  }
0x24b: {  	s21 =	sadd.s32 s7, s9;
	v1 =	vadd.f32 v63, v1  }
0x24c: {  	s10 =	sshrl.u32 s21, $0x3;
	[tilespmem:s14+$0x1C0E0] =	vst v0  }
.Ltmp3:
0x24d: {  	s10 =	sadd.s32 s2, s10;
	[tilespmem:s14+$0x1C0F0] =	vst v1;
	(pc) =	sbr.rel @p0 .LBB2_12-.Ltmp3, $4  }
0x24e: {  	[hbm4b:s10+s3] =	stream.linear.scatter [tilespmem:s17], [sflag:$0x5], $0x800, $0x38;
	[tilespmem:$0x1C880] =	vst v63  }
0x24f: {  	_ =	swait.ge [sflag:s16], $0x800  }
0x250: {  	[sflag:s16] =	ssyncset.done $0x0  }
0x251: {  	[sflag:s16] =	ssyncadd.s32 $0xFFFFF800  }
0x252: {  	_ =	swait.ge [sflag:s18], $0x680  }
0x253: {  	[sflag:s18] =	ssyncset.done $0x0  }
0x254: {  	s10 =	simm.s32 $0x0;
	[sflag:s18] =	ssyncadd.s32 $0xFFFFF980  }
0x255: {  	v0 =	vld [tilespmem:s10+$0x0]  }
0x256: {  	s14 =	simm.s32 $0x40;
	v1 =	vld [tilespmem:s10+$0x1A00]  }
.LBB2_10:
0x257: {  	p0 =	sne.s32 s14, $0x19C0  }
.Ltmp4:
0x258: {  	_ = 	snop;
	(pc) =	sbr.rel @p0 .LBB2_10-.Ltmp4, $4  }
0x259: {  	_ = 	snop  }
0x25a: {  	s20 =	sshra.s32 s14, $0x2  }
0x25b: {  	s14 =	sadd.s32 $0x40, s14;
	v2 =	vadd.s32 v0, v1;
	v0 =	vld [tilespmem:s20+$0x0]  }
0x25c: {  	v1 =	vld [tilespmem:s20+$0x1A00];
	[tilespmem:s10+$0xD00] =	vst v2;
	s10 =	smov.u32 s20  }
0x25d: {  	p0 =	sgt.u32 s8, $0x2F  }
0x25e: {  	s20 =	rddreg [dreg:$0x7];
	s14 =	sshll.u32 @!p0 s8, $0x7  }
0x25f: {  	s14 =	sadd.s32 @!p0 s14, s20  }
0x260: {  	s14 =	smul.u32 @!p0 $0x1A, s14;
	_ =	sdelay $0x1  }
0x261: {  	v0 =	vadd.s32 v0, v1;
	s14 =	sshrl.u32 @!p0 s14, $0x3  }
0x262: {  	[tilespmem:s10+$0xD00] =	vst v0;
	s10 =	sadd.s32 @!p0 s4, s14;
	s14 =	simm.s32 @!p0 $0x0  }
0x263: {  	[tilespmem:s14], [sflag:$0x3] =	stream.linear.gather @!p0 [hbm4b:s10+s14], $0x680, $0x38;
	[tilespmem:$0x1C880] =	vst v63  }
0x264: {  	s21 =	simm.s32 $0x2080;
	s20 =	simm.s32 $0xD00  }
0x265: {  	[tilespmem:s21], [sflag:$0x1] =	stream.indirect.gather [hbm4b:s5+s19], $0x20, s20, s19, $0xb8;
	[tilespmem:$0x1C880] =	vst v63  }
0x266: {  	s20 =	simm.s32 $0xD80;
	s21 =	simm.s32 $0x3080  }
0x267: {  	[tilespmem:s21], [sflag:$0x1] =	stream.indirect.gather [hbm4b:s5+s19], $0x20, s20, s19, $0xb8;
	[tilespmem:$0x1C880] =	vst v63  }
0x268: {  	s20 =	simm.s32 $0xE00;
	s21 =	simm.s32 $0x4080  }
0x269: {  	[tilespmem:s21], [sflag:$0x1] =	stream.indirect.gather [hbm4b:s5+s19], $0x20, s20, s19, $0xb8;
	[tilespmem:$0x1C880] =	vst v63  }
0x26a: {  	s20 =	simm.s32 $0xE80;
	s21 =	simm.s32 $0x5080  }
0x26b: {  	[tilespmem:s21], [sflag:$0x1] =	stream.indirect.gather [hbm4b:s5+s19], $0x20, s20, s19, $0xb8;
	[tilespmem:$0x1C880] =	vst v63  }
0x26c: {  	s20 =	simm.s32 $0xF00;
	s21 =	simm.s32 $0x6080  }
0x26d: {  	[tilespmem:s21], [sflag:$0x1] =	stream.indirect.gather [hbm4b:s5+s19], $0x20, s20, s19, $0xb8;
	[tilespmem:$0x1C880] =	vst v63  }
0x26e: {  	s20 =	simm.s32 $0xF80;
	s21 =	simm.s32 $0x7080  }
0x26f: {  	[tilespmem:s21], [sflag:$0x1] =	stream.indirect.gather [hbm4b:s5+s19], $0x20, s20, s19, $0xb8;
	[tilespmem:$0x1C880] =	vst v63  }
0x270: {  	s20 =	simm.s32 $0x1000;
	s21 =	simm.s32 $0x8080  }
0x271: {  	[tilespmem:s21], [sflag:$0x1] =	stream.indirect.gather [hbm4b:s5+s19], $0x20, s20, s19, $0xb8;
	[tilespmem:$0x1C880] =	vst v63  }
0x272: {  	s20 =	simm.s32 $0x1080;
	s21 =	simm.s32 $0x9080  }
0x273: {  	[tilespmem:s21], [sflag:$0x1] =	stream.indirect.gather [hbm4b:s5+s19], $0x20, s20, s19, $0xb8;
	[tilespmem:$0x1C880] =	vst v63  }
0x274: {  	s20 =	simm.s32 $0x1100;
	s21 =	simm.s32 $0xA080  }
0x275: {  	[tilespmem:s21], [sflag:$0x1] =	stream.indirect.gather [hbm4b:s5+s19], $0x20, s20, s19, $0xb8;
	[tilespmem:$0x1C880] =	vst v63  }
0x276: {  	s20 =	simm.s32 $0x1180;
	s21 =	simm.s32 $0xB080  }
0x277: {  	[tilespmem:s21], [sflag:$0x1] =	stream.indirect.gather [hbm4b:s5+s19], $0x20, s20, s19, $0xb8;
	[tilespmem:$0x1C880] =	vst v63  }
0x278: {  	s20 =	simm.s32 $0x1200;
	s21 =	simm.s32 $0xC080  }
0x279: {  	[tilespmem:s21], [sflag:$0x1] =	stream.indirect.gather [hbm4b:s5+s19], $0x20, s20, s19, $0xb8;
	[tilespmem:$0x1C880] =	vst v63  }
0x27a: {  	s20 =	simm.s32 $0x1280;
	s21 =	simm.s32 $0xD080  }
0x27b: {  	[tilespmem:s21], [sflag:$0x1] =	stream.indirect.gather [hbm4b:s5+s19], $0x20, s20, s19, $0xb8;
	[tilespmem:$0x1C880] =	vst v63  }
0x27c: {  	s20 =	simm.s32 $0x1300;
	s21 =	simm.s32 $0xE080  }
0x27d: {  	[tilespmem:s21], [sflag:$0x1] =	stream.indirect.gather [hbm4b:s5+s19], $0x20, s20, s19, $0xb8;
	[tilespmem:$0x1C880] =	vst v63  }
.LBB2_12:
0x27e: {  	s10 =	simm.s32 $0x0  }
0x27f: {  	_ =	swait.ge [sflag:s6], $0xD000;
	s10 =	smul.u32 $0x3400, s10  }
0x280: {  	[sflag:s6] =	ssyncset.done $0x0  }
0x281: {  	[sflag:s6] =	ssyncadd.s32 $0xFFFF3000;
	s10 =	sshra.s32 s10, $0x2  }
0x282: {  	v0 =	vld [tilespmem:s10+$0xF0B0]  }
0x283: {  	v1 =	vld [tilespmem:s10+$0xF0A0]  }
0x284: {  	v2 =	vld [tilespmem:s10+$0xF080]  }
0x285: {  	v3 =	vld [tilespmem:s10+$0xF090]  }
0x286: {  	v4 =	vld [tilespmem:s10+$0xF0C0]  }
0x287: {  	v5 =	vld [tilespmem:s10+$0xF0D0]  }
0x288: {  	v6 =	vld [tilespmem:s10+$0xF0E0]  }
0x289: {  	v1 =	vadd.f32 v1, v2;
	v2 =	vld [tilespmem:s10+$0xF0F0]  }
0x28a: {  	v0 =	vadd.f32 v0, v3;
	v3 =	vld [tilespmem:s10+$0xF100]  }
0x28b: {  	v1 =	vadd.f32 v4, v1;
	v4 =	vld [tilespmem:s10+$0xF110]  }
0x28c: {  	v0 =	vadd.f32 v5, v0;
	v5 =	vld [tilespmem:s10+$0xF120]  }
0x28d: {  	v1 =	vadd.f32 v6, v1;
	v6 =	vld [tilespmem:s10+$0xF130]  }
0x28e: {  	v0 =	vadd.f32 v2, v0;
	v2 =	vld [tilespmem:s10+$0xF140]  }
0x28f: {  	v1 =	vadd.f32 v3, v1;
	v3 =	vld [tilespmem:s10+$0xF150]  }
0x290: {  	v0 =	vadd.f32 v4, v0;
	v4 =	vld [tilespmem:s10+$0xF160]  }
0x291: {  	v1 =	vadd.f32 v5, v1;
	v5 =	vld [tilespmem:s10+$0xF170]  }
0x292: {  	v0 =	vadd.f32 v6, v0;
	v6 =	vld [tilespmem:s10+$0xF180]  }
0x293: {  	v1 =	vadd.f32 v2, v1;
	v2 =	vld [tilespmem:s10+$0xF190]  }
0x294: {  	v0 =	vadd.f32 v3, v0;
	v3 =	vld [tilespmem:s10+$0xF1A0]  }
0x295: {  	v1 =	vadd.f32 v4, v1;
	v4 =	vld [tilespmem:s10+$0xF1B0]  }
0x296: {  	v0 =	vadd.f32 v5, v0;
	v5 =	vld [tilespmem:s10+$0xF1C0]  }
0x297: {  	v1 =	vadd.f32 v6, v1;
	v6 =	vld [tilespmem:s10+$0xF1D0]  }
0x298: {  	v0 =	vadd.f32 v2, v0;
	v2 =	vld [tilespmem:s10+$0xF1E0]  }
0x299: {  	v1 =	vadd.f32 v3, v1;
	v3 =	vld [tilespmem:s10+$0xF1F0]  }
0x29a: {  	v0 =	vadd.f32 v4, v0;
	v4 =	vld [tilespmem:s10+$0xF200]  }
0x29b: {  	v1 =	vadd.f32 v5, v1;
	v5 =	vld [tilespmem:s10+$0xF210]  }
0x29c: {  	v0 =	vadd.f32 v6, v0;
	v6 =	vld [tilespmem:s10+$0xF220]  }
0x29d: {  	v1 =	vadd.f32 v2, v1;
	v2 =	vld [tilespmem:s10+$0xF230]  }
0x29e: {  	v0 =	vadd.f32 v3, v0;
	v3 =	vld [tilespmem:s10+$0xF240]  }
0x29f: {  	v1 =	vadd.f32 v4, v1;
	v4 =	vld [tilespmem:s10+$0xF250]  }
0x2a0: {  	v0 =	vadd.f32 v5, v0;
	v5 =	vld [tilespmem:s10+$0xF260]  }
0x2a1: {  	v1 =	vadd.f32 v6, v1;
	v6 =	vld [tilespmem:s10+$0xF270]  }
0x2a2: {  	v0 =	vadd.f32 v2, v0;
	v2 =	vld [tilespmem:s10+$0xF280]  }
0x2a3: {  	v1 =	vadd.f32 v3, v1;
	v3 =	vld [tilespmem:s10+$0xF290]  }
0x2a4: {  	v0 =	vadd.f32 v4, v0;
	v4 =	vld [tilespmem:s10+$0xF2A0]  }
0x2a5: {  	v1 =	vadd.f32 v5, v1;
	v5 =	vld [tilespmem:s10+$0xF2B0]  }
0x2a6: {  	v0 =	vadd.f32 v6, v0;
	v6 =	vld [tilespmem:s10+$0xF2C0]  }
0x2a7: {  	v1 =	vadd.f32 v2, v1;
	v2 =	vld [tilespmem:s10+$0xF2D0]  }
0x2a8: {  	v0 =	vadd.f32 v3, v0;
	v3 =	vld [tilespmem:s10+$0xF2E0]  }
0x2a9: {  	v1 =	vadd.f32 v4, v1;
	v4 =	vld [tilespmem:s10+$0xF2F0]  }
0x2aa: {  	v0 =	vadd.f32 v5, v0;
	v5 =	vld [tilespmem:s10+$0xF300]  }
0x2ab: {  	v1 =	vadd.f32 v6, v1;
	v6 =	vld [tilespmem:s10+$0xF310]  }
0x2ac: {  	v0 =	vadd.f32 v2, v0;
	v2 =	vld [tilespmem:s10+$0xF320]  }
0x2ad: {  	v1 =	vadd.f32 v3, v1;
	v3 =	vld [tilespmem:s10+$0xF330]  }
0x2ae: {  	v0 =	vadd.f32 v4, v0;
	v4 =	vld [tilespmem:s10+$0xF340]  }
0x2af: {  	v1 =	vadd.f32 v5, v1;
	v5 =	vld [tilespmem:s10+$0xF350]  }
0x2b0: {  	v0 =	vadd.f32 v6, v0;
	v6 =	vld [tilespmem:s10+$0xF360]  }
0x2b1: {  	v1 =	vadd.f32 v2, v1;
	v2 =	vld [tilespmem:s10+$0xF370]  }
0x2b2: {  	v0 =	vadd.f32 v3, v0;
	v3 =	vld [tilespmem:s10+$0xF380]  }
0x2b3: {  	v1 =	vadd.f32 v4, v1;
	v4 =	vld [tilespmem:s10+$0xF390]  }
0x2b4: {  	v0 =	vadd.f32 v5, v0;
	v5 =	vld [tilespmem:s10+$0xF3A0]  }
0x2b5: {  	v1 =	vadd.f32 v6, v1;
	v6 =	vld [tilespmem:s10+$0xF3B0]  }
0x2b6: {  	v0 =	vadd.f32 v2, v0  }
0x2b7: {  	v1 =	vadd.f32 v3, v1  }
0x2b8: {  	v0 =	vadd.f32 v4, v0  }
0x2b9: {  	s14 =	simm.s32 $0x0;
	v1 =	vadd.f32 v5, v1  }
0x2ba: {  	s14 =	sand.u32 $0x3FFFFF80, s14;
	v0 =	vadd.f32 v6, v0  }
0x2bb: {  	[tilespmem:s14+$0x1C080] =	vst v1  }
0x2bc: {  	[tilespmem:s14+$0x1C090] =	vst v0  }
0x2bd: {  	v0 =	vld [tilespmem:s10+$0xF3F0]  }
0x2be: {  	v1 =	vld [tilespmem:s10+$0xF3E0]  }
0x2bf: {  	v2 =	vld [tilespmem:s10+$0xF3C0]  }
0x2c0: {  	v3 =	vld [tilespmem:s10+$0xF3D0]  }
0x2c1: {  	v4 =	vld [tilespmem:s10+$0xF400]  }
0x2c2: {  	v5 =	vld [tilespmem:s10+$0xF410]  }
0x2c3: {  	v6 =	vld [tilespmem:s10+$0xF420]  }
0x2c4: {  	v1 =	vadd.f32 v1, v2;
	v2 =	vld [tilespmem:s10+$0xF430]  }
0x2c5: {  	v0 =	vadd.f32 v0, v3;
	v3 =	vld [tilespmem:s10+$0xF440]  }
0x2c6: {  	v1 =	vadd.f32 v4, v1;
	v4 =	vld [tilespmem:s10+$0xF450]  }
0x2c7: {  	v0 =	vadd.f32 v5, v0;
	v5 =	vld [tilespmem:s10+$0xF460]  }
0x2c8: {  	v1 =	vadd.f32 v6, v1;
	v6 =	vld [tilespmem:s10+$0xF470]  }
0x2c9: {  	v0 =	vadd.f32 v2, v0;
	v2 =	vld [tilespmem:s10+$0xF480]  }
0x2ca: {  	v1 =	vadd.f32 v3, v1;
	v3 =	vld [tilespmem:s10+$0xF490]  }
0x2cb: {  	v0 =	vadd.f32 v4, v0;
	v4 =	vld [tilespmem:s10+$0xF4A0]  }
0x2cc: {  	v1 =	vadd.f32 v5, v1;
	v5 =	vld [tilespmem:s10+$0xF4B0]  }
0x2cd: {  	v0 =	vadd.f32 v6, v0;
	v6 =	vld [tilespmem:s10+$0xF4C0]  }
0x2ce: {  	v1 =	vadd.f32 v2, v1;
	v2 =	vld [tilespmem:s10+$0xF4D0]  }
0x2cf: {  	v0 =	vadd.f32 v3, v0;
	v3 =	vld [tilespmem:s10+$0xF4E0]  }
0x2d0: {  	v1 =	vadd.f32 v4, v1;
	v4 =	vld [tilespmem:s10+$0xF4F0]  }
0x2d1: {  	v0 =	vadd.f32 v5, v0;
	v5 =	vld [tilespmem:s10+$0xF500]  }
0x2d2: {  	v1 =	vadd.f32 v6, v1;
	v6 =	vld [tilespmem:s10+$0xF510]  }
0x2d3: {  	v0 =	vadd.f32 v2, v0;
	v2 =	vld [tilespmem:s10+$0xF520]  }
0x2d4: {  	v1 =	vadd.f32 v3, v1;
	v3 =	vld [tilespmem:s10+$0xF530]  }
0x2d5: {  	v0 =	vadd.f32 v4, v0;
	v4 =	vld [tilespmem:s10+$0xF540]  }
0x2d6: {  	v1 =	vadd.f32 v5, v1;
	v5 =	vld [tilespmem:s10+$0xF550]  }
0x2d7: {  	v0 =	vadd.f32 v6, v0;
	v6 =	vld [tilespmem:s10+$0xF560]  }
0x2d8: {  	v1 =	vadd.f32 v2, v1;
	v2 =	vld [tilespmem:s10+$0xF570]  }
0x2d9: {  	v0 =	vadd.f32 v3, v0;
	v3 =	vld [tilespmem:s10+$0xF580]  }
0x2da: {  	v1 =	vadd.f32 v4, v1;
	v4 =	vld [tilespmem:s10+$0xF590]  }
0x2db: {  	v0 =	vadd.f32 v5, v0;
	v5 =	vld [tilespmem:s10+$0xF5A0]  }
0x2dc: {  	v1 =	vadd.f32 v6, v1;
	v6 =	vld [tilespmem:s10+$0xF5B0]  }
0x2dd: {  	v0 =	vadd.f32 v2, v0;
	v2 =	vld [tilespmem:s10+$0xF5C0]  }
0x2de: {  	v1 =	vadd.f32 v3, v1;
	v3 =	vld [tilespmem:s10+$0xF5D0]  }
0x2df: {  	v0 =	vadd.f32 v4, v0;
	v4 =	vld [tilespmem:s10+$0xF5E0]  }
0x2e0: {  	v1 =	vadd.f32 v5, v1;
	v5 =	vld [tilespmem:s10+$0xF5F0]  }
0x2e1: {  	v0 =	vadd.f32 v6, v0;
	v6 =	vld [tilespmem:s10+$0xF600]  }
0x2e2: {  	v1 =	vadd.f32 v2, v1;
	v2 =	vld [tilespmem:s10+$0xF610]  }
0x2e3: {  	v0 =	vadd.f32 v3, v0;
	v3 =	vld [tilespmem:s10+$0xF620]  }
0x2e4: {  	v1 =	vadd.f32 v4, v1;
	v4 =	vld [tilespmem:s10+$0xF630]  }
0x2e5: {  	v0 =	vadd.f32 v5, v0;
	v5 =	vld [tilespmem:s10+$0xF640]  }
0x2e6: {  	v1 =	vadd.f32 v6, v1;
	v6 =	vld [tilespmem:s10+$0xF650]  }
0x2e7: {  	v0 =	vadd.f32 v2, v0;
	v2 =	vld [tilespmem:s10+$0xF660]  }
0x2e8: {  	v1 =	vadd.f32 v3, v1;
	v3 =	vld [tilespmem:s10+$0xF670]  }
0x2e9: {  	v0 =	vadd.f32 v4, v0;
	v4 =	vld [tilespmem:s10+$0xF680]  }
0x2ea: {  	v1 =	vadd.f32 v5, v1;
	v5 =	vld [tilespmem:s10+$0xF690]  }
0x2eb: {  	v0 =	vadd.f32 v6, v0;
	v6 =	vld [tilespmem:s10+$0xF6A0]  }
0x2ec: {  	v1 =	vadd.f32 v2, v1;
	v2 =	vld [tilespmem:s10+$0xF6B0]  }
0x2ed: {  	v0 =	vadd.f32 v3, v0;
	v3 =	vld [tilespmem:s10+$0xF6C0]  }
0x2ee: {  	v1 =	vadd.f32 v4, v1;
	v4 =	vld [tilespmem:s10+$0xF6D0]  }
0x2ef: {  	v0 =	vadd.f32 v5, v0;
	v5 =	vld [tilespmem:s10+$0xF6E0]  }
0x2f0: {  	v1 =	vadd.f32 v6, v1;
	v6 =	vld [tilespmem:s10+$0xF6F0]  }
0x2f1: {  	v0 =	vadd.f32 v2, v0  }
0x2f2: {  	v1 =	vadd.f32 v3, v1  }
0x2f3: {  	v0 =	vadd.f32 v4, v0  }
0x2f4: {  	v1 =	vadd.f32 v5, v1  }
0x2f5: {  	v0 =	vadd.f32 v6, v0  }
0x2f6: {  	[tilespmem:s14+$0x1C0A0] =	vst v1  }
0x2f7: {  	[tilespmem:s14+$0x1C0B0] =	vst v0  }
0x2f8: {  	v0 =	vld [tilespmem:s10+$0xF730]  }
0x2f9: {  	v1 =	vld [tilespmem:s10+$0xF720]  }
0x2fa: {  	v2 =	vld [tilespmem:s10+$0xF700]  }
0x2fb: {  	v3 =	vld [tilespmem:s10+$0xF710]  }
0x2fc: {  	v4 =	vld [tilespmem:s10+$0xF740]  }
0x2fd: {  	v5 =	vld [tilespmem:s10+$0xF750]  }
0x2fe: {  	v6 =	vld [tilespmem:s10+$0xF760]  }
0x2ff: {  	v1 =	vadd.f32 v1, v2;
	v2 =	vld [tilespmem:s10+$0xF770]  }
0x300: {  	v0 =	vadd.f32 v0, v3;
	v3 =	vld [tilespmem:s10+$0xF780]  }
0x301: {  	v1 =	vadd.f32 v4, v1;
	v4 =	vld [tilespmem:s10+$0xF790]  }
0x302: {  	v0 =	vadd.f32 v5, v0;
	v5 =	vld [tilespmem:s10+$0xF7A0]  }
0x303: {  	v1 =	vadd.f32 v6, v1;
	v6 =	vld [tilespmem:s10+$0xF7B0]  }
0x304: {  	v0 =	vadd.f32 v2, v0;
	v2 =	vld [tilespmem:s10+$0xF7C0]  }
0x305: {  	v1 =	vadd.f32 v3, v1;
	v3 =	vld [tilespmem:s10+$0xF7D0]  }
0x306: {  	v0 =	vadd.f32 v4, v0;
	v4 =	vld [tilespmem:s10+$0xF7E0]  }
0x307: {  	v1 =	vadd.f32 v5, v1;
	v5 =	vld [tilespmem:s10+$0xF7F0]  }
0x308: {  	v0 =	vadd.f32 v6, v0;
	v6 =	vld [tilespmem:s10+$0xF800]  }
0x309: {  	v1 =	vadd.f32 v2, v1;
	v2 =	vld [tilespmem:s10+$0xF810]  }
0x30a: {  	v0 =	vadd.f32 v3, v0;
	v3 =	vld [tilespmem:s10+$0xF820]  }
0x30b: {  	v1 =	vadd.f32 v4, v1;
	v4 =	vld [tilespmem:s10+$0xF830]  }
0x30c: {  	v0 =	vadd.f32 v5, v0;
	v5 =	vld [tilespmem:s10+$0xF840]  }
0x30d: {  	v1 =	vadd.f32 v6, v1;
	v6 =	vld [tilespmem:s10+$0xF850]  }
0x30e: {  	v0 =	vadd.f32 v2, v0;
	v2 =	vld [tilespmem:s10+$0xF860]  }
0x30f: {  	v1 =	vadd.f32 v3, v1;
	v3 =	vld [tilespmem:s10+$0xF870]  }
0x310: {  	v0 =	vadd.f32 v4, v0;
	v4 =	vld [tilespmem:s10+$0xF880]  }
0x311: {  	v1 =	vadd.f32 v5, v1;
	v5 =	vld [tilespmem:s10+$0xF890]  }
0x312: {  	v0 =	vadd.f32 v6, v0;
	v6 =	vld [tilespmem:s10+$0xF8A0]  }
0x313: {  	v1 =	vadd.f32 v2, v1;
	v2 =	vld [tilespmem:s10+$0xF8B0]  }
0x314: {  	v0 =	vadd.f32 v3, v0;
	v3 =	vld [tilespmem:s10+$0xF8C0]  }
0x315: {  	v1 =	vadd.f32 v4, v1;
	v4 =	vld [tilespmem:s10+$0xF8D0]  }
0x316: {  	v0 =	vadd.f32 v5, v0;
	v5 =	vld [tilespmem:s10+$0xF8E0]  }
0x317: {  	v1 =	vadd.f32 v6, v1;
	v6 =	vld [tilespmem:s10+$0xF8F0]  }
0x318: {  	v0 =	vadd.f32 v2, v0;
	v2 =	vld [tilespmem:s10+$0xF900]  }
0x319: {  	v1 =	vadd.f32 v3, v1;
	v3 =	vld [tilespmem:s10+$0xF910]  }
0x31a: {  	v0 =	vadd.f32 v4, v0;
	v4 =	vld [tilespmem:s10+$0xF920]  }
0x31b: {  	v1 =	vadd.f32 v5, v1;
	v5 =	vld [tilespmem:s10+$0xF930]  }
0x31c: {  	v0 =	vadd.f32 v6, v0;
	v6 =	vld [tilespmem:s10+$0xF940]  }
0x31d: {  	v1 =	vadd.f32 v2, v1;
	v2 =	vld [tilespmem:s10+$0xF950]  }
0x31e: {  	v0 =	vadd.f32 v3, v0;
	v3 =	vld [tilespmem:s10+$0xF960]  }
0x31f: {  	v1 =	vadd.f32 v4, v1;
	v4 =	vld [tilespmem:s10+$0xF970]  }
0x320: {  	v0 =	vadd.f32 v5, v0;
	v5 =	vld [tilespmem:s10+$0xF980]  }
0x321: {  	v1 =	vadd.f32 v6, v1;
	v6 =	vld [tilespmem:s10+$0xF990]  }
0x322: {  	v0 =	vadd.f32 v2, v0;
	v2 =	vld [tilespmem:s10+$0xF9A0]  }
0x323: {  	v1 =	vadd.f32 v3, v1;
	v3 =	vld [tilespmem:s10+$0xF9B0]  }
0x324: {  	v0 =	vadd.f32 v4, v0;
	v4 =	vld [tilespmem:s10+$0xF9C0]  }
0x325: {  	v1 =	vadd.f32 v5, v1;
	v5 =	vld [tilespmem:s10+$0xF9D0]  }
0x326: {  	v0 =	vadd.f32 v6, v0;
	v6 =	vld [tilespmem:s10+$0xF9E0]  }
0x327: {  	v1 =	vadd.f32 v2, v1;
	v2 =	vld [tilespmem:s10+$0xF9F0]  }
0x328: {  	v0 =	vadd.f32 v3, v0;
	v3 =	vld [tilespmem:s10+$0xFA00]  }
0x329: {  	v1 =	vadd.f32 v4, v1;
	v4 =	vld [tilespmem:s10+$0xFA10]  }
0x32a: {  	v0 =	vadd.f32 v5, v0;
	v5 =	vld [tilespmem:s10+$0xFA20]  }
0x32b: {  	v1 =	vadd.f32 v6, v1;
	v6 =	vld [tilespmem:s10+$0xFA30]  }
0x32c: {  	v0 =	vadd.f32 v2, v0  }
0x32d: {  	v1 =	vadd.f32 v3, v1  }
0x32e: {  	v0 =	vadd.f32 v4, v0  }
0x32f: {  	v1 =	vadd.f32 v5, v1  }
0x330: {  	v0 =	vadd.f32 v6, v0  }
0x331: {  	[tilespmem:s14+$0x1C0C0] =	vst v1  }
0x332: {  	[tilespmem:s14+$0x1C0D0] =	vst v0  }
0x333: {  	v0 =	vld [tilespmem:s10+$0xFA40]  }
0x334: {  	v1 =	vld [tilespmem:s10+$0xFA60]  }
0x335: {  	v2 =	vld [tilespmem:s10+$0xFA70]  }
0x336: {  	v3 =	vld [tilespmem:s10+$0xFA50]  }
0x337: {  	v4 =	vld [tilespmem:s10+$0xFA80]  }
0x338: {  	v5 =	vld [tilespmem:s10+$0xFA90]  }
0x339: {  	v6 =	vld [tilespmem:s10+$0xFAA0]  }
0x33a: {  	v0 =	vadd.f32 v1, v0;
	v1 =	vld [tilespmem:s10+$0xFAB0]  }
0x33b: {  	v7 =	vld [tilespmem:s10+$0xFAC0];
	v2 =	vadd.f32 v2, v3  }
0x33c: {  	v3 =	vld [tilespmem:s10+$0xFAD0];
	v0 =	vadd.f32 v4, v0  }
0x33d: {  	v4 =	vld [tilespmem:s10+$0xFAE0];
	v2 =	vadd.f32 v5, v2  }
0x33e: {  	v5 =	vld [tilespmem:s10+$0xFAF0];
	v0 =	vadd.f32 v6, v0  }
0x33f: {  	v6 =	vld [tilespmem:s10+$0xFB00];
	v1 =	vadd.f32 v1, v2  }
0x340: {  	v2 =	vld [tilespmem:s10+$0xFB10];
	v0 =	vadd.f32 v7, v0  }
0x341: {  	v7 =	vld [tilespmem:s10+$0xFB20];
	v1 =	vadd.f32 v3, v1  }
0x342: {  	v3 =	vld [tilespmem:s10+$0xFB30];
	v0 =	vadd.f32 v4, v0  }
0x343: {  	v4 =	vld [tilespmem:s10+$0xFB40];
	v1 =	vadd.f32 v5, v1  }
0x344: {  	v5 =	vld [tilespmem:s10+$0xFB50];
	v0 =	vadd.f32 v6, v0  }
0x345: {  	v6 =	vld [tilespmem:s10+$0xFB60];
	v1 =	vadd.f32 v2, v1  }
0x346: {  	v2 =	vld [tilespmem:s10+$0xFB70];
	v0 =	vadd.f32 v7, v0  }
0x347: {  	v7 =	vld [tilespmem:s10+$0xFB80];
	v1 =	vadd.f32 v3, v1  }
0x348: {  	v3 =	vld [tilespmem:s10+$0xFB90];
	v0 =	vadd.f32 v4, v0  }
0x349: {  	v4 =	vld [tilespmem:s10+$0xFBA0];
	v1 =	vadd.f32 v5, v1  }
0x34a: {  	v5 =	vld [tilespmem:s10+$0xFBB0];
	v0 =	vadd.f32 v6, v0  }
0x34b: {  	v6 =	vld [tilespmem:s10+$0xFBC0];
	v1 =	vadd.f32 v2, v1  }
0x34c: {  	v2 =	vld [tilespmem:s10+$0xFBD0];
	v0 =	vadd.f32 v7, v0  }
0x34d: {  	v7 =	vld [tilespmem:s10+$0xFBE0];
	v1 =	vadd.f32 v3, v1  }
0x34e: {  	v3 =	vld [tilespmem:s10+$0xFBF0];
	v0 =	vadd.f32 v4, v0  }
0x34f: {  	v4 =	vld [tilespmem:s10+$0xFC00];
	v1 =	vadd.f32 v5, v1  }
0x350: {  	v5 =	vld [tilespmem:s10+$0xFC10];
	v0 =	vadd.f32 v6, v0  }
0x351: {  	v6 =	vld [tilespmem:s10+$0xFC20];
	v1 =	vadd.f32 v2, v1  }
0x352: {  	v2 =	vld [tilespmem:s10+$0xFC30];
	v0 =	vadd.f32 v7, v0  }
0x353: {  	v7 =	vld [tilespmem:s10+$0xFC40];
	v1 =	vadd.f32 v3, v1  }
0x354: {  	v3 =	vld [tilespmem:s10+$0xFC50];
	v0 =	vadd.f32 v4, v0  }
0x355: {  	v4 =	vld [tilespmem:s10+$0xFC60];
	v1 =	vadd.f32 v5, v1  }
0x356: {  	v5 =	vld [tilespmem:s10+$0xFC70];
	v0 =	vadd.f32 v6, v0  }
0x357: {  	v6 =	vld [tilespmem:s10+$0xFC80];
	v1 =	vadd.f32 v2, v1  }
0x358: {  	v2 =	vld [tilespmem:s10+$0xFC90];
	v0 =	vadd.f32 v7, v0  }
0x359: {  	v7 =	vld [tilespmem:s10+$0xFCA0];
	v1 =	vadd.f32 v3, v1  }
0x35a: {  	v3 =	vld [tilespmem:s10+$0xFCB0];
	v0 =	vadd.f32 v4, v0  }
0x35b: {  	v8 =	vld [tilespmem:s10+$0xFCC0];
	v1 =	vadd.f32 v5, v1  }
0x35c: {  	v4 =	vld [tilespmem:s10+$0xFCD0];
	v5 =	vadd.f32 v6, v0  }
0x35d: {  	v0 =	vld [tilespmem:s10+$0xFCE0];
	v6 =	vadd.f32 v2, v1  }
0x35e: {  	v2 =	vld [tilespmem:s10+$0xFCF0];
	v5 =	vadd.f32 v7, v5  }
0x35f: {  	v1 =	vld [tilespmem:s10+$0xFD00];
	v6 =	vadd.f32 v3, v6  }
0x360: {  	s20 =	simm.s32 $0x1;
	v3 =	vld [tilespmem:s10+$0xFD10];
	v5 =	vadd.f32 v8, v5  }
.LBB2_13:
0x361: {  	p0 =	sne.s32 s20, $0xF;
	v4 =	vadd.f32 v4, v6;
	v6 =	vld [tilespmem:s10+$0xFD20];
	s21 =	smov.u32 s20;
	s20 =	sadd.s32 $0x1, s20  }
0x362: {  	v0 =	vadd.f32 v0, v5;
	v5 =	vld [tilespmem:s10+$0xFD30]  }
0x363: {  	v2 =	vadd.f32 v2, v4;
	v4 =	vld [tilespmem:s10+$0xFD40]  }
0x364: {  	v0 =	vadd.f32 v1, v0;
	v1 =	vld [tilespmem:s10+$0xFD50]  }
0x365: {  	v2 =	vadd.f32 v3, v2;
	v3 =	vld [tilespmem:s10+$0xFD60]  }
0x366: {  	v0 =	vadd.f32 v6, v0;
	v6 =	vld [tilespmem:s10+$0xFD70]  }
0x367: {  	v2 =	vadd.f32 v5, v2  }
0x368: {  	v0 =	vadd.f32 v4, v0  }
0x369: {  	v1 =	vadd.f32 v1, v2  }
0x36a: {  	v0 =	vadd.f32 v3, v0  }
0x36b: {  	v1 =	vadd.f32 v6, v1  }
0x36c: {  	[tilespmem:s14+$0x1C0E0] =	vst v0  }
0x36d: {  	s10 =	smul.u32 $0x3400, s21;
	[tilespmem:s14+$0x1C0F0] =	vst v1;
	_ =	sdelay $0x1  }
0x36e: {  	s10 =	sshra.s32 s10, $0x2  }
0x36f: {  	v0 =	vld [tilespmem:s10+$0xF0B0]  }
0x370: {  	v1 =	vld [tilespmem:s10+$0xF0A0]  }
0x371: {  	v2 =	vld [tilespmem:s10+$0xF080]  }
0x372: {  	v3 =	vld [tilespmem:s10+$0xF090]  }
0x373: {  	v4 =	vld [tilespmem:s10+$0xF0C0]  }
0x374: {  	v5 =	vld [tilespmem:s10+$0xF0D0]  }
0x375: {  	v6 =	vld [tilespmem:s10+$0xF0E0]  }
0x376: {  	v1 =	vadd.f32 v1, v2;
	v2 =	vld [tilespmem:s10+$0xF0F0]  }
0x377: {  	v0 =	vadd.f32 v0, v3;
	v3 =	vld [tilespmem:s10+$0xF100]  }
0x378: {  	v1 =	vadd.f32 v4, v1;
	v4 =	vld [tilespmem:s10+$0xF110]  }
0x379: {  	v0 =	vadd.f32 v5, v0;
	v5 =	vld [tilespmem:s10+$0xF120]  }
0x37a: {  	v1 =	vadd.f32 v6, v1;
	v6 =	vld [tilespmem:s10+$0xF130]  }
0x37b: {  	v0 =	vadd.f32 v2, v0;
	v2 =	vld [tilespmem:s10+$0xF140]  }
0x37c: {  	v1 =	vadd.f32 v3, v1;
	v3 =	vld [tilespmem:s10+$0xF150]  }
0x37d: {  	v0 =	vadd.f32 v4, v0;
	v4 =	vld [tilespmem:s10+$0xF160]  }
0x37e: {  	v1 =	vadd.f32 v5, v1;
	v5 =	vld [tilespmem:s10+$0xF170]  }
0x37f: {  	v0 =	vadd.f32 v6, v0;
	v6 =	vld [tilespmem:s10+$0xF180]  }
0x380: {  	v1 =	vadd.f32 v2, v1;
	v2 =	vld [tilespmem:s10+$0xF190]  }
0x381: {  	v0 =	vadd.f32 v3, v0;
	v3 =	vld [tilespmem:s10+$0xF1A0]  }
0x382: {  	v1 =	vadd.f32 v4, v1;
	v4 =	vld [tilespmem:s10+$0xF1B0]  }
0x383: {  	v0 =	vadd.f32 v5, v0;
	v5 =	vld [tilespmem:s10+$0xF1C0]  }
0x384: {  	v1 =	vadd.f32 v6, v1;
	v6 =	vld [tilespmem:s10+$0xF1D0]  }
0x385: {  	v0 =	vadd.f32 v2, v0;
	v2 =	vld [tilespmem:s10+$0xF1E0]  }
0x386: {  	v1 =	vadd.f32 v3, v1;
	v3 =	vld [tilespmem:s10+$0xF1F0]  }
0x387: {  	v0 =	vadd.f32 v4, v0;
	v4 =	vld [tilespmem:s10+$0xF200]  }
0x388: {  	v1 =	vadd.f32 v5, v1;
	v5 =	vld [tilespmem:s10+$0xF210]  }
0x389: {  	v0 =	vadd.f32 v6, v0;
	v6 =	vld [tilespmem:s10+$0xF220]  }
0x38a: {  	v1 =	vadd.f32 v2, v1;
	v2 =	vld [tilespmem:s10+$0xF230]  }
0x38b: {  	v0 =	vadd.f32 v3, v0;
	v3 =	vld [tilespmem:s10+$0xF240]  }
0x38c: {  	v1 =	vadd.f32 v4, v1;
	v4 =	vld [tilespmem:s10+$0xF250]  }
0x38d: {  	v0 =	vadd.f32 v5, v0;
	v5 =	vld [tilespmem:s10+$0xF260]  }
0x38e: {  	v1 =	vadd.f32 v6, v1;
	v6 =	vld [tilespmem:s10+$0xF270]  }
0x38f: {  	v0 =	vadd.f32 v2, v0;
	v2 =	vld [tilespmem:s10+$0xF280]  }
0x390: {  	v1 =	vadd.f32 v3, v1;
	v3 =	vld [tilespmem:s10+$0xF290]  }
0x391: {  	v0 =	vadd.f32 v4, v0;
	v4 =	vld [tilespmem:s10+$0xF2A0]  }
0x392: {  	v1 =	vadd.f32 v5, v1;
	v5 =	vld [tilespmem:s10+$0xF2B0]  }
0x393: {  	v0 =	vadd.f32 v6, v0;
	v6 =	vld [tilespmem:s10+$0xF2C0]  }
0x394: {  	v1 =	vadd.f32 v2, v1;
	v2 =	vld [tilespmem:s10+$0xF2D0]  }
0x395: {  	v0 =	vadd.f32 v3, v0;
	v3 =	vld [tilespmem:s10+$0xF2E0]  }
0x396: {  	v1 =	vadd.f32 v4, v1;
	v4 =	vld [tilespmem:s10+$0xF2F0]  }
0x397: {  	v0 =	vadd.f32 v5, v0;
	v5 =	vld [tilespmem:s10+$0xF300]  }
0x398: {  	v1 =	vadd.f32 v6, v1;
	v6 =	vld [tilespmem:s10+$0xF310]  }
0x399: {  	v0 =	vadd.f32 v2, v0;
	v2 =	vld [tilespmem:s10+$0xF320]  }
0x39a: {  	v1 =	vadd.f32 v3, v1;
	v3 =	vld [tilespmem:s10+$0xF330]  }
0x39b: {  	v0 =	vadd.f32 v4, v0;
	v4 =	vld [tilespmem:s10+$0xF340]  }
0x39c: {  	v1 =	vadd.f32 v5, v1;
	v5 =	vld [tilespmem:s10+$0xF350]  }
0x39d: {  	v0 =	vadd.f32 v6, v0;
	v6 =	vld [tilespmem:s10+$0xF360]  }
0x39e: {  	v1 =	vadd.f32 v2, v1;
	v2 =	vld [tilespmem:s10+$0xF370]  }
0x39f: {  	v0 =	vadd.f32 v3, v0;
	v3 =	vld [tilespmem:s10+$0xF380]  }
0x3a0: {  	v1 =	vadd.f32 v4, v1;
	v4 =	vld [tilespmem:s10+$0xF390]  }
0x3a1: {  	v0 =	vadd.f32 v5, v0;
	v5 =	vld [tilespmem:s10+$0xF3A0]  }
0x3a2: {  	v1 =	vadd.f32 v6, v1;
	v6 =	vld [tilespmem:s10+$0xF3B0]  }
0x3a3: {  	v0 =	vadd.f32 v2, v0  }
0x3a4: {  	v1 =	vadd.f32 v3, v1  }
0x3a5: {  	v0 =	vadd.f32 v4, v0  }
0x3a6: {  	s14 =	sshll.u32 s21, $0x7;
	v1 =	vadd.f32 v5, v1  }
0x3a7: {  	s14 =	sand.u32 $0x3FFFFF80, s14;
	v0 =	vadd.f32 v6, v0  }
0x3a8: {  	[tilespmem:s14+$0x1C080] =	vst v1  }
0x3a9: {  	[tilespmem:s14+$0x1C090] =	vst v0  }
0x3aa: {  	v0 =	vld [tilespmem:s10+$0xF3F0]  }
0x3ab: {  	v1 =	vld [tilespmem:s10+$0xF3E0]  }
0x3ac: {  	v2 =	vld [tilespmem:s10+$0xF3C0]  }
0x3ad: {  	v3 =	vld [tilespmem:s10+$0xF3D0]  }
0x3ae: {  	v4 =	vld [tilespmem:s10+$0xF400]  }
0x3af: {  	v5 =	vld [tilespmem:s10+$0xF410]  }
0x3b0: {  	v6 =	vld [tilespmem:s10+$0xF420]  }
0x3b1: {  	v1 =	vadd.f32 v1, v2;
	v2 =	vld [tilespmem:s10+$0xF430]  }
0x3b2: {  	v0 =	vadd.f32 v0, v3;
	v3 =	vld [tilespmem:s10+$0xF440]  }
0x3b3: {  	v1 =	vadd.f32 v4, v1;
	v4 =	vld [tilespmem:s10+$0xF450]  }
0x3b4: {  	v0 =	vadd.f32 v5, v0;
	v5 =	vld [tilespmem:s10+$0xF460]  }
0x3b5: {  	v1 =	vadd.f32 v6, v1;
	v6 =	vld [tilespmem:s10+$0xF470]  }
0x3b6: {  	v0 =	vadd.f32 v2, v0;
	v2 =	vld [tilespmem:s10+$0xF480]  }
0x3b7: {  	v1 =	vadd.f32 v3, v1;
	v3 =	vld [tilespmem:s10+$0xF490]  }
0x3b8: {  	v0 =	vadd.f32 v4, v0;
	v4 =	vld [tilespmem:s10+$0xF4A0]  }
0x3b9: {  	v1 =	vadd.f32 v5, v1;
	v5 =	vld [tilespmem:s10+$0xF4B0]  }
0x3ba: {  	v0 =	vadd.f32 v6, v0;
	v6 =	vld [tilespmem:s10+$0xF4C0]  }
0x3bb: {  	v1 =	vadd.f32 v2, v1;
	v2 =	vld [tilespmem:s10+$0xF4D0]  }
0x3bc: {  	v0 =	vadd.f32 v3, v0;
	v3 =	vld [tilespmem:s10+$0xF4E0]  }
0x3bd: {  	v1 =	vadd.f32 v4, v1;
	v4 =	vld [tilespmem:s10+$0xF4F0]  }
0x3be: {  	v0 =	vadd.f32 v5, v0;
	v5 =	vld [tilespmem:s10+$0xF500]  }
0x3bf: {  	v1 =	vadd.f32 v6, v1;
	v6 =	vld [tilespmem:s10+$0xF510]  }
0x3c0: {  	v0 =	vadd.f32 v2, v0;
	v2 =	vld [tilespmem:s10+$0xF520]  }
0x3c1: {  	v1 =	vadd.f32 v3, v1;
	v3 =	vld [tilespmem:s10+$0xF530]  }
0x3c2: {  	v0 =	vadd.f32 v4, v0;
	v4 =	vld [tilespmem:s10+$0xF540]  }
0x3c3: {  	v1 =	vadd.f32 v5, v1;
	v5 =	vld [tilespmem:s10+$0xF550]  }
0x3c4: {  	v0 =	vadd.f32 v6, v0;
	v6 =	vld [tilespmem:s10+$0xF560]  }
0x3c5: {  	v1 =	vadd.f32 v2, v1;
	v2 =	vld [tilespmem:s10+$0xF570]  }
0x3c6: {  	v0 =	vadd.f32 v3, v0;
	v3 =	vld [tilespmem:s10+$0xF580]  }
0x3c7: {  	v1 =	vadd.f32 v4, v1;
	v4 =	vld [tilespmem:s10+$0xF590]  }
0x3c8: {  	v0 =	vadd.f32 v5, v0;
	v5 =	vld [tilespmem:s10+$0xF5A0]  }
0x3c9: {  	v1 =	vadd.f32 v6, v1;
	v6 =	vld [tilespmem:s10+$0xF5B0]  }
0x3ca: {  	v0 =	vadd.f32 v2, v0;
	v2 =	vld [tilespmem:s10+$0xF5C0]  }
0x3cb: {  	v1 =	vadd.f32 v3, v1;
	v3 =	vld [tilespmem:s10+$0xF5D0]  }
0x3cc: {  	v0 =	vadd.f32 v4, v0;
	v4 =	vld [tilespmem:s10+$0xF5E0]  }
0x3cd: {  	v1 =	vadd.f32 v5, v1;
	v5 =	vld [tilespmem:s10+$0xF5F0]  }
0x3ce: {  	v0 =	vadd.f32 v6, v0;
	v6 =	vld [tilespmem:s10+$0xF600]  }
0x3cf: {  	v1 =	vadd.f32 v2, v1;
	v2 =	vld [tilespmem:s10+$0xF610]  }
0x3d0: {  	v0 =	vadd.f32 v3, v0;
	v3 =	vld [tilespmem:s10+$0xF620]  }
0x3d1: {  	v1 =	vadd.f32 v4, v1;
	v4 =	vld [tilespmem:s10+$0xF630]  }
0x3d2: {  	v0 =	vadd.f32 v5, v0;
	v5 =	vld [tilespmem:s10+$0xF640]  }
0x3d3: {  	v1 =	vadd.f32 v6, v1;
	v6 =	vld [tilespmem:s10+$0xF650]  }
0x3d4: {  	v0 =	vadd.f32 v2, v0;
	v2 =	vld [tilespmem:s10+$0xF660]  }
0x3d5: {  	v1 =	vadd.f32 v3, v1;
	v3 =	vld [tilespmem:s10+$0xF670]  }
0x3d6: {  	v0 =	vadd.f32 v4, v0;
	v4 =	vld [tilespmem:s10+$0xF680]  }
0x3d7: {  	v1 =	vadd.f32 v5, v1;
	v5 =	vld [tilespmem:s10+$0xF690]  }
0x3d8: {  	v0 =	vadd.f32 v6, v0;
	v6 =	vld [tilespmem:s10+$0xF6A0]  }
0x3d9: {  	v1 =	vadd.f32 v2, v1;
	v2 =	vld [tilespmem:s10+$0xF6B0]  }
0x3da: {  	v0 =	vadd.f32 v3, v0;
	v3 =	vld [tilespmem:s10+$0xF6C0]  }
0x3db: {  	v1 =	vadd.f32 v4, v1;
	v4 =	vld [tilespmem:s10+$0xF6D0]  }
0x3dc: {  	v0 =	vadd.f32 v5, v0;
	v5 =	vld [tilespmem:s10+$0xF6E0]  }
0x3dd: {  	v1 =	vadd.f32 v6, v1;
	v6 =	vld [tilespmem:s10+$0xF6F0]  }
0x3de: {  	v0 =	vadd.f32 v2, v0  }
0x3df: {  	v1 =	vadd.f32 v3, v1  }
0x3e0: {  	v0 =	vadd.f32 v4, v0  }
0x3e1: {  	v1 =	vadd.f32 v5, v1  }
0x3e2: {  	v0 =	vadd.f32 v6, v0  }
0x3e3: {  	[tilespmem:s14+$0x1C0A0] =	vst v1  }
0x3e4: {  	[tilespmem:s14+$0x1C0B0] =	vst v0  }
0x3e5: {  	v0 =	vld [tilespmem:s10+$0xF730]  }
0x3e6: {  	v1 =	vld [tilespmem:s10+$0xF720]  }
0x3e7: {  	v2 =	vld [tilespmem:s10+$0xF700]  }
0x3e8: {  	v3 =	vld [tilespmem:s10+$0xF710]  }
0x3e9: {  	v4 =	vld [tilespmem:s10+$0xF740]  }
0x3ea: {  	v5 =	vld [tilespmem:s10+$0xF750]  }
0x3eb: {  	v6 =	vld [tilespmem:s10+$0xF760]  }
0x3ec: {  	v1 =	vadd.f32 v1, v2;
	v2 =	vld [tilespmem:s10+$0xF770]  }
0x3ed: {  	v0 =	vadd.f32 v0, v3;
	v3 =	vld [tilespmem:s10+$0xF780]  }
0x3ee: {  	v1 =	vadd.f32 v4, v1;
	v4 =	vld [tilespmem:s10+$0xF790]  }
0x3ef: {  	v0 =	vadd.f32 v5, v0;
	v5 =	vld [tilespmem:s10+$0xF7A0]  }
0x3f0: {  	v1 =	vadd.f32 v6, v1;
	v6 =	vld [tilespmem:s10+$0xF7B0]  }
0x3f1: {  	v0 =	vadd.f32 v2, v0;
	v2 =	vld [tilespmem:s10+$0xF7C0]  }
0x3f2: {  	v1 =	vadd.f32 v3, v1;
	v3 =	vld [tilespmem:s10+$0xF7D0]  }
0x3f3: {  	v0 =	vadd.f32 v4, v0;
	v4 =	vld [tilespmem:s10+$0xF7E0]  }
0x3f4: {  	v1 =	vadd.f32 v5, v1;
	v5 =	vld [tilespmem:s10+$0xF7F0]  }
0x3f5: {  	v0 =	vadd.f32 v6, v0;
	v6 =	vld [tilespmem:s10+$0xF800]  }
0x3f6: {  	v1 =	vadd.f32 v2, v1;
	v2 =	vld [tilespmem:s10+$0xF810]  }
0x3f7: {  	v0 =	vadd.f32 v3, v0;
	v3 =	vld [tilespmem:s10+$0xF820]  }
0x3f8: {  	v1 =	vadd.f32 v4, v1;
	v4 =	vld [tilespmem:s10+$0xF830]  }
0x3f9: {  	v0 =	vadd.f32 v5, v0;
	v5 =	vld [tilespmem:s10+$0xF840]  }
0x3fa: {  	v1 =	vadd.f32 v6, v1;
	v6 =	vld [tilespmem:s10+$0xF850]  }
0x3fb: {  	v0 =	vadd.f32 v2, v0;
	v2 =	vld [tilespmem:s10+$0xF860]  }
0x3fc: {  	v1 =	vadd.f32 v3, v1;
	v3 =	vld [tilespmem:s10+$0xF870]  }
0x3fd: {  	v0 =	vadd.f32 v4, v0;
	v4 =	vld [tilespmem:s10+$0xF880]  }
0x3fe: {  	v1 =	vadd.f32 v5, v1;
	v5 =	vld [tilespmem:s10+$0xF890]  }
0x3ff: {  	v0 =	vadd.f32 v6, v0;
	v6 =	vld [tilespmem:s10+$0xF8A0]  }
0x400: {  	v1 =	vadd.f32 v2, v1;
	v2 =	vld [tilespmem:s10+$0xF8B0]  }
0x401: {  	v0 =	vadd.f32 v3, v0;
	v3 =	vld [tilespmem:s10+$0xF8C0]  }
0x402: {  	v1 =	vadd.f32 v4, v1;
	v4 =	vld [tilespmem:s10+$0xF8D0]  }
0x403: {  	v0 =	vadd.f32 v5, v0;
	v5 =	vld [tilespmem:s10+$0xF8E0]  }
0x404: {  	v1 =	vadd.f32 v6, v1;
	v6 =	vld [tilespmem:s10+$0xF8F0]  }
0x405: {  	v0 =	vadd.f32 v2, v0;
	v2 =	vld [tilespmem:s10+$0xF900]  }
0x406: {  	v1 =	vadd.f32 v3, v1;
	v3 =	vld [tilespmem:s10+$0xF910]  }
0x407: {  	v0 =	vadd.f32 v4, v0;
	v4 =	vld [tilespmem:s10+$0xF920]  }
0x408: {  	v1 =	vadd.f32 v5, v1;
	v5 =	vld [tilespmem:s10+$0xF930]  }
0x409: {  	v0 =	vadd.f32 v6, v0;
	v6 =	vld [tilespmem:s10+$0xF940]  }
0x40a: {  	v1 =	vadd.f32 v2, v1;
	v2 =	vld [tilespmem:s10+$0xF950]  }
0x40b: {  	v0 =	vadd.f32 v3, v0;
	v3 =	vld [tilespmem:s10+$0xF960]  }
0x40c: {  	v1 =	vadd.f32 v4, v1;
	v4 =	vld [tilespmem:s10+$0xF970]  }
0x40d: {  	v0 =	vadd.f32 v5, v0;
	v5 =	vld [tilespmem:s10+$0xF980]  }
0x40e: {  	v1 =	vadd.f32 v6, v1;
	v6 =	vld [tilespmem:s10+$0xF990]  }
0x40f: {  	v0 =	vadd.f32 v2, v0;
	v2 =	vld [tilespmem:s10+$0xF9A0]  }
0x410: {  	v1 =	vadd.f32 v3, v1;
	v3 =	vld [tilespmem:s10+$0xF9B0]  }
0x411: {  	v0 =	vadd.f32 v4, v0;
	v4 =	vld [tilespmem:s10+$0xF9C0]  }
0x412: {  	v1 =	vadd.f32 v5, v1;
	v5 =	vld [tilespmem:s10+$0xF9D0]  }
0x413: {  	v0 =	vadd.f32 v6, v0;
	v6 =	vld [tilespmem:s10+$0xF9E0]  }
0x414: {  	v1 =	vadd.f32 v2, v1;
	v2 =	vld [tilespmem:s10+$0xF9F0]  }
0x415: {  	v0 =	vadd.f32 v3, v0;
	v3 =	vld [tilespmem:s10+$0xFA00]  }
0x416: {  	v1 =	vadd.f32 v4, v1;
	v4 =	vld [tilespmem:s10+$0xFA10]  }
0x417: {  	v0 =	vadd.f32 v5, v0;
	v5 =	vld [tilespmem:s10+$0xFA20]  }
0x418: {  	v1 =	vadd.f32 v6, v1;
	v6 =	vld [tilespmem:s10+$0xFA30]  }
0x419: {  	v0 =	vadd.f32 v2, v0  }
0x41a: {  	v1 =	vadd.f32 v3, v1  }
0x41b: {  	v0 =	vadd.f32 v4, v0  }
0x41c: {  	v1 =	vadd.f32 v5, v1  }
0x41d: {  	v0 =	vadd.f32 v6, v0  }
0x41e: {  	[tilespmem:s14+$0x1C0C0] =	vst v1  }
0x41f: {  	[tilespmem:s14+$0x1C0D0] =	vst v0  }
0x420: {  	v0 =	vld [tilespmem:s10+$0xFA40]  }
0x421: {  	v1 =	vld [tilespmem:s10+$0xFA60]  }
0x422: {  	v2 =	vld [tilespmem:s10+$0xFA70]  }
0x423: {  	v3 =	vld [tilespmem:s10+$0xFA50]  }
0x424: {  	v4 =	vld [tilespmem:s10+$0xFA80]  }
0x425: {  	v5 =	vld [tilespmem:s10+$0xFA90]  }
0x426: {  	v6 =	vld [tilespmem:s10+$0xFAA0]  }
0x427: {  	v0 =	vadd.f32 v1, v0;
	v1 =	vld [tilespmem:s10+$0xFAB0]  }
0x428: {  	v2 =	vadd.f32 v2, v3;
	v3 =	vld [tilespmem:s10+$0xFAC0]  }
0x429: {  	v0 =	vadd.f32 v4, v0;
	v4 =	vld [tilespmem:s10+$0xFAD0]  }
0x42a: {  	v2 =	vadd.f32 v5, v2;
	v5 =	vld [tilespmem:s10+$0xFAE0]  }
0x42b: {  	v0 =	vadd.f32 v6, v0;
	v6 =	vld [tilespmem:s10+$0xFAF0]  }
0x42c: {  	v1 =	vadd.f32 v1, v2;
	v2 =	vld [tilespmem:s10+$0xFB00]  }
0x42d: {  	v0 =	vadd.f32 v3, v0;
	v3 =	vld [tilespmem:s10+$0xFB10]  }
0x42e: {  	v1 =	vadd.f32 v4, v1;
	v4 =	vld [tilespmem:s10+$0xFB20]  }
0x42f: {  	v0 =	vadd.f32 v5, v0;
	v5 =	vld [tilespmem:s10+$0xFB30]  }
0x430: {  	v1 =	vadd.f32 v6, v1;
	v6 =	vld [tilespmem:s10+$0xFB40]  }
0x431: {  	v0 =	vadd.f32 v2, v0;
	v2 =	vld [tilespmem:s10+$0xFB50]  }
0x432: {  	v1 =	vadd.f32 v3, v1;
	v3 =	vld [tilespmem:s10+$0xFB60]  }
0x433: {  	v0 =	vadd.f32 v4, v0;
	v4 =	vld [tilespmem:s10+$0xFB70]  }
0x434: {  	v1 =	vadd.f32 v5, v1;
	v5 =	vld [tilespmem:s10+$0xFB80]  }
0x435: {  	v0 =	vadd.f32 v6, v0;
	v6 =	vld [tilespmem:s10+$0xFB90]  }
0x436: {  	v1 =	vadd.f32 v2, v1;
	v2 =	vld [tilespmem:s10+$0xFBA0]  }
0x437: {  	v0 =	vadd.f32 v3, v0;
	v3 =	vld [tilespmem:s10+$0xFBB0]  }
0x438: {  	v1 =	vadd.f32 v4, v1;
	v4 =	vld [tilespmem:s10+$0xFBC0]  }
0x439: {  	v0 =	vadd.f32 v5, v0;
	v5 =	vld [tilespmem:s10+$0xFBD0]  }
0x43a: {  	v1 =	vadd.f32 v6, v1;
	v6 =	vld [tilespmem:s10+$0xFBE0]  }
0x43b: {  	v0 =	vadd.f32 v2, v0;
	v2 =	vld [tilespmem:s10+$0xFBF0]  }
0x43c: {  	v1 =	vadd.f32 v3, v1;
	v3 =	vld [tilespmem:s10+$0xFC00]  }
0x43d: {  	v0 =	vadd.f32 v4, v0;
	v4 =	vld [tilespmem:s10+$0xFC10]  }
0x43e: {  	v1 =	vadd.f32 v5, v1;
	v5 =	vld [tilespmem:s10+$0xFC20]  }
0x43f: {  	v0 =	vadd.f32 v6, v0;
	v6 =	vld [tilespmem:s10+$0xFC30]  }
0x440: {  	v1 =	vadd.f32 v2, v1;
	v2 =	vld [tilespmem:s10+$0xFC40]  }
0x441: {  	v0 =	vadd.f32 v3, v0;
	v3 =	vld [tilespmem:s10+$0xFC50]  }
0x442: {  	v1 =	vadd.f32 v4, v1;
	v4 =	vld [tilespmem:s10+$0xFC60]  }
0x443: {  	v0 =	vadd.f32 v5, v0;
	v5 =	vld [tilespmem:s10+$0xFC70]  }
0x444: {  	v1 =	vadd.f32 v6, v1;
	v6 =	vld [tilespmem:s10+$0xFC80]  }
0x445: {  	v0 =	vadd.f32 v2, v0;
	v2 =	vld [tilespmem:s10+$0xFC90]  }
0x446: {  	v1 =	vadd.f32 v3, v1;
	v3 =	vld [tilespmem:s10+$0xFCA0]  }
0x447: {  	v0 =	vadd.f32 v4, v0;
	v7 =	vld [tilespmem:s10+$0xFCB0]  }
0x448: {  	v1 =	vadd.f32 v5, v1;
	v5 =	vld [tilespmem:s10+$0xFCC0]  }
.Ltmp5:
0x449: {  	v6 =	vadd.f32 v6, v0;
	v4 =	vld [tilespmem:s10+$0xFCD0];
	(pc) =	sbr.rel @p0 .LBB2_13-.Ltmp5, $4  }
0x44a: {  	v1 =	vadd.f32 v2, v1;
	v0 =	vld [tilespmem:s10+$0xFCE0]  }
0x44b: {  	v3 =	vadd.f32 v3, v6;
	v2 =	vld [tilespmem:s10+$0xFCF0]  }
0x44c: {  	v6 =	vadd.f32 v7, v1;
	v1 =	vld [tilespmem:s10+$0xFD00]  }
0x44d: {  	v5 =	vadd.f32 v5, v3;
	v3 =	vld [tilespmem:s10+$0xFD10]  }
0x44e: {  	v4 =	vadd.f32 v4, v6;
	v58 =	vld [tilespmem:s10+$0xFD20]  }
0x44f: {  	v59 =	vld [tilespmem:s10+$0xFD30];
	v0 =	vadd.f32 v0, v5  }
0x450: {  	v60 =	vld [tilespmem:s10+$0xFD40];
	v2 =	vadd.f32 v2, v4  }
0x451: {  	v61 =	vld [tilespmem:s10+$0xFD50];
	v0 =	vadd.f32 v1, v0  }
0x452: {  	v62 =	vld [tilespmem:s10+$0xFD60];
	v2 =	vadd.f32 v3, v2  }
0x453: {  	v63 =	vld [tilespmem:s10+$0xFD70];
	v0 =	vadd.f32 v58, v0  }
0x454: {  	v2 =	vadd.f32 v59, v2  }
0x455: {  	v0 =	vadd.f32 v60, v0  }
0x456: {  	v1 =	vadd.f32 v61, v2  }
0x457: {  	v0 =	vadd.f32 v62, v0  }
0x458: {  	s9 =	sadd.s32 s9, s13;
	s8 =	sadd.s32 $0x1, s8;
	v1 =	vadd.f32 v63, v1  }
0x459: {  	s9 =	sshrl.u32 s9, $0x3;
	p0 =	sne.s32 s8, $0x32;
	[tilespmem:s14+$0x1C0E0] =	vst v0  }
.Ltmp6:
0x45a: {  	s9 =	sadd.s32 s2, s9;
	[tilespmem:s14+$0x1C0F0] =	vst v1;
	(pc) =	sbr.rel @p0 .LBB2_4-.Ltmp6, $4  }
0x45b: {  	[hbm4b:s9+s3] =	stream.linear.scatter [tilespmem:s17], [sflag:$0x5], $0x800, $0x38;
	[tilespmem:$0x1C880] =	vst v63  }
0x45c: {  	_ =	swait.ge [sflag:s16], $0x800  }
0x45d: {  	[sflag:s16] =	ssyncset.done $0x0  }
0x45e: {  	[sflag:s16] =	ssyncadd.s32 $0xFFFFF800  }
0x45f: {  	s9 =	rddreg [dreg:$0x9]  }
0x460: {  	s8 =	rddreg [dreg:$0x8];
	s9 =	sadd.s32 $0x1, s9  }
0x461: {  	p0 =	sne.s32 s9, s8  }
.Ltmp7:
0x462: {  	_ = 	snop;
	(pc) =	sbr.rel @p0 .LBB2_1-.Ltmp7, $1  }
0x463: {  	_ =	sdelay $0x3  }
0x464: {  	_ =	sfence.sel $0x180000  }
0x465: {  	[bflag:$0x0] =	sbarrier.arrive $0xFFFF  }
0x466: {  	_ =	strace $0x90000047  }
0x467: {  	s0 =	stileid.u32;
	[bflag:$0x2] =	sbarrier.arrive $0xFFFF  }
0x468: {  	p0 =	sne.s32 s0, $0x0;
	s0 =	rddreg [dreg:$0x2]  }
0x469: {  	s0 =	sadd.s32 @!p0 $0x100000, s0  }
0x46a: {  	[sflag:s0] =	ssyncadd.tile.s32 @!p0 $0x1;
	_ =	shalt  }
.Lfunc_end2:
_tile_overlayer_lowered:
.L_overlay_start_2:
0x46b: {  	(tag) =	ssettag $0x2  }
0x46c: {  	s0 =	rddreg [dreg:$0x0];
	s2 =	stileid.u32  }
0x46d: {  	s1 =	rddreg [dreg:$0x1];
	p0 =	sne.s32 s2, $0x0  }
0x46e: {  	s3 =	rddreg [dreg:$0x2];
	[bflag:$0x3] =	sbarrier.arrive $0xFFFF;
	s2 =	simm.s32 @!p0 $0x1C05  }
0x46f: {  	[timem:s3], [sflag:s2] =	dma.local @!p0 [hbm:s0], s1  }
0x470: {  	s0 =	simm.s32 @!p0 $0x5  }
0x471: {  	_ =	swait.ge @!p0 [sflag:s0], s1  }
0x472: {  	s1 =	ssub.s32 @!p0 $0x0, s1;
	[sflag:s0] =	ssyncset.done @!p0 $0x0  }
0x473: {  	[sflag:s0] =	ssyncadd.s32 @!p0 s1  }
0x474: {  	[bflag:$0x3] =	sbarrier.arrive $0xFFFF  }
0x475: {  	_ =	shalt  }

</sc_bundles>
